<compile_context>
chip_gen: v7x
topology: tpu7x:2x2x1
jax: 0.10.2.dev20260603
libtpu: 0.0.44.dev20260713+nightly
codegen_flags: <defaults>
</compile_context>

<pallas_src>
import functools

import jax
import jax.numpy as jnp
from jax import lax
from jax.experimental import pallas as pl
from jax.experimental.pallas import tpu as pltpu
from jax.experimental.pallas import tpu_sc as plsc

N = 10000
NPAD = 10240
E = 320000
EB = 128
NTILES = 32
BLOCKS = 80
EPAD = NTILES * BLOCKS * EB
E_PER_SC = EPAD // 2
E_PER_TILE = E_PER_SC // 16
BROWS = EPAD // EB
ROWS_PER_TILE = NPAD // 16
OUT_CHUNKS = ROWS_PER_TILE // 128

_mesh = plsc.VectorSubcoreMesh(core_axis_name="c", subcore_axis_name="s")



def _sc_deg(dst2, ones128, zeros640):

    @functools.partial(
        pl.kernel,
        out_type=jax.ShapeDtypeStruct((2 * NPAD,), jnp.float32),
        mesh=_mesh,
        scratch_types=[
            pltpu.VMEM((BLOCKS, EB), jnp.int32),
            pltpu.VMEM((EB,), jnp.float32),
            pltpu.VMEM((ROWS_PER_TILE,), jnp.float32),
            pltpu.VMEM_SHARED((NPAD,), jnp.float32),
            pltpu.SemaphoreType.DMA,
        ],
    )
    def k(dst_hbm, ones_hbm, zeros_hbm, out_hbm, di_v, ones_v, buf_v, acc_sh, sem):
        c = lax.axis_index("c")
        s = lax.axis_index("s")
        row0 = pl.multiple_of(s * ROWS_PER_TILE, 128)
        tb = pl.multiple_of(c * (BROWS // 2) + s * BLOCKS, BLOCKS)
        pltpu.sync_copy(dst_hbm.at[pl.ds(tb, BLOCKS)], di_v)
        pltpu.sync_copy(ones_hbm, ones_v)
        pltpu.sync_copy(zeros_hbm, buf_v)
        pltpu.sync_copy(buf_v, acc_sh.at[pl.ds(row0, ROWS_PER_TILE)])
        plsc.subcore_barrier()

        def fire(i, carry):
            pltpu.async_copy(ones_v, acc_sh.at[di_v.at[i]], sem, add=True)
            return carry

        lax.fori_loop(0, BLOCKS, fire, 0)

        def drain(i, carry):
            pltpu.make_async_copy(ones_v, acc_sh.at[di_v.at[0]], sem).wait()
            return carry

        lax.fori_loop(0, BLOCKS, drain, 0)
        plsc.subcore_barrier()
        pltpu.sync_copy(acc_sh.at[pl.ds(row0, ROWS_PER_TILE)], buf_v)
        pltpu.sync_copy(buf_v, out_hbm.at[pl.ds(c * NPAD + row0, ROWS_PER_TILE)])

    return k(dst2, ones128, zeros640)


def _sc_agg(src1, dst1, xws, zrows):
    EBA = 80
    BLK = E_PER_TILE // EBA
    NB = 4
    LA = 2

    @functools.partial(
        pl.kernel,
        out_type=jax.ShapeDtypeStruct((2 * NPAD, 128), jnp.float32),
        mesh=_mesh,
        scratch_types=[
            pltpu.VMEM((NB, EBA), jnp.int32),
            pltpu.VMEM((NB, EBA), jnp.int32),
            pltpu.VMEM((NB, EBA, 128), jnp.float32),
            pltpu.VMEM_SHARED((NPAD, 128), jnp.float32),
            pltpu.SemaphoreType.DMA, pltpu.SemaphoreType.DMA,
            pltpu.SemaphoreType.DMA, pltpu.SemaphoreType.DMA,
            pltpu.SemaphoreType.DMA, pltpu.SemaphoreType.DMA,
            pltpu.SemaphoreType.DMA, pltpu.SemaphoreType.DMA,
            pltpu.SemaphoreType.DMA, pltpu.SemaphoreType.DMA,
            pltpu.SemaphoreType.DMA, pltpu.SemaphoreType.DMA,
            pltpu.SemaphoreType.DMA, pltpu.SemaphoreType.DMA,
            pltpu.SemaphoreType.DMA, pltpu.SemaphoreType.DMA,
        ],
    )
    def k(src_hbm, dst_hbm, xws_hbm, z_hbm, out_hbm,
          si_v, di_v, rows_v, acc_sh,
          sg0, sg1, sg2, sg3, si0, si1, si2, si3,
          sd0, sd1, sd2, sd3, ss0, ss1, ss2, ss3):
        sg = (sg0, sg1, sg2, sg3)
        sis = (si0, si1, si2, si3)
        sd = (sd0, sd1, sd2, sd3)
        ss = (ss0, ss1, ss2, ss3)
        c = lax.axis_index("c")
        s = lax.axis_index("s")
        row0 = pl.multiple_of(s * ROWS_PER_TILE, 128)
        eb0 = pl.multiple_of((c * 16 + s) * E_PER_TILE, EBA)

        def i_start(i, j):
            pltpu.async_copy(src_hbm.at[pl.ds(pl.multiple_of(eb0 + i * EBA, EBA), EBA)],
                             si_v.at[j], sis[j])

        def i_wait(j):
            pltpu.make_async_copy(src_hbm.at[pl.ds(eb0, EBA)], si_v.at[j], sis[j]).wait()

        def g_start(j):
            pltpu.async_copy(xws_hbm.at[si_v.at[j]], rows_v.at[j], sg[j])

        def g_wait(j):
            pltpu.make_async_copy(xws_hbm.at[si_v.at[0]], rows_v.at[j], sg[j]).wait()

        def d_start(i, j):
            pltpu.async_copy(dst_hbm.at[pl.ds(pl.multiple_of(eb0 + i * EBA, EBA), EBA)],
                             di_v.at[j], sd[j])

        def d_wait(j):
            pltpu.make_async_copy(dst_hbm.at[pl.ds(eb0, EBA)], di_v.at[j], sd[j]).wait()

        def s_start(j):
            pltpu.async_copy(rows_v.at[j], acc_sh.at[di_v.at[j]], ss[j], add=True)

        def s_wait(j):
            pltpu.make_async_copy(rows_v.at[j], acc_sh.at[di_v.at[0]], ss[j]).wait()

        for j in range(LA + 1):
            i_start(j, j)
        for j in range(LA):
            d_start(j, j)
        for j in range(LA):
            i_wait(j)
            g_start(j)

        def zinit(kk, carry):
            pltpu.sync_copy(z_hbm, acc_sh.at[pl.ds(pl.multiple_of(row0 + kk * 128, 128), 128)])
            return carry

        lax.fori_loop(0, OUT_CHUNKS, zinit, 0)
        plsc.subcore_barrier()

        def body(ii, carry):
            for j in range(NB):
                i = ii * NB + j
                ja = (j + LA) % NB
                jb = (j + LA + 1) % NB

                @pl.when(i + LA <= BLK - 1)
                def _():
                    @pl.when(i - LA >= 0)
                    def _():
                        s_wait(ja)
                    d_start(i + LA, ja)

                @pl.when(i + LA + 1 <= BLK - 1)
                def _():
                    i_start(i + LA + 1, jb)

                @pl.when(i + LA <= BLK - 1)
                def _():
                    i_wait(ja)
                    g_start(ja)

                g_wait(j)
                d_wait(j)
                s_start(j)
            return carry

        lax.fori_loop(0, BLK // NB, body, 0)
        for j in range(NB):
            s_wait(j)
        plsc.subcore_barrier()

        def cout(kk, carry):
            ro = pl.multiple_of(row0 + kk * EBA, 16)
            pltpu.sync_copy(acc_sh.at[pl.ds(ro, EBA)], rows_v.at[0])
            pltpu.sync_copy(rows_v.at[0], out_hbm.at[pl.ds(c * NPAD + ro, EBA)])
            return carry

        lax.fori_loop(0, ROWS_PER_TILE // EBA, cout, 0)

    return k(src1, dst1, xws, zrows)



_BR = 2048
_GRID = NPAD // _BR


def _dinv_from(pd_ref):
    deg = pd_ref[0, :] + pd_ref[1, :] + 1.0
    return lax.rsqrt(deg)[:, None]


def _tc_scale_matmul(x, W1, pd):

    def body(x_ref, w_ref, pd_ref, o_ref):
        xw = jnp.dot(x_ref[...], w_ref[...], preferred_element_type=jnp.float32)
        o_ref[...] = xw * _dinv_from(pd_ref)

    return pl.pallas_call(
        body,
        grid=(_GRID,),
        in_specs=[
            pl.BlockSpec((_BR, 128), lambda i: (i, 0)),
            pl.BlockSpec((128, 128), lambda i: (0, 0)),
            pl.BlockSpec((2, _BR), lambda i: (0, i)),
        ],
        out_specs=pl.BlockSpec((_BR, 128), lambda i: (i, 0)),
        out_shape=jax.ShapeDtypeStruct((NPAD, 128), jnp.float32),
    )(x, W1, pd)


def _tc_mid(pd, parts, xws1, b1, W2p):

    def body(pd_ref, p_ref, x_ref, b_ref, w_ref, o_ref):
        dinv = _dinv_from(pd_ref)
        h = dinv * (p_ref[0] + p_ref[1] + x_ref[...]) + b_ref[...]
        h = jnp.maximum(h, 0.0)
        o_ref[...] = jnp.dot(h, w_ref[...], preferred_element_type=jnp.float32) * dinv

    return pl.pallas_call(
        body,
        grid=(_GRID,),
        in_specs=[
            pl.BlockSpec((2, _BR), lambda i: (0, i)),
            pl.BlockSpec((2, _BR, 128), lambda i: (0, i, 0)),
            pl.BlockSpec((_BR, 128), lambda i: (i, 0)),
            pl.BlockSpec((1, 128), lambda i: (0, 0)),
            pl.BlockSpec((128, 128), lambda i: (0, 0)),
        ],
        out_specs=pl.BlockSpec((_BR, 128), lambda i: (i, 0)),
        out_shape=jax.ShapeDtypeStruct((NPAD, 128), jnp.float32),
    )(pd, parts, xws1, b1, W2p)


def _tc_final(pd, parts2, xws2, b2):

    def body(pd_ref, p_ref, x_ref, b_ref, o_ref):
        dinv = _dinv_from(pd_ref)
        zf = dinv * (p_ref[0] + p_ref[1] + x_ref[...])
        z = zf[:, :64] + b_ref[...]
        z = z - jnp.max(z, axis=1, keepdims=True)
        lse = jnp.log(jnp.sum(jnp.exp(z), axis=1, keepdims=True))
        o_ref[...] = z - lse

    return pl.pallas_call(
        body,
        grid=(_GRID,),
        in_specs=[
            pl.BlockSpec((2, _BR), lambda i: (0, i)),
            pl.BlockSpec((2, _BR, 128), lambda i: (0, i, 0)),
            pl.BlockSpec((_BR, 128), lambda i: (i, 0)),
            pl.BlockSpec((1, 64), lambda i: (0, 0)),
        ],
        out_specs=pl.BlockSpec((_BR, 64), lambda i: (i, 0)),
        out_shape=jax.ShapeDtypeStruct((N, 64), jnp.float32),
    )(pd, parts2, xws2, b2)



def kernel(x, edge_index, W1, b1, W2, b2):
    src = edge_index[0].astype(jnp.int32)
    dst = edge_index[1].astype(jnp.int32)
    npad_e = EPAD - E
    pad_src = (jnp.arange(npad_e, dtype=jnp.int32) * 37) % N
    pad_dst = N + (jnp.arange(npad_e, dtype=jnp.int32) % (NPAD - N))
    src1 = jnp.concatenate([src, pad_src])
    dst1 = jnp.concatenate([dst, pad_dst])
    dst2 = dst1.reshape(BROWS, EB)

    ones128 = jnp.ones((EB,), jnp.float32)
    zeros640 = jnp.zeros((ROWS_PER_TILE,), jnp.float32)
    z128 = jnp.zeros((EB, 128), jnp.float32)
    W2p = jnp.pad(W2, ((0, 0), (0, 64)))

    pd = _sc_deg(dst2, ones128, zeros640).reshape(2, NPAD)
    xws1 = _tc_scale_matmul(x, W1, pd)
    p1 = _sc_agg(src1, dst1, xws1, z128).reshape(2, NPAD, 128)
    xws2 = _tc_mid(pd, p1, xws1, b1.reshape(1, 128), W2p)
    p2 = _sc_agg(src1, dst1, xws2, z128).reshape(2, NPAD, 128)
    return _tc_final(pd, p2, xws2, b2.reshape(1, 64))

# --- scband reference (transcript-rebuilt; emitter-appended) ---
"""Pipeline reference for scband-gcn-9698036155056 (READ-ONLY COPY).

The authoritative reference and input builder live on the scoring server;
editing this copy changes nothing except your own understanding.
"""

import jax, jax.numpy as jnp
import numpy as np

N_NODES = 10000
N_EDGES = 320000
D_IN = 128
D_HID = 128
D_OUT = 64


def setup_inputs(seed: int = 0) -> dict:
    key = jax.random.key(seed)
    k1, k2, k3, k4, k5, k6 = jax.random.split(key, 6)
    x = jax.random.normal(k1, (N_NODES, D_IN), dtype=jnp.float32)
    edge_index = jax.random.randint(k2, (2, N_EDGES), 0, N_NODES, dtype=jnp.int64)
    W1 = jax.random.normal(k3, (D_IN, D_HID), dtype=jnp.float32) / np.sqrt(D_IN)
    b1 = jnp.zeros((D_HID,), dtype=jnp.float32)
    W2 = jax.random.normal(k4, (D_HID, D_OUT), dtype=jnp.float32) / np.sqrt(D_HID)
    b2 = jnp.zeros((D_OUT,), dtype=jnp.float32)
    return {"x": x, "edge_index": edge_index, "W1": W1, "b1": b1, "W2": W2, "b2": b2}


def _gcn_conv(x, src, dst, norm, W, b):
    # GCNConv: A_hat @ (X W) + b, A_hat = D^-1/2 (A + I) D^-1/2
    xw = x @ W
    msg = xw[src] * norm[:, None]
    out = jax.ops.segment_sum(msg, dst, num_segments=x.shape[0])
    return out + b


def reference(x, edge_index, W1, b1, W2, b2):
    N = x.shape[0]
    # add self loops
    loops = jnp.arange(N, dtype=edge_index.dtype)
    src = jnp.concatenate([edge_index[0], loops])
    dst = jnp.concatenate([edge_index[1], loops])
    # symmetric normalization
    ones = jnp.ones_like(dst, dtype=jnp.float32)
    deg = jax.ops.segment_sum(ones, dst, num_segments=N)
    dinv = jnp.where(deg > 0, jax.lax.rsqrt(deg), 0.0)
    norm = dinv[src] * dinv[dst]
    h = jax.nn.relu(_gcn_conv(x, src, dst, norm, W1, b1))
    out = _gcn_conv(h, src, dst, norm, W2, b2)
    return jax.nn.log_softmax(out, axis=1)

if __name__ == "__main__":
    import jax
    _d = setup_inputs()
    print(jax.jit(kernel)(*tuple(_d.values())))

</pallas_src>

<mosaic_0001>
#map = affine_map<(d0, d1) -> (0, 0)>
#map1 = affine_map<(d0, d1) -> (0)>
module attributes {stable_mosaic.version = 14 : i64} {
  func.func @k(%arg0: i32, %arg1: i32, %arg2: memref<2560x128xi32, #tpu.memory_space<hbm>>, %arg3: memref<128xf32, #tpu.memory_space<hbm>>, %arg4: memref<640xf32, #tpu.memory_space<hbm>>, %arg5: memref<20480xf32, #tpu.memory_space<hbm>>, %arg6: memref<80x128xi32, #tpu.memory_space<vmem>>, %arg7: memref<128xf32, #tpu.memory_space<vmem>>, %arg8: memref<640xf32, #tpu.memory_space<vmem>>, %arg9: memref<10240xf32, #tpu.memory_space<vmem_shared>>, %arg10: memref<!tpu.dma_semaphore, #tpu.memory_space<semaphore_mem>>) attributes {dimension_semantics = [#tpu.dimension_semantics<core_parallel>, #tpu.dimension_semantics<subcore_parallel>], iteration_bounds = array<i64: 2, 16>, scalar_prefetch = 0 : i64, scratch_operands = 5 : i64, tpu.core_type = #tpu.core_type<sc_vector_subcore>, window_params = [{transform_indices = #map}, {transform_indices = #map1}, {transform_indices = #map1}, {transform_indices = #map1}]} {
    %mul3A = arith.constant 640 : i32
    %mul3A_0 = arith.muli %arg1, %mul3A : i32
    %multiple_of3A = tpu.assume_multiple %mul3A_0, 128 : i32
    %mul3A_1 = arith.constant 1280 : i32
    %mul3A_2 = arith.muli %arg0, %mul3A_1 : i32
    %mul3A_3 = arith.constant 80 : i32
    %mul3A_4 = arith.muli %arg1, %mul3A_3 : i32
    %add3A = arith.addi %mul3A_2, %mul3A_4 : i32
    %multiple_of3A_5 = tpu.assume_multiple %add3A, 80 : i32
    "tpu.region"() ({
      %run_scoped3A = tpu.sem_alloc : memref<!tpu.dma_semaphore, #tpu.memory_space<semaphore_mem>>
      %dma_start3A = arith.constant 0 : i32
      %dma_start3A_21 = tpu.memref_slice %arg2[%multiple_of3A_5, %dma_start3A] : memref<2560x128xi32, #tpu.memory_space<hbm>> -> memref<80x128xi32, #tpu.memory_space<hbm>>
      %dma_start3A_22 = arith.constant 0 : i32
      %dma_start3A_23 = tpu.memref_slice %arg2[%multiple_of3A_5, %dma_start3A_22] : memref<2560x128xi32, #tpu.memory_space<hbm>> -> memref<80x128xi32, #tpu.memory_space<hbm>>
      tpu.enqueue_dma source(%dma_start3A_23 : memref<80x128xi32, #tpu.memory_space<hbm>>) target(%arg6 : memref<80x128xi32, #tpu.memory_space<vmem>>) target_semaphore(%run_scoped3A : memref<!tpu.dma_semaphore, #tpu.memory_space<semaphore_mem>>)
      %dma_wait3A = arith.constant 0 : i32
      %dma_wait3A_24 = tpu.memref_slice %arg2[%multiple_of3A_5, %dma_wait3A] : memref<2560x128xi32, #tpu.memory_space<hbm>> -> memref<80x128xi32, #tpu.memory_space<hbm>>
      %dma_wait3A_25 = arith.constant 0 : i32
      %dma_wait3A_26 = tpu.memref_slice %arg2[%multiple_of3A_5, %dma_wait3A_25] : memref<2560x128xi32, #tpu.memory_space<hbm>> -> memref<80x128xi32, #tpu.memory_space<hbm>>
      tpu.wait_dma2 semaphore(%run_scoped3A : memref<!tpu.dma_semaphore, #tpu.memory_space<semaphore_mem>>) src(%dma_wait3A_26 : memref<80x128xi32, #tpu.memory_space<hbm>>) dst(%arg6 : memref<80x128xi32, #tpu.memory_space<vmem>>)
      tpu.yield
    }) : () -> ()
    "tpu.region"() ({
      %run_scoped3A = tpu.sem_alloc : memref<!tpu.dma_semaphore, #tpu.memory_space<semaphore_mem>>
      tpu.enqueue_dma source(%arg3 : memref<128xf32, #tpu.memory_space<hbm>>) target(%arg7 : memref<128xf32, #tpu.memory_space<vmem>>) target_semaphore(%run_scoped3A : memref<!tpu.dma_semaphore, #tpu.memory_space<semaphore_mem>>)
      tpu.wait_dma2 semaphore(%run_scoped3A : memref<!tpu.dma_semaphore, #tpu.memory_space<semaphore_mem>>) src(%arg3 : memref<128xf32, #tpu.memory_space<hbm>>) dst(%arg7 : memref<128xf32, #tpu.memory_space<vmem>>)
      tpu.yield
    }) : () -> ()
    "tpu.region"() ({
      %run_scoped3A = tpu.sem_alloc : memref<!tpu.dma_semaphore, #tpu.memory_space<semaphore_mem>>
      tpu.enqueue_dma source(%arg4 : memref<640xf32, #tpu.memory_space<hbm>>) target(%arg8 : memref<640xf32, #tpu.memory_space<vmem>>) target_semaphore(%run_scoped3A : memref<!tpu.dma_semaphore, #tpu.memory_space<semaphore_mem>>)
      tpu.wait_dma2 semaphore(%run_scoped3A : memref<!tpu.dma_semaphore, #tpu.memory_space<semaphore_mem>>) src(%arg4 : memref<640xf32, #tpu.memory_space<hbm>>) dst(%arg8 : memref<640xf32, #tpu.memory_space<vmem>>)
      tpu.yield
    }) : () -> ()
    "tpu.region"() ({
      %run_scoped3A = tpu.sem_alloc : memref<!tpu.dma_semaphore, #tpu.memory_space<semaphore_mem>>
      %dma_start3A = tpu.memref_slice %arg9[%multiple_of3A] : memref<10240xf32, #tpu.memory_space<vmem_shared>> -> memref<640xf32, #tpu.memory_space<vmem_shared>>
      %dma_start3A_21 = tpu.memref_slice %arg9[%multiple_of3A] : memref<10240xf32, #tpu.memory_space<vmem_shared>> -> memref<640xf32, #tpu.memory_space<vmem_shared>>
      tpu.enqueue_dma source(%arg8 : memref<640xf32, #tpu.memory_space<vmem>>) target(%dma_start3A_21 : memref<640xf32, #tpu.memory_space<vmem_shared>>) target_semaphore(%run_scoped3A : memref<!tpu.dma_semaphore, #tpu.memory_space<semaphore_mem>>)
      %dma_wait3A = tpu.memref_slice %arg9[%multiple_of3A] : memref<10240xf32, #tpu.memory_space<vmem_shared>> -> memref<640xf32, #tpu.memory_space<vmem_shared>>
      %dma_wait3A_22 = tpu.memref_slice %arg9[%multiple_of3A] : memref<10240xf32, #tpu.memory_space<vmem_shared>> -> memref<640xf32, #tpu.memory_space<vmem_shared>>
      tpu.wait_dma2 semaphore(%run_scoped3A : memref<!tpu.dma_semaphore, #tpu.memory_space<semaphore_mem>>) src(%arg8 : memref<640xf32, #tpu.memory_space<vmem>>) dst(%dma_wait3A_22 : memref<640xf32, #tpu.memory_space<vmem_shared>>)
      tpu.yield
    }) : () -> ()
    %barrier3A = arith.constant 0 : index
    tpu.barrier barrier_id(%barrier3A)
    %scan3A = arith.constant 0 : i32
    %scan3A_6 = arith.constant 0 : i32
    %scan3A_7 = arith.constant 80 : i32
    %scan3A_8 = arith.addi %scan3A_6, %scan3A_7 : i32
    %scan3A_9 = arith.constant 1 : i32
    scf.for %scan3A_21 = %scan3A_6 to %scan3A_8 step %scan3A_9  : i32 {
      %dma_start3A = arith.constant 0 : i32
      %dma_start3A_22 = tpu.memref_slice %arg6[%scan3A_21, %dma_start3A] : memref<80x128xi32, #tpu.memory_space<vmem>> -> memref<1x128xi32, #tpu.memory_space<vmem>>
      %dma_start3A_23 = tpu.memref_squeeze %dma_start3A_22 : memref<1x128xi32, #tpu.memory_space<vmem>> -> memref<128xi32, #tpu.memory_space<vmem>>
      %dma_start3A_24 = arith.constant 0 : i32
      %dma_start3A_25 = tpu.memref_slice %arg9[%dma_start3A_24] : memref<10240xf32, #tpu.memory_space<vmem_shared>> -> memref<10240xf32, #tpu.memory_space<vmem_shared>>
      tpu.enqueue_indirect_dma source(%arg7 : memref<128xf32, #tpu.memory_space<vmem>>) target(%dma_start3A_25 : memref<10240xf32, #tpu.memory_space<vmem_shared>>) offsets(%dma_start3A_23 : memref<128xi32, #tpu.memory_space<vmem>>) semaphore(%arg10 : memref<!tpu.dma_semaphore, #tpu.memory_space<semaphore_mem>>) {add = true}
    }
    %scan3A_10 = arith.constant 80 : i32
    %scan3A_11 = arith.constant 0 : i32
    %scan3A_12 = arith.constant 0 : i32
    %scan3A_13 = arith.constant 80 : i32
    %scan3A_14 = arith.addi %scan3A_12, %scan3A_13 : i32
    %scan3A_15 = arith.constant 1 : i32
    scf.for %scan3A_21 = %scan3A_12 to %scan3A_14 step %scan3A_15  : i32 {
      %dma_wait3A = arith.constant 0 : i32
      %dma_wait3A_22 = arith.constant 0 : i32
      %dma_wait3A_23 = tpu.memref_slice %arg6[%dma_wait3A, %dma_wait3A_22] : memref<80x128xi32, #tpu.memory_space<vmem>> -> memref<1x128xi32, #tpu.memory_space<vmem>>
      %dma_wait3A_24 = tpu.memref_squeeze %dma_wait3A_23 : memref<1x128xi32, #tpu.memory_space<vmem>> -> memref<128xi32, #tpu.memory_space<vmem>>
      %dma_wait3A_25 = arith.constant 0 : i32
      %dma_wait3A_26 = tpu.memref_slice %arg9[%dma_wait3A_25] : memref<10240xf32, #tpu.memory_space<vmem_shared>> -> memref<10240xf32, #tpu.memory_space<vmem_shared>>
      tpu.wait_indirect_dma semaphore(%arg10 : memref<!tpu.dma_semaphore, #tpu.memory_space<semaphore_mem>>) src(%arg7 : memref<128xf32, #tpu.memory_space<vmem>>) dst(%dma_wait3A_26 : memref<10240xf32, #tpu.memory_space<vmem_shared>>)
    }
    %scan3A_16 = arith.constant 80 : i32
    %barrier3A_17 = arith.constant 0 : index
    tpu.barrier barrier_id(%barrier3A_17)
    "tpu.region"() ({
      %run_scoped3A = tpu.sem_alloc : memref<!tpu.dma_semaphore, #tpu.memory_space<semaphore_mem>>
      %dma_start3A = tpu.memref_slice %arg9[%multiple_of3A] : memref<10240xf32, #tpu.memory_space<vmem_shared>> -> memref<640xf32, #tpu.memory_space<vmem_shared>>
      %dma_start3A_21 = tpu.memref_slice %arg9[%multiple_of3A] : memref<10240xf32, #tpu.memory_space<vmem_shared>> -> memref<640xf32, #tpu.memory_space<vmem_shared>>
      tpu.enqueue_dma source(%dma_start3A_21 : memref<640xf32, #tpu.memory_space<vmem_shared>>) target(%arg8 : memref<640xf32, #tpu.memory_space<vmem>>) target_semaphore(%run_scoped3A : memref<!tpu.dma_semaphore, #tpu.memory_space<semaphore_mem>>)
      %dma_wait3A = tpu.memref_slice %arg9[%multiple_of3A] : memref<10240xf32, #tpu.memory_space<vmem_shared>> -> memref<640xf32, #tpu.memory_space<vmem_shared>>
      %dma_wait3A_22 = tpu.memref_slice %arg9[%multiple_of3A] : memref<10240xf32, #tpu.memory_space<vmem_shared>> -> memref<640xf32, #tpu.memory_space<vmem_shared>>
      tpu.wait_dma2 semaphore(%run_scoped3A : memref<!tpu.dma_semaphore, #tpu.memory_space<semaphore_mem>>) src(%dma_wait3A_22 : memref<640xf32, #tpu.memory_space<vmem_shared>>) dst(%arg8 : memref<640xf32, #tpu.memory_space<vmem>>)
      tpu.yield
    }) : () -> ()
    %mul3A_18 = arith.constant 10240 : i32
    %mul3A_19 = arith.muli %arg0, %mul3A_18 : i32
    %add3A_20 = arith.addi %mul3A_19, %multiple_of3A : i32
    "tpu.region"() ({
      %run_scoped3A = tpu.sem_alloc : memref<!tpu.dma_semaphore, #tpu.memory_space<semaphore_mem>>
      %dma_start3A = tpu.memref_slice %arg5[%add3A_20] : memref<20480xf32, #tpu.memory_space<hbm>> -> memref<640xf32, #tpu.memory_space<hbm>>
      %dma_start3A_21 = tpu.memref_slice %arg5[%add3A_20] : memref<20480xf32, #tpu.memory_space<hbm>> -> memref<640xf32, #tpu.memory_space<hbm>>
      tpu.enqueue_dma source(%arg8 : memref<640xf32, #tpu.memory_space<vmem>>) target(%dma_start3A_21 : memref<640xf32, #tpu.memory_space<hbm>>) target_semaphore(%run_scoped3A : memref<!tpu.dma_semaphore, #tpu.memory_space<semaphore_mem>>)
      %dma_wait3A = tpu.memref_slice %arg5[%add3A_20] : memref<20480xf32, #tpu.memory_space<hbm>> -> memref<640xf32, #tpu.memory_space<hbm>>
      %dma_wait3A_22 = tpu.memref_slice %arg5[%add3A_20] : memref<20480xf32, #tpu.memory_space<hbm>> -> memref<640xf32, #tpu.memory_space<hbm>>
      tpu.wait_dma2 semaphore(%run_scoped3A : memref<!tpu.dma_semaphore, #tpu.memory_space<semaphore_mem>>) src(%arg8 : memref<640xf32, #tpu.memory_space<vmem>>) dst(%dma_wait3A_22 : memref<640xf32, #tpu.memory_space<hbm>>)
      tpu.yield
    }) : () -> ()
    return
  }
}

#map = affine_map<(d0, d1) -> (0)>
#map1 = affine_map<(d0, d1) -> (0, 0)>
module attributes {stable_mosaic.version = 14 : i64} {
  func.func @k(%arg0: i32, %arg1: i32, %arg2: memref<327680xi32, #tpu.memory_space<hbm>>, %arg3: memref<327680xi32, #tpu.memory_space<hbm>>, %arg4: memref<10240x128xf32, #tpu.memory_space<hbm>>, %arg5: memref<128x128xf32, #tpu.memory_space<hbm>>, %arg6: memref<20480x128xf32, #tpu.memory_space<hbm>>, %arg7: memref<4x80xi32, #tpu.memory_space<vmem>>, %arg8: memref<4x80xi32, #tpu.memory_space<vmem>>, %arg9: memref<4x80x128xf32, #tpu.memory_space<vmem>>, %arg10: memref<10240x128xf32, #tpu.memory_space<vmem_shared>>, %arg11: memref<!tpu.dma_semaphore, #tpu.memory_space<semaphore_mem>>, %arg12: memref<!tpu.dma_semaphore, #tpu.memory_space<semaphore_mem>>, %arg13: memref<!tpu.dma_semaphore, #tpu.memory_space<semaphore_mem>>, %arg14: memref<!tpu.dma_semaphore, #tpu.memory_space<semaphore_mem>>, %arg15: memref<!tpu.dma_semaphore, #tpu.memory_space<semaphore_mem>>, %arg16: memref<!tpu.dma_semaphore, #tpu.memory_space<semaphore_mem>>, %arg17: memref<!tpu.dma_semaphore, #tpu.memory_space<semaphore_mem>>, %arg18: memref<!tpu.dma_semaphore, #tpu.memory_space<semaphore_mem>>, %arg19: memref<!tpu.dma_semaphore, #tpu.memory_space<semaphore_mem>>, %arg20: memref<!tpu.dma_semaphore, #tpu.memory_space<semaphore_mem>>, %arg21: memref<!tpu.dma_semaphore, #tpu.memory_space<semaphore_mem>>, %arg22: memref<!tpu.dma_semaphore, #tpu.memory_space<semaphore_mem>>, %arg23: memref<!tpu.dma_semaphore, #tpu.memory_space<semaphore_mem>>, %arg24: memref<!tpu.dma_semaphore, #tpu.memory_space<semaphore_mem>>, %arg25: memref<!tpu.dma_semaphore, #tpu.memory_space<semaphore_mem>>, %arg26: memref<!tpu.dma_semaphore, #tpu.memory_space<semaphore_mem>>) attributes {dimension_semantics = [#tpu.dimension_semantics<core_parallel>, #tpu.dimension_semantics<subcore_parallel>], iteration_bounds = array<i64: 2, 16>, scalar_prefetch = 0 : i64, scratch_operands = 20 : i64, tpu.core_type = #tpu.core_type<sc_vector_subcore>, window_params = [{transform_indices = #map}, {transform_indices = #map}, {transform_indices = #map1}, {transform_indices = #map1}, {transform_indices = #map1}]} {
    %mul3A = arith.constant 640 : i32
    %mul3A_0 = arith.muli %arg1, %mul3A : i32
    %multiple_of3A = tpu.assume_multiple %mul3A_0, 128 : i32
    %mul3A_1 = arith.constant 16 : i32
    %mul3A_2 = arith.muli %arg0, %mul3A_1 : i32
    %add3A = arith.addi %mul3A_2, %arg1 : i32
    %mul3A_3 = arith.constant 10240 : i32
    %mul3A_4 = arith.muli %add3A, %mul3A_3 : i32
    %multiple_of3A_5 = tpu.assume_multiple %mul3A_4, 80 : i32
    %add3A_6 = arith.constant 0 : i32
    %add3A_7 = arith.addi %multiple_of3A_5, %add3A_6 : i32
    %multiple_of3A_8 = tpu.assume_multiple %add3A_7, 80 : i32
    %dma_start3A = arith.constant 0 : i32
    %dma_start3A_9 = arith.constant 0 : i32
    %dma_start3A_10 = tpu.memref_slice %arg7[%dma_start3A, %dma_start3A_9] : memref<4x80xi32, #tpu.memory_space<vmem>> -> memref<1x80xi32, #tpu.memory_space<vmem>>
    %dma_start3A_11 = tpu.memref_squeeze %dma_start3A_10 : memref<1x80xi32, #tpu.memory_space<vmem>> -> memref<80xi32, #tpu.memory_space<vmem>>
    %dma_start3A_12 = tpu.memref_slice %arg2[%multiple_of3A_8] : memref<327680xi32, #tpu.memory_space<hbm>> -> memref<80xi32, #tpu.memory_space<hbm>>
    %dma_start3A_13 = arith.constant 0 : i32
    %dma_start3A_14 = tpu.memref_slice %arg7[%dma_start3A, %dma_start3A_13] : memref<4x80xi32, #tpu.memory_space<vmem>> -> memref<1x80xi32, #tpu.memory_space<vmem>>
    %dma_start3A_15 = tpu.memref_squeeze %dma_start3A_14 : memref<1x80xi32, #tpu.memory_space<vmem>> -> memref<80xi32, #tpu.memory_space<vmem>>
    %dma_start3A_16 = tpu.memref_slice %arg2[%multiple_of3A_8] : memref<327680xi32, #tpu.memory_space<hbm>> -> memref<80xi32, #tpu.memory_space<hbm>>
    tpu.enqueue_dma source(%dma_start3A_16 : memref<80xi32, #tpu.memory_space<hbm>>) target(%dma_start3A_15 : memref<80xi32, #tpu.memory_space<vmem>>) target_semaphore(%arg15 : memref<!tpu.dma_semaphore, #tpu.memory_space<semaphore_mem>>)
    %add3A_17 = arith.constant 80 : i32
    %add3A_18 = arith.addi %multiple_of3A_5, %add3A_17 : i32
    %multiple_of3A_19 = tpu.assume_multiple %add3A_18, 80 : i32
    %dma_start3A_20 = arith.constant 1 : i32
    %dma_start3A_21 = arith.constant 0 : i32
    %dma_start3A_22 = tpu.memref_slice %arg7[%dma_start3A_20, %dma_start3A_21] : memref<4x80xi32, #tpu.memory_space<vmem>> -> memref<1x80xi32, #tpu.memory_space<vmem>>
    %dma_start3A_23 = tpu.memref_squeeze %dma_start3A_22 : memref<1x80xi32, #tpu.memory_space<vmem>> -> memref<80xi32, #tpu.memory_space<vmem>>
    %dma_start3A_24 = tpu.memref_slice %arg2[%multiple_of3A_19] : memref<327680xi32, #tpu.memory_space<hbm>> -> memref<80xi32, #tpu.memory_space<hbm>>
    %dma_start3A_25 = arith.constant 0 : i32
    %dma_start3A_26 = tpu.memref_slice %arg7[%dma_start3A_20, %dma_start3A_25] : memref<4x80xi32, #tpu.memory_space<vmem>> -> memref<1x80xi32, #tpu.memory_space<vmem>>
    %dma_start3A_27 = tpu.memref_squeeze %dma_start3A_26 : memref<1x80xi32, #tpu.memory_space<vmem>> -> memref<80xi32, #tpu.memory_space<vmem>>
    %dma_start3A_28 = tpu.memref_slice %arg2[%multiple_of3A_19] : memref<327680xi32, #tpu.memory_space<hbm>> -> memref<80xi32, #tpu.memory_space<hbm>>
    tpu.enqueue_dma source(%dma_start3A_28 : memref<80xi32, #tpu.memory_space<hbm>>) target(%dma_start3A_27 : memref<80xi32, #tpu.memory_space<vmem>>) target_semaphore(%arg16 : memref<!tpu.dma_semaphore, #tpu.memory_space<semaphore_mem>>)
    %add3A_29 = arith.constant 160 : i32
    %add3A_30 = arith.addi %multiple_of3A_5, %add3A_29 : i32
    %multiple_of3A_31 = tpu.assume_multiple %add3A_30, 80 : i32
    %dma_start3A_32 = arith.constant 2 : i32
    %dma_start3A_33 = arith.constant 0 : i32
    %dma_start3A_34 = tpu.memref_slice %arg7[%dma_start3A_32, %dma_start3A_33] : memref<4x80xi32, #tpu.memory_space<vmem>> -> memref<1x80xi32, #tpu.memory_space<vmem>>
    %dma_start3A_35 = tpu.memref_squeeze %dma_start3A_34 : memref<1x80xi32, #tpu.memory_space<vmem>> -> memref<80xi32, #tpu.memory_space<vmem>>
    %dma_start3A_36 = tpu.memref_slice %arg2[%multiple_of3A_31] : memref<327680xi32, #tpu.memory_space<hbm>> -> memref<80xi32, #tpu.memory_space<hbm>>
    %dma_start3A_37 = arith.constant 0 : i32
    %dma_start3A_38 = tpu.memref_slice %arg7[%dma_start3A_32, %dma_start3A_37] : memref<4x80xi32, #tpu.memory_space<vmem>> -> memref<1x80xi32, #tpu.memory_space<vmem>>
    %dma_start3A_39 = tpu.memref_squeeze %dma_start3A_38 : memref<1x80xi32, #tpu.memory_space<vmem>> -> memref<80xi32, #tpu.memory_space<vmem>>
    %dma_start3A_40 = tpu.memref_slice %arg2[%multiple_of3A_31] : memref<327680xi32, #tpu.memory_space<hbm>> -> memref<80xi32, #tpu.memory_space<hbm>>
    tpu.enqueue_dma source(%dma_start3A_40 : memref<80xi32, #tpu.memory_space<hbm>>) target(%dma_start3A_39 : memref<80xi32, #tpu.memory_space<vmem>>) target_semaphore(%arg17 : memref<!tpu.dma_semaphore, #tpu.memory_space<semaphore_mem>>)
    %add3A_41 = arith.constant 0 : i32
    %add3A_42 = arith.addi %multiple_of3A_5, %add3A_41 : i32
    %multiple_of3A_43 = tpu.assume_multiple %add3A_42, 80 : i32
    %dma_start3A_44 = arith.constant 0 : i32
    %dma_start3A_45 = arith.constant 0 : i32
    %dma_start3A_46 = tpu.memref_slice %arg8[%dma_start3A_44, %dma_start3A_45] : memref<4x80xi32, #tpu.memory_space<vmem>> -> memref<1x80xi32, #tpu.memory_space<vmem>>
    %dma_start3A_47 = tpu.memref_squeeze %dma_start3A_46 : memref<1x80xi32, #tpu.memory_space<vmem>> -> memref<80xi32, #tpu.memory_space<vmem>>
    %dma_start3A_48 = tpu.memref_slice %arg3[%multiple_of3A_43] : memref<327680xi32, #tpu.memory_space<hbm>> -> memref<80xi32, #tpu.memory_space<hbm>>
    %dma_start3A_49 = arith.constant 0 : i32
    %dma_start3A_50 = tpu.memref_slice %arg8[%dma_start3A_44, %dma_start3A_49] : memref<4x80xi32, #tpu.memory_space<vmem>> -> memref<1x80xi32, #tpu.memory_space<vmem>>
    %dma_start3A_51 = tpu.memref_squeeze %dma_start3A_50 : memref<1x80xi32, #tpu.memory_space<vmem>> -> memref<80xi32, #tpu.memory_space<vmem>>
    %dma_start3A_52 = tpu.memref_slice %arg3[%multiple_of3A_43] : memref<327680xi32, #tpu.memory_space<hbm>> -> memref<80xi32, #tpu.memory_space<hbm>>
    tpu.enqueue_dma source(%dma_start3A_52 : memref<80xi32, #tpu.memory_space<hbm>>) target(%dma_start3A_51 : memref<80xi32, #tpu.memory_space<vmem>>) target_semaphore(%arg19 : memref<!tpu.dma_semaphore, #tpu.memory_space<semaphore_mem>>)
    %add3A_53 = arith.constant 80 : i32
    %add3A_54 = arith.addi %multiple_of3A_5, %add3A_53 : i32
    %multiple_of3A_55 = tpu.assume_multiple %add3A_54, 80 : i32
    %dma_start3A_56 = arith.constant 1 : i32
    %dma_start3A_57 = arith.constant 0 : i32
    %dma_start3A_58 = tpu.memref_slice %arg8[%dma_start3A_56, %dma_start3A_57] : memref<4x80xi32, #tpu.memory_space<vmem>> -> memref<1x80xi32, #tpu.memory_space<vmem>>
    %dma_start3A_59 = tpu.memref_squeeze %dma_start3A_58 : memref<1x80xi32, #tpu.memory_space<vmem>> -> memref<80xi32, #tpu.memory_space<vmem>>
    %dma_start3A_60 = tpu.memref_slice %arg3[%multiple_of3A_55] : memref<327680xi32, #tpu.memory_space<hbm>> -> memref<80xi32, #tpu.memory_space<hbm>>
    %dma_start3A_61 = arith.constant 0 : i32
    %dma_start3A_62 = tpu.memref_slice %arg8[%dma_start3A_56, %dma_start3A_61] : memref<4x80xi32, #tpu.memory_space<vmem>> -> memref<1x80xi32, #tpu.memory_space<vmem>>
    %dma_start3A_63 = tpu.memref_squeeze %dma_start3A_62 : memref<1x80xi32, #tpu.memory_space<vmem>> -> memref<80xi32, #tpu.memory_space<vmem>>
    %dma_start3A_64 = tpu.memref_slice %arg3[%multiple_of3A_55] : memref<327680xi32, #tpu.memory_space<hbm>> -> memref<80xi32, #tpu.memory_space<hbm>>
    tpu.enqueue_dma source(%dma_start3A_64 : memref<80xi32, #tpu.memory_space<hbm>>) target(%dma_start3A_63 : memref<80xi32, #tpu.memory_space<vmem>>) target_semaphore(%arg20 : memref<!tpu.dma_semaphore, #tpu.memory_space<semaphore_mem>>)
    %dma_wait3A = arith.constant 0 : i32
    %dma_wait3A_65 = arith.constant 0 : i32
    %dma_wait3A_66 = tpu.memref_slice %arg7[%dma_wait3A, %dma_wait3A_65] : memref<4x80xi32, #tpu.memory_space<vmem>> -> memref<1x80xi32, #tpu.memory_space<vmem>>
    %dma_wait3A_67 = tpu.memref_squeeze %dma_wait3A_66 : memref<1x80xi32, #tpu.memory_space<vmem>> -> memref<80xi32, #tpu.memory_space<vmem>>
    %dma_wait3A_68 = tpu.memref_slice %arg2[%multiple_of3A_5] : memref<327680xi32, #tpu.memory_space<hbm>> -> memref<80xi32, #tpu.memory_space<hbm>>
    %dma_wait3A_69 = arith.constant 0 : i32
    %dma_wait3A_70 = tpu.memref_slice %arg7[%dma_wait3A, %dma_wait3A_69] : memref<4x80xi32, #tpu.memory_space<vmem>> -> memref<1x80xi32, #tpu.memory_space<vmem>>
    %dma_wait3A_71 = tpu.memref_squeeze %dma_wait3A_70 : memref<1x80xi32, #tpu.memory_space<vmem>> -> memref<80xi32, #tpu.memory_space<vmem>>
    %dma_wait3A_72 = tpu.memref_slice %arg2[%multiple_of3A_5] : memref<327680xi32, #tpu.memory_space<hbm>> -> memref<80xi32, #tpu.memory_space<hbm>>
    tpu.wait_dma2 semaphore(%arg15 : memref<!tpu.dma_semaphore, #tpu.memory_space<semaphore_mem>>) src(%dma_wait3A_72 : memref<80xi32, #tpu.memory_space<hbm>>) dst(%dma_wait3A_71 : memref<80xi32, #tpu.memory_space<vmem>>)
    %dma_start3A_73 = arith.constant 0 : i32
    %dma_start3A_74 = arith.constant 0 : i32
    %dma_start3A_75 = arith.constant 0 : i32
    %dma_start3A_76 = arith.constant 0 : i32
    %dma_start3A_77 = tpu.memref_slice %arg9[%dma_start3A_74, %dma_start3A_75, %dma_start3A_76] : memref<4x80x128xf32, #tpu.memory_space<vmem>> -> memref<1x80x128xf32, #tpu.memory_space<vmem>>
    %dma_start3A_78 = tpu.memref_squeeze %dma_start3A_77 : memref<1x80x128xf32, #tpu.memory_space<vmem>> -> memref<80x128xf32, #tpu.memory_space<vmem>>
    %dma_start3A_79 = arith.constant 0 : i32
    %dma_start3A_80 = tpu.memref_slice %arg7[%dma_start3A_73, %dma_start3A_79] : memref<4x80xi32, #tpu.memory_space<vmem>> -> memref<1x80xi32, #tpu.memory_space<vmem>>
    %dma_start3A_81 = tpu.memref_squeeze %dma_start3A_80 : memref<1x80xi32, #tpu.memory_space<vmem>> -> memref<80xi32, #tpu.memory_space<vmem>>
    %dma_start3A_82 = arith.constant 0 : i32
    %dma_start3A_83 = arith.constant 0 : i32
    %dma_start3A_84 = tpu.memref_slice %arg4[%dma_start3A_82, %dma_start3A_83] : memref<10240x128xf32, #tpu.memory_space<hbm>> -> memref<10240x128xf32, #tpu.memory_space<hbm>>
    tpu.enqueue_indirect_dma source(%dma_start3A_84 : memref<10240x128xf32, #tpu.memory_space<hbm>>) target(%dma_start3A_78 : memref<80x128xf32, #tpu.memory_space<vmem>>) offsets(%dma_start3A_81 : memref<80xi32, #tpu.memory_space<vmem>>) semaphore(%arg11 : memref<!tpu.dma_semaphore, #tpu.memory_space<semaphore_mem>>)
    %dma_wait3A_85 = arith.constant 1 : i32
    %dma_wait3A_86 = arith.constant 0 : i32
    %dma_wait3A_87 = tpu.memref_slice %arg7[%dma_wait3A_85, %dma_wait3A_86] : memref<4x80xi32, #tpu.memory_space<vmem>> -> memref<1x80xi32, #tpu.memory_space<vmem>>
    %dma_wait3A_88 = tpu.memref_squeeze %dma_wait3A_87 : memref<1x80xi32, #tpu.memory_space<vmem>> -> memref<80xi32, #tpu.memory_space<vmem>>
    %dma_wait3A_89 = tpu.memref_slice %arg2[%multiple_of3A_5] : memref<327680xi32, #tpu.memory_space<hbm>> -> memref<80xi32, #tpu.memory_space<hbm>>
    %dma_wait3A_90 = arith.constant 0 : i32
    %dma_wait3A_91 = tpu.memref_slice %arg7[%dma_wait3A_85, %dma_wait3A_90] : memref<4x80xi32, #tpu.memory_space<vmem>> -> memref<1x80xi32, #tpu.memory_space<vmem>>
    %dma_wait3A_92 = tpu.memref_squeeze %dma_wait3A_91 : memref<1x80xi32, #tpu.memory_space<vmem>> -> memref<80xi32, #tpu.memory_space<vmem>>
    %dma_wait3A_93 = tpu.memref_slice %arg2[%multiple_of3A_5] : memref<327680xi32, #tpu.memory_space<hbm>> -> memref<80xi32, #tpu.memory_space<hbm>>
    tpu.wait_dma2 semaphore(%arg16 : memref<!tpu.dma_semaphore, #tpu.memory_space<semaphore_mem>>) src(%dma_wait3A_93 : memref<80xi32, #tpu.memory_space<hbm>>) dst(%dma_wait3A_92 : memref<80xi32, #tpu.memory_space<vmem>>)
    %dma_start3A_94 = arith.constant 1 : i32
    %dma_start3A_95 = arith.constant 1 : i32
    %dma_start3A_96 = arith.constant 0 : i32
    %dma_start3A_97 = arith.constant 0 : i32
    %dma_start3A_98 = tpu.memref_slice %arg9[%dma_start3A_95, %dma_start3A_96, %dma_start3A_97] : memref<4x80x128xf32, #tpu.memory_space<vmem>> -> memref<1x80x128xf32, #tpu.memory_space<vmem>>
    %dma_start3A_99 = tpu.memref_squeeze %dma_start3A_98 : memref<1x80x128xf32, #tpu.memory_space<vmem>> -> memref<80x128xf32, #tpu.memory_space<vmem>>
    %dma_start3A_100 = arith.constant 0 : i32
    %dma_start3A_101 = tpu.memref_slice %arg7[%dma_start3A_94, %dma_start3A_100] : memref<4x80xi32, #tpu.memory_space<vmem>> -> memref<1x80xi32, #tpu.memory_space<vmem>>
    %dma_start3A_102 = tpu.memref_squeeze %dma_start3A_101 : memref<1x80xi32, #tpu.memory_space<vmem>> -> memref<80xi32, #tpu.memory_space<vmem>>
    %dma_start3A_103 = arith.constant 0 : i32
    %dma_start3A_104 = arith.constant 0 : i32
    %dma_start3A_105 = tpu.memref_slice %arg4[%dma_start3A_103, %dma_start3A_104] : memref<10240x128xf32, #tpu.memory_space<hbm>> -> memref<10240x128xf32, #tpu.memory_space<hbm>>
    tpu.enqueue_indirect_dma source(%dma_start3A_105 : memref<10240x128xf32, #tpu.memory_space<hbm>>) target(%dma_start3A_99 : memref<80x128xf32, #tpu.memory_space<vmem>>) offsets(%dma_start3A_102 : memref<80xi32, #tpu.memory_space<vmem>>) semaphore(%arg12 : memref<!tpu.dma_semaphore, #tpu.memory_space<semaphore_mem>>)
    %scan3A = arith.constant 0 : i32
    %scan3A_106 = arith.constant 0 : i32
    %scan3A_107 = arith.constant 5 : i32
    %scan3A_108 = arith.addi %scan3A_106, %scan3A_107 : i32
    %scan3A_109 = arith.constant 1 : i32
    scf.for %scan3A_172 = %scan3A_106 to %scan3A_108 step %scan3A_109  : i32 {
      %mul3A_173 = arith.constant 128 : i32
      %mul3A_174 = arith.muli %scan3A_172, %mul3A_173 : i32
      %add3A_175 = arith.addi %multiple_of3A, %mul3A_174 : i32
      %multiple_of3A_176 = tpu.assume_multiple %add3A_175, 128 : i32
      "tpu.region"() ({
        %run_scoped3A = tpu.sem_alloc : memref<!tpu.dma_semaphore, #tpu.memory_space<semaphore_mem>>
        %dma_start3A_177 = arith.constant 0 : i32
        %dma_start3A_178 = tpu.memref_slice %arg10[%multiple_of3A_176, %dma_start3A_177] : memref<10240x128xf32, #tpu.memory_space<vmem_shared>> -> memref<128x128xf32, #tpu.memory_space<vmem_shared>>
        tpu.enqueue_dma source(%arg5 : memref<128x128xf32, #tpu.memory_space<hbm>>) target(%dma_start3A_178 : memref<128x128xf32, #tpu.memory_space<vmem_shared>>) target_semaphore(%run_scoped3A : memref<!tpu.dma_semaphore, #tpu.memory_space<semaphore_mem>>)
        %dma_wait3A_179 = arith.constant 0 : i32
        %dma_wait3A_180 = tpu.memref_slice %arg10[%multiple_of3A_176, %dma_wait3A_179] : memref<10240x128xf32, #tpu.memory_space<vmem_shared>> -> memref<128x128xf32, #tpu.memory_space<vmem_shared>>
        tpu.wait_dma2 semaphore(%run_scoped3A : memref<!tpu.dma_semaphore, #tpu.memory_space<semaphore_mem>>) src(%arg5 : memref<128x128xf32, #tpu.memory_space<hbm>>) dst(%dma_wait3A_180 : memref<128x128xf32, #tpu.memory_space<vmem_shared>>)
        tpu.yield
      }) : () -> ()
    }
    %scan3A_110 = arith.constant 5 : i32
    %barrier3A = arith.constant 0 : index
    tpu.barrier barrier_id(%barrier3A)
    %scan3A_111 = arith.constant 0 : i32
    %scan3A_112 = arith.constant 0 : i32
    %scan3A_113 = arith.constant 32 : i32
    %scan3A_114 = arith.addi %scan3A_112, %scan3A_113 : i32
    %scan3A_115 = arith.constant 1 : i32
    scf.for %scan3A_172 = %scan3A_112 to %scan3A_114 step %scan3A_115  : i32 {
      %mul3A_173 = arith.constant 4 : i32
      %mul3A_174 = arith.muli %scan3A_172, %mul3A_173 : i32
      %add3A_175 = arith.constant 0 : i32
      %add3A_176 = arith.addi %mul3A_174, %add3A_175 : i32
      %add3A_177 = arith.constant 2 : i32
      %add3A_178 = arith.addi %add3A_176, %add3A_177 : i32
      %le3A = arith.constant 127 : i32
      %le3A_179 = arith.cmpi sle, %add3A_178, %le3A : i32
      %convert_element_type3A = arith.extui %le3A_179 : i1 to i32
      %cond3A = arith.constant 0 : i32
      %cond3A_180 = arith.cmpi ne, %convert_element_type3A, %cond3A : i32
      scf.if %cond3A_180 {
        %sub3A = arith.constant 2 : i32
        %sub3A_410 = arith.subi %add3A_176, %sub3A : i32
        %ge3A = arith.constant 0 : i32
        %ge3A_411 = arith.cmpi sge, %sub3A_410, %ge3A : i32
        %convert_element_type3A_412 = arith.extui %ge3A_411 : i1 to i32
        %cond3A_413 = arith.constant 0 : i32
        %cond3A_414 = arith.cmpi ne, %convert_element_type3A_412, %cond3A_413 : i32
        scf.if %cond3A_414 {
          %dma_wait3A_430 = arith.constant 2 : i32
          %dma_wait3A_431 = arith.constant 0 : i32
          %dma_wait3A_432 = arith.constant 0 : i32
          %dma_wait3A_433 = arith.constant 0 : i32
          %dma_wait3A_434 = tpu.memref_slice %arg9[%dma_wait3A_430, %dma_wait3A_432, %dma_wait3A_433] : memref<4x80x128xf32, #tpu.memory_space<vmem>> -> memref<1x80x128xf32, #tpu.memory_space<vmem>>
          %dma_wait3A_435 = tpu.memref_squeeze %dma_wait3A_434 : memref<1x80x128xf32, #tpu.memory_space<vmem>> -> memref<80x128xf32, #tpu.memory_space<vmem>>
          %dma_wait3A_436 = arith.constant 0 : i32
          %dma_wait3A_437 = tpu.memref_slice %arg8[%dma_wait3A_431, %dma_wait3A_436] : memref<4x80xi32, #tpu.memory_space<vmem>> -> memref<1x80xi32, #tpu.memory_space<vmem>>
          %dma_wait3A_438 = tpu.memref_squeeze %dma_wait3A_437 : memref<1x80xi32, #tpu.memory_space<vmem>> -> memref<80xi32, #tpu.memory_space<vmem>>
          %dma_wait3A_439 = arith.constant 0 : i32
          %dma_wait3A_440 = arith.constant 0 : i32
          %dma_wait3A_441 = tpu.memref_slice %arg10[%dma_wait3A_439, %dma_wait3A_440] : memref<10240x128xf32, #tpu.memory_space<vmem_shared>> -> memref<10240x128xf32, #tpu.memory_space<vmem_shared>>
          tpu.wait_indirect_dma semaphore(%arg25 : memref<!tpu.dma_semaphore, #tpu.memory_space<semaphore_mem>>) src(%dma_wait3A_435 : memref<80x128xf32, #tpu.memory_space<vmem>>) dst(%dma_wait3A_441 : memref<10240x128xf32, #tpu.memory_space<vmem_shared>>)
        } else {
        }
        %add3A_415 = arith.constant 2 : i32
        %add3A_416 = arith.addi %add3A_176, %add3A_415 : i32
        %mul3A_417 = arith.constant 80 : i32
        %mul3A_418 = arith.muli %add3A_416, %mul3A_417 : i32
        %add3A_419 = arith.addi %multiple_of3A_5, %mul3A_418 : i32
        %multiple_of3A_420 = tpu.assume_multiple %add3A_419, 80 : i32
        %dma_start3A_421 = arith.constant 2 : i32
        %dma_start3A_422 = arith.constant 0 : i32
        %dma_start3A_423 = tpu.memref_slice %arg8[%dma_start3A_421, %dma_start3A_422] : memref<4x80xi32, #tpu.memory_space<vmem>> -> memref<1x80xi32, #tpu.memory_space<vmem>>
        %dma_start3A_424 = tpu.memref_squeeze %dma_start3A_423 : memref<1x80xi32, #tpu.memory_space<vmem>> -> memref<80xi32, #tpu.memory_space<vmem>>
        %dma_start3A_425 = tpu.memref_slice %arg3[%multiple_of3A_420] : memref<327680xi32, #tpu.memory_space<hbm>> -> memref<80xi32, #tpu.memory_space<hbm>>
        %dma_start3A_426 = arith.constant 0 : i32
        %dma_start3A_427 = tpu.memref_slice %arg8[%dma_start3A_421, %dma_start3A_426] : memref<4x80xi32, #tpu.memory_space<vmem>> -> memref<1x80xi32, #tpu.memory_space<vmem>>
        %dma_start3A_428 = tpu.memref_squeeze %dma_start3A_427 : memref<1x80xi32, #tpu.memory_space<vmem>> -> memref<80xi32, #tpu.memory_space<vmem>>
        %dma_start3A_429 = tpu.memref_slice %arg3[%multiple_of3A_420] : memref<327680xi32, #tpu.memory_space<hbm>> -> memref<80xi32, #tpu.memory_space<hbm>>
        tpu.enqueue_dma source(%dma_start3A_429 : memref<80xi32, #tpu.memory_space<hbm>>) target(%dma_start3A_428 : memref<80xi32, #tpu.memory_space<vmem>>) target_semaphore(%arg21 : memref<!tpu.dma_semaphore, #tpu.memory_space<semaphore_mem>>)
      } else {
      }
      %add3A_181 = arith.constant 2 : i32
      %add3A_182 = arith.addi %add3A_176, %add3A_181 : i32
      %add3A_183 = arith.constant 1 : i32
      %add3A_184 = arith.addi %add3A_182, %add3A_183 : i32
      %le3A_185 = arith.constant 127 : i32
      %le3A_186 = arith.cmpi sle, %add3A_184, %le3A_185 : i32
      %convert_element_type3A_187 = arith.extui %le3A_186 : i1 to i32
      %cond3A_188 = arith.constant 0 : i32
      %cond3A_189 = arith.cmpi ne, %convert_element_type3A_187, %cond3A_188 : i32
      scf.if %cond3A_189 {
        %add3A_410 = arith.constant 2 : i32
        %add3A_411 = arith.addi %add3A_176, %add3A_410 : i32
        %add3A_412 = arith.constant 1 : i32
        %add3A_413 = arith.addi %add3A_411, %add3A_412 : i32
        %mul3A_414 = arith.constant 80 : i32
        %mul3A_415 = arith.muli %add3A_413, %mul3A_414 : i32
        %add3A_416 = arith.addi %multiple_of3A_5, %mul3A_415 : i32
        %multiple_of3A_417 = tpu.assume_multiple %add3A_416, 80 : i32
        %dma_start3A_418 = arith.constant 3 : i32
        %dma_start3A_419 = arith.constant 0 : i32
        %dma_start3A_420 = tpu.memref_slice %arg7[%dma_start3A_418, %dma_start3A_419] : memref<4x80xi32, #tpu.memory_space<vmem>> -> memref<1x80xi32, #tpu.memory_space<vmem>>
        %dma_start3A_421 = tpu.memref_squeeze %dma_start3A_420 : memref<1x80xi32, #tpu.memory_space<vmem>> -> memref<80xi32, #tpu.memory_space<vmem>>
        %dma_start3A_422 = tpu.memref_slice %arg2[%multiple_of3A_417] : memref<327680xi32, #tpu.memory_space<hbm>> -> memref<80xi32, #tpu.memory_space<hbm>>
        %dma_start3A_423 = arith.constant 0 : i32
        %dma_start3A_424 = tpu.memref_slice %arg7[%dma_start3A_418, %dma_start3A_423] : memref<4x80xi32, #tpu.memory_space<vmem>> -> memref<1x80xi32, #tpu.memory_space<vmem>>
        %dma_start3A_425 = tpu.memref_squeeze %dma_start3A_424 : memref<1x80xi32, #tpu.memory_space<vmem>> -> memref<80xi32, #tpu.memory_space<vmem>>
        %dma_start3A_426 = tpu.memref_slice %arg2[%multiple_of3A_417] : memref<327680xi32, #tpu.memory_space<hbm>> -> memref<80xi32, #tpu.memory_space<hbm>>
        tpu.enqueue_dma source(%dma_start3A_426 : memref<80xi32, #tpu.memory_space<hbm>>) target(%dma_start3A_425 : memref<80xi32, #tpu.memory_space<vmem>>) target_semaphore(%arg18 : memref<!tpu.dma_semaphore, #tpu.memory_space<semaphore_mem>>)
      } else {
      }
      %add3A_190 = arith.constant 2 : i32
      %add3A_191 = arith.addi %add3A_176, %add3A_190 : i32
      %le3A_192 = arith.constant 127 : i32
      %le3A_193 = arith.cmpi sle, %add3A_191, %le3A_192 : i32
      %convert_element_type3A_194 = arith.extui %le3A_193 : i1 to i32
      %cond3A_195 = arith.constant 0 : i32
      %cond3A_196 = arith.cmpi ne, %convert_element_type3A_194, %cond3A_195 : i32
      scf.if %cond3A_196 {
        %dma_wait3A_410 = arith.constant 2 : i32
        %dma_wait3A_411 = arith.constant 0 : i32
        %dma_wait3A_412 = tpu.memref_slice %arg7[%dma_wait3A_410, %dma_wait3A_411] : memref<4x80xi32, #tpu.memory_space<vmem>> -> memref<1x80xi32, #tpu.memory_space<vmem>>
        %dma_wait3A_413 = tpu.memref_squeeze %dma_wait3A_412 : memref<1x80xi32, #tpu.memory_space<vmem>> -> memref<80xi32, #tpu.memory_space<vmem>>
        %dma_wait3A_414 = tpu.memref_slice %arg2[%multiple_of3A_5] : memref<327680xi32, #tpu.memory_space<hbm>> -> memref<80xi32, #tpu.memory_space<hbm>>
        %dma_wait3A_415 = arith.constant 0 : i32
        %dma_wait3A_416 = tpu.memref_slice %arg7[%dma_wait3A_410, %dma_wait3A_415] : memref<4x80xi32, #tpu.memory_space<vmem>> -> memref<1x80xi32, #tpu.memory_space<vmem>>
        %dma_wait3A_417 = tpu.memref_squeeze %dma_wait3A_416 : memref<1x80xi32, #tpu.memory_space<vmem>> -> memref<80xi32, #tpu.memory_space<vmem>>
        %dma_wait3A_418 = tpu.memref_slice %arg2[%multiple_of3A_5] : memref<327680xi32, #tpu.memory_space<hbm>> -> memref<80xi32, #tpu.memory_space<hbm>>
        tpu.wait_dma2 semaphore(%arg17 : memref<!tpu.dma_semaphore, #tpu.memory_space<semaphore_mem>>) src(%dma_wait3A_418 : memref<80xi32, #tpu.memory_space<hbm>>) dst(%dma_wait3A_417 : memref<80xi32, #tpu.memory_space<vmem>>)
        %dma_start3A_419 = arith.constant 2 : i32
        %dma_start3A_420 = arith.constant 2 : i32
        %dma_start3A_421 = arith.constant 0 : i32
        %dma_start3A_422 = arith.constant 0 : i32
        %dma_start3A_423 = tpu.memref_slice %arg9[%dma_start3A_420, %dma_start3A_421, %dma_start3A_422] : memref<4x80x128xf32, #tpu.memory_space<vmem>> -> memref<1x80x128xf32, #tpu.memory_space<vmem>>
        %dma_start3A_424 = tpu.memref_squeeze %dma_start3A_423 : memref<1x80x128xf32, #tpu.memory_space<vmem>> -> memref<80x128xf32, #tpu.memory_space<vmem>>
        %dma_start3A_425 = arith.constant 0 : i32
        %dma_start3A_426 = tpu.memref_slice %arg7[%dma_start3A_419, %dma_start3A_425] : memref<4x80xi32, #tpu.memory_space<vmem>> -> memref<1x80xi32, #tpu.memory_space<vmem>>
        %dma_start3A_427 = tpu.memref_squeeze %dma_start3A_426 : memref<1x80xi32, #tpu.memory_space<vmem>> -> memref<80xi32, #tpu.memory_space<vmem>>
        %dma_start3A_428 = arith.constant 0 : i32
        %dma_start3A_429 = arith.constant 0 : i32
        %dma_start3A_430 = tpu.memref_slice %arg4[%dma_start3A_428, %dma_start3A_429] : memref<10240x128xf32, #tpu.memory_space<hbm>> -> memref<10240x128xf32, #tpu.memory_space<hbm>>
        tpu.enqueue_indirect_dma source(%dma_start3A_430 : memref<10240x128xf32, #tpu.memory_space<hbm>>) target(%dma_start3A_424 : memref<80x128xf32, #tpu.memory_space<vmem>>) offsets(%dma_start3A_427 : memref<80xi32, #tpu.memory_space<vmem>>) semaphore(%arg13 : memref<!tpu.dma_semaphore, #tpu.memory_space<semaphore_mem>>)
      } else {
      }
      %dma_wait3A_197 = arith.constant 0 : i32
      %dma_wait3A_198 = arith.constant 0 : i32
      %dma_wait3A_199 = arith.constant 0 : i32
      %dma_wait3A_200 = arith.constant 0 : i32
      %dma_wait3A_201 = tpu.memref_slice %arg9[%dma_wait3A_198, %dma_wait3A_199, %dma_wait3A_200] : memref<4x80x128xf32, #tpu.memory_space<vmem>> -> memref<1x80x128xf32, #tpu.memory_space<vmem>>
      %dma_wait3A_202 = tpu.memref_squeeze %dma_wait3A_201 : memref<1x80x128xf32, #tpu.memory_space<vmem>> -> memref<80x128xf32, #tpu.memory_space<vmem>>
      %dma_wait3A_203 = arith.constant 0 : i32
      %dma_wait3A_204 = tpu.memref_slice %arg7[%dma_wait3A_197, %dma_wait3A_203] : memref<4x80xi32, #tpu.memory_space<vmem>> -> memref<1x80xi32, #tpu.memory_space<vmem>>
      %dma_wait3A_205 = tpu.memref_squeeze %dma_wait3A_204 : memref<1x80xi32, #tpu.memory_space<vmem>> -> memref<80xi32, #tpu.memory_space<vmem>>
      %dma_wait3A_206 = arith.constant 0 : i32
      %dma_wait3A_207 = arith.constant 0 : i32
      %dma_wait3A_208 = tpu.memref_slice %arg4[%dma_wait3A_206, %dma_wait3A_207] : memref<10240x128xf32, #tpu.memory_space<hbm>> -> memref<10240x128xf32, #tpu.memory_space<hbm>>
      tpu.wait_indirect_dma semaphore(%arg11 : memref<!tpu.dma_semaphore, #tpu.memory_space<semaphore_mem>>) src(%dma_wait3A_208 : memref<10240x128xf32, #tpu.memory_space<hbm>>) dst(%dma_wait3A_202 : memref<80x128xf32, #tpu.memory_space<vmem>>)
      %dma_wait3A_209 = arith.constant 0 : i32
      %dma_wait3A_210 = arith.constant 0 : i32
      %dma_wait3A_211 = tpu.memref_slice %arg8[%dma_wait3A_209, %dma_wait3A_210] : memref<4x80xi32, #tpu.memory_space<vmem>> -> memref<1x80xi32, #tpu.memory_space<vmem>>
      %dma_wait3A_212 = tpu.memref_squeeze %dma_wait3A_211 : memref<1x80xi32, #tpu.memory_space<vmem>> -> memref<80xi32, #tpu.memory_space<vmem>>
      %dma_wait3A_213 = tpu.memref_slice %arg3[%multiple_of3A_5] : memref<327680xi32, #tpu.memory_space<hbm>> -> memref<80xi32, #tpu.memory_space<hbm>>
      %dma_wait3A_214 = arith.constant 0 : i32
      %dma_wait3A_215 = tpu.memref_slice %arg8[%dma_wait3A_209, %dma_wait3A_214] : memref<4x80xi32, #tpu.memory_space<vmem>> -> memref<1x80xi32, #tpu.memory_space<vmem>>
      %dma_wait3A_216 = tpu.memref_squeeze %dma_wait3A_215 : memref<1x80xi32, #tpu.memory_space<vmem>> -> memref<80xi32, #tpu.memory_space<vmem>>
      %dma_wait3A_217 = tpu.memref_slice %arg3[%multiple_of3A_5] : memref<327680xi32, #tpu.memory_space<hbm>> -> memref<80xi32, #tpu.memory_space<hbm>>
      tpu.wait_dma2 semaphore(%arg19 : memref<!tpu.dma_semaphore, #tpu.memory_space<semaphore_mem>>) src(%dma_wait3A_217 : memref<80xi32, #tpu.memory_space<hbm>>) dst(%dma_wait3A_216 : memref<80xi32, #tpu.memory_space<vmem>>)
      %dma_start3A_218 = arith.constant 0 : i32
      %dma_start3A_219 = arith.constant 0 : i32
      %dma_start3A_220 = arith.constant 0 : i32
      %dma_start3A_221 = arith.constant 0 : i32
      %dma_start3A_222 = tpu.memref_slice %arg9[%dma_start3A_218, %dma_start3A_220, %dma_start3A_221] : memref<4x80x128xf32, #tpu.memory_space<vmem>> -> memref<1x80x128xf32, #tpu.memory_space<vmem>>
      %dma_start3A_223 = tpu.memref_squeeze %dma_start3A_222 : memref<1x80x128xf32, #tpu.memory_space<vmem>> -> memref<80x128xf32, #tpu.memory_space<vmem>>
      %dma_start3A_224 = arith.constant 0 : i32
      %dma_start3A_225 = tpu.memref_slice %arg8[%dma_start3A_219, %dma_start3A_224] : memref<4x80xi32, #tpu.memory_space<vmem>> -> memref<1x80xi32, #tpu.memory_space<vmem>>
      %dma_start3A_226 = tpu.memref_squeeze %dma_start3A_225 : memref<1x80xi32, #tpu.memory_space<vmem>> -> memref<80xi32, #tpu.memory_space<vmem>>
      %dma_start3A_227 = arith.constant 0 : i32
      %dma_start3A_228 = arith.constant 0 : i32
      %dma_start3A_229 = tpu.memref_slice %arg10[%dma_start3A_227, %dma_start3A_228] : memref<10240x128xf32, #tpu.memory_space<vmem_shared>> -> memref<10240x128xf32, #tpu.memory_space<vmem_shared>>
      tpu.enqueue_indirect_dma source(%dma_start3A_223 : memref<80x128xf32, #tpu.memory_space<vmem>>) target(%dma_start3A_229 : memref<10240x128xf32, #tpu.memory_space<vmem_shared>>) offsets(%dma_start3A_226 : memref<80xi32, #tpu.memory_space<vmem>>) semaphore(%arg23 : memref<!tpu.dma_semaphore, #tpu.memory_space<semaphore_mem>>) {add = true}
      %mul3A_230 = arith.constant 4 : i32
      %mul3A_231 = arith.muli %scan3A_172, %mul3A_230 : i32
      %add3A_232 = arith.constant 1 : i32
      %add3A_233 = arith.addi %mul3A_231, %add3A_232 : i32
      %add3A_234 = arith.constant 2 : i32
      %add3A_235 = arith.addi %add3A_233, %add3A_234 : i32
      %le3A_236 = arith.constant 127 : i32
      %le3A_237 = arith.cmpi sle, %add3A_235, %le3A_236 : i32
      %convert_element_type3A_238 = arith.extui %le3A_237 : i1 to i32
      %cond3A_239 = arith.constant 0 : i32
      %cond3A_240 = arith.cmpi ne, %convert_element_type3A_238, %cond3A_239 : i32
      scf.if %cond3A_240 {
        %sub3A = arith.constant 2 : i32
        %sub3A_410 = arith.subi %add3A_233, %sub3A : i32
        %ge3A = arith.constant 0 : i32
        %ge3A_411 = arith.cmpi sge, %sub3A_410, %ge3A : i32
        %convert_element_type3A_412 = arith.extui %ge3A_411 : i1 to i32
        %cond3A_413 = arith.constant 0 : i32
        %cond3A_414 = arith.cmpi ne, %convert_element_type3A_412, %cond3A_413 : i32
        scf.if %cond3A_414 {
          %dma_wait3A_430 = arith.constant 3 : i32
          %dma_wait3A_431 = arith.constant 0 : i32
          %dma_wait3A_432 = arith.constant 0 : i32
          %dma_wait3A_433 = arith.constant 0 : i32
          %dma_wait3A_434 = tpu.memref_slice %arg9[%dma_wait3A_430, %dma_wait3A_432, %dma_wait3A_433] : memref<4x80x128xf32, #tpu.memory_space<vmem>> -> memref<1x80x128xf32, #tpu.memory_space<vmem>>
          %dma_wait3A_435 = tpu.memref_squeeze %dma_wait3A_434 : memref<1x80x128xf32, #tpu.memory_space<vmem>> -> memref<80x128xf32, #tpu.memory_space<vmem>>
          %dma_wait3A_436 = arith.constant 0 : i32
          %dma_wait3A_437 = tpu.memref_slice %arg8[%dma_wait3A_431, %dma_wait3A_436] : memref<4x80xi32, #tpu.memory_space<vmem>> -> memref<1x80xi32, #tpu.memory_space<vmem>>
          %dma_wait3A_438 = tpu.memref_squeeze %dma_wait3A_437 : memref<1x80xi32, #tpu.memory_space<vmem>> -> memref<80xi32, #tpu.memory_space<vmem>>
          %dma_wait3A_439 = arith.constant 0 : i32
          %dma_wait3A_440 = arith.constant 0 : i32
          %dma_wait3A_441 = tpu.memref_slice %arg10[%dma_wait3A_439, %dma_wait3A_440] : memref<10240x128xf32, #tpu.memory_space<vmem_shared>> -> memref<10240x128xf32, #tpu.memory_space<vmem_shared>>
          tpu.wait_indirect_dma semaphore(%arg26 : memref<!tpu.dma_semaphore, #tpu.memory_space<semaphore_mem>>) src(%dma_wait3A_435 : memref<80x128xf32, #tpu.memory_space<vmem>>) dst(%dma_wait3A_441 : memref<10240x128xf32, #tpu.memory_space<vmem_shared>>)
        } else {
        }
        %add3A_415 = arith.constant 2 : i32
        %add3A_416 = arith.addi %add3A_233, %add3A_415 : i32
        %mul3A_417 = arith.constant 80 : i32
        %mul3A_418 = arith.muli %add3A_416, %mul3A_417 : i32
        %add3A_419 = arith.addi %multiple_of3A_5, %mul3A_418 : i32
        %multiple_of3A_420 = tpu.assume_multiple %add3A_419, 80 : i32
        %dma_start3A_421 = arith.constant 3 : i32
        %dma_start3A_422 = arith.constant 0 : i32
        %dma_start3A_423 = tpu.memref_slice %arg8[%dma_start3A_421, %dma_start3A_422] : memref<4x80xi32, #tpu.memory_space<vmem>> -> memref<1x80xi32, #tpu.memory_space<vmem>>
        %dma_start3A_424 = tpu.memref_squeeze %dma_start3A_423 : memref<1x80xi32, #tpu.memory_space<vmem>> -> memref<80xi32, #tpu.memory_space<vmem>>
        %dma_start3A_425 = tpu.memref_slice %arg3[%multiple_of3A_420] : memref<327680xi32, #tpu.memory_space<hbm>> -> memref<80xi32, #tpu.memory_space<hbm>>
        %dma_start3A_426 = arith.constant 0 : i32
        %dma_start3A_427 = tpu.memref_slice %arg8[%dma_start3A_421, %dma_start3A_426] : memref<4x80xi32, #tpu.memory_space<vmem>> -> memref<1x80xi32, #tpu.memory_space<vmem>>
        %dma_start3A_428 = tpu.memref_squeeze %dma_start3A_427 : memref<1x80xi32, #tpu.memory_space<vmem>> -> memref<80xi32, #tpu.memory_space<vmem>>
        %dma_start3A_429 = tpu.memref_slice %arg3[%multiple_of3A_420] : memref<327680xi32, #tpu.memory_space<hbm>> -> memref<80xi32, #tpu.memory_space<hbm>>
        tpu.enqueue_dma source(%dma_start3A_429 : memref<80xi32, #tpu.memory_space<hbm>>) target(%dma_start3A_428 : memref<80xi32, #tpu.memory_space<vmem>>) target_semaphore(%arg22 : memref<!tpu.dma_semaphore, #tpu.memory_space<semaphore_mem>>)
      } else {
      }
      %add3A_241 = arith.constant 2 : i32
      %add3A_242 = arith.addi %add3A_233, %add3A_241 : i32
      %add3A_243 = arith.constant 1 : i32
      %add3A_244 = arith.addi %add3A_242, %add3A_243 : i32
      %le3A_245 = arith.constant 127 : i32
      %le3A_246 = arith.cmpi sle, %add3A_244, %le3A_245 : i32
      %convert_element_type3A_247 = arith.extui %le3A_246 : i1 to i32
      %cond3A_248 = arith.constant 0 : i32
      %cond3A_249 = arith.cmpi ne, %convert_element_type3A_247, %cond3A_248 : i32
      scf.if %cond3A_249 {
        %add3A_410 = arith.constant 2 : i32
        %add3A_411 = arith.addi %add3A_233, %add3A_410 : i32
        %add3A_412 = arith.constant 1 : i32
        %add3A_413 = arith.addi %add3A_411, %add3A_412 : i32
        %mul3A_414 = arith.constant 80 : i32
        %mul3A_415 = arith.muli %add3A_413, %mul3A_414 : i32
        %add3A_416 = arith.addi %multiple_of3A_5, %mul3A_415 : i32
        %multiple_of3A_417 = tpu.assume_multiple %add3A_416, 80 : i32
        %dma_start3A_418 = arith.constant 0 : i32
        %dma_start3A_419 = arith.constant 0 : i32
        %dma_start3A_420 = tpu.memref_slice %arg7[%dma_start3A_418, %dma_start3A_419] : memref<4x80xi32, #tpu.memory_space<vmem>> -> memref<1x80xi32, #tpu.memory_space<vmem>>
        %dma_start3A_421 = tpu.memref_squeeze %dma_start3A_420 : memref<1x80xi32, #tpu.memory_space<vmem>> -> memref<80xi32, #tpu.memory_space<vmem>>
        %dma_start3A_422 = tpu.memref_slice %arg2[%multiple_of3A_417] : memref<327680xi32, #tpu.memory_space<hbm>> -> memref<80xi32, #tpu.memory_space<hbm>>
        %dma_start3A_423 = arith.constant 0 : i32
        %dma_start3A_424 = tpu.memref_slice %arg7[%dma_start3A_418, %dma_start3A_423] : memref<4x80xi32, #tpu.memory_space<vmem>> -> memref<1x80xi32, #tpu.memory_space<vmem>>
        %dma_start3A_425 = tpu.memref_squeeze %dma_start3A_424 : memref<1x80xi32, #tpu.memory_space<vmem>> -> memref<80xi32, #tpu.memory_space<vmem>>
        %dma_start3A_426 = tpu.memref_slice %arg2[%multiple_of3A_417] : memref<327680xi32, #tpu.memory_space<hbm>> -> memref<80xi32, #tpu.memory_space<hbm>>
        tpu.enqueue_dma source(%dma_start3A_426 : memref<80xi32, #tpu.memory_space<hbm>>) target(%dma_start3A_425 : memref<80xi32, #tpu.memory_space<vmem>>) target_semaphore(%arg15 : memref<!tpu.dma_semaphore, #tpu.memory_space<semaphore_mem>>)
      } else {
      }
      %add3A_250 = arith.constant 2 : i32
      %add3A_251 = arith.addi %add3A_233, %add3A_250 : i32
      %le3A_252 = arith.constant 127 : i32
      %le3A_253 = arith.cmpi sle, %add3A_251, %le3A_252 : i32
      %convert_element_type3A_254 = arith.extui %le3A_253 : i1 to i32
      %cond3A_255 = arith.constant 0 : i32
      %cond3A_256 = arith.cmpi ne, %convert_element_type3A_254, %cond3A_255 : i32
      scf.if %cond3A_256 {
        %dma_wait3A_410 = arith.constant 3 : i32
        %dma_wait3A_411 = arith.constant 0 : i32
        %dma_wait3A_412 = tpu.memref_slice %arg7[%dma_wait3A_410, %dma_wait3A_411] : memref<4x80xi32, #tpu.memory_space<vmem>> -> memref<1x80xi32, #tpu.memory_space<vmem>>
        %dma_wait3A_413 = tpu.memref_squeeze %dma_wait3A_412 : memref<1x80xi32, #tpu.memory_space<vmem>> -> memref<80xi32, #tpu.memory_space<vmem>>
        %dma_wait3A_414 = tpu.memref_slice %arg2[%multiple_of3A_5] : memref<327680xi32, #tpu.memory_space<hbm>> -> memref<80xi32, #tpu.memory_space<hbm>>
        %dma_wait3A_415 = arith.constant 0 : i32
        %dma_wait3A_416 = tpu.memref_slice %arg7[%dma_wait3A_410, %dma_wait3A_415] : memref<4x80xi32, #tpu.memory_space<vmem>> -> memref<1x80xi32, #tpu.memory_space<vmem>>
        %dma_wait3A_417 = tpu.memref_squeeze %dma_wait3A_416 : memref<1x80xi32, #tpu.memory_space<vmem>> -> memref<80xi32, #tpu.memory_space<vmem>>
        %dma_wait3A_418 = tpu.memref_slice %arg2[%multiple_of3A_5] : memref<327680xi32, #tpu.memory_space<hbm>> -> memref<80xi32, #tpu.memory_space<hbm>>
        tpu.wait_dma2 semaphore(%arg18 : memref<!tpu.dma_semaphore, #tpu.memory_space<semaphore_mem>>) src(%dma_wait3A_418 : memref<80xi32, #tpu.memory_space<hbm>>) dst(%dma_wait3A_417 : memref<80xi32, #tpu.memory_space<vmem>>)
        %dma_start3A_419 = arith.constant 3 : i32
        %dma_start3A_420 = arith.constant 3 : i32
        %dma_start3A_421 = arith.constant 0 : i32
        %dma_start3A_422 = arith.constant 0 : i32
        %dma_start3A_423 = tpu.memref_slice %arg9[%dma_start3A_420, %dma_start3A_421, %dma_start3A_422] : memref<4x80x128xf32, #tpu.memory_space<vmem>> -> memref<1x80x128xf32, #tpu.memory_space<vmem>>
        %dma_start3A_424 = tpu.memref_squeeze %dma_start3A_423 : memref<1x80x128xf32, #tpu.memory_space<vmem>> -> memref<80x128xf32, #tpu.memory_space<vmem>>
        %dma_start3A_425 = arith.constant 0 : i32
        %dma_start3A_426 = tpu.memref_slice %arg7[%dma_start3A_419, %dma_start3A_425] : memref<4x80xi32, #tpu.memory_space<vmem>> -> memref<1x80xi32, #tpu.memory_space<vmem>>
        %dma_start3A_427 = tpu.memref_squeeze %dma_start3A_426 : memref<1x80xi32, #tpu.memory_space<vmem>> -> memref<80xi32, #tpu.memory_space<vmem>>
        %dma_start3A_428 = arith.constant 0 : i32
        %dma_start3A_429 = arith.constant 0 : i32
        %dma_start3A_430 = tpu.memref_slice %arg4[%dma_start3A_428, %dma_start3A_429] : memref<10240x128xf32, #tpu.memory_space<hbm>> -> memref<10240x128xf32, #tpu.memory_space<hbm>>
        tpu.enqueue_indirect_dma source(%dma_start3A_430 : memref<10240x128xf32, #tpu.memory_space<hbm>>) target(%dma_start3A_424 : memref<80x128xf32, #tpu.memory_space<vmem>>) offsets(%dma_start3A_427 : memref<80xi32, #tpu.memory_space<vmem>>) semaphore(%arg14 : memref<!tpu.dma_semaphore, #tpu.memory_space<semaphore_mem>>)
      } else {
      }
      %dma_wait3A_257 = arith.constant 0 : i32
      %dma_wait3A_258 = arith.constant 1 : i32
      %dma_wait3A_259 = arith.constant 0 : i32
      %dma_wait3A_260 = arith.constant 0 : i32
      %dma_wait3A_261 = tpu.memref_slice %arg9[%dma_wait3A_258, %dma_wait3A_259, %dma_wait3A_260] : memref<4x80x128xf32, #tpu.memory_space<vmem>> -> memref<1x80x128xf32, #tpu.memory_space<vmem>>
      %dma_wait3A_262 = tpu.memref_squeeze %dma_wait3A_261 : memref<1x80x128xf32, #tpu.memory_space<vmem>> -> memref<80x128xf32, #tpu.memory_space<vmem>>
      %dma_wait3A_263 = arith.constant 0 : i32
      %dma_wait3A_264 = tpu.memref_slice %arg7[%dma_wait3A_257, %dma_wait3A_263] : memref<4x80xi32, #tpu.memory_space<vmem>> -> memref<1x80xi32, #tpu.memory_space<vmem>>
      %dma_wait3A_265 = tpu.memref_squeeze %dma_wait3A_264 : memref<1x80xi32, #tpu.memory_space<vmem>> -> memref<80xi32, #tpu.memory_space<vmem>>
      %dma_wait3A_266 = arith.constant 0 : i32
      %dma_wait3A_267 = arith.constant 0 : i32
      %dma_wait3A_268 = tpu.memref_slice %arg4[%dma_wait3A_266, %dma_wait3A_267] : memref<10240x128xf32, #tpu.memory_space<hbm>> -> memref<10240x128xf32, #tpu.memory_space<hbm>>
      tpu.wait_indirect_dma semaphore(%arg12 : memref<!tpu.dma_semaphore, #tpu.memory_space<semaphore_mem>>) src(%dma_wait3A_268 : memref<10240x128xf32, #tpu.memory_space<hbm>>) dst(%dma_wait3A_262 : memref<80x128xf32, #tpu.memory_space<vmem>>)
      %dma_wait3A_269 = arith.constant 1 : i32
      %dma_wait3A_270 = arith.constant 0 : i32
      %dma_wait3A_271 = tpu.memref_slice %arg8[%dma_wait3A_269, %dma_wait3A_270] : memref<4x80xi32, #tpu.memory_space<vmem>> -> memref<1x80xi32, #tpu.memory_space<vmem>>
      %dma_wait3A_272 = tpu.memref_squeeze %dma_wait3A_271 : memref<1x80xi32, #tpu.memory_space<vmem>> -> memref<80xi32, #tpu.memory_space<vmem>>
      %dma_wait3A_273 = tpu.memref_slice %arg3[%multiple_of3A_5] : memref<327680xi32, #tpu.memory_space<hbm>> -> memref<80xi32, #tpu.memory_space<hbm>>
      %dma_wait3A_274 = arith.constant 0 : i32
      %dma_wait3A_275 = tpu.memref_slice %arg8[%dma_wait3A_269, %dma_wait3A_274] : memref<4x80xi32, #tpu.memory_space<vmem>> -> memref<1x80xi32, #tpu.memory_space<vmem>>
      %dma_wait3A_276 = tpu.memref_squeeze %dma_wait3A_275 : memref<1x80xi32, #tpu.memory_space<vmem>> -> memref<80xi32, #tpu.memory_space<vmem>>
      %dma_wait3A_277 = tpu.memref_slice %arg3[%multiple_of3A_5] : memref<327680xi32, #tpu.memory_space<hbm>> -> memref<80xi32, #tpu.memory_space<hbm>>
      tpu.wait_dma2 semaphore(%arg20 : memref<!tpu.dma_semaphore, #tpu.memory_space<semaphore_mem>>) src(%dma_wait3A_277 : memref<80xi32, #tpu.memory_space<hbm>>) dst(%dma_wait3A_276 : memref<80xi32, #tpu.memory_space<vmem>>)
      %dma_start3A_278 = arith.constant 1 : i32
      %dma_start3A_279 = arith.constant 1 : i32
      %dma_start3A_280 = arith.constant 0 : i32
      %dma_start3A_281 = arith.constant 0 : i32
      %dma_start3A_282 = tpu.memref_slice %arg9[%dma_start3A_278, %dma_start3A_280, %dma_start3A_281] : memref<4x80x128xf32, #tpu.memory_space<vmem>> -> memref<1x80x128xf32, #tpu.memory_space<vmem>>
      %dma_start3A_283 = tpu.memref_squeeze %dma_start3A_282 : memref<1x80x128xf32, #tpu.memory_space<vmem>> -> memref<80x128xf32, #tpu.memory_space<vmem>>
      %dma_start3A_284 = arith.constant 0 : i32
      %dma_start3A_285 = tpu.memref_slice %arg8[%dma_start3A_279, %dma_start3A_284] : memref<4x80xi32, #tpu.memory_space<vmem>> -> memref<1x80xi32, #tpu.memory_space<vmem>>
      %dma_start3A_286 = tpu.memref_squeeze %dma_start3A_285 : memref<1x80xi32, #tpu.memory_space<vmem>> -> memref<80xi32, #tpu.memory_space<vmem>>
      %dma_start3A_287 = arith.constant 0 : i32
      %dma_start3A_288 = arith.constant 0 : i32
      %dma_start3A_289 = tpu.memref_slice %arg10[%dma_start3A_287, %dma_start3A_288] : memref<10240x128xf32, #tpu.memory_space<vmem_shared>> -> memref<10240x128xf32, #tpu.memory_space<vmem_shared>>
      tpu.enqueue_indirect_dma source(%dma_start3A_283 : memref<80x128xf32, #tpu.memory_space<vmem>>) target(%dma_start3A_289 : memref<10240x128xf32, #tpu.memory_space<vmem_shared>>) offsets(%dma_start3A_286 : memref<80xi32, #tpu.memory_space<vmem>>) semaphore(%arg24 : memref<!tpu.dma_semaphore, #tpu.memory_space<semaphore_mem>>) {add = true}
      %mul3A_290 = arith.constant 4 : i32
      %mul3A_291 = arith.muli %scan3A_172, %mul3A_290 : i32
      %add3A_292 = arith.constant 2 : i32
      %add3A_293 = arith.addi %mul3A_291, %add3A_292 : i32
      %add3A_294 = arith.constant 2 : i32
      %add3A_295 = arith.addi %add3A_293, %add3A_294 : i32
      %le3A_296 = arith.constant 127 : i32
      %le3A_297 = arith.cmpi sle, %add3A_295, %le3A_296 : i32
      %convert_element_type3A_298 = arith.extui %le3A_297 : i1 to i32
      %cond3A_299 = arith.constant 0 : i32
      %cond3A_300 = arith.cmpi ne, %convert_element_type3A_298, %cond3A_299 : i32
      scf.if %cond3A_300 {
        %sub3A = arith.constant 2 : i32
        %sub3A_410 = arith.subi %add3A_293, %sub3A : i32
        %ge3A = arith.constant 0 : i32
        %ge3A_411 = arith.cmpi sge, %sub3A_410, %ge3A : i32
        %convert_element_type3A_412 = arith.extui %ge3A_411 : i1 to i32
        %cond3A_413 = arith.constant 0 : i32
        %cond3A_414 = arith.cmpi ne, %convert_element_type3A_412, %cond3A_413 : i32
        scf.if %cond3A_414 {
          %dma_wait3A_430 = arith.constant 0 : i32
          %dma_wait3A_431 = arith.constant 0 : i32
          %dma_wait3A_432 = arith.constant 0 : i32
          %dma_wait3A_433 = arith.constant 0 : i32
          %dma_wait3A_434 = tpu.memref_slice %arg9[%dma_wait3A_430, %dma_wait3A_432, %dma_wait3A_433] : memref<4x80x128xf32, #tpu.memory_space<vmem>> -> memref<1x80x128xf32, #tpu.memory_space<vmem>>
          %dma_wait3A_435 = tpu.memref_squeeze %dma_wait3A_434 : memref<1x80x128xf32, #tpu.memory_space<vmem>> -> memref<80x128xf32, #tpu.memory_space<vmem>>
          %dma_wait3A_436 = arith.constant 0 : i32
          %dma_wait3A_437 = tpu.memref_slice %arg8[%dma_wait3A_431, %dma_wait3A_436] : memref<4x80xi32, #tpu.memory_space<vmem>> -> memref<1x80xi32, #tpu.memory_space<vmem>>
          %dma_wait3A_438 = tpu.memref_squeeze %dma_wait3A_437 : memref<1x80xi32, #tpu.memory_space<vmem>> -> memref<80xi32, #tpu.memory_space<vmem>>
          %dma_wait3A_439 = arith.constant 0 : i32
          %dma_wait3A_440 = arith.constant 0 : i32
          %dma_wait3A_441 = tpu.memref_slice %arg10[%dma_wait3A_439, %dma_wait3A_440] : memref<10240x128xf32, #tpu.memory_space<vmem_shared>> -> memref<10240x128xf32, #tpu.memory_space<vmem_shared>>
          tpu.wait_indirect_dma semaphore(%arg23 : memref<!tpu.dma_semaphore, #tpu.memory_space<semaphore_mem>>) src(%dma_wait3A_435 : memref<80x128xf32, #tpu.memory_space<vmem>>) dst(%dma_wait3A_441 : memref<10240x128xf32, #tpu.memory_space<vmem_shared>>)
        } else {
        }
        %add3A_415 = arith.constant 2 : i32
        %add3A_416 = arith.addi %add3A_293, %add3A_415 : i32
        %mul3A_417 = arith.constant 80 : i32
        %mul3A_418 = arith.muli %add3A_416, %mul3A_417 : i32
        %add3A_419 = arith.addi %multiple_of3A_5, %mul3A_418 : i32
        %multiple_of3A_420 = tpu.assume_multiple %add3A_419, 80 : i32
        %dma_start3A_421 = arith.constant 0 : i32
        %dma_start3A_422 = arith.constant 0 : i32
        %dma_start3A_423 = tpu.memref_slice %arg8[%dma_start3A_421, %dma_start3A_422] : memref<4x80xi32, #tpu.memory_space<vmem>> -> memref<1x80xi32, #tpu.memory_space<vmem>>
        %dma_start3A_424 = tpu.memref_squeeze %dma_start3A_423 : memref<1x80xi32, #tpu.memory_space<vmem>> -> memref<80xi32, #tpu.memory_space<vmem>>
        %dma_start3A_425 = tpu.memref_slice %arg3[%multiple_of3A_420] : memref<327680xi32, #tpu.memory_space<hbm>> -> memref<80xi32, #tpu.memory_space<hbm>>
        %dma_start3A_426 = arith.constant 0 : i32
        %dma_start3A_427 = tpu.memref_slice %arg8[%dma_start3A_421, %dma_start3A_426] : memref<4x80xi32, #tpu.memory_space<vmem>> -> memref<1x80xi32, #tpu.memory_space<vmem>>
        %dma_start3A_428 = tpu.memref_squeeze %dma_start3A_427 : memref<1x80xi32, #tpu.memory_space<vmem>> -> memref<80xi32, #tpu.memory_space<vmem>>
        %dma_start3A_429 = tpu.memref_slice %arg3[%multiple_of3A_420] : memref<327680xi32, #tpu.memory_space<hbm>> -> memref<80xi32, #tpu.memory_space<hbm>>
        tpu.enqueue_dma source(%dma_start3A_429 : memref<80xi32, #tpu.memory_space<hbm>>) target(%dma_start3A_428 : memref<80xi32, #tpu.memory_space<vmem>>) target_semaphore(%arg19 : memref<!tpu.dma_semaphore, #tpu.memory_space<semaphore_mem>>)
      } else {
      }
      %add3A_301 = arith.constant 2 : i32
      %add3A_302 = arith.addi %add3A_293, %add3A_301 : i32
      %add3A_303 = arith.constant 1 : i32
      %add3A_304 = arith.addi %add3A_302, %add3A_303 : i32
      %le3A_305 = arith.constant 127 : i32
      %le3A_306 = arith.cmpi sle, %add3A_304, %le3A_305 : i32
      %convert_element_type3A_307 = arith.extui %le3A_306 : i1 to i32
      %cond3A_308 = arith.constant 0 : i32
      %cond3A_309 = arith.cmpi ne, %convert_element_type3A_307, %cond3A_308 : i32
      scf.if %cond3A_309 {
        %add3A_410 = arith.constant 2 : i32
        %add3A_411 = arith.addi %add3A_293, %add3A_410 : i32
        %add3A_412 = arith.constant 1 : i32
        %add3A_413 = arith.addi %add3A_411, %add3A_412 : i32
        %mul3A_414 = arith.constant 80 : i32
        %mul3A_415 = arith.muli %add3A_413, %mul3A_414 : i32
        %add3A_416 = arith.addi %multiple_of3A_5, %mul3A_415 : i32
        %multiple_of3A_417 = tpu.assume_multiple %add3A_416, 80 : i32
        %dma_start3A_418 = arith.constant 1 : i32
        %dma_start3A_419 = arith.constant 0 : i32
        %dma_start3A_420 = tpu.memref_slice %arg7[%dma_start3A_418, %dma_start3A_419] : memref<4x80xi32, #tpu.memory_space<vmem>> -> memref<1x80xi32, #tpu.memory_space<vmem>>
        %dma_start3A_421 = tpu.memref_squeeze %dma_start3A_420 : memref<1x80xi32, #tpu.memory_space<vmem>> -> memref<80xi32, #tpu.memory_space<vmem>>
        %dma_start3A_422 = tpu.memref_slice %arg2[%multiple_of3A_417] : memref<327680xi32, #tpu.memory_space<hbm>> -> memref<80xi32, #tpu.memory_space<hbm>>
        %dma_start3A_423 = arith.constant 0 : i32
        %dma_start3A_424 = tpu.memref_slice %arg7[%dma_start3A_418, %dma_start3A_423] : memref<4x80xi32, #tpu.memory_space<vmem>> -> memref<1x80xi32, #tpu.memory_space<vmem>>
        %dma_start3A_425 = tpu.memref_squeeze %dma_start3A_424 : memref<1x80xi32, #tpu.memory_space<vmem>> -> memref<80xi32, #tpu.memory_space<vmem>>
        %dma_start3A_426 = tpu.memref_slice %arg2[%multiple_of3A_417] : memref<327680xi32, #tpu.memory_space<hbm>> -> memref<80xi32, #tpu.memory_space<hbm>>
        tpu.enqueue_dma source(%dma_start3A_426 : memref<80xi32, #tpu.memory_space<hbm>>) target(%dma_start3A_425 : memref<80xi32, #tpu.memory_space<vmem>>) target_semaphore(%arg16 : memref<!tpu.dma_semaphore, #tpu.memory_space<semaphore_mem>>)
      } else {
      }
      %add3A_310 = arith.constant 2 : i32
      %add3A_311 = arith.addi %add3A_293, %add3A_310 : i32
      %le3A_312 = arith.constant 127 : i32
      %le3A_313 = arith.cmpi sle, %add3A_311, %le3A_312 : i32
      %convert_element_type3A_314 = arith.extui %le3A_313 : i1 to i32
      %cond3A_315 = arith.constant 0 : i32
      %cond3A_316 = arith.cmpi ne, %convert_element_type3A_314, %cond3A_315 : i32
      scf.if %cond3A_316 {
        %dma_wait3A_410 = arith.constant 0 : i32
        %dma_wait3A_411 = arith.constant 0 : i32
        %dma_wait3A_412 = tpu.memref_slice %arg7[%dma_wait3A_410, %dma_wait3A_411] : memref<4x80xi32, #tpu.memory_space<vmem>> -> memref<1x80xi32, #tpu.memory_space<vmem>>
        %dma_wait3A_413 = tpu.memref_squeeze %dma_wait3A_412 : memref<1x80xi32, #tpu.memory_space<vmem>> -> memref<80xi32, #tpu.memory_space<vmem>>
        %dma_wait3A_414 = tpu.memref_slice %arg2[%multiple_of3A_5] : memref<327680xi32, #tpu.memory_space<hbm>> -> memref<80xi32, #tpu.memory_space<hbm>>
        %dma_wait3A_415 = arith.constant 0 : i32
        %dma_wait3A_416 = tpu.memref_slice %arg7[%dma_wait3A_410, %dma_wait3A_415] : memref<4x80xi32, #tpu.memory_space<vmem>> -> memref<1x80xi32, #tpu.memory_space<vmem>>
        %dma_wait3A_417 = tpu.memref_squeeze %dma_wait3A_416 : memref<1x80xi32, #tpu.memory_space<vmem>> -> memref<80xi32, #tpu.memory_space<vmem>>
        %dma_wait3A_418 = tpu.memref_slice %arg2[%multiple_of3A_5] : memref<327680xi32, #tpu.memory_space<hbm>> -> memref<80xi32, #tpu.memory_space<hbm>>
        tpu.wait_dma2 semaphore(%arg15 : memref<!tpu.dma_semaphore, #tpu.memory_space<semaphore_mem>>) src(%dma_wait3A_418 : memref<80xi32, #tpu.memory_space<hbm>>) dst(%dma_wait3A_417 : memref<80xi32, #tpu.memory_space<vmem>>)
        %dma_start3A_419 = arith.constant 0 : i32
        %dma_start3A_420 = arith.constant 0 : i32
        %dma_start3A_421 = arith.constant 0 : i32
        %dma_start3A_422 = arith.constant 0 : i32
        %dma_start3A_423 = tpu.memref_slice %arg9[%dma_start3A_420, %dma_start3A_421, %dma_start3A_422] : memref<4x80x128xf32, #tpu.memory_space<vmem>> -> memref<1x80x128xf32, #tpu.memory_space<vmem>>
        %dma_start3A_424 = tpu.memref_squeeze %dma_start3A_423 : memref<1x80x128xf32, #tpu.memory_space<vmem>> -> memref<80x128xf32, #tpu.memory_space<vmem>>
        %dma_start3A_425 = arith.constant 0 : i32
        %dma_start3A_426 = tpu.memref_slice %arg7[%dma_start3A_419, %dma_start3A_425] : memref<4x80xi32, #tpu.memory_space<vmem>> -> memref<1x80xi32, #tpu.memory_space<vmem>>
        %dma_start3A_427 = tpu.memref_squeeze %dma_start3A_426 : memref<1x80xi32, #tpu.memory_space<vmem>> -> memref<80xi32, #tpu.memory_space<vmem>>
        %dma_start3A_428 = arith.constant 0 : i32
        %dma_start3A_429 = arith.constant 0 : i32
        %dma_start3A_430 = tpu.memref_slice %arg4[%dma_start3A_428, %dma_start3A_429] : memref<10240x128xf32, #tpu.memory_space<hbm>> -> memref<10240x128xf32, #tpu.memory_space<hbm>>
        tpu.enqueue_indirect_dma source(%dma_start3A_430 : memref<10240x128xf32, #tpu.memory_space<hbm>>) target(%dma_start3A_424 : memref<80x128xf32, #tpu.memory_space<vmem>>) offsets(%dma_start3A_427 : memref<80xi32, #tpu.memory_space<vmem>>) semaphore(%arg11 : memref<!tpu.dma_semaphore, #tpu.memory_space<semaphore_mem>>)
      } else {
      }
      %dma_wait3A_317 = arith.constant 0 : i32
      %dma_wait3A_318 = arith.constant 2 : i32
      %dma_wait3A_319 = arith.constant 0 : i32
      %dma_wait3A_320 = arith.constant 0 : i32
      %dma_wait3A_321 = tpu.memref_slice %arg9[%dma_wait3A_318, %dma_wait3A_319, %dma_wait3A_320] : memref<4x80x128xf32, #tpu.memory_space<vmem>> -> memref<1x80x128xf32, #tpu.memory_space<vmem>>
      %dma_wait3A_322 = tpu.memref_squeeze %dma_wait3A_321 : memref<1x80x128xf32, #tpu.memory_space<vmem>> -> memref<80x128xf32, #tpu.memory_space<vmem>>
      %dma_wait3A_323 = arith.constant 0 : i32
      %dma_wait3A_324 = tpu.memref_slice %arg7[%dma_wait3A_317, %dma_wait3A_323] : memref<4x80xi32, #tpu.memory_space<vmem>> -> memref<1x80xi32, #tpu.memory_space<vmem>>
      %dma_wait3A_325 = tpu.memref_squeeze %dma_wait3A_324 : memref<1x80xi32, #tpu.memory_space<vmem>> -> memref<80xi32, #tpu.memory_space<vmem>>
      %dma_wait3A_326 = arith.constant 0 : i32
      %dma_wait3A_327 = arith.constant 0 : i32
      %dma_wait3A_328 = tpu.memref_slice %arg4[%dma_wait3A_326, %dma_wait3A_327] : memref<10240x128xf32, #tpu.memory_space<hbm>> -> memref<10240x128xf32, #tpu.memory_space<hbm>>
      tpu.wait_indirect_dma semaphore(%arg13 : memref<!tpu.dma_semaphore, #tpu.memory_space<semaphore_mem>>) src(%dma_wait3A_328 : memref<10240x128xf32, #tpu.memory_space<hbm>>) dst(%dma_wait3A_322 : memref<80x128xf32, #tpu.memory_space<vmem>>)
      %dma_wait3A_329 = arith.constant 2 : i32
      %dma_wait3A_330 = arith.constant 0 : i32
      %dma_wait3A_331 = tpu.memref_slice %arg8[%dma_wait3A_329, %dma_wait3A_330] : memref<4x80xi32, #tpu.memory_space<vmem>> -> memref<1x80xi32, #tpu.memory_space<vmem>>
      %dma_wait3A_332 = tpu.memref_squeeze %dma_wait3A_331 : memref<1x80xi32, #tpu.memory_space<vmem>> -> memref<80xi32, #tpu.memory_space<vmem>>
      %dma_wait3A_333 = tpu.memref_slice %arg3[%multiple_of3A_5] : memref<327680xi32, #tpu.memory_space<hbm>> -> memref<80xi32, #tpu.memory_space<hbm>>
      %dma_wait3A_334 = arith.constant 0 : i32
      %dma_wait3A_335 = tpu.memref_slice %arg8[%dma_wait3A_329, %dma_wait3A_334] : memref<4x80xi32, #tpu.memory_space<vmem>> -> memref<1x80xi32, #tpu.memory_space<vmem>>
      %dma_wait3A_336 = tpu.memref_squeeze %dma_wait3A_335 : memref<1x80xi32, #tpu.memory_space<vmem>> -> memref<80xi32, #tpu.memory_space<vmem>>
      %dma_wait3A_337 = tpu.memref_slice %arg3[%multiple_of3A_5] : memref<327680xi32, #tpu.memory_space<hbm>> -> memref<80xi32, #tpu.memory_space<hbm>>
      tpu.wait_dma2 semaphore(%arg21 : memref<!tpu.dma_semaphore, #tpu.memory_space<semaphore_mem>>) src(%dma_wait3A_337 : memref<80xi32, #tpu.memory_space<hbm>>) dst(%dma_wait3A_336 : memref<80xi32, #tpu.memory_space<vmem>>)
      %dma_start3A_338 = arith.constant 2 : i32
      %dma_start3A_339 = arith.constant 2 : i32
      %dma_start3A_340 = arith.constant 0 : i32
      %dma_start3A_341 = arith.constant 0 : i32
      %dma_start3A_342 = tpu.memref_slice %arg9[%dma_start3A_338, %dma_start3A_340, %dma_start3A_341] : memref<4x80x128xf32, #tpu.memory_space<vmem>> -> memref<1x80x128xf32, #tpu.memory_space<vmem>>
      %dma_start3A_343 = tpu.memref_squeeze %dma_start3A_342 : memref<1x80x128xf32, #tpu.memory_space<vmem>> -> memref<80x128xf32, #tpu.memory_space<vmem>>
      %dma_start3A_344 = arith.constant 0 : i32
      %dma_start3A_345 = tpu.memref_slice %arg8[%dma_start3A_339, %dma_start3A_344] : memref<4x80xi32, #tpu.memory_space<vmem>> -> memref<1x80xi32, #tpu.memory_space<vmem>>
      %dma_start3A_346 = tpu.memref_squeeze %dma_start3A_345 : memref<1x80xi32, #tpu.memory_space<vmem>> -> memref<80xi32, #tpu.memory_space<vmem>>
      %dma_start3A_347 = arith.constant 0 : i32
      %dma_start3A_348 = arith.constant 0 : i32
      %dma_start3A_349 = tpu.memref_slice %arg10[%dma_start3A_347, %dma_start3A_348] : memref<10240x128xf32, #tpu.memory_space<vmem_shared>> -> memref<10240x128xf32, #tpu.memory_space<vmem_shared>>
      tpu.enqueue_indirect_dma source(%dma_start3A_343 : memref<80x128xf32, #tpu.memory_space<vmem>>) target(%dma_start3A_349 : memref<10240x128xf32, #tpu.memory_space<vmem_shared>>) offsets(%dma_start3A_346 : memref<80xi32, #tpu.memory_space<vmem>>) semaphore(%arg25 : memref<!tpu.dma_semaphore, #tpu.memory_space<semaphore_mem>>) {add = true}
      %mul3A_350 = arith.constant 4 : i32
      %mul3A_351 = arith.muli %scan3A_172, %mul3A_350 : i32
      %add3A_352 = arith.constant 3 : i32
      %add3A_353 = arith.addi %mul3A_351, %add3A_352 : i32
      %add3A_354 = arith.constant 2 : i32
      %add3A_355 = arith.addi %add3A_353, %add3A_354 : i32
      %le3A_356 = arith.constant 127 : i32
      %le3A_357 = arith.cmpi sle, %add3A_355, %le3A_356 : i32
      %convert_element_type3A_358 = arith.extui %le3A_357 : i1 to i32
      %cond3A_359 = arith.constant 0 : i32
      %cond3A_360 = arith.cmpi ne, %convert_element_type3A_358, %cond3A_359 : i32
      scf.if %cond3A_360 {
        %sub3A = arith.constant 2 : i32
        %sub3A_410 = arith.subi %add3A_353, %sub3A : i32
        %ge3A = arith.constant 0 : i32
        %ge3A_411 = arith.cmpi sge, %sub3A_410, %ge3A : i32
        %convert_element_type3A_412 = arith.extui %ge3A_411 : i1 to i32
        %cond3A_413 = arith.constant 0 : i32
        %cond3A_414 = arith.cmpi ne, %convert_element_type3A_412, %cond3A_413 : i32
        scf.if %cond3A_414 {
          %dma_wait3A_430 = arith.constant 1 : i32
          %dma_wait3A_431 = arith.constant 0 : i32
          %dma_wait3A_432 = arith.constant 0 : i32
          %dma_wait3A_433 = arith.constant 0 : i32
          %dma_wait3A_434 = tpu.memref_slice %arg9[%dma_wait3A_430, %dma_wait3A_432, %dma_wait3A_433] : memref<4x80x128xf32, #tpu.memory_space<vmem>> -> memref<1x80x128xf32, #tpu.memory_space<vmem>>
          %dma_wait3A_435 = tpu.memref_squeeze %dma_wait3A_434 : memref<1x80x128xf32, #tpu.memory_space<vmem>> -> memref<80x128xf32, #tpu.memory_space<vmem>>
          %dma_wait3A_436 = arith.constant 0 : i32
          %dma_wait3A_437 = tpu.memref_slice %arg8[%dma_wait3A_431, %dma_wait3A_436] : memref<4x80xi32, #tpu.memory_space<vmem>> -> memref<1x80xi32, #tpu.memory_space<vmem>>
          %dma_wait3A_438 = tpu.memref_squeeze %dma_wait3A_437 : memref<1x80xi32, #tpu.memory_space<vmem>> -> memref<80xi32, #tpu.memory_space<vmem>>
          %dma_wait3A_439 = arith.constant 0 : i32
          %dma_wait3A_440 = arith.constant 0 : i32
          %dma_wait3A_441 = tpu.memref_slice %arg10[%dma_wait3A_439, %dma_wait3A_440] : memref<10240x128xf32, #tpu.memory_space<vmem_shared>> -> memref<10240x128xf32, #tpu.memory_space<vmem_shared>>
          tpu.wait_indirect_dma semaphore(%arg24 : memref<!tpu.dma_semaphore, #tpu.memory_space<semaphore_mem>>) src(%dma_wait3A_435 : memref<80x128xf32, #tpu.memory_space<vmem>>) dst(%dma_wait3A_441 : memref<10240x128xf32, #tpu.memory_space<vmem_shared>>)
        } else {
        }
        %add3A_415 = arith.constant 2 : i32
        %add3A_416 = arith.addi %add3A_353, %add3A_415 : i32
        %mul3A_417 = arith.constant 80 : i32
        %mul3A_418 = arith.muli %add3A_416, %mul3A_417 : i32
        %add3A_419 = arith.addi %multiple_of3A_5, %mul3A_418 : i32
        %multiple_of3A_420 = tpu.assume_multiple %add3A_419, 80 : i32
        %dma_start3A_421 = arith.constant 1 : i32
        %dma_start3A_422 = arith.constant 0 : i32
        %dma_start3A_423 = tpu.memref_slice %arg8[%dma_start3A_421, %dma_start3A_422] : memref<4x80xi32, #tpu.memory_space<vmem>> -> memref<1x80xi32, #tpu.memory_space<vmem>>
        %dma_start3A_424 = tpu.memref_squeeze %dma_start3A_423 : memref<1x80xi32, #tpu.memory_space<vmem>> -> memref<80xi32, #tpu.memory_space<vmem>>
        %dma_start3A_425 = tpu.memref_slice %arg3[%multiple_of3A_420] : memref<327680xi32, #tpu.memory_space<hbm>> -> memref<80xi32, #tpu.memory_space<hbm>>
        %dma_start3A_426 = arith.constant 0 : i32
        %dma_start3A_427 = tpu.memref_slice %arg8[%dma_start3A_421, %dma_start3A_426] : memref<4x80xi32, #tpu.memory_space<vmem>> -> memref<1x80xi32, #tpu.memory_space<vmem>>
        %dma_start3A_428 = tpu.memref_squeeze %dma_start3A_427 : memref<1x80xi32, #tpu.memory_space<vmem>> -> memref<80xi32, #tpu.memory_space<vmem>>
        %dma_start3A_429 = tpu.memref_slice %arg3[%multiple_of3A_420] : memref<327680xi32, #tpu.memory_space<hbm>> -> memref<80xi32, #tpu.memory_space<hbm>>
        tpu.enqueue_dma source(%dma_start3A_429 : memref<80xi32, #tpu.memory_space<hbm>>) target(%dma_start3A_428 : memref<80xi32, #tpu.memory_space<vmem>>) target_semaphore(%arg20 : memref<!tpu.dma_semaphore, #tpu.memory_space<semaphore_mem>>)
      } else {
      }
      %add3A_361 = arith.constant 2 : i32
      %add3A_362 = arith.addi %add3A_353, %add3A_361 : i32
      %add3A_363 = arith.constant 1 : i32
      %add3A_364 = arith.addi %add3A_362, %add3A_363 : i32
      %le3A_365 = arith.constant 127 : i32
      %le3A_366 = arith.cmpi sle, %add3A_364, %le3A_365 : i32
      %convert_element_type3A_367 = arith.extui %le3A_366 : i1 to i32
      %cond3A_368 = arith.constant 0 : i32
      %cond3A_369 = arith.cmpi ne, %convert_element_type3A_367, %cond3A_368 : i32
      scf.if %cond3A_369 {
        %add3A_410 = arith.constant 2 : i32
        %add3A_411 = arith.addi %add3A_353, %add3A_410 : i32
        %add3A_412 = arith.constant 1 : i32
        %add3A_413 = arith.addi %add3A_411, %add3A_412 : i32
        %mul3A_414 = arith.constant 80 : i32
        %mul3A_415 = arith.muli %add3A_413, %mul3A_414 : i32
        %add3A_416 = arith.addi %multiple_of3A_5, %mul3A_415 : i32
        %multiple_of3A_417 = tpu.assume_multiple %add3A_416, 80 : i32
        %dma_start3A_418 = arith.constant 2 : i32
        %dma_start3A_419 = arith.constant 0 : i32
        %dma_start3A_420 = tpu.memref_slice %arg7[%dma_start3A_418, %dma_start3A_419] : memref<4x80xi32, #tpu.memory_space<vmem>> -> memref<1x80xi32, #tpu.memory_space<vmem>>
        %dma_start3A_421 = tpu.memref_squeeze %dma_start3A_420 : memref<1x80xi32, #tpu.memory_space<vmem>> -> memref<80xi32, #tpu.memory_space<vmem>>
        %dma_start3A_422 = tpu.memref_slice %arg2[%multiple_of3A_417] : memref<327680xi32, #tpu.memory_space<hbm>> -> memref<80xi32, #tpu.memory_space<hbm>>
        %dma_start3A_423 = arith.constant 0 : i32
        %dma_start3A_424 = tpu.memref_slice %arg7[%dma_start3A_418, %dma_start3A_423] : memref<4x80xi32, #tpu.memory_space<vmem>> -> memref<1x80xi32, #tpu.memory_space<vmem>>
        %dma_start3A_425 = tpu.memref_squeeze %dma_start3A_424 : memref<1x80xi32, #tpu.memory_space<vmem>> -> memref<80xi32, #tpu.memory_space<vmem>>
        %dma_start3A_426 = tpu.memref_slice %arg2[%multiple_of3A_417] : memref<327680xi32, #tpu.memory_space<hbm>> -> memref<80xi32, #tpu.memory_space<hbm>>
        tpu.enqueue_dma source(%dma_start3A_426 : memref<80xi32, #tpu.memory_space<hbm>>) target(%dma_start3A_425 : memref<80xi32, #tpu.memory_space<vmem>>) target_semaphore(%arg17 : memref<!tpu.dma_semaphore, #tpu.memory_space<semaphore_mem>>)
      } else {
      }
      %add3A_370 = arith.constant 2 : i32
      %add3A_371 = arith.addi %add3A_353, %add3A_370 : i32
      %le3A_372 = arith.constant 127 : i32
      %le3A_373 = arith.cmpi sle, %add3A_371, %le3A_372 : i32
      %convert_element_type3A_374 = arith.extui %le3A_373 : i1 to i32
      %cond3A_375 = arith.constant 0 : i32
      %cond3A_376 = arith.cmpi ne, %convert_element_type3A_374, %cond3A_375 : i32
      scf.if %cond3A_376 {
        %dma_wait3A_410 = arith.constant 1 : i32
        %dma_wait3A_411 = arith.constant 0 : i32
        %dma_wait3A_412 = tpu.memref_slice %arg7[%dma_wait3A_410, %dma_wait3A_411] : memref<4x80xi32, #tpu.memory_space<vmem>> -> memref<1x80xi32, #tpu.memory_space<vmem>>
        %dma_wait3A_413 = tpu.memref_squeeze %dma_wait3A_412 : memref<1x80xi32, #tpu.memory_space<vmem>> -> memref<80xi32, #tpu.memory_space<vmem>>
        %dma_wait3A_414 = tpu.memref_slice %arg2[%multiple_of3A_5] : memref<327680xi32, #tpu.memory_space<hbm>> -> memref<80xi32, #tpu.memory_space<hbm>>
        %dma_wait3A_415 = arith.constant 0 : i32
        %dma_wait3A_416 = tpu.memref_slice %arg7[%dma_wait3A_410, %dma_wait3A_415] : memref<4x80xi32, #tpu.memory_space<vmem>> -> memref<1x80xi32, #tpu.memory_space<vmem>>
        %dma_wait3A_417 = tpu.memref_squeeze %dma_wait3A_416 : memref<1x80xi32, #tpu.memory_space<vmem>> -> memref<80xi32, #tpu.memory_space<vmem>>
        %dma_wait3A_418 = tpu.memref_slice %arg2[%multiple_of3A_5] : memref<327680xi32, #tpu.memory_space<hbm>> -> memref<80xi32, #tpu.memory_space<hbm>>
        tpu.wait_dma2 semaphore(%arg16 : memref<!tpu.dma_semaphore, #tpu.memory_space<semaphore_mem>>) src(%dma_wait3A_418 : memref<80xi32, #tpu.memory_space<hbm>>) dst(%dma_wait3A_417 : memref<80xi32, #tpu.memory_space<vmem>>)
        %dma_start3A_419 = arith.constant 1 : i32
        %dma_start3A_420 = arith.constant 1 : i32
        %dma_start3A_421 = arith.constant 0 : i32
        %dma_start3A_422 = arith.constant 0 : i32
        %dma_start3A_423 = tpu.memref_slice %arg9[%dma_start3A_420, %dma_start3A_421, %dma_start3A_422] : memref<4x80x128xf32, #tpu.memory_space<vmem>> -> memref<1x80x128xf32, #tpu.memory_space<vmem>>
        %dma_start3A_424 = tpu.memref_squeeze %dma_start3A_423 : memref<1x80x128xf32, #tpu.memory_space<vmem>> -> memref<80x128xf32, #tpu.memory_space<vmem>>
        %dma_start3A_425 = arith.constant 0 : i32
        %dma_start3A_426 = tpu.memref_slice %arg7[%dma_start3A_419, %dma_start3A_425] : memref<4x80xi32, #tpu.memory_space<vmem>> -> memref<1x80xi32, #tpu.memory_space<vmem>>
        %dma_start3A_427 = tpu.memref_squeeze %dma_start3A_426 : memref<1x80xi32, #tpu.memory_space<vmem>> -> memref<80xi32, #tpu.memory_space<vmem>>
        %dma_start3A_428 = arith.constant 0 : i32
        %dma_start3A_429 = arith.constant 0 : i32
        %dma_start3A_430 = tpu.memref_slice %arg4[%dma_start3A_428, %dma_start3A_429] : memref<10240x128xf32, #tpu.memory_space<hbm>> -> memref<10240x128xf32, #tpu.memory_space<hbm>>
        tpu.enqueue_indirect_dma source(%dma_start3A_430 : memref<10240x128xf32, #tpu.memory_space<hbm>>) target(%dma_start3A_424 : memref<80x128xf32, #tpu.memory_space<vmem>>) offsets(%dma_start3A_427 : memref<80xi32, #tpu.memory_space<vmem>>) semaphore(%arg12 : memref<!tpu.dma_semaphore, #tpu.memory_space<semaphore_mem>>)
      } else {
      }
      %dma_wait3A_377 = arith.constant 0 : i32
      %dma_wait3A_378 = arith.constant 3 : i32
      %dma_wait3A_379 = arith.constant 0 : i32
      %dma_wait3A_380 = arith.constant 0 : i32
      %dma_wait3A_381 = tpu.memref_slice %arg9[%dma_wait3A_378, %dma_wait3A_379, %dma_wait3A_380] : memref<4x80x128xf32, #tpu.memory_space<vmem>> -> memref<1x80x128xf32, #tpu.memory_space<vmem>>
      %dma_wait3A_382 = tpu.memref_squeeze %dma_wait3A_381 : memref<1x80x128xf32, #tpu.memory_space<vmem>> -> memref<80x128xf32, #tpu.memory_space<vmem>>
      %dma_wait3A_383 = arith.constant 0 : i32
      %dma_wait3A_384 = tpu.memref_slice %arg7[%dma_wait3A_377, %dma_wait3A_383] : memref<4x80xi32, #tpu.memory_space<vmem>> -> memref<1x80xi32, #tpu.memory_space<vmem>>
      %dma_wait3A_385 = tpu.memref_squeeze %dma_wait3A_384 : memref<1x80xi32, #tpu.memory_space<vmem>> -> memref<80xi32, #tpu.memory_space<vmem>>
      %dma_wait3A_386 = arith.constant 0 : i32
      %dma_wait3A_387 = arith.constant 0 : i32
      %dma_wait3A_388 = tpu.memref_slice %arg4[%dma_wait3A_386, %dma_wait3A_387] : memref<10240x128xf32, #tpu.memory_space<hbm>> -> memref<10240x128xf32, #tpu.memory_space<hbm>>
      tpu.wait_indirect_dma semaphore(%arg14 : memref<!tpu.dma_semaphore, #tpu.memory_space<semaphore_mem>>) src(%dma_wait3A_388 : memref<10240x128xf32, #tpu.memory_space<hbm>>) dst(%dma_wait3A_382 : memref<80x128xf32, #tpu.memory_space<vmem>>)
      %dma_wait3A_389 = arith.constant 3 : i32
      %dma_wait3A_390 = arith.constant 0 : i32
      %dma_wait3A_391 = tpu.memref_slice %arg8[%dma_wait3A_389, %dma_wait3A_390] : memref<4x80xi32, #tpu.memory_space<vmem>> -> memref<1x80xi32, #tpu.memory_space<vmem>>
      %dma_wait3A_392 = tpu.memref_squeeze %dma_wait3A_391 : memref<1x80xi32, #tpu.memory_space<vmem>> -> memref<80xi32, #tpu.memory_space<vmem>>
      %dma_wait3A_393 = tpu.memref_slice %arg3[%multiple_of3A_5] : memref<327680xi32, #tpu.memory_space<hbm>> -> memref<80xi32, #tpu.memory_space<hbm>>
      %dma_wait3A_394 = arith.constant 0 : i32
      %dma_wait3A_395 = tpu.memref_slice %arg8[%dma_wait3A_389, %dma_wait3A_394] : memref<4x80xi32, #tpu.memory_space<vmem>> -> memref<1x80xi32, #tpu.memory_space<vmem>>
      %dma_wait3A_396 = tpu.memref_squeeze %dma_wait3A_395 : memref<1x80xi32, #tpu.memory_space<vmem>> -> memref<80xi32, #tpu.memory_space<vmem>>
      %dma_wait3A_397 = tpu.memref_slice %arg3[%multiple_of3A_5] : memref<327680xi32, #tpu.memory_space<hbm>> -> memref<80xi32, #tpu.memory_space<hbm>>
      tpu.wait_dma2 semaphore(%arg22 : memref<!tpu.dma_semaphore, #tpu.memory_space<semaphore_mem>>) src(%dma_wait3A_397 : memref<80xi32, #tpu.memory_space<hbm>>) dst(%dma_wait3A_396 : memref<80xi32, #tpu.memory_space<vmem>>)
      %dma_start3A_398 = arith.constant 3 : i32
      %dma_start3A_399 = arith.constant 3 : i32
      %dma_start3A_400 = arith.constant 0 : i32
      %dma_start3A_401 = arith.constant 0 : i32
      %dma_start3A_402 = tpu.memref_slice %arg9[%dma_start3A_398, %dma_start3A_400, %dma_start3A_401] : memref<4x80x128xf32, #tpu.memory_space<vmem>> -> memref<1x80x128xf32, #tpu.memory_space<vmem>>
      %dma_start3A_403 = tpu.memref_squeeze %dma_start3A_402 : memref<1x80x128xf32, #tpu.memory_space<vmem>> -> memref<80x128xf32, #tpu.memory_space<vmem>>
      %dma_start3A_404 = arith.constant 0 : i32
      %dma_start3A_405 = tpu.memref_slice %arg8[%dma_start3A_399, %dma_start3A_404] : memref<4x80xi32, #tpu.memory_space<vmem>> -> memref<1x80xi32, #tpu.memory_space<vmem>>
      %dma_start3A_406 = tpu.memref_squeeze %dma_start3A_405 : memref<1x80xi32, #tpu.memory_space<vmem>> -> memref<80xi32, #tpu.memory_space<vmem>>
      %dma_start3A_407 = arith.constant 0 : i32
      %dma_start3A_408 = arith.constant 0 : i32
      %dma_start3A_409 = tpu.memref_slice %arg10[%dma_start3A_407, %dma_start3A_408] : memref<10240x128xf32, #tpu.memory_space<vmem_shared>> -> memref<10240x128xf32, #tpu.memory_space<vmem_shared>>
      tpu.enqueue_indirect_dma source(%dma_start3A_403 : memref<80x128xf32, #tpu.memory_space<vmem>>) target(%dma_start3A_409 : memref<10240x128xf32, #tpu.memory_space<vmem_shared>>) offsets(%dma_start3A_406 : memref<80xi32, #tpu.memory_space<vmem>>) semaphore(%arg26 : memref<!tpu.dma_semaphore, #tpu.memory_space<semaphore_mem>>) {add = true}
    }
    %scan3A_116 = arith.constant 32 : i32
    %dma_wait3A_117 = arith.constant 0 : i32
    %dma_wait3A_118 = arith.constant 0 : i32
    %dma_wait3A_119 = arith.constant 0 : i32
    %dma_wait3A_120 = arith.constant 0 : i32
    %dma_wait3A_121 = tpu.memref_slice %arg9[%dma_wait3A_117, %dma_wait3A_119, %dma_wait3A_120] : memref<4x80x128xf32, #tpu.memory_space<vmem>> -> memref<1x80x128xf32, #tpu.memory_space<vmem>>
    %dma_wait3A_122 = tpu.memref_squeeze %dma_wait3A_121 : memref<1x80x128xf32, #tpu.memory_space<vmem>> -> memref<80x128xf32, #tpu.memory_space<vmem>>
    %dma_wait3A_123 = arith.constant 0 : i32
    %dma_wait3A_124 = tpu.memref_slice %arg8[%dma_wait3A_118, %dma_wait3A_123] : memref<4x80xi32, #tpu.memory_space<vmem>> -> memref<1x80xi32, #tpu.memory_space<vmem>>
    %dma_wait3A_125 = tpu.memref_squeeze %dma_wait3A_124 : memref<1x80xi32, #tpu.memory_space<vmem>> -> memref<80xi32, #tpu.memory_space<vmem>>
    %dma_wait3A_126 = arith.constant 0 : i32
    %dma_wait3A_127 = arith.constant 0 : i32
    %dma_wait3A_128 = tpu.memref_slice %arg10[%dma_wait3A_126, %dma_wait3A_127] : memref<10240x128xf32, #tpu.memory_space<vmem_shared>> -> memref<10240x128xf32, #tpu.memory_space<vmem_shared>>
    tpu.wait_indirect_dma semaphore(%arg23 : memref<!tpu.dma_semaphore, #tpu.memory_space<semaphore_mem>>) src(%dma_wait3A_122 : memref<80x128xf32, #tpu.memory_space<vmem>>) dst(%dma_wait3A_128 : memref<10240x128xf32, #tpu.memory_space<vmem_shared>>)
    %dma_wait3A_129 = arith.constant 1 : i32
    %dma_wait3A_130 = arith.constant 0 : i32
    %dma_wait3A_131 = arith.constant 0 : i32
    %dma_wait3A_132 = arith.constant 0 : i32
    %dma_wait3A_133 = tpu.memref_slice %arg9[%dma_wait3A_129, %dma_wait3A_131, %dma_wait3A_132] : memref<4x80x128xf32, #tpu.memory_space<vmem>> -> memref<1x80x128xf32, #tpu.memory_space<vmem>>
    %dma_wait3A_134 = tpu.memref_squeeze %dma_wait3A_133 : memref<1x80x128xf32, #tpu.memory_space<vmem>> -> memref<80x128xf32, #tpu.memory_space<vmem>>
    %dma_wait3A_135 = arith.constant 0 : i32
    %dma_wait3A_136 = tpu.memref_slice %arg8[%dma_wait3A_130, %dma_wait3A_135] : memref<4x80xi32, #tpu.memory_space<vmem>> -> memref<1x80xi32, #tpu.memory_space<vmem>>
    %dma_wait3A_137 = tpu.memref_squeeze %dma_wait3A_136 : memref<1x80xi32, #tpu.memory_space<vmem>> -> memref<80xi32, #tpu.memory_space<vmem>>
    %dma_wait3A_138 = arith.constant 0 : i32
    %dma_wait3A_139 = arith.constant 0 : i32
    %dma_wait3A_140 = tpu.memref_slice %arg10[%dma_wait3A_138, %dma_wait3A_139] : memref<10240x128xf32, #tpu.memory_space<vmem_shared>> -> memref<10240x128xf32, #tpu.memory_space<vmem_shared>>
    tpu.wait_indirect_dma semaphore(%arg24 : memref<!tpu.dma_semaphore, #tpu.memory_space<semaphore_mem>>) src(%dma_wait3A_134 : memref<80x128xf32, #tpu.memory_space<vmem>>) dst(%dma_wait3A_140 : memref<10240x128xf32, #tpu.memory_space<vmem_shared>>)
    %dma_wait3A_141 = arith.constant 2 : i32
    %dma_wait3A_142 = arith.constant 0 : i32
    %dma_wait3A_143 = arith.constant 0 : i32
    %dma_wait3A_144 = arith.constant 0 : i32
    %dma_wait3A_145 = tpu.memref_slice %arg9[%dma_wait3A_141, %dma_wait3A_143, %dma_wait3A_144] : memref<4x80x128xf32, #tpu.memory_space<vmem>> -> memref<1x80x128xf32, #tpu.memory_space<vmem>>
    %dma_wait3A_146 = tpu.memref_squeeze %dma_wait3A_145 : memref<1x80x128xf32, #tpu.memory_space<vmem>> -> memref<80x128xf32, #tpu.memory_space<vmem>>
    %dma_wait3A_147 = arith.constant 0 : i32
    %dma_wait3A_148 = tpu.memref_slice %arg8[%dma_wait3A_142, %dma_wait3A_147] : memref<4x80xi32, #tpu.memory_space<vmem>> -> memref<1x80xi32, #tpu.memory_space<vmem>>
    %dma_wait3A_149 = tpu.memref_squeeze %dma_wait3A_148 : memref<1x80xi32, #tpu.memory_space<vmem>> -> memref<80xi32, #tpu.memory_space<vmem>>
    %dma_wait3A_150 = arith.constant 0 : i32
    %dma_wait3A_151 = arith.constant 0 : i32
    %dma_wait3A_152 = tpu.memref_slice %arg10[%dma_wait3A_150, %dma_wait3A_151] : memref<10240x128xf32, #tpu.memory_space<vmem_shared>> -> memref<10240x128xf32, #tpu.memory_space<vmem_shared>>
    tpu.wait_indirect_dma semaphore(%arg25 : memref<!tpu.dma_semaphore, #tpu.memory_space<semaphore_mem>>) src(%dma_wait3A_146 : memref<80x128xf32, #tpu.memory_space<vmem>>) dst(%dma_wait3A_152 : memref<10240x128xf32, #tpu.memory_space<vmem_shared>>)
    %dma_wait3A_153 = arith.constant 3 : i32
    %dma_wait3A_154 = arith.constant 0 : i32
    %dma_wait3A_155 = arith.constant 0 : i32
    %dma_wait3A_156 = arith.constant 0 : i32
    %dma_wait3A_157 = tpu.memref_slice %arg9[%dma_wait3A_153, %dma_wait3A_155, %dma_wait3A_156] : memref<4x80x128xf32, #tpu.memory_space<vmem>> -> memref<1x80x128xf32, #tpu.memory_space<vmem>>
    %dma_wait3A_158 = tpu.memref_squeeze %dma_wait3A_157 : memref<1x80x128xf32, #tpu.memory_space<vmem>> -> memref<80x128xf32, #tpu.memory_space<vmem>>
    %dma_wait3A_159 = arith.constant 0 : i32
    %dma_wait3A_160 = tpu.memref_slice %arg8[%dma_wait3A_154, %dma_wait3A_159] : memref<4x80xi32, #tpu.memory_space<vmem>> -> memref<1x80xi32, #tpu.memory_space<vmem>>
    %dma_wait3A_161 = tpu.memref_squeeze %dma_wait3A_160 : memref<1x80xi32, #tpu.memory_space<vmem>> -> memref<80xi32, #tpu.memory_space<vmem>>
    %dma_wait3A_162 = arith.constant 0 : i32
    %dma_wait3A_163 = arith.constant 0 : i32
    %dma_wait3A_164 = tpu.memref_slice %arg10[%dma_wait3A_162, %dma_wait3A_163] : memref<10240x128xf32, #tpu.memory_space<vmem_shared>> -> memref<10240x128xf32, #tpu.memory_space<vmem_shared>>
    tpu.wait_indirect_dma semaphore(%arg26 : memref<!tpu.dma_semaphore, #tpu.memory_space<semaphore_mem>>) src(%dma_wait3A_158 : memref<80x128xf32, #tpu.memory_space<vmem>>) dst(%dma_wait3A_164 : memref<10240x128xf32, #tpu.memory_space<vmem_shared>>)
    %barrier3A_165 = arith.constant 0 : index
    tpu.barrier barrier_id(%barrier3A_165)
    %scan3A_166 = arith.constant 0 : i32
    %scan3A_167 = arith.constant 0 : i32
    %scan3A_168 = arith.constant 8 : i32
    %scan3A_169 = arith.addi %scan3A_167, %scan3A_168 : i32
    %scan3A_170 = arith.constant 1 : i32
    scf.for %scan3A_172 = %scan3A_167 to %scan3A_169 step %scan3A_170  : i32 {
      %mul3A_173 = arith.constant 80 : i32
      %mul3A_174 = arith.muli %scan3A_172, %mul3A_173 : i32
      %add3A_175 = arith.addi %multiple_of3A, %mul3A_174 : i32
      %multiple_of3A_176 = tpu.assume_multiple %add3A_175, 16 : i32
      %run_scoped3A = arith.constant 0 : i32
      "tpu.region"() ({
        %run_scoped3A_181 = tpu.sem_alloc : memref<!tpu.dma_semaphore, #tpu.memory_space<semaphore_mem>>
        %dma_start3A_182 = arith.constant 0 : i32
        %dma_start3A_183 = arith.constant 0 : i32
        %dma_start3A_184 = tpu.memref_slice %arg9[%run_scoped3A, %dma_start3A_182, %dma_start3A_183] : memref<4x80x128xf32, #tpu.memory_space<vmem>> -> memref<1x80x128xf32, #tpu.memory_space<vmem>>
        %dma_start3A_185 = tpu.memref_squeeze %dma_start3A_184 : memref<1x80x128xf32, #tpu.memory_space<vmem>> -> memref<80x128xf32, #tpu.memory_space<vmem>>
        %dma_start3A_186 = arith.constant 0 : i32
        %dma_start3A_187 = tpu.memref_slice %arg10[%multiple_of3A_176, %dma_start3A_186] : memref<10240x128xf32, #tpu.memory_space<vmem_shared>> -> memref<80x128xf32, #tpu.memory_space<vmem_shared>>
        %dma_start3A_188 = arith.constant 0 : i32
        %dma_start3A_189 = arith.constant 0 : i32
        %dma_start3A_190 = tpu.memref_slice %arg9[%run_scoped3A, %dma_start3A_188, %dma_start3A_189] : memref<4x80x128xf32, #tpu.memory_space<vmem>> -> memref<1x80x128xf32, #tpu.memory_space<vmem>>
        %dma_start3A_191 = tpu.memref_squeeze %dma_start3A_190 : memref<1x80x128xf32, #tpu.memory_space<vmem>> -> memref<80x128xf32, #tpu.memory_space<vmem>>
        %dma_start3A_192 = arith.constant 0 : i32
        %dma_start3A_193 = tpu.memref_slice %arg10[%multiple_of3A_176, %dma_start3A_192] : memref<10240x128xf32, #tpu.memory_space<vmem_shared>> -> memref<80x128xf32, #tpu.memory_space<vmem_shared>>
        tpu.enqueue_dma source(%dma_start3A_193 : memref<80x128xf32, #tpu.memory_space<vmem_shared>>) target(%dma_start3A_191 : memref<80x128xf32, #tpu.memory_space<vmem>>) target_semaphore(%run_scoped3A_181 : memref<!tpu.dma_semaphore, #tpu.memory_space<semaphore_mem>>)
        %dma_wait3A_194 = arith.constant 0 : i32
        %dma_wait3A_195 = arith.constant 0 : i32
        %dma_wait3A_196 = tpu.memref_slice %arg9[%run_scoped3A, %dma_wait3A_194, %dma_wait3A_195] : memref<4x80x128xf32, #tpu.memory_space<vmem>> -> memref<1x80x128xf32, #tpu.memory_space<vmem>>
        %dma_wait3A_197 = tpu.memref_squeeze %dma_wait3A_196 : memref<1x80x128xf32, #tpu.memory_space<vmem>> -> memref<80x128xf32, #tpu.memory_space<vmem>>
        %dma_wait3A_198 = arith.constant 0 : i32
        %dma_wait3A_199 = tpu.memref_slice %arg10[%multiple_of3A_176, %dma_wait3A_198] : memref<10240x128xf32, #tpu.memory_space<vmem_shared>> -> memref<80x128xf32, #tpu.memory_space<vmem_shared>>
        %dma_wait3A_200 = arith.constant 0 : i32
        %dma_wait3A_201 = arith.constant 0 : i32
        %dma_wait3A_202 = tpu.memref_slice %arg9[%run_scoped3A, %dma_wait3A_200, %dma_wait3A_201] : memref<4x80x128xf32, #tpu.memory_space<vmem>> -> memref<1x80x128xf32, #tpu.memory_space<vmem>>
        %dma_wait3A_203 = tpu.memref_squeeze %dma_wait3A_202 : memref<1x80x128xf32, #tpu.memory_space<vmem>> -> memref<80x128xf32, #tpu.memory_space<vmem>>
        %dma_wait3A_204 = arith.constant 0 : i32
        %dma_wait3A_205 = tpu.memref_slice %arg10[%multiple_of3A_176, %dma_wait3A_204] : memref<10240x128xf32, #tpu.memory_space<vmem_shared>> -> memref<80x128xf32, #tpu.memory_space<vmem_shared>>
        tpu.wait_dma2 semaphore(%run_scoped3A_181 : memref<!tpu.dma_semaphore, #tpu.memory_space<semaphore_mem>>) src(%dma_wait3A_205 : memref<80x128xf32, #tpu.memory_space<vmem_shared>>) dst(%dma_wait3A_203 : memref<80x128xf32, #tpu.memory_space<vmem>>)
        tpu.yield
      }) : () -> ()
      %mul3A_177 = arith.constant 10240 : i32
      %mul3A_178 = arith.muli %arg0, %mul3A_177 : i32
      %add3A_179 = arith.addi %mul3A_178, %multiple_of3A_176 : i32
      %run_scoped3A_180 = arith.constant 0 : i32
      "tpu.region"() ({
        %run_scoped3A_181 = tpu.sem_alloc : memref<!tpu.dma_semaphore, #tpu.memory_space<semaphore_mem>>
        %dma_start3A_182 = arith.constant 0 : i32
        %dma_start3A_183 = arith.constant 0 : i32
        %dma_start3A_184 = tpu.memref_slice %arg9[%run_scoped3A_180, %dma_start3A_182, %dma_start3A_183] : memref<4x80x128xf32, #tpu.memory_space<vmem>> -> memref<1x80x128xf32, #tpu.memory_space<vmem>>
        %dma_start3A_185 = tpu.memref_squeeze %dma_start3A_184 : memref<1x80x128xf32, #tpu.memory_space<vmem>> -> memref<80x128xf32, #tpu.memory_space<vmem>>
        %dma_start3A_186 = arith.constant 0 : i32
        %dma_start3A_187 = tpu.memref_slice %arg6[%add3A_179, %dma_start3A_186] : memref<20480x128xf32, #tpu.memory_space<hbm>> -> memref<80x128xf32, #tpu.memory_space<hbm>>
        %dma_start3A_188 = arith.constant 0 : i32
        %dma_start3A_189 = tpu.memref_slice %arg6[%add3A_179, %dma_start3A_188] : memref<20480x128xf32, #tpu.memory_space<hbm>> -> memref<80x128xf32, #tpu.memory_space<hbm>>
        %dma_start3A_190 = arith.constant 0 : i32
        %dma_start3A_191 = arith.constant 0 : i32
        %dma_start3A_192 = tpu.memref_slice %arg9[%run_scoped3A_180, %dma_start3A_190, %dma_start3A_191] : memref<4x80x128xf32, #tpu.memory_space<vmem>> -> memref<1x80x128xf32, #tpu.memory_space<vmem>>
        %dma_start3A_193 = tpu.memref_squeeze %dma_start3A_192 : memref<1x80x128xf32, #tpu.memory_space<vmem>> -> memref<80x128xf32, #tpu.memory_space<vmem>>
        tpu.enqueue_dma source(%dma_start3A_193 : memref<80x128xf32, #tpu.memory_space<vmem>>) target(%dma_start3A_189 : memref<80x128xf32, #tpu.memory_space<hbm>>) target_semaphore(%run_scoped3A_181 : memref<!tpu.dma_semaphore, #tpu.memory_space<semaphore_mem>>)
        %dma_wait3A_194 = arith.constant 0 : i32
        %dma_wait3A_195 = arith.constant 0 : i32
        %dma_wait3A_196 = tpu.memref_slice %arg9[%run_scoped3A_180, %dma_wait3A_194, %dma_wait3A_195] : memref<4x80x128xf32, #tpu.memory_space<vmem>> -> memref<1x80x128xf32, #tpu.memory_space<vmem>>
        %dma_wait3A_197 = tpu.memref_squeeze %dma_wait3A_196 : memref<1x80x128xf32, #tpu.memory_space<vmem>> -> memref<80x128xf32, #tpu.memory_space<vmem>>
        %dma_wait3A_198 = arith.constant 0 : i32
        %dma_wait3A_199 = tpu.memref_slice %arg6[%add3A_179, %dma_wait3A_198] : memref<20480x128xf32, #tpu.memory_space<hbm>> -> memref<80x128xf32, #tpu.memory_space<hbm>>
        %dma_wait3A_200 = arith.constant 0 : i32
        %dma_wait3A_201 = tpu.memref_slice %arg6[%add3A_179, %dma_wait3A_200] : memref<20480x128xf32, #tpu.memory_space<hbm>> -> memref<80x128xf32, #tpu.memory_space<hbm>>
        %dma_wait3A_202 = arith.constant 0 : i32
        %dma_wait3A_203 = arith.constant 0 : i32
        %dma_wait3A_204 = tpu.memref_slice %arg9[%run_scoped3A_180, %dma_wait3A_202, %dma_wait3A_203] : memref<4x80x128xf32, #tpu.memory_space<vmem>> -> memref<1x80x128xf32, #tpu.memory_space<vmem>>
        %dma_wait3A_205 = tpu.memref_squeeze %dma_wait3A_204 : memref<1x80x128xf32, #tpu.memory_space<vmem>> -> memref<80x128xf32, #tpu.memory_space<vmem>>
        tpu.wait_dma2 semaphore(%run_scoped3A_181 : memref<!tpu.dma_semaphore, #tpu.memory_space<semaphore_mem>>) src(%dma_wait3A_205 : memref<80x128xf32, #tpu.memory_space<vmem>>) dst(%dma_wait3A_201 : memref<80x128xf32, #tpu.memory_space<hbm>>)
        tpu.yield
      }) : () -> ()
    }
    %scan3A_171 = arith.constant 8 : i32
    return
  }
}

#map = affine_map<(d0, d1) -> (0)>
#map1 = affine_map<(d0, d1) -> (0, 0)>
module attributes {stable_mosaic.version = 14 : i64} {
  func.func @k(%arg0: i32, %arg1: i32, %arg2: memref<327680xi32, #tpu.memory_space<hbm>>, %arg3: memref<327680xi32, #tpu.memory_space<hbm>>, %arg4: memref<10240x128xf32, #tpu.memory_space<hbm>>, %arg5: memref<128x128xf32, #tpu.memory_space<hbm>>, %arg6: memref<20480x128xf32, #tpu.memory_space<hbm>>, %arg7: memref<4x80xi32, #tpu.memory_space<vmem>>, %arg8: memref<4x80xi32, #tpu.memory_space<vmem>>, %arg9: memref<4x80x128xf32, #tpu.memory_space<vmem>>, %arg10: memref<10240x128xf32, #tpu.memory_space<vmem_shared>>, %arg11: memref<!tpu.dma_semaphore, #tpu.memory_space<semaphore_mem>>, %arg12: memref<!tpu.dma_semaphore, #tpu.memory_space<semaphore_mem>>, %arg13: memref<!tpu.dma_semaphore, #tpu.memory_space<semaphore_mem>>, %arg14: memref<!tpu.dma_semaphore, #tpu.memory_space<semaphore_mem>>, %arg15: memref<!tpu.dma_semaphore, #tpu.memory_space<semaphore_mem>>, %arg16: memref<!tpu.dma_semaphore, #tpu.memory_space<semaphore_mem>>, %arg17: memref<!tpu.dma_semaphore, #tpu.memory_space<semaphore_mem>>, %arg18: memref<!tpu.dma_semaphore, #tpu.memory_space<semaphore_mem>>, %arg19: memref<!tpu.dma_semaphore, #tpu.memory_space<semaphore_mem>>, %arg20: memref<!tpu.dma_semaphore, #tpu.memory_space<semaphore_mem>>, %arg21: memref<!tpu.dma_semaphore, #tpu.memory_space<semaphore_mem>>, %arg22: memref<!tpu.dma_semaphore, #tpu.memory_space<semaphore_mem>>, %arg23: memref<!tpu.dma_semaphore, #tpu.memory_space<semaphore_mem>>, %arg24: memref<!tpu.dma_semaphore, #tpu.memory_space<semaphore_mem>>, %arg25: memref<!tpu.dma_semaphore, #tpu.memory_space<semaphore_mem>>, %arg26: memref<!tpu.dma_semaphore, #tpu.memory_space<semaphore_mem>>) attributes {dimension_semantics = [#tpu.dimension_semantics<core_parallel>, #tpu.dimension_semantics<subcore_parallel>], iteration_bounds = array<i64: 2, 16>, scalar_prefetch = 0 : i64, scratch_operands = 20 : i64, tpu.core_type = #tpu.core_type<sc_vector_subcore>, window_params = [{transform_indices = #map}, {transform_indices = #map}, {transform_indices = #map1}, {transform_indices = #map1}, {transform_indices = #map1}]} {
    %mul3A = arith.constant 640 : i32
    %mul3A_0 = arith.muli %arg1, %mul3A : i32
    %multiple_of3A = tpu.assume_multiple %mul3A_0, 128 : i32
    %mul3A_1 = arith.constant 16 : i32
    %mul3A_2 = arith.muli %arg0, %mul3A_1 : i32
    %add3A = arith.addi %mul3A_2, %arg1 : i32
    %mul3A_3 = arith.constant 10240 : i32
    %mul3A_4 = arith.muli %add3A, %mul3A_3 : i32
    %multiple_of3A_5 = tpu.assume_multiple %mul3A_4, 80 : i32
    %add3A_6 = arith.constant 0 : i32
    %add3A_7 = arith.addi %multiple_of3A_5, %add3A_6 : i32
    %multiple_of3A_8 = tpu.assume_multiple %add3A_7, 80 : i32
    %dma_start3A = arith.constant 0 : i32
    %dma_start3A_9 = arith.constant 0 : i32
    %dma_start3A_10 = tpu.memref_slice %arg7[%dma_start3A, %dma_start3A_9] : memref<4x80xi32, #tpu.memory_space<vmem>> -> memref<1x80xi32, #tpu.memory_space<vmem>>
    %dma_start3A_11 = tpu.memref_squeeze %dma_start3A_10 : memref<1x80xi32, #tpu.memory_space<vmem>> -> memref<80xi32, #tpu.memory_space<vmem>>
    %dma_start3A_12 = tpu.memref_slice %arg2[%multiple_of3A_8] : memref<327680xi32, #tpu.memory_space<hbm>> -> memref<80xi32, #tpu.memory_space<hbm>>
    %dma_start3A_13 = arith.constant 0 : i32
    %dma_start3A_14 = tpu.memref_slice %arg7[%dma_start3A, %dma_start3A_13] : memref<4x80xi32, #tpu.memory_space<vmem>> -> memref<1x80xi32, #tpu.memory_space<vmem>>
    %dma_start3A_15 = tpu.memref_squeeze %dma_start3A_14 : memref<1x80xi32, #tpu.memory_space<vmem>> -> memref<80xi32, #tpu.memory_space<vmem>>
    %dma_start3A_16 = tpu.memref_slice %arg2[%multiple_of3A_8] : memref<327680xi32, #tpu.memory_space<hbm>> -> memref<80xi32, #tpu.memory_space<hbm>>
    tpu.enqueue_dma source(%dma_start3A_16 : memref<80xi32, #tpu.memory_space<hbm>>) target(%dma_start3A_15 : memref<80xi32, #tpu.memory_space<vmem>>) target_semaphore(%arg15 : memref<!tpu.dma_semaphore, #tpu.memory_space<semaphore_mem>>)
    %add3A_17 = arith.constant 80 : i32
    %add3A_18 = arith.addi %multiple_of3A_5, %add3A_17 : i32
    %multiple_of3A_19 = tpu.assume_multiple %add3A_18, 80 : i32
    %dma_start3A_20 = arith.constant 1 : i32
    %dma_start3A_21 = arith.constant 0 : i32
    %dma_start3A_22 = tpu.memref_slice %arg7[%dma_start3A_20, %dma_start3A_21] : memref<4x80xi32, #tpu.memory_space<vmem>> -> memref<1x80xi32, #tpu.memory_space<vmem>>
    %dma_start3A_23 = tpu.memref_squeeze %dma_start3A_22 : memref<1x80xi32, #tpu.memory_space<vmem>> -> memref<80xi32, #tpu.memory_space<vmem>>
    %dma_start3A_24 = tpu.memref_slice %arg2[%multiple_of3A_19] : memref<327680xi32, #tpu.memory_space<hbm>> -> memref<80xi32, #tpu.memory_space<hbm>>
    %dma_start3A_25 = arith.constant 0 : i32
    %dma_start3A_26 = tpu.memref_slice %arg7[%dma_start3A_20, %dma_start3A_25] : memref<4x80xi32, #tpu.memory_space<vmem>> -> memref<1x80xi32, #tpu.memory_space<vmem>>
    %dma_start3A_27 = tpu.memref_squeeze %dma_start3A_26 : memref<1x80xi32, #tpu.memory_space<vmem>> -> memref<80xi32, #tpu.memory_space<vmem>>
    %dma_start3A_28 = tpu.memref_slice %arg2[%multiple_of3A_19] : memref<327680xi32, #tpu.memory_space<hbm>> -> memref<80xi32, #tpu.memory_space<hbm>>
    tpu.enqueue_dma source(%dma_start3A_28 : memref<80xi32, #tpu.memory_space<hbm>>) target(%dma_start3A_27 : memref<80xi32, #tpu.memory_space<vmem>>) target_semaphore(%arg16 : memref<!tpu.dma_semaphore, #tpu.memory_space<semaphore_mem>>)
    %add3A_29 = arith.constant 160 : i32
    %add3A_30 = arith.addi %multiple_of3A_5, %add3A_29 : i32
    %multiple_of3A_31 = tpu.assume_multiple %add3A_30, 80 : i32
    %dma_start3A_32 = arith.constant 2 : i32
    %dma_start3A_33 = arith.constant 0 : i32
    %dma_start3A_34 = tpu.memref_slice %arg7[%dma_start3A_32, %dma_start3A_33] : memref<4x80xi32, #tpu.memory_space<vmem>> -> memref<1x80xi32, #tpu.memory_space<vmem>>
    %dma_start3A_35 = tpu.memref_squeeze %dma_start3A_34 : memref<1x80xi32, #tpu.memory_space<vmem>> -> memref<80xi32, #tpu.memory_space<vmem>>
    %dma_start3A_36 = tpu.memref_slice %arg2[%multiple_of3A_31] : memref<327680xi32, #tpu.memory_space<hbm>> -> memref<80xi32, #tpu.memory_space<hbm>>
    %dma_start3A_37 = arith.constant 0 : i32
    %dma_start3A_38 = tpu.memref_slice %arg7[%dma_start3A_32, %dma_start3A_37] : memref<4x80xi32, #tpu.memory_space<vmem>> -> memref<1x80xi32, #tpu.memory_space<vmem>>
    %dma_start3A_39 = tpu.memref_squeeze %dma_start3A_38 : memref<1x80xi32, #tpu.memory_space<vmem>> -> memref<80xi32, #tpu.memory_space<vmem>>
    %dma_start3A_40 = tpu.memref_slice %arg2[%multiple_of3A_31] : memref<327680xi32, #tpu.memory_space<hbm>> -> memref<80xi32, #tpu.memory_space<hbm>>
    tpu.enqueue_dma source(%dma_start3A_40 : memref<80xi32, #tpu.memory_space<hbm>>) target(%dma_start3A_39 : memref<80xi32, #tpu.memory_space<vmem>>) target_semaphore(%arg17 : memref<!tpu.dma_semaphore, #tpu.memory_space<semaphore_mem>>)
    %add3A_41 = arith.constant 0 : i32
    %add3A_42 = arith.addi %multiple_of3A_5, %add3A_41 : i32
    %multiple_of3A_43 = tpu.assume_multiple %add3A_42, 80 : i32
    %dma_start3A_44 = arith.constant 0 : i32
    %dma_start3A_45 = arith.constant 0 : i32
    %dma_start3A_46 = tpu.memref_slice %arg8[%dma_start3A_44, %dma_start3A_45] : memref<4x80xi32, #tpu.memory_space<vmem>> -> memref<1x80xi32, #tpu.memory_space<vmem>>
    %dma_start3A_47 = tpu.memref_squeeze %dma_start3A_46 : memref<1x80xi32, #tpu.memory_space<vmem>> -> memref<80xi32, #tpu.memory_space<vmem>>
    %dma_start3A_48 = tpu.memref_slice %arg3[%multiple_of3A_43] : memref<327680xi32, #tpu.memory_space<hbm>> -> memref<80xi32, #tpu.memory_space<hbm>>
    %dma_start3A_49 = arith.constant 0 : i32
    %dma_start3A_50 = tpu.memref_slice %arg8[%dma_start3A_44, %dma_start3A_49] : memref<4x80xi32, #tpu.memory_space<vmem>> -> memref<1x80xi32, #tpu.memory_space<vmem>>
    %dma_start3A_51 = tpu.memref_squeeze %dma_start3A_50 : memref<1x80xi32, #tpu.memory_space<vmem>> -> memref<80xi32, #tpu.memory_space<vmem>>
    %dma_start3A_52 = tpu.memref_slice %arg3[%multiple_of3A_43] : memref<327680xi32, #tpu.memory_space<hbm>> -> memref<80xi32, #tpu.memory_space<hbm>>
    tpu.enqueue_dma source(%dma_start3A_52 : memref<80xi32, #tpu.memory_space<hbm>>) target(%dma_start3A_51 : memref<80xi32, #tpu.memory_space<vmem>>) target_semaphore(%arg19 : memref<!tpu.dma_semaphore, #tpu.memory_space<semaphore_mem>>)
    %add3A_53 = arith.constant 80 : i32
    %add3A_54 = arith.addi %multiple_of3A_5, %add3A_53 : i32
    %multiple_of3A_55 = tpu.assume_multiple %add3A_54, 80 : i32
    %dma_start3A_56 = arith.constant 1 : i32
    %dma_start3A_57 = arith.constant 0 : i32
    %dma_start3A_58 = tpu.memref_slice %arg8[%dma_start3A_56, %dma_start3A_57] : memref<4x80xi32, #tpu.memory_space<vmem>> -> memref<1x80xi32, #tpu.memory_space<vmem>>
    %dma_start3A_59 = tpu.memref_squeeze %dma_start3A_58 : memref<1x80xi32, #tpu.memory_space<vmem>> -> memref<80xi32, #tpu.memory_space<vmem>>
    %dma_start3A_60 = tpu.memref_slice %arg3[%multiple_of3A_55] : memref<327680xi32, #tpu.memory_space<hbm>> -> memref<80xi32, #tpu.memory_space<hbm>>
    %dma_start3A_61 = arith.constant 0 : i32
    %dma_start3A_62 = tpu.memref_slice %arg8[%dma_start3A_56, %dma_start3A_61] : memref<4x80xi32, #tpu.memory_space<vmem>> -> memref<1x80xi32, #tpu.memory_space<vmem>>
    %dma_start3A_63 = tpu.memref_squeeze %dma_start3A_62 : memref<1x80xi32, #tpu.memory_space<vmem>> -> memref<80xi32, #tpu.memory_space<vmem>>
    %dma_start3A_64 = tpu.memref_slice %arg3[%multiple_of3A_55] : memref<327680xi32, #tpu.memory_space<hbm>> -> memref<80xi32, #tpu.memory_space<hbm>>
    tpu.enqueue_dma source(%dma_start3A_64 : memref<80xi32, #tpu.memory_space<hbm>>) target(%dma_start3A_63 : memref<80xi32, #tpu.memory_space<vmem>>) target_semaphore(%arg20 : memref<!tpu.dma_semaphore, #tpu.memory_space<semaphore_mem>>)
    %dma_wait3A = arith.constant 0 : i32
    %dma_wait3A_65 = arith.constant 0 : i32
    %dma_wait3A_66 = tpu.memref_slice %arg7[%dma_wait3A, %dma_wait3A_65] : memref<4x80xi32, #tpu.memory_space<vmem>> -> memref<1x80xi32, #tpu.memory_space<vmem>>
    %dma_wait3A_67 = tpu.memref_squeeze %dma_wait3A_66 : memref<1x80xi32, #tpu.memory_space<vmem>> -> memref<80xi32, #tpu.memory_space<vmem>>
    %dma_wait3A_68 = tpu.memref_slice %arg2[%multiple_of3A_5] : memref<327680xi32, #tpu.memory_space<hbm>> -> memref<80xi32, #tpu.memory_space<hbm>>
    %dma_wait3A_69 = arith.constant 0 : i32
    %dma_wait3A_70 = tpu.memref_slice %arg7[%dma_wait3A, %dma_wait3A_69] : memref<4x80xi32, #tpu.memory_space<vmem>> -> memref<1x80xi32, #tpu.memory_space<vmem>>
    %dma_wait3A_71 = tpu.memref_squeeze %dma_wait3A_70 : memref<1x80xi32, #tpu.memory_space<vmem>> -> memref<80xi32, #tpu.memory_space<vmem>>
    %dma_wait3A_72 = tpu.memref_slice %arg2[%multiple_of3A_5] : memref<327680xi32, #tpu.memory_space<hbm>> -> memref<80xi32, #tpu.memory_space<hbm>>
    tpu.wait_dma2 semaphore(%arg15 : memref<!tpu.dma_semaphore, #tpu.memory_space<semaphore_mem>>) src(%dma_wait3A_72 : memref<80xi32, #tpu.memory_space<hbm>>) dst(%dma_wait3A_71 : memref<80xi32, #tpu.memory_space<vmem>>)
    %dma_start3A_73 = arith.constant 0 : i32
    %dma_start3A_74 = arith.constant 0 : i32
    %dma_start3A_75 = arith.constant 0 : i32
    %dma_start3A_76 = arith.constant 0 : i32
    %dma_start3A_77 = tpu.memref_slice %arg9[%dma_start3A_74, %dma_start3A_75, %dma_start3A_76] : memref<4x80x128xf32, #tpu.memory_space<vmem>> -> memref<1x80x128xf32, #tpu.memory_space<vmem>>
    %dma_start3A_78 = tpu.memref_squeeze %dma_start3A_77 : memref<1x80x128xf32, #tpu.memory_space<vmem>> -> memref<80x128xf32, #tpu.memory_space<vmem>>
    %dma_start3A_79 = arith.constant 0 : i32
    %dma_start3A_80 = tpu.memref_slice %arg7[%dma_start3A_73, %dma_start3A_79] : memref<4x80xi32, #tpu.memory_space<vmem>> -> memref<1x80xi32, #tpu.memory_space<vmem>>
    %dma_start3A_81 = tpu.memref_squeeze %dma_start3A_80 : memref<1x80xi32, #tpu.memory_space<vmem>> -> memref<80xi32, #tpu.memory_space<vmem>>
    %dma_start3A_82 = arith.constant 0 : i32
    %dma_start3A_83 = arith.constant 0 : i32
    %dma_start3A_84 = tpu.memref_slice %arg4[%dma_start3A_82, %dma_start3A_83] : memref<10240x128xf32, #tpu.memory_space<hbm>> -> memref<10240x128xf32, #tpu.memory_space<hbm>>
    tpu.enqueue_indirect_dma source(%dma_start3A_84 : memref<10240x128xf32, #tpu.memory_space<hbm>>) target(%dma_start3A_78 : memref<80x128xf32, #tpu.memory_space<vmem>>) offsets(%dma_start3A_81 : memref<80xi32, #tpu.memory_space<vmem>>) semaphore(%arg11 : memref<!tpu.dma_semaphore, #tpu.memory_space<semaphore_mem>>)
    %dma_wait3A_85 = arith.constant 1 : i32
    %dma_wait3A_86 = arith.constant 0 : i32
    %dma_wait3A_87 = tpu.memref_slice %arg7[%dma_wait3A_85, %dma_wait3A_86] : memref<4x80xi32, #tpu.memory_space<vmem>> -> memref<1x80xi32, #tpu.memory_space<vmem>>
    %dma_wait3A_88 = tpu.memref_squeeze %dma_wait3A_87 : memref<1x80xi32, #tpu.memory_space<vmem>> -> memref<80xi32, #tpu.memory_space<vmem>>
    %dma_wait3A_89 = tpu.memref_slice %arg2[%multiple_of3A_5] : memref<327680xi32, #tpu.memory_space<hbm>> -> memref<80xi32, #tpu.memory_space<hbm>>
    %dma_wait3A_90 = arith.constant 0 : i32
    %dma_wait3A_91 = tpu.memref_slice %arg7[%dma_wait3A_85, %dma_wait3A_90] : memref<4x80xi32, #tpu.memory_space<vmem>> -> memref<1x80xi32, #tpu.memory_space<vmem>>
    %dma_wait3A_92 = tpu.memref_squeeze %dma_wait3A_91 : memref<1x80xi32, #tpu.memory_space<vmem>> -> memref<80xi32, #tpu.memory_space<vmem>>
    %dma_wait3A_93 = tpu.memref_slice %arg2[%multiple_of3A_5] : memref<327680xi32, #tpu.memory_space<hbm>> -> memref<80xi32, #tpu.memory_space<hbm>>
    tpu.wait_dma2 semaphore(%arg16 : memref<!tpu.dma_semaphore, #tpu.memory_space<semaphore_mem>>) src(%dma_wait3A_93 : memref<80xi32, #tpu.memory_space<hbm>>) dst(%dma_wait3A_92 : memref<80xi32, #tpu.memory_space<vmem>>)
    %dma_start3A_94 = arith.constant 1 : i32
    %dma_start3A_95 = arith.constant 1 : i32
    %dma_start3A_96 = arith.constant 0 : i32
    %dma_start3A_97 = arith.constant 0 : i32
    %dma_start3A_98 = tpu.memref_slice %arg9[%dma_start3A_95, %dma_start3A_96, %dma_start3A_97] : memref<4x80x128xf32, #tpu.memory_space<vmem>> -> memref<1x80x128xf32, #tpu.memory_space<vmem>>
    %dma_start3A_99 = tpu.memref_squeeze %dma_start3A_98 : memref<1x80x128xf32, #tpu.memory_space<vmem>> -> memref<80x128xf32, #tpu.memory_space<vmem>>
    %dma_start3A_100 = arith.constant 0 : i32
    %dma_start3A_101 = tpu.memref_slice %arg7[%dma_start3A_94, %dma_start3A_100] : memref<4x80xi32, #tpu.memory_space<vmem>> -> memref<1x80xi32, #tpu.memory_space<vmem>>
    %dma_start3A_102 = tpu.memref_squeeze %dma_start3A_101 : memref<1x80xi32, #tpu.memory_space<vmem>> -> memref<80xi32, #tpu.memory_space<vmem>>
    %dma_start3A_103 = arith.constant 0 : i32
    %dma_start3A_104 = arith.constant 0 : i32
    %dma_start3A_105 = tpu.memref_slice %arg4[%dma_start3A_103, %dma_start3A_104] : memref<10240x128xf32, #tpu.memory_space<hbm>> -> memref<10240x128xf32, #tpu.memory_space<hbm>>
    tpu.enqueue_indirect_dma source(%dma_start3A_105 : memref<10240x128xf32, #tpu.memory_space<hbm>>) target(%dma_start3A_99 : memref<80x128xf32, #tpu.memory_space<vmem>>) offsets(%dma_start3A_102 : memref<80xi32, #tpu.memory_space<vmem>>) semaphore(%arg12 : memref<!tpu.dma_semaphore, #tpu.memory_space<semaphore_mem>>)
    %scan3A = arith.constant 0 : i32
    %scan3A_106 = arith.constant 0 : i32
    %scan3A_107 = arith.constant 5 : i32
    %scan3A_108 = arith.addi %scan3A_106, %scan3A_107 : i32
    %scan3A_109 = arith.constant 1 : i32
    scf.for %scan3A_172 = %scan3A_106 to %scan3A_108 step %scan3A_109  : i32 {
      %mul3A_173 = arith.constant 128 : i32
      %mul3A_174 = arith.muli %scan3A_172, %mul3A_173 : i32
      %add3A_175 = arith.addi %multiple_of3A, %mul3A_174 : i32
      %multiple_of3A_176 = tpu.assume_multiple %add3A_175, 128 : i32
      "tpu.region"() ({
        %run_scoped3A = tpu.sem_alloc : memref<!tpu.dma_semaphore, #tpu.memory_space<semaphore_mem>>
        %dma_start3A_177 = arith.constant 0 : i32
        %dma_start3A_178 = tpu.memref_slice %arg10[%multiple_of3A_176, %dma_start3A_177] : memref<10240x128xf32, #tpu.memory_space<vmem_shared>> -> memref<128x128xf32, #tpu.memory_space<vmem_shared>>
        tpu.enqueue_dma source(%arg5 : memref<128x128xf32, #tpu.memory_space<hbm>>) target(%dma_start3A_178 : memref<128x128xf32, #tpu.memory_space<vmem_shared>>) target_semaphore(%run_scoped3A : memref<!tpu.dma_semaphore, #tpu.memory_space<semaphore_mem>>)
        %dma_wait3A_179 = arith.constant 0 : i32
        %dma_wait3A_180 = tpu.memref_slice %arg10[%multiple_of3A_176, %dma_wait3A_179] : memref<10240x128xf32, #tpu.memory_space<vmem_shared>> -> memref<128x128xf32, #tpu.memory_space<vmem_shared>>
        tpu.wait_dma2 semaphore(%run_scoped3A : memref<!tpu.dma_semaphore, #tpu.memory_space<semaphore_mem>>) src(%arg5 : memref<128x128xf32, #tpu.memory_space<hbm>>) dst(%dma_wait3A_180 : memref<128x128xf32, #tpu.memory_space<vmem_shared>>)
        tpu.yield
      }) : () -> ()
    }
    %scan3A_110 = arith.constant 5 : i32
    %barrier3A = arith.constant 0 : index
    tpu.barrier barrier_id(%barrier3A)
    %scan3A_111 = arith.constant 0 : i32
    %scan3A_112 = arith.constant 0 : i32
    %scan3A_113 = arith.constant 32 : i32
    %scan3A_114 = arith.addi %scan3A_112, %scan3A_113 : i32
    %scan3A_115 = arith.constant 1 : i32
    scf.for %scan3A_172 = %scan3A_112 to %scan3A_114 step %scan3A_115  : i32 {
      %mul3A_173 = arith.constant 4 : i32
      %mul3A_174 = arith.muli %scan3A_172, %mul3A_173 : i32
      %add3A_175 = arith.constant 0 : i32
      %add3A_176 = arith.addi %mul3A_174, %add3A_175 : i32
      %add3A_177 = arith.constant 2 : i32
      %add3A_178 = arith.addi %add3A_176, %add3A_177 : i32
      %le3A = arith.constant 127 : i32
      %le3A_179 = arith.cmpi sle, %add3A_178, %le3A : i32
      %convert_element_type3A = arith.extui %le3A_179 : i1 to i32
      %cond3A = arith.constant 0 : i32
      %cond3A_180 = arith.cmpi ne, %convert_element_type3A, %cond3A : i32
      scf.if %cond3A_180 {
        %sub3A = arith.constant 2 : i32
        %sub3A_410 = arith.subi %add3A_176, %sub3A : i32
        %ge3A = arith.constant 0 : i32
        %ge3A_411 = arith.cmpi sge, %sub3A_410, %ge3A : i32
        %convert_element_type3A_412 = arith.extui %ge3A_411 : i1 to i32
        %cond3A_413 = arith.constant 0 : i32
        %cond3A_414 = arith.cmpi ne, %convert_element_type3A_412, %cond3A_413 : i32
        scf.if %cond3A_414 {
          %dma_wait3A_430 = arith.constant 2 : i32
          %dma_wait3A_431 = arith.constant 0 : i32
          %dma_wait3A_432 = arith.constant 0 : i32
          %dma_wait3A_433 = arith.constant 0 : i32
          %dma_wait3A_434 = tpu.memref_slice %arg9[%dma_wait3A_430, %dma_wait3A_432, %dma_wait3A_433] : memref<4x80x128xf32, #tpu.memory_space<vmem>> -> memref<1x80x128xf32, #tpu.memory_space<vmem>>
          %dma_wait3A_435 = tpu.memref_squeeze %dma_wait3A_434 : memref<1x80x128xf32, #tpu.memory_space<vmem>> -> memref<80x128xf32, #tpu.memory_space<vmem>>
          %dma_wait3A_436 = arith.constant 0 : i32
          %dma_wait3A_437 = tpu.memref_slice %arg8[%dma_wait3A_431, %dma_wait3A_436] : memref<4x80xi32, #tpu.memory_space<vmem>> -> memref<1x80xi32, #tpu.memory_space<vmem>>
          %dma_wait3A_438 = tpu.memref_squeeze %dma_wait3A_437 : memref<1x80xi32, #tpu.memory_space<vmem>> -> memref<80xi32, #tpu.memory_space<vmem>>
          %dma_wait3A_439 = arith.constant 0 : i32
          %dma_wait3A_440 = arith.constant 0 : i32
          %dma_wait3A_441 = tpu.memref_slice %arg10[%dma_wait3A_439, %dma_wait3A_440] : memref<10240x128xf32, #tpu.memory_space<vmem_shared>> -> memref<10240x128xf32, #tpu.memory_space<vmem_shared>>
          tpu.wait_indirect_dma semaphore(%arg25 : memref<!tpu.dma_semaphore, #tpu.memory_space<semaphore_mem>>) src(%dma_wait3A_435 : memref<80x128xf32, #tpu.memory_space<vmem>>) dst(%dma_wait3A_441 : memref<10240x128xf32, #tpu.memory_space<vmem_shared>>)
        } else {
        }
        %add3A_415 = arith.constant 2 : i32
        %add3A_416 = arith.addi %add3A_176, %add3A_415 : i32
        %mul3A_417 = arith.constant 80 : i32
        %mul3A_418 = arith.muli %add3A_416, %mul3A_417 : i32
        %add3A_419 = arith.addi %multiple_of3A_5, %mul3A_418 : i32
        %multiple_of3A_420 = tpu.assume_multiple %add3A_419, 80 : i32
        %dma_start3A_421 = arith.constant 2 : i32
        %dma_start3A_422 = arith.constant 0 : i32
        %dma_start3A_423 = tpu.memref_slice %arg8[%dma_start3A_421, %dma_start3A_422] : memref<4x80xi32, #tpu.memory_space<vmem>> -> memref<1x80xi32, #tpu.memory_space<vmem>>
        %dma_start3A_424 = tpu.memref_squeeze %dma_start3A_423 : memref<1x80xi32, #tpu.memory_space<vmem>> -> memref<80xi32, #tpu.memory_space<vmem>>
        %dma_start3A_425 = tpu.memref_slice %arg3[%multiple_of3A_420] : memref<327680xi32, #tpu.memory_space<hbm>> -> memref<80xi32, #tpu.memory_space<hbm>>
        %dma_start3A_426 = arith.constant 0 : i32
        %dma_start3A_427 = tpu.memref_slice %arg8[%dma_start3A_421, %dma_start3A_426] : memref<4x80xi32, #tpu.memory_space<vmem>> -> memref<1x80xi32, #tpu.memory_space<vmem>>
        %dma_start3A_428 = tpu.memref_squeeze %dma_start3A_427 : memref<1x80xi32, #tpu.memory_space<vmem>> -> memref<80xi32, #tpu.memory_space<vmem>>
        %dma_start3A_429 = tpu.memref_slice %arg3[%multiple_of3A_420] : memref<327680xi32, #tpu.memory_space<hbm>> -> memref<80xi32, #tpu.memory_space<hbm>>
        tpu.enqueue_dma source(%dma_start3A_429 : memref<80xi32, #tpu.memory_space<hbm>>) target(%dma_start3A_428 : memref<80xi32, #tpu.memory_space<vmem>>) target_semaphore(%arg21 : memref<!tpu.dma_semaphore, #tpu.memory_space<semaphore_mem>>)
      } else {
      }
      %add3A_181 = arith.constant 2 : i32
      %add3A_182 = arith.addi %add3A_176, %add3A_181 : i32
      %add3A_183 = arith.constant 1 : i32
      %add3A_184 = arith.addi %add3A_182, %add3A_183 : i32
      %le3A_185 = arith.constant 127 : i32
      %le3A_186 = arith.cmpi sle, %add3A_184, %le3A_185 : i32
      %convert_element_type3A_187 = arith.extui %le3A_186 : i1 to i32
      %cond3A_188 = arith.constant 0 : i32
      %cond3A_189 = arith.cmpi ne, %convert_element_type3A_187, %cond3A_188 : i32
      scf.if %cond3A_189 {
        %add3A_410 = arith.constant 2 : i32
        %add3A_411 = arith.addi %add3A_176, %add3A_410 : i32
        %add3A_412 = arith.constant 1 : i32
        %add3A_413 = arith.addi %add3A_411, %add3A_412 : i32
        %mul3A_414 = arith.constant 80 : i32
        %mul3A_415 = arith.muli %add3A_413, %mul3A_414 : i32
        %add3A_416 = arith.addi %multiple_of3A_5, %mul3A_415 : i32
        %multiple_of3A_417 = tpu.assume_multiple %add3A_416, 80 : i32
        %dma_start3A_418 = arith.constant 3 : i32
        %dma_start3A_419 = arith.constant 0 : i32
        %dma_start3A_420 = tpu.memref_slice %arg7[%dma_start3A_418, %dma_start3A_419] : memref<4x80xi32, #tpu.memory_space<vmem>> -> memref<1x80xi32, #tpu.memory_space<vmem>>
        %dma_start3A_421 = tpu.memref_squeeze %dma_start3A_420 : memref<1x80xi32, #tpu.memory_space<vmem>> -> memref<80xi32, #tpu.memory_space<vmem>>
        %dma_start3A_422 = tpu.memref_slice %arg2[%multiple_of3A_417] : memref<327680xi32, #tpu.memory_space<hbm>> -> memref<80xi32, #tpu.memory_space<hbm>>
        %dma_start3A_423 = arith.constant 0 : i32
        %dma_start3A_424 = tpu.memref_slice %arg7[%dma_start3A_418, %dma_start3A_423] : memref<4x80xi32, #tpu.memory_space<vmem>> -> memref<1x80xi32, #tpu.memory_space<vmem>>
        %dma_start3A_425 = tpu.memref_squeeze %dma_start3A_424 : memref<1x80xi32, #tpu.memory_space<vmem>> -> memref<80xi32, #tpu.memory_space<vmem>>
        %dma_start3A_426 = tpu.memref_slice %arg2[%multiple_of3A_417] : memref<327680xi32, #tpu.memory_space<hbm>> -> memref<80xi32, #tpu.memory_space<hbm>>
        tpu.enqueue_dma source(%dma_start3A_426 : memref<80xi32, #tpu.memory_space<hbm>>) target(%dma_start3A_425 : memref<80xi32, #tpu.memory_space<vmem>>) target_semaphore(%arg18 : memref<!tpu.dma_semaphore, #tpu.memory_space<semaphore_mem>>)
      } else {
      }
      %add3A_190 = arith.constant 2 : i32
      %add3A_191 = arith.addi %add3A_176, %add3A_190 : i32
      %le3A_192 = arith.constant 127 : i32
      %le3A_193 = arith.cmpi sle, %add3A_191, %le3A_192 : i32
      %convert_element_type3A_194 = arith.extui %le3A_193 : i1 to i32
      %cond3A_195 = arith.constant 0 : i32
      %cond3A_196 = arith.cmpi ne, %convert_element_type3A_194, %cond3A_195 : i32
      scf.if %cond3A_196 {
        %dma_wait3A_410 = arith.constant 2 : i32
        %dma_wait3A_411 = arith.constant 0 : i32
        %dma_wait3A_412 = tpu.memref_slice %arg7[%dma_wait3A_410, %dma_wait3A_411] : memref<4x80xi32, #tpu.memory_space<vmem>> -> memref<1x80xi32, #tpu.memory_space<vmem>>
        %dma_wait3A_413 = tpu.memref_squeeze %dma_wait3A_412 : memref<1x80xi32, #tpu.memory_space<vmem>> -> memref<80xi32, #tpu.memory_space<vmem>>
        %dma_wait3A_414 = tpu.memref_slice %arg2[%multiple_of3A_5] : memref<327680xi32, #tpu.memory_space<hbm>> -> memref<80xi32, #tpu.memory_space<hbm>>
        %dma_wait3A_415 = arith.constant 0 : i32
        %dma_wait3A_416 = tpu.memref_slice %arg7[%dma_wait3A_410, %dma_wait3A_415] : memref<4x80xi32, #tpu.memory_space<vmem>> -> memref<1x80xi32, #tpu.memory_space<vmem>>
        %dma_wait3A_417 = tpu.memref_squeeze %dma_wait3A_416 : memref<1x80xi32, #tpu.memory_space<vmem>> -> memref<80xi32, #tpu.memory_space<vmem>>
        %dma_wait3A_418 = tpu.memref_slice %arg2[%multiple_of3A_5] : memref<327680xi32, #tpu.memory_space<hbm>> -> memref<80xi32, #tpu.memory_space<hbm>>
        tpu.wait_dma2 semaphore(%arg17 : memref<!tpu.dma_semaphore, #tpu.memory_space<semaphore_mem>>) src(%dma_wait3A_418 : memref<80xi32, #tpu.memory_space<hbm>>) dst(%dma_wait3A_417 : memref<80xi32, #tpu.memory_space<vmem>>)
        %dma_start3A_419 = arith.constant 2 : i32
        %dma_start3A_420 = arith.constant 2 : i32
        %dma_start3A_421 = arith.constant 0 : i32
        %dma_start3A_422 = arith.constant 0 : i32
        %dma_start3A_423 = tpu.memref_slice %arg9[%dma_start3A_420, %dma_start3A_421, %dma_start3A_422] : memref<4x80x128xf32, #tpu.memory_space<vmem>> -> memref<1x80x128xf32, #tpu.memory_space<vmem>>
        %dma_start3A_424 = tpu.memref_squeeze %dma_start3A_423 : memref<1x80x128xf32, #tpu.memory_space<vmem>> -> memref<80x128xf32, #tpu.memory_space<vmem>>
        %dma_start3A_425 = arith.constant 0 : i32
        %dma_start3A_426 = tpu.memref_slice %arg7[%dma_start3A_419, %dma_start3A_425] : memref<4x80xi32, #tpu.memory_space<vmem>> -> memref<1x80xi32, #tpu.memory_space<vmem>>
        %dma_start3A_427 = tpu.memref_squeeze %dma_start3A_426 : memref<1x80xi32, #tpu.memory_space<vmem>> -> memref<80xi32, #tpu.memory_space<vmem>>
        %dma_start3A_428 = arith.constant 0 : i32
        %dma_start3A_429 = arith.constant 0 : i32
        %dma_start3A_430 = tpu.memref_slice %arg4[%dma_start3A_428, %dma_start3A_429] : memref<10240x128xf32, #tpu.memory_space<hbm>> -> memref<10240x128xf32, #tpu.memory_space<hbm>>
        tpu.enqueue_indirect_dma source(%dma_start3A_430 : memref<10240x128xf32, #tpu.memory_space<hbm>>) target(%dma_start3A_424 : memref<80x128xf32, #tpu.memory_space<vmem>>) offsets(%dma_start3A_427 : memref<80xi32, #tpu.memory_space<vmem>>) semaphore(%arg13 : memref<!tpu.dma_semaphore, #tpu.memory_space<semaphore_mem>>)
      } else {
      }
      %dma_wait3A_197 = arith.constant 0 : i32
      %dma_wait3A_198 = arith.constant 0 : i32
      %dma_wait3A_199 = arith.constant 0 : i32
      %dma_wait3A_200 = arith.constant 0 : i32
      %dma_wait3A_201 = tpu.memref_slice %arg9[%dma_wait3A_198, %dma_wait3A_199, %dma_wait3A_200] : memref<4x80x128xf32, #tpu.memory_space<vmem>> -> memref<1x80x128xf32, #tpu.memory_space<vmem>>
      %dma_wait3A_202 = tpu.memref_squeeze %dma_wait3A_201 : memref<1x80x128xf32, #tpu.memory_space<vmem>> -> memref<80x128xf32, #tpu.memory_space<vmem>>
      %dma_wait3A_203 = arith.constant 0 : i32
      %dma_wait3A_204 = tpu.memref_slice %arg7[%dma_wait3A_197, %dma_wait3A_203] : memref<4x80xi32, #tpu.memory_space<vmem>> -> memref<1x80xi32, #tpu.memory_space<vmem>>
      %dma_wait3A_205 = tpu.memref_squeeze %dma_wait3A_204 : memref<1x80xi32, #tpu.memory_space<vmem>> -> memref<80xi32, #tpu.memory_space<vmem>>
      %dma_wait3A_206 = arith.constant 0 : i32
      %dma_wait3A_207 = arith.constant 0 : i32
      %dma_wait3A_208 = tpu.memref_slice %arg4[%dma_wait3A_206, %dma_wait3A_207] : memref<10240x128xf32, #tpu.memory_space<hbm>> -> memref<10240x128xf32, #tpu.memory_space<hbm>>
      tpu.wait_indirect_dma semaphore(%arg11 : memref<!tpu.dma_semaphore, #tpu.memory_space<semaphore_mem>>) src(%dma_wait3A_208 : memref<10240x128xf32, #tpu.memory_space<hbm>>) dst(%dma_wait3A_202 : memref<80x128xf32, #tpu.memory_space<vmem>>)
      %dma_wait3A_209 = arith.constant 0 : i32
      %dma_wait3A_210 = arith.constant 0 : i32
      %dma_wait3A_211 = tpu.memref_slice %arg8[%dma_wait3A_209, %dma_wait3A_210] : memref<4x80xi32, #tpu.memory_space<vmem>> -> memref<1x80xi32, #tpu.memory_space<vmem>>
      %dma_wait3A_212 = tpu.memref_squeeze %dma_wait3A_211 : memref<1x80xi32, #tpu.memory_space<vmem>> -> memref<80xi32, #tpu.memory_space<vmem>>
      %dma_wait3A_213 = tpu.memref_slice %arg3[%multiple_of3A_5] : memref<327680xi32, #tpu.memory_space<hbm>> -> memref<80xi32, #tpu.memory_space<hbm>>
      %dma_wait3A_214 = arith.constant 0 : i32
      %dma_wait3A_215 = tpu.memref_slice %arg8[%dma_wait3A_209, %dma_wait3A_214] : memref<4x80xi32, #tpu.memory_space<vmem>> -> memref<1x80xi32, #tpu.memory_space<vmem>>
      %dma_wait3A_216 = tpu.memref_squeeze %dma_wait3A_215 : memref<1x80xi32, #tpu.memory_space<vmem>> -> memref<80xi32, #tpu.memory_space<vmem>>
      %dma_wait3A_217 = tpu.memref_slice %arg3[%multiple_of3A_5] : memref<327680xi32, #tpu.memory_space<hbm>> -> memref<80xi32, #tpu.memory_space<hbm>>
      tpu.wait_dma2 semaphore(%arg19 : memref<!tpu.dma_semaphore, #tpu.memory_space<semaphore_mem>>) src(%dma_wait3A_217 : memref<80xi32, #tpu.memory_space<hbm>>) dst(%dma_wait3A_216 : memref<80xi32, #tpu.memory_space<vmem>>)
      %dma_start3A_218 = arith.constant 0 : i32
      %dma_start3A_219 = arith.constant 0 : i32
      %dma_start3A_220 = arith.constant 0 : i32
      %dma_start3A_221 = arith.constant 0 : i32
      %dma_start3A_222 = tpu.memref_slice %arg9[%dma_start3A_218, %dma_start3A_220, %dma_start3A_221] : memref<4x80x128xf32, #tpu.memory_space<vmem>> -> memref<1x80x128xf32, #tpu.memory_space<vmem>>
      %dma_start3A_223 = tpu.memref_squeeze %dma_start3A_222 : memref<1x80x128xf32, #tpu.memory_space<vmem>> -> memref<80x128xf32, #tpu.memory_space<vmem>>
      %dma_start3A_224 = arith.constant 0 : i32
      %dma_start3A_225 = tpu.memref_slice %arg8[%dma_start3A_219, %dma_start3A_224] : memref<4x80xi32, #tpu.memory_space<vmem>> -> memref<1x80xi32, #tpu.memory_space<vmem>>
      %dma_start3A_226 = tpu.memref_squeeze %dma_start3A_225 : memref<1x80xi32, #tpu.memory_space<vmem>> -> memref<80xi32, #tpu.memory_space<vmem>>
      %dma_start3A_227 = arith.constant 0 : i32
      %dma_start3A_228 = arith.constant 0 : i32
      %dma_start3A_229 = tpu.memref_slice %arg10[%dma_start3A_227, %dma_start3A_228] : memref<10240x128xf32, #tpu.memory_space<vmem_shared>> -> memref<10240x128xf32, #tpu.memory_space<vmem_shared>>
      tpu.enqueue_indirect_dma source(%dma_start3A_223 : memref<80x128xf32, #tpu.memory_space<vmem>>) target(%dma_start3A_229 : memref<10240x128xf32, #tpu.memory_space<vmem_shared>>) offsets(%dma_start3A_226 : memref<80xi32, #tpu.memory_space<vmem>>) semaphore(%arg23 : memref<!tpu.dma_semaphore, #tpu.memory_space<semaphore_mem>>) {add = true}
      %mul3A_230 = arith.constant 4 : i32
      %mul3A_231 = arith.muli %scan3A_172, %mul3A_230 : i32
      %add3A_232 = arith.constant 1 : i32
      %add3A_233 = arith.addi %mul3A_231, %add3A_232 : i32
      %add3A_234 = arith.constant 2 : i32
      %add3A_235 = arith.addi %add3A_233, %add3A_234 : i32
      %le3A_236 = arith.constant 127 : i32
      %le3A_237 = arith.cmpi sle, %add3A_235, %le3A_236 : i32
      %convert_element_type3A_238 = arith.extui %le3A_237 : i1 to i32
      %cond3A_239 = arith.constant 0 : i32
      %cond3A_240 = arith.cmpi ne, %convert_element_type3A_238, %cond3A_239 : i32
      scf.if %cond3A_240 {
        %sub3A = arith.constant 2 : i32
        %sub3A_410 = arith.subi %add3A_233, %sub3A : i32
        %ge3A = arith.constant 0 : i32
        %ge3A_411 = arith.cmpi sge, %sub3A_410, %ge3A : i32
        %convert_element_type3A_412 = arith.extui %ge3A_411 : i1 to i32
        %cond3A_413 = arith.constant 0 : i32
        %cond3A_414 = arith.cmpi ne, %convert_element_type3A_412, %cond3A_413 : i32
        scf.if %cond3A_414 {
          %dma_wait3A_430 = arith.constant 3 : i32
          %dma_wait3A_431 = arith.constant 0 : i32
          %dma_wait3A_432 = arith.constant 0 : i32
          %dma_wait3A_433 = arith.constant 0 : i32
          %dma_wait3A_434 = tpu.memref_slice %arg9[%dma_wait3A_430, %dma_wait3A_432, %dma_wait3A_433] : memref<4x80x128xf32, #tpu.memory_space<vmem>> -> memref<1x80x128xf32, #tpu.memory_space<vmem>>
          %dma_wait3A_435 = tpu.memref_squeeze %dma_wait3A_434 : memref<1x80x128xf32, #tpu.memory_space<vmem>> -> memref<80x128xf32, #tpu.memory_space<vmem>>
          %dma_wait3A_436 = arith.constant 0 : i32
          %dma_wait3A_437 = tpu.memref_slice %arg8[%dma_wait3A_431, %dma_wait3A_436] : memref<4x80xi32, #tpu.memory_space<vmem>> -> memref<1x80xi32, #tpu.memory_space<vmem>>
          %dma_wait3A_438 = tpu.memref_squeeze %dma_wait3A_437 : memref<1x80xi32, #tpu.memory_space<vmem>> -> memref<80xi32, #tpu.memory_space<vmem>>
          %dma_wait3A_439 = arith.constant 0 : i32
          %dma_wait3A_440 = arith.constant 0 : i32
          %dma_wait3A_441 = tpu.memref_slice %arg10[%dma_wait3A_439, %dma_wait3A_440] : memref<10240x128xf32, #tpu.memory_space<vmem_shared>> -> memref<10240x128xf32, #tpu.memory_space<vmem_shared>>
          tpu.wait_indirect_dma semaphore(%arg26 : memref<!tpu.dma_semaphore, #tpu.memory_space<semaphore_mem>>) src(%dma_wait3A_435 : memref<80x128xf32, #tpu.memory_space<vmem>>) dst(%dma_wait3A_441 : memref<10240x128xf32, #tpu.memory_space<vmem_shared>>)
        } else {
        }
        %add3A_415 = arith.constant 2 : i32
        %add3A_416 = arith.addi %add3A_233, %add3A_415 : i32
        %mul3A_417 = arith.constant 80 : i32
        %mul3A_418 = arith.muli %add3A_416, %mul3A_417 : i32
        %add3A_419 = arith.addi %multiple_of3A_5, %mul3A_418 : i32
        %multiple_of3A_420 = tpu.assume_multiple %add3A_419, 80 : i32
        %dma_start3A_421 = arith.constant 3 : i32
        %dma_start3A_422 = arith.constant 0 : i32
        %dma_start3A_423 = tpu.memref_slice %arg8[%dma_start3A_421, %dma_start3A_422] : memref<4x80xi32, #tpu.memory_space<vmem>> -> memref<1x80xi32, #tpu.memory_space<vmem>>
        %dma_start3A_424 = tpu.memref_squeeze %dma_start3A_423 : memref<1x80xi32, #tpu.memory_space<vmem>> -> memref<80xi32, #tpu.memory_space<vmem>>
        %dma_start3A_425 = tpu.memref_slice %arg3[%multiple_of3A_420] : memref<327680xi32, #tpu.memory_space<hbm>> -> memref<80xi32, #tpu.memory_space<hbm>>
        %dma_start3A_426 = arith.constant 0 : i32
        %dma_start3A_427 = tpu.memref_slice %arg8[%dma_start3A_421, %dma_start3A_426] : memref<4x80xi32, #tpu.memory_space<vmem>> -> memref<1x80xi32, #tpu.memory_space<vmem>>
        %dma_start3A_428 = tpu.memref_squeeze %dma_start3A_427 : memref<1x80xi32, #tpu.memory_space<vmem>> -> memref<80xi32, #tpu.memory_space<vmem>>
        %dma_start3A_429 = tpu.memref_slice %arg3[%multiple_of3A_420] : memref<327680xi32, #tpu.memory_space<hbm>> -> memref<80xi32, #tpu.memory_space<hbm>>
        tpu.enqueue_dma source(%dma_start3A_429 : memref<80xi32, #tpu.memory_space<hbm>>) target(%dma_start3A_428 : memref<80xi32, #tpu.memory_space<vmem>>) target_semaphore(%arg22 : memref<!tpu.dma_semaphore, #tpu.memory_space<semaphore_mem>>)
      } else {
      }
      %add3A_241 = arith.constant 2 : i32
      %add3A_242 = arith.addi %add3A_233, %add3A_241 : i32
      %add3A_243 = arith.constant 1 : i32
      %add3A_244 = arith.addi %add3A_242, %add3A_243 : i32
      %le3A_245 = arith.constant 127 : i32
      %le3A_246 = arith.cmpi sle, %add3A_244, %le3A_245 : i32
      %convert_element_type3A_247 = arith.extui %le3A_246 : i1 to i32
      %cond3A_248 = arith.constant 0 : i32
      %cond3A_249 = arith.cmpi ne, %convert_element_type3A_247, %cond3A_248 : i32
      scf.if %cond3A_249 {
        %add3A_410 = arith.constant 2 : i32
        %add3A_411 = arith.addi %add3A_233, %add3A_410 : i32
        %add3A_412 = arith.constant 1 : i32
        %add3A_413 = arith.addi %add3A_411, %add3A_412 : i32
        %mul3A_414 = arith.constant 80 : i32
        %mul3A_415 = arith.muli %add3A_413, %mul3A_414 : i32
        %add3A_416 = arith.addi %multiple_of3A_5, %mul3A_415 : i32
        %multiple_of3A_417 = tpu.assume_multiple %add3A_416, 80 : i32
        %dma_start3A_418 = arith.constant 0 : i32
        %dma_start3A_419 = arith.constant 0 : i32
        %dma_start3A_420 = tpu.memref_slice %arg7[%dma_start3A_418, %dma_start3A_419] : memref<4x80xi32, #tpu.memory_space<vmem>> -> memref<1x80xi32, #tpu.memory_space<vmem>>
        %dma_start3A_421 = tpu.memref_squeeze %dma_start3A_420 : memref<1x80xi32, #tpu.memory_space<vmem>> -> memref<80xi32, #tpu.memory_space<vmem>>
        %dma_start3A_422 = tpu.memref_slice %arg2[%multiple_of3A_417] : memref<327680xi32, #tpu.memory_space<hbm>> -> memref<80xi32, #tpu.memory_space<hbm>>
        %dma_start3A_423 = arith.constant 0 : i32
        %dma_start3A_424 = tpu.memref_slice %arg7[%dma_start3A_418, %dma_start3A_423] : memref<4x80xi32, #tpu.memory_space<vmem>> -> memref<1x80xi32, #tpu.memory_space<vmem>>
        %dma_start3A_425 = tpu.memref_squeeze %dma_start3A_424 : memref<1x80xi32, #tpu.memory_space<vmem>> -> memref<80xi32, #tpu.memory_space<vmem>>
        %dma_start3A_426 = tpu.memref_slice %arg2[%multiple_of3A_417] : memref<327680xi32, #tpu.memory_space<hbm>> -> memref<80xi32, #tpu.memory_space<hbm>>
        tpu.enqueue_dma source(%dma_start3A_426 : memref<80xi32, #tpu.memory_space<hbm>>) target(%dma_start3A_425 : memref<80xi32, #tpu.memory_space<vmem>>) target_semaphore(%arg15 : memref<!tpu.dma_semaphore, #tpu.memory_space<semaphore_mem>>)
      } else {
      }
      %add3A_250 = arith.constant 2 : i32
      %add3A_251 = arith.addi %add3A_233, %add3A_250 : i32
      %le3A_252 = arith.constant 127 : i32
      %le3A_253 = arith.cmpi sle, %add3A_251, %le3A_252 : i32
      %convert_element_type3A_254 = arith.extui %le3A_253 : i1 to i32
      %cond3A_255 = arith.constant 0 : i32
      %cond3A_256 = arith.cmpi ne, %convert_element_type3A_254, %cond3A_255 : i32
      scf.if %cond3A_256 {
        %dma_wait3A_410 = arith.constant 3 : i32
        %dma_wait3A_411 = arith.constant 0 : i32
        %dma_wait3A_412 = tpu.memref_slice %arg7[%dma_wait3A_410, %dma_wait3A_411] : memref<4x80xi32, #tpu.memory_space<vmem>> -> memref<1x80xi32, #tpu.memory_space<vmem>>
        %dma_wait3A_413 = tpu.memref_squeeze %dma_wait3A_412 : memref<1x80xi32, #tpu.memory_space<vmem>> -> memref<80xi32, #tpu.memory_space<vmem>>
        %dma_wait3A_414 = tpu.memref_slice %arg2[%multiple_of3A_5] : memref<327680xi32, #tpu.memory_space<hbm>> -> memref<80xi32, #tpu.memory_space<hbm>>
        %dma_wait3A_415 = arith.constant 0 : i32
        %dma_wait3A_416 = tpu.memref_slice %arg7[%dma_wait3A_410, %dma_wait3A_415] : memref<4x80xi32, #tpu.memory_space<vmem>> -> memref<1x80xi32, #tpu.memory_space<vmem>>
        %dma_wait3A_417 = tpu.memref_squeeze %dma_wait3A_416 : memref<1x80xi32, #tpu.memory_space<vmem>> -> memref<80xi32, #tpu.memory_space<vmem>>
        %dma_wait3A_418 = tpu.memref_slice %arg2[%multiple_of3A_5] : memref<327680xi32, #tpu.memory_space<hbm>> -> memref<80xi32, #tpu.memory_space<hbm>>
        tpu.wait_dma2 semaphore(%arg18 : memref<!tpu.dma_semaphore, #tpu.memory_space<semaphore_mem>>) src(%dma_wait3A_418 : memref<80xi32, #tpu.memory_space<hbm>>) dst(%dma_wait3A_417 : memref<80xi32, #tpu.memory_space<vmem>>)
        %dma_start3A_419 = arith.constant 3 : i32
        %dma_start3A_420 = arith.constant 3 : i32
        %dma_start3A_421 = arith.constant 0 : i32
        %dma_start3A_422 = arith.constant 0 : i32
        %dma_start3A_423 = tpu.memref_slice %arg9[%dma_start3A_420, %dma_start3A_421, %dma_start3A_422] : memref<4x80x128xf32, #tpu.memory_space<vmem>> -> memref<1x80x128xf32, #tpu.memory_space<vmem>>
        %dma_start3A_424 = tpu.memref_squeeze %dma_start3A_423 : memref<1x80x128xf32, #tpu.memory_space<vmem>> -> memref<80x128xf32, #tpu.memory_space<vmem>>
        %dma_start3A_425 = arith.constant 0 : i32
        %dma_start3A_426 = tpu.memref_slice %arg7[%dma_start3A_419, %dma_start3A_425] : memref<4x80xi32, #tpu.memory_space<vmem>> -> memref<1x80xi32, #tpu.memory_space<vmem>>
        %dma_start3A_427 = tpu.memref_squeeze %dma_start3A_426 : memref<1x80xi32, #tpu.memory_space<vmem>> -> memref<80xi32, #tpu.memory_space<vmem>>
        %dma_start3A_428 = arith.constant 0 : i32
        %dma_start3A_429 = arith.constant 0 : i32
        %dma_start3A_430 = tpu.memref_slice %arg4[%dma_start3A_428, %dma_start3A_429] : memref<10240x128xf32, #tpu.memory_space<hbm>> -> memref<10240x128xf32, #tpu.memory_space<hbm>>
        tpu.enqueue_indirect_dma source(%dma_start3A_430 : memref<10240x128xf32, #tpu.memory_space<hbm>>) target(%dma_start3A_424 : memref<80x128xf32, #tpu.memory_space<vmem>>) offsets(%dma_start3A_427 : memref<80xi32, #tpu.memory_space<vmem>>) semaphore(%arg14 : memref<!tpu.dma_semaphore, #tpu.memory_space<semaphore_mem>>)
      } else {
      }
      %dma_wait3A_257 = arith.constant 0 : i32
      %dma_wait3A_258 = arith.constant 1 : i32
      %dma_wait3A_259 = arith.constant 0 : i32
      %dma_wait3A_260 = arith.constant 0 : i32
      %dma_wait3A_261 = tpu.memref_slice %arg9[%dma_wait3A_258, %dma_wait3A_259, %dma_wait3A_260] : memref<4x80x128xf32, #tpu.memory_space<vmem>> -> memref<1x80x128xf32, #tpu.memory_space<vmem>>
      %dma_wait3A_262 = tpu.memref_squeeze %dma_wait3A_261 : memref<1x80x128xf32, #tpu.memory_space<vmem>> -> memref<80x128xf32, #tpu.memory_space<vmem>>
      %dma_wait3A_263 = arith.constant 0 : i32
      %dma_wait3A_264 = tpu.memref_slice %arg7[%dma_wait3A_257, %dma_wait3A_263] : memref<4x80xi32, #tpu.memory_space<vmem>> -> memref<1x80xi32, #tpu.memory_space<vmem>>
      %dma_wait3A_265 = tpu.memref_squeeze %dma_wait3A_264 : memref<1x80xi32, #tpu.memory_space<vmem>> -> memref<80xi32, #tpu.memory_space<vmem>>
      %dma_wait3A_266 = arith.constant 0 : i32
      %dma_wait3A_267 = arith.constant 0 : i32
      %dma_wait3A_268 = tpu.memref_slice %arg4[%dma_wait3A_266, %dma_wait3A_267] : memref<10240x128xf32, #tpu.memory_space<hbm>> -> memref<10240x128xf32, #tpu.memory_space<hbm>>
      tpu.wait_indirect_dma semaphore(%arg12 : memref<!tpu.dma_semaphore, #tpu.memory_space<semaphore_mem>>) src(%dma_wait3A_268 : memref<10240x128xf32, #tpu.memory_space<hbm>>) dst(%dma_wait3A_262 : memref<80x128xf32, #tpu.memory_space<vmem>>)
      %dma_wait3A_269 = arith.constant 1 : i32
      %dma_wait3A_270 = arith.constant 0 : i32
      %dma_wait3A_271 = tpu.memref_slice %arg8[%dma_wait3A_269, %dma_wait3A_270] : memref<4x80xi32, #tpu.memory_space<vmem>> -> memref<1x80xi32, #tpu.memory_space<vmem>>
      %dma_wait3A_272 = tpu.memref_squeeze %dma_wait3A_271 : memref<1x80xi32, #tpu.memory_space<vmem>> -> memref<80xi32, #tpu.memory_space<vmem>>
      %dma_wait3A_273 = tpu.memref_slice %arg3[%multiple_of3A_5] : memref<327680xi32, #tpu.memory_space<hbm>> -> memref<80xi32, #tpu.memory_space<hbm>>
      %dma_wait3A_274 = arith.constant 0 : i32
      %dma_wait3A_275 = tpu.memref_slice %arg8[%dma_wait3A_269, %dma_wait3A_274] : memref<4x80xi32, #tpu.memory_space<vmem>> -> memref<1x80xi32, #tpu.memory_space<vmem>>
      %dma_wait3A_276 = tpu.memref_squeeze %dma_wait3A_275 : memref<1x80xi32, #tpu.memory_space<vmem>> -> memref<80xi32, #tpu.memory_space<vmem>>
      %dma_wait3A_277 = tpu.memref_slice %arg3[%multiple_of3A_5] : memref<327680xi32, #tpu.memory_space<hbm>> -> memref<80xi32, #tpu.memory_space<hbm>>
      tpu.wait_dma2 semaphore(%arg20 : memref<!tpu.dma_semaphore, #tpu.memory_space<semaphore_mem>>) src(%dma_wait3A_277 : memref<80xi32, #tpu.memory_space<hbm>>) dst(%dma_wait3A_276 : memref<80xi32, #tpu.memory_space<vmem>>)
      %dma_start3A_278 = arith.constant 1 : i32
      %dma_start3A_279 = arith.constant 1 : i32
      %dma_start3A_280 = arith.constant 0 : i32
      %dma_start3A_281 = arith.constant 0 : i32
      %dma_start3A_282 = tpu.memref_slice %arg9[%dma_start3A_278, %dma_start3A_280, %dma_start3A_281] : memref<4x80x128xf32, #tpu.memory_space<vmem>> -> memref<1x80x128xf32, #tpu.memory_space<vmem>>
      %dma_start3A_283 = tpu.memref_squeeze %dma_start3A_282 : memref<1x80x128xf32, #tpu.memory_space<vmem>> -> memref<80x128xf32, #tpu.memory_space<vmem>>
      %dma_start3A_284 = arith.constant 0 : i32
      %dma_start3A_285 = tpu.memref_slice %arg8[%dma_start3A_279, %dma_start3A_284] : memref<4x80xi32, #tpu.memory_space<vmem>> -> memref<1x80xi32, #tpu.memory_space<vmem>>
      %dma_start3A_286 = tpu.memref_squeeze %dma_start3A_285 : memref<1x80xi32, #tpu.memory_space<vmem>> -> memref<80xi32, #tpu.memory_space<vmem>>
      %dma_start3A_287 = arith.constant 0 : i32
      %dma_start3A_288 = arith.constant 0 : i32
      %dma_start3A_289 = tpu.memref_slice %arg10[%dma_start3A_287, %dma_start3A_288] : memref<10240x128xf32, #tpu.memory_space<vmem_shared>> -> memref<10240x128xf32, #tpu.memory_space<vmem_shared>>
      tpu.enqueue_indirect_dma source(%dma_start3A_283 : memref<80x128xf32, #tpu.memory_space<vmem>>) target(%dma_start3A_289 : memref<10240x128xf32, #tpu.memory_space<vmem_shared>>) offsets(%dma_start3A_286 : memref<80xi32, #tpu.memory_space<vmem>>) semaphore(%arg24 : memref<!tpu.dma_semaphore, #tpu.memory_space<semaphore_mem>>) {add = true}
      %mul3A_290 = arith.constant 4 : i32
      %mul3A_291 = arith.muli %scan3A_172, %mul3A_290 : i32
      %add3A_292 = arith.constant 2 : i32
      %add3A_293 = arith.addi %mul3A_291, %add3A_292 : i32
      %add3A_294 = arith.constant 2 : i32
      %add3A_295 = arith.addi %add3A_293, %add3A_294 : i32
      %le3A_296 = arith.constant 127 : i32
      %le3A_297 = arith.cmpi sle, %add3A_295, %le3A_296 : i32
      %convert_element_type3A_298 = arith.extui %le3A_297 : i1 to i32
      %cond3A_299 = arith.constant 0 : i32
      %cond3A_300 = arith.cmpi ne, %convert_element_type3A_298, %cond3A_299 : i32
      scf.if %cond3A_300 {
        %sub3A = arith.constant 2 : i32
        %sub3A_410 = arith.subi %add3A_293, %sub3A : i32
        %ge3A = arith.constant 0 : i32
        %ge3A_411 = arith.cmpi sge, %sub3A_410, %ge3A : i32
        %convert_element_type3A_412 = arith.extui %ge3A_411 : i1 to i32
        %cond3A_413 = arith.constant 0 : i32
        %cond3A_414 = arith.cmpi ne, %convert_element_type3A_412, %cond3A_413 : i32
        scf.if %cond3A_414 {
          %dma_wait3A_430 = arith.constant 0 : i32
          %dma_wait3A_431 = arith.constant 0 : i32
          %dma_wait3A_432 = arith.constant 0 : i32
          %dma_wait3A_433 = arith.constant 0 : i32
          %dma_wait3A_434 = tpu.memref_slice %arg9[%dma_wait3A_430, %dma_wait3A_432, %dma_wait3A_433] : memref<4x80x128xf32, #tpu.memory_space<vmem>> -> memref<1x80x128xf32, #tpu.memory_space<vmem>>
          %dma_wait3A_435 = tpu.memref_squeeze %dma_wait3A_434 : memref<1x80x128xf32, #tpu.memory_space<vmem>> -> memref<80x128xf32, #tpu.memory_space<vmem>>
          %dma_wait3A_436 = arith.constant 0 : i32
          %dma_wait3A_437 = tpu.memref_slice %arg8[%dma_wait3A_431, %dma_wait3A_436] : memref<4x80xi32, #tpu.memory_space<vmem>> -> memref<1x80xi32, #tpu.memory_space<vmem>>
          %dma_wait3A_438 = tpu.memref_squeeze %dma_wait3A_437 : memref<1x80xi32, #tpu.memory_space<vmem>> -> memref<80xi32, #tpu.memory_space<vmem>>
          %dma_wait3A_439 = arith.constant 0 : i32
          %dma_wait3A_440 = arith.constant 0 : i32
          %dma_wait3A_441 = tpu.memref_slice %arg10[%dma_wait3A_439, %dma_wait3A_440] : memref<10240x128xf32, #tpu.memory_space<vmem_shared>> -> memref<10240x128xf32, #tpu.memory_space<vmem_shared>>
          tpu.wait_indirect_dma semaphore(%arg23 : memref<!tpu.dma_semaphore, #tpu.memory_space<semaphore_mem>>) src(%dma_wait3A_435 : memref<80x128xf32, #tpu.memory_space<vmem>>) dst(%dma_wait3A_441 : memref<10240x128xf32, #tpu.memory_space<vmem_shared>>)
        } else {
        }
        %add3A_415 = arith.constant 2 : i32
        %add3A_416 = arith.addi %add3A_293, %add3A_415 : i32
        %mul3A_417 = arith.constant 80 : i32
        %mul3A_418 = arith.muli %add3A_416, %mul3A_417 : i32
        %add3A_419 = arith.addi %multiple_of3A_5, %mul3A_418 : i32
        %multiple_of3A_420 = tpu.assume_multiple %add3A_419, 80 : i32
        %dma_start3A_421 = arith.constant 0 : i32
        %dma_start3A_422 = arith.constant 0 : i32
        %dma_start3A_423 = tpu.memref_slice %arg8[%dma_start3A_421, %dma_start3A_422] : memref<4x80xi32, #tpu.memory_space<vmem>> -> memref<1x80xi32, #tpu.memory_space<vmem>>
        %dma_start3A_424 = tpu.memref_squeeze %dma_start3A_423 : memref<1x80xi32, #tpu.memory_space<vmem>> -> memref<80xi32, #tpu.memory_space<vmem>>
        %dma_start3A_425 = tpu.memref_slice %arg3[%multiple_of3A_420] : memref<327680xi32, #tpu.memory_space<hbm>> -> memref<80xi32, #tpu.memory_space<hbm>>
        %dma_start3A_426 = arith.constant 0 : i32
        %dma_start3A_427 = tpu.memref_slice %arg8[%dma_start3A_421, %dma_start3A_426] : memref<4x80xi32, #tpu.memory_space<vmem>> -> memref<1x80xi32, #tpu.memory_space<vmem>>
        %dma_start3A_428 = tpu.memref_squeeze %dma_start3A_427 : memref<1x80xi32, #tpu.memory_space<vmem>> -> memref<80xi32, #tpu.memory_space<vmem>>
        %dma_start3A_429 = tpu.memref_slice %arg3[%multiple_of3A_420] : memref<327680xi32, #tpu.memory_space<hbm>> -> memref<80xi32, #tpu.memory_space<hbm>>
        tpu.enqueue_dma source(%dma_start3A_429 : memref<80xi32, #tpu.memory_space<hbm>>) target(%dma_start3A_428 : memref<80xi32, #tpu.memory_space<vmem>>) target_semaphore(%arg19 : memref<!tpu.dma_semaphore, #tpu.memory_space<semaphore_mem>>)
      } else {
      }
      %add3A_301 = arith.constant 2 : i32
      %add3A_302 = arith.addi %add3A_293, %add3A_301 : i32
      %add3A_303 = arith.constant 1 : i32
      %add3A_304 = arith.addi %add3A_302, %add3A_303 : i32
      %le3A_305 = arith.constant 127 : i32
      %le3A_306 = arith.cmpi sle, %add3A_304, %le3A_305 : i32
      %convert_element_type3A_307 = arith.extui %le3A_306 : i1 to i32
      %cond3A_308 = arith.constant 0 : i32
      %cond3A_309 = arith.cmpi ne, %convert_element_type3A_307, %cond3A_308 : i32
      scf.if %cond3A_309 {
        %add3A_410 = arith.constant 2 : i32
        %add3A_411 = arith.addi %add3A_293, %add3A_410 : i32
        %add3A_412 = arith.constant 1 : i32
        %add3A_413 = arith.addi %add3A_411, %add3A_412 : i32
        %mul3A_414 = arith.constant 80 : i32
        %mul3A_415 = arith.muli %add3A_413, %mul3A_414 : i32
        %add3A_416 = arith.addi %multiple_of3A_5, %mul3A_415 : i32
        %multiple_of3A_417 = tpu.assume_multiple %add3A_416, 80 : i32
        %dma_start3A_418 = arith.constant 1 : i32
        %dma_start3A_419 = arith.constant 0 : i32
        %dma_start3A_420 = tpu.memref_slice %arg7[%dma_start3A_418, %dma_start3A_419] : memref<4x80xi32, #tpu.memory_space<vmem>> -> memref<1x80xi32, #tpu.memory_space<vmem>>
        %dma_start3A_421 = tpu.memref_squeeze %dma_start3A_420 : memref<1x80xi32, #tpu.memory_space<vmem>> -> memref<80xi32, #tpu.memory_space<vmem>>
        %dma_start3A_422 = tpu.memref_slice %arg2[%multiple_of3A_417] : memref<327680xi32, #tpu.memory_space<hbm>> -> memref<80xi32, #tpu.memory_space<hbm>>
        %dma_start3A_423 = arith.constant 0 : i32
        %dma_start3A_424 = tpu.memref_slice %arg7[%dma_start3A_418, %dma_start3A_423] : memref<4x80xi32, #tpu.memory_space<vmem>> -> memref<1x80xi32, #tpu.memory_space<vmem>>
        %dma_start3A_425 = tpu.memref_squeeze %dma_start3A_424 : memref<1x80xi32, #tpu.memory_space<vmem>> -> memref<80xi32, #tpu.memory_space<vmem>>
        %dma_start3A_426 = tpu.memref_slice %arg2[%multiple_of3A_417] : memref<327680xi32, #tpu.memory_space<hbm>> -> memref<80xi32, #tpu.memory_space<hbm>>
        tpu.enqueue_dma source(%dma_start3A_426 : memref<80xi32, #tpu.memory_space<hbm>>) target(%dma_start3A_425 : memref<80xi32, #tpu.memory_space<vmem>>) target_semaphore(%arg16 : memref<!tpu.dma_semaphore, #tpu.memory_space<semaphore_mem>>)
      } else {
      }
      %add3A_310 = arith.constant 2 : i32
      %add3A_311 = arith.addi %add3A_293, %add3A_310 : i32
      %le3A_312 = arith.constant 127 : i32
      %le3A_313 = arith.cmpi sle, %add3A_311, %le3A_312 : i32
      %convert_element_type3A_314 = arith.extui %le3A_313 : i1 to i32
      %cond3A_315 = arith.constant 0 : i32
      %cond3A_316 = arith.cmpi ne, %convert_element_type3A_314, %cond3A_315 : i32
      scf.if %cond3A_316 {
        %dma_wait3A_410 = arith.constant 0 : i32
        %dma_wait3A_411 = arith.constant 0 : i32
        %dma_wait3A_412 = tpu.memref_slice %arg7[%dma_wait3A_410, %dma_wait3A_411] : memref<4x80xi32, #tpu.memory_space<vmem>> -> memref<1x80xi32, #tpu.memory_space<vmem>>
        %dma_wait3A_413 = tpu.memref_squeeze %dma_wait3A_412 : memref<1x80xi32, #tpu.memory_space<vmem>> -> memref<80xi32, #tpu.memory_space<vmem>>
        %dma_wait3A_414 = tpu.memref_slice %arg2[%multiple_of3A_5] : memref<327680xi32, #tpu.memory_space<hbm>> -> memref<80xi32, #tpu.memory_space<hbm>>
        %dma_wait3A_415 = arith.constant 0 : i32
        %dma_wait3A_416 = tpu.memref_slice %arg7[%dma_wait3A_410, %dma_wait3A_415] : memref<4x80xi32, #tpu.memory_space<vmem>> -> memref<1x80xi32, #tpu.memory_space<vmem>>
        %dma_wait3A_417 = tpu.memref_squeeze %dma_wait3A_416 : memref<1x80xi32, #tpu.memory_space<vmem>> -> memref<80xi32, #tpu.memory_space<vmem>>
        %dma_wait3A_418 = tpu.memref_slice %arg2[%multiple_of3A_5] : memref<327680xi32, #tpu.memory_space<hbm>> -> memref<80xi32, #tpu.memory_space<hbm>>
        tpu.wait_dma2 semaphore(%arg15 : memref<!tpu.dma_semaphore, #tpu.memory_space<semaphore_mem>>) src(%dma_wait3A_418 : memref<80xi32, #tpu.memory_space<hbm>>) dst(%dma_wait3A_417 : memref<80xi32, #tpu.memory_space<vmem>>)
        %dma_start3A_419 = arith.constant 0 : i32
        %dma_start3A_420 = arith.constant 0 : i32
        %dma_start3A_421 = arith.constant 0 : i32
        %dma_start3A_422 = arith.constant 0 : i32
        %dma_start3A_423 = tpu.memref_slice %arg9[%dma_start3A_420, %dma_start3A_421, %dma_start3A_422] : memref<4x80x128xf32, #tpu.memory_space<vmem>> -> memref<1x80x128xf32, #tpu.memory_space<vmem>>
        %dma_start3A_424 = tpu.memref_squeeze %dma_start3A_423 : memref<1x80x128xf32, #tpu.memory_space<vmem>> -> memref<80x128xf32, #tpu.memory_space<vmem>>
        %dma_start3A_425 = arith.constant 0 : i32
        %dma_start3A_426 = tpu.memref_slice %arg7[%dma_start3A_419, %dma_start3A_425] : memref<4x80xi32, #tpu.memory_space<vmem>> -> memref<1x80xi32, #tpu.memory_space<vmem>>
        %dma_start3A_427 = tpu.memref_squeeze %dma_start3A_426 : memref<1x80xi32, #tpu.memory_space<vmem>> -> memref<80xi32, #tpu.memory_space<vmem>>
        %dma_start3A_428 = arith.constant 0 : i32
        %dma_start3A_429 = arith.constant 0 : i32
        %dma_start3A_430 = tpu.memref_slice %arg4[%dma_start3A_428, %dma_start3A_429] : memref<10240x128xf32, #tpu.memory_space<hbm>> -> memref<10240x128xf32, #tpu.memory_space<hbm>>
        tpu.enqueue_indirect_dma source(%dma_start3A_430 : memref<10240x128xf32, #tpu.memory_space<hbm>>) target(%dma_start3A_424 : memref<80x128xf32, #tpu.memory_space<vmem>>) offsets(%dma_start3A_427 : memref<80xi32, #tpu.memory_space<vmem>>) semaphore(%arg11 : memref<!tpu.dma_semaphore, #tpu.memory_space<semaphore_mem>>)
      } else {
      }
      %dma_wait3A_317 = arith.constant 0 : i32
      %dma_wait3A_318 = arith.constant 2 : i32
      %dma_wait3A_319 = arith.constant 0 : i32
      %dma_wait3A_320 = arith.constant 0 : i32
      %dma_wait3A_321 = tpu.memref_slice %arg9[%dma_wait3A_318, %dma_wait3A_319, %dma_wait3A_320] : memref<4x80x128xf32, #tpu.memory_space<vmem>> -> memref<1x80x128xf32, #tpu.memory_space<vmem>>
      %dma_wait3A_322 = tpu.memref_squeeze %dma_wait3A_321 : memref<1x80x128xf32, #tpu.memory_space<vmem>> -> memref<80x128xf32, #tpu.memory_space<vmem>>
      %dma_wait3A_323 = arith.constant 0 : i32
      %dma_wait3A_324 = tpu.memref_slice %arg7[%dma_wait3A_317, %dma_wait3A_323] : memref<4x80xi32, #tpu.memory_space<vmem>> -> memref<1x80xi32, #tpu.memory_space<vmem>>
      %dma_wait3A_325 = tpu.memref_squeeze %dma_wait3A_324 : memref<1x80xi32, #tpu.memory_space<vmem>> -> memref<80xi32, #tpu.memory_space<vmem>>
      %dma_wait3A_326 = arith.constant 0 : i32
      %dma_wait3A_327 = arith.constant 0 : i32
      %dma_wait3A_328 = tpu.memref_slice %arg4[%dma_wait3A_326, %dma_wait3A_327] : memref<10240x128xf32, #tpu.memory_space<hbm>> -> memref<10240x128xf32, #tpu.memory_space<hbm>>
      tpu.wait_indirect_dma semaphore(%arg13 : memref<!tpu.dma_semaphore, #tpu.memory_space<semaphore_mem>>) src(%dma_wait3A_328 : memref<10240x128xf32, #tpu.memory_space<hbm>>) dst(%dma_wait3A_322 : memref<80x128xf32, #tpu.memory_space<vmem>>)
      %dma_wait3A_329 = arith.constant 2 : i32
      %dma_wait3A_330 = arith.constant 0 : i32
      %dma_wait3A_331 = tpu.memref_slice %arg8[%dma_wait3A_329, %dma_wait3A_330] : memref<4x80xi32, #tpu.memory_space<vmem>> -> memref<1x80xi32, #tpu.memory_space<vmem>>
      %dma_wait3A_332 = tpu.memref_squeeze %dma_wait3A_331 : memref<1x80xi32, #tpu.memory_space<vmem>> -> memref<80xi32, #tpu.memory_space<vmem>>
      %dma_wait3A_333 = tpu.memref_slice %arg3[%multiple_of3A_5] : memref<327680xi32, #tpu.memory_space<hbm>> -> memref<80xi32, #tpu.memory_space<hbm>>
      %dma_wait3A_334 = arith.constant 0 : i32
      %dma_wait3A_335 = tpu.memref_slice %arg8[%dma_wait3A_329, %dma_wait3A_334] : memref<4x80xi32, #tpu.memory_space<vmem>> -> memref<1x80xi32, #tpu.memory_space<vmem>>
      %dma_wait3A_336 = tpu.memref_squeeze %dma_wait3A_335 : memref<1x80xi32, #tpu.memory_space<vmem>> -> memref<80xi32, #tpu.memory_space<vmem>>
      %dma_wait3A_337 = tpu.memref_slice %arg3[%multiple_of3A_5] : memref<327680xi32, #tpu.memory_space<hbm>> -> memref<80xi32, #tpu.memory_space<hbm>>
      tpu.wait_dma2 semaphore(%arg21 : memref<!tpu.dma_semaphore, #tpu.memory_space<semaphore_mem>>) src(%dma_wait3A_337 : memref<80xi32, #tpu.memory_space<hbm>>) dst(%dma_wait3A_336 : memref<80xi32, #tpu.memory_space<vmem>>)
      %dma_start3A_338 = arith.constant 2 : i32
      %dma_start3A_339 = arith.constant 2 : i32
      %dma_start3A_340 = arith.constant 0 : i32
      %dma_start3A_341 = arith.constant 0 : i32
      %dma_start3A_342 = tpu.memref_slice %arg9[%dma_start3A_338, %dma_start3A_340, %dma_start3A_341] : memref<4x80x128xf32, #tpu.memory_space<vmem>> -> memref<1x80x128xf32, #tpu.memory_space<vmem>>
      %dma_start3A_343 = tpu.memref_squeeze %dma_start3A_342 : memref<1x80x128xf32, #tpu.memory_space<vmem>> -> memref<80x128xf32, #tpu.memory_space<vmem>>
      %dma_start3A_344 = arith.constant 0 : i32
      %dma_start3A_345 = tpu.memref_slice %arg8[%dma_start3A_339, %dma_start3A_344] : memref<4x80xi32, #tpu.memory_space<vmem>> -> memref<1x80xi32, #tpu.memory_space<vmem>>
      %dma_start3A_346 = tpu.memref_squeeze %dma_start3A_345 : memref<1x80xi32, #tpu.memory_space<vmem>> -> memref<80xi32, #tpu.memory_space<vmem>>
      %dma_start3A_347 = arith.constant 0 : i32
      %dma_start3A_348 = arith.constant 0 : i32
      %dma_start3A_349 = tpu.memref_slice %arg10[%dma_start3A_347, %dma_start3A_348] : memref<10240x128xf32, #tpu.memory_space<vmem_shared>> -> memref<10240x128xf32, #tpu.memory_space<vmem_shared>>
      tpu.enqueue_indirect_dma source(%dma_start3A_343 : memref<80x128xf32, #tpu.memory_space<vmem>>) target(%dma_start3A_349 : memref<10240x128xf32, #tpu.memory_space<vmem_shared>>) offsets(%dma_start3A_346 : memref<80xi32, #tpu.memory_space<vmem>>) semaphore(%arg25 : memref<!tpu.dma_semaphore, #tpu.memory_space<semaphore_mem>>) {add = true}
      %mul3A_350 = arith.constant 4 : i32
      %mul3A_351 = arith.muli %scan3A_172, %mul3A_350 : i32
      %add3A_352 = arith.constant 3 : i32
      %add3A_353 = arith.addi %mul3A_351, %add3A_352 : i32
      %add3A_354 = arith.constant 2 : i32
      %add3A_355 = arith.addi %add3A_353, %add3A_354 : i32
      %le3A_356 = arith.constant 127 : i32
      %le3A_357 = arith.cmpi sle, %add3A_355, %le3A_356 : i32
      %convert_element_type3A_358 = arith.extui %le3A_357 : i1 to i32
      %cond3A_359 = arith.constant 0 : i32
      %cond3A_360 = arith.cmpi ne, %convert_element_type3A_358, %cond3A_359 : i32
      scf.if %cond3A_360 {
        %sub3A = arith.constant 2 : i32
        %sub3A_410 = arith.subi %add3A_353, %sub3A : i32
        %ge3A = arith.constant 0 : i32
        %ge3A_411 = arith.cmpi sge, %sub3A_410, %ge3A : i32
        %convert_element_type3A_412 = arith.extui %ge3A_411 : i1 to i32
        %cond3A_413 = arith.constant 0 : i32
        %cond3A_414 = arith.cmpi ne, %convert_element_type3A_412, %cond3A_413 : i32
        scf.if %cond3A_414 {
          %dma_wait3A_430 = arith.constant 1 : i32
          %dma_wait3A_431 = arith.constant 0 : i32
          %dma_wait3A_432 = arith.constant 0 : i32
          %dma_wait3A_433 = arith.constant 0 : i32
          %dma_wait3A_434 = tpu.memref_slice %arg9[%dma_wait3A_430, %dma_wait3A_432, %dma_wait3A_433] : memref<4x80x128xf32, #tpu.memory_space<vmem>> -> memref<1x80x128xf32, #tpu.memory_space<vmem>>
          %dma_wait3A_435 = tpu.memref_squeeze %dma_wait3A_434 : memref<1x80x128xf32, #tpu.memory_space<vmem>> -> memref<80x128xf32, #tpu.memory_space<vmem>>
          %dma_wait3A_436 = arith.constant 0 : i32
          %dma_wait3A_437 = tpu.memref_slice %arg8[%dma_wait3A_431, %dma_wait3A_436] : memref<4x80xi32, #tpu.memory_space<vmem>> -> memref<1x80xi32, #tpu.memory_space<vmem>>
          %dma_wait3A_438 = tpu.memref_squeeze %dma_wait3A_437 : memref<1x80xi32, #tpu.memory_space<vmem>> -> memref<80xi32, #tpu.memory_space<vmem>>
          %dma_wait3A_439 = arith.constant 0 : i32
          %dma_wait3A_440 = arith.constant 0 : i32
          %dma_wait3A_441 = tpu.memref_slice %arg10[%dma_wait3A_439, %dma_wait3A_440] : memref<10240x128xf32, #tpu.memory_space<vmem_shared>> -> memref<10240x128xf32, #tpu.memory_space<vmem_shared>>
          tpu.wait_indirect_dma semaphore(%arg24 : memref<!tpu.dma_semaphore, #tpu.memory_space<semaphore_mem>>) src(%dma_wait3A_435 : memref<80x128xf32, #tpu.memory_space<vmem>>) dst(%dma_wait3A_441 : memref<10240x128xf32, #tpu.memory_space<vmem_shared>>)
        } else {
        }
        %add3A_415 = arith.constant 2 : i32
        %add3A_416 = arith.addi %add3A_353, %add3A_415 : i32
        %mul3A_417 = arith.constant 80 : i32
        %mul3A_418 = arith.muli %add3A_416, %mul3A_417 : i32
        %add3A_419 = arith.addi %multiple_of3A_5, %mul3A_418 : i32
        %multiple_of3A_420 = tpu.assume_multiple %add3A_419, 80 : i32
        %dma_start3A_421 = arith.constant 1 : i32
        %dma_start3A_422 = arith.constant 0 : i32
        %dma_start3A_423 = tpu.memref_slice %arg8[%dma_start3A_421, %dma_start3A_422] : memref<4x80xi32, #tpu.memory_space<vmem>> -> memref<1x80xi32, #tpu.memory_space<vmem>>
        %dma_start3A_424 = tpu.memref_squeeze %dma_start3A_423 : memref<1x80xi32, #tpu.memory_space<vmem>> -> memref<80xi32, #tpu.memory_space<vmem>>
        %dma_start3A_425 = tpu.memref_slice %arg3[%multiple_of3A_420] : memref<327680xi32, #tpu.memory_space<hbm>> -> memref<80xi32, #tpu.memory_space<hbm>>
        %dma_start3A_426 = arith.constant 0 : i32
        %dma_start3A_427 = tpu.memref_slice %arg8[%dma_start3A_421, %dma_start3A_426] : memref<4x80xi32, #tpu.memory_space<vmem>> -> memref<1x80xi32, #tpu.memory_space<vmem>>
        %dma_start3A_428 = tpu.memref_squeeze %dma_start3A_427 : memref<1x80xi32, #tpu.memory_space<vmem>> -> memref<80xi32, #tpu.memory_space<vmem>>
        %dma_start3A_429 = tpu.memref_slice %arg3[%multiple_of3A_420] : memref<327680xi32, #tpu.memory_space<hbm>> -> memref<80xi32, #tpu.memory_space<hbm>>
        tpu.enqueue_dma source(%dma_start3A_429 : memref<80xi32, #tpu.memory_space<hbm>>) target(%dma_start3A_428 : memref<80xi32, #tpu.memory_space<vmem>>) target_semaphore(%arg20 : memref<!tpu.dma_semaphore, #tpu.memory_space<semaphore_mem>>)
      } else {
      }
      %add3A_361 = arith.constant 2 : i32
      %add3A_362 = arith.addi %add3A_353, %add3A_361 : i32
      %add3A_363 = arith.constant 1 : i32
      %add3A_364 = arith.addi %add3A_362, %add3A_363 : i32
      %le3A_365 = arith.constant 127 : i32
      %le3A_366 = arith.cmpi sle, %add3A_364, %le3A_365 : i32
      %convert_element_type3A_367 = arith.extui %le3A_366 : i1 to i32
      %cond3A_368 = arith.constant 0 : i32
      %cond3A_369 = arith.cmpi ne, %convert_element_type3A_367, %cond3A_368 : i32
      scf.if %cond3A_369 {
        %add3A_410 = arith.constant 2 : i32
        %add3A_411 = arith.addi %add3A_353, %add3A_410 : i32
        %add3A_412 = arith.constant 1 : i32
        %add3A_413 = arith.addi %add3A_411, %add3A_412 : i32
        %mul3A_414 = arith.constant 80 : i32
        %mul3A_415 = arith.muli %add3A_413, %mul3A_414 : i32
        %add3A_416 = arith.addi %multiple_of3A_5, %mul3A_415 : i32
        %multiple_of3A_417 = tpu.assume_multiple %add3A_416, 80 : i32
        %dma_start3A_418 = arith.constant 2 : i32
        %dma_start3A_419 = arith.constant 0 : i32
        %dma_start3A_420 = tpu.memref_slice %arg7[%dma_start3A_418, %dma_start3A_419] : memref<4x80xi32, #tpu.memory_space<vmem>> -> memref<1x80xi32, #tpu.memory_space<vmem>>
        %dma_start3A_421 = tpu.memref_squeeze %dma_start3A_420 : memref<1x80xi32, #tpu.memory_space<vmem>> -> memref<80xi32, #tpu.memory_space<vmem>>
        %dma_start3A_422 = tpu.memref_slice %arg2[%multiple_of3A_417] : memref<327680xi32, #tpu.memory_space<hbm>> -> memref<80xi32, #tpu.memory_space<hbm>>
        %dma_start3A_423 = arith.constant 0 : i32
        %dma_start3A_424 = tpu.memref_slice %arg7[%dma_start3A_418, %dma_start3A_423] : memref<4x80xi32, #tpu.memory_space<vmem>> -> memref<1x80xi32, #tpu.memory_space<vmem>>
        %dma_start3A_425 = tpu.memref_squeeze %dma_start3A_424 : memref<1x80xi32, #tpu.memory_space<vmem>> -> memref<80xi32, #tpu.memory_space<vmem>>
        %dma_start3A_426 = tpu.memref_slice %arg2[%multiple_of3A_417] : memref<327680xi32, #tpu.memory_space<hbm>> -> memref<80xi32, #tpu.memory_space<hbm>>
        tpu.enqueue_dma source(%dma_start3A_426 : memref<80xi32, #tpu.memory_space<hbm>>) target(%dma_start3A_425 : memref<80xi32, #tpu.memory_space<vmem>>) target_semaphore(%arg17 : memref<!tpu.dma_semaphore, #tpu.memory_space<semaphore_mem>>)
      } else {
      }
      %add3A_370 = arith.constant 2 : i32
      %add3A_371 = arith.addi %add3A_353, %add3A_370 : i32
      %le3A_372 = arith.constant 127 : i32
      %le3A_373 = arith.cmpi sle, %add3A_371, %le3A_372 : i32
      %convert_element_type3A_374 = arith.extui %le3A_373 : i1 to i32
      %cond3A_375 = arith.constant 0 : i32
      %cond3A_376 = arith.cmpi ne, %convert_element_type3A_374, %cond3A_375 : i32
      scf.if %cond3A_376 {
        %dma_wait3A_410 = arith.constant 1 : i32
        %dma_wait3A_411 = arith.constant 0 : i32
        %dma_wait3A_412 = tpu.memref_slice %arg7[%dma_wait3A_410, %dma_wait3A_411] : memref<4x80xi32, #tpu.memory_space<vmem>> -> memref<1x80xi32, #tpu.memory_space<vmem>>
        %dma_wait3A_413 = tpu.memref_squeeze %dma_wait3A_412 : memref<1x80xi32, #tpu.memory_space<vmem>> -> memref<80xi32, #tpu.memory_space<vmem>>
        %dma_wait3A_414 = tpu.memref_slice %arg2[%multiple_of3A_5] : memref<327680xi32, #tpu.memory_space<hbm>> -> memref<80xi32, #tpu.memory_space<hbm>>
        %dma_wait3A_415 = arith.constant 0 : i32
        %dma_wait3A_416 = tpu.memref_slice %arg7[%dma_wait3A_410, %dma_wait3A_415] : memref<4x80xi32, #tpu.memory_space<vmem>> -> memref<1x80xi32, #tpu.memory_space<vmem>>
        %dma_wait3A_417 = tpu.memref_squeeze %dma_wait3A_416 : memref<1x80xi32, #tpu.memory_space<vmem>> -> memref<80xi32, #tpu.memory_space<vmem>>
        %dma_wait3A_418 = tpu.memref_slice %arg2[%multiple_of3A_5] : memref<327680xi32, #tpu.memory_space<hbm>> -> memref<80xi32, #tpu.memory_space<hbm>>
        tpu.wait_dma2 semaphore(%arg16 : memref<!tpu.dma_semaphore, #tpu.memory_space<semaphore_mem>>) src(%dma_wait3A_418 : memref<80xi32, #tpu.memory_space<hbm>>) dst(%dma_wait3A_417 : memref<80xi32, #tpu.memory_space<vmem>>)
        %dma_start3A_419 = arith.constant 1 : i32
        %dma_start3A_420 = arith.constant 1 : i32
        %dma_start3A_421 = arith.constant 0 : i32
        %dma_start3A_422 = arith.constant 0 : i32
        %dma_start3A_423 = tpu.memref_slice %arg9[%dma_start3A_420, %dma_start3A_421, %dma_start3A_422] : memref<4x80x128xf32, #tpu.memory_space<vmem>> -> memref<1x80x128xf32, #tpu.memory_space<vmem>>
        %dma_start3A_424 = tpu.memref_squeeze %dma_start3A_423 : memref<1x80x128xf32, #tpu.memory_space<vmem>> -> memref<80x128xf32, #tpu.memory_space<vmem>>
        %dma_start3A_425 = arith.constant 0 : i32
        %dma_start3A_426 = tpu.memref_slice %arg7[%dma_start3A_419, %dma_start3A_425] : memref<4x80xi32, #tpu.memory_space<vmem>> -> memref<1x80xi32, #tpu.memory_space<vmem>>
        %dma_start3A_427 = tpu.memref_squeeze %dma_start3A_426 : memref<1x80xi32, #tpu.memory_space<vmem>> -> memref<80xi32, #tpu.memory_space<vmem>>
        %dma_start3A_428 = arith.constant 0 : i32
        %dma_start3A_429 = arith.constant 0 : i32
        %dma_start3A_430 = tpu.memref_slice %arg4[%dma_start3A_428, %dma_start3A_429] : memref<10240x128xf32, #tpu.memory_space<hbm>> -> memref<10240x128xf32, #tpu.memory_space<hbm>>
        tpu.enqueue_indirect_dma source(%dma_start3A_430 : memref<10240x128xf32, #tpu.memory_space<hbm>>) target(%dma_start3A_424 : memref<80x128xf32, #tpu.memory_space<vmem>>) offsets(%dma_start3A_427 : memref<80xi32, #tpu.memory_space<vmem>>) semaphore(%arg12 : memref<!tpu.dma_semaphore, #tpu.memory_space<semaphore_mem>>)
      } else {
      }
      %dma_wait3A_377 = arith.constant 0 : i32
      %dma_wait3A_378 = arith.constant 3 : i32
      %dma_wait3A_379 = arith.constant 0 : i32
      %dma_wait3A_380 = arith.constant 0 : i32
      %dma_wait3A_381 = tpu.memref_slice %arg9[%dma_wait3A_378, %dma_wait3A_379, %dma_wait3A_380] : memref<4x80x128xf32, #tpu.memory_space<vmem>> -> memref<1x80x128xf32, #tpu.memory_space<vmem>>
      %dma_wait3A_382 = tpu.memref_squeeze %dma_wait3A_381 : memref<1x80x128xf32, #tpu.memory_space<vmem>> -> memref<80x128xf32, #tpu.memory_space<vmem>>
      %dma_wait3A_383 = arith.constant 0 : i32
      %dma_wait3A_384 = tpu.memref_slice %arg7[%dma_wait3A_377, %dma_wait3A_383] : memref<4x80xi32, #tpu.memory_space<vmem>> -> memref<1x80xi32, #tpu.memory_space<vmem>>
      %dma_wait3A_385 = tpu.memref_squeeze %dma_wait3A_384 : memref<1x80xi32, #tpu.memory_space<vmem>> -> memref<80xi32, #tpu.memory_space<vmem>>
      %dma_wait3A_386 = arith.constant 0 : i32
      %dma_wait3A_387 = arith.constant 0 : i32
      %dma_wait3A_388 = tpu.memref_slice %arg4[%dma_wait3A_386, %dma_wait3A_387] : memref<10240x128xf32, #tpu.memory_space<hbm>> -> memref<10240x128xf32, #tpu.memory_space<hbm>>
      tpu.wait_indirect_dma semaphore(%arg14 : memref<!tpu.dma_semaphore, #tpu.memory_space<semaphore_mem>>) src(%dma_wait3A_388 : memref<10240x128xf32, #tpu.memory_space<hbm>>) dst(%dma_wait3A_382 : memref<80x128xf32, #tpu.memory_space<vmem>>)
      %dma_wait3A_389 = arith.constant 3 : i32
      %dma_wait3A_390 = arith.constant 0 : i32
      %dma_wait3A_391 = tpu.memref_slice %arg8[%dma_wait3A_389, %dma_wait3A_390] : memref<4x80xi32, #tpu.memory_space<vmem>> -> memref<1x80xi32, #tpu.memory_space<vmem>>
      %dma_wait3A_392 = tpu.memref_squeeze %dma_wait3A_391 : memref<1x80xi32, #tpu.memory_space<vmem>> -> memref<80xi32, #tpu.memory_space<vmem>>
      %dma_wait3A_393 = tpu.memref_slice %arg3[%multiple_of3A_5] : memref<327680xi32, #tpu.memory_space<hbm>> -> memref<80xi32, #tpu.memory_space<hbm>>
      %dma_wait3A_394 = arith.constant 0 : i32
      %dma_wait3A_395 = tpu.memref_slice %arg8[%dma_wait3A_389, %dma_wait3A_394] : memref<4x80xi32, #tpu.memory_space<vmem>> -> memref<1x80xi32, #tpu.memory_space<vmem>>
      %dma_wait3A_396 = tpu.memref_squeeze %dma_wait3A_395 : memref<1x80xi32, #tpu.memory_space<vmem>> -> memref<80xi32, #tpu.memory_space<vmem>>
      %dma_wait3A_397 = tpu.memref_slice %arg3[%multiple_of3A_5] : memref<327680xi32, #tpu.memory_space<hbm>> -> memref<80xi32, #tpu.memory_space<hbm>>
      tpu.wait_dma2 semaphore(%arg22 : memref<!tpu.dma_semaphore, #tpu.memory_space<semaphore_mem>>) src(%dma_wait3A_397 : memref<80xi32, #tpu.memory_space<hbm>>) dst(%dma_wait3A_396 : memref<80xi32, #tpu.memory_space<vmem>>)
      %dma_start3A_398 = arith.constant 3 : i32
      %dma_start3A_399 = arith.constant 3 : i32
      %dma_start3A_400 = arith.constant 0 : i32
      %dma_start3A_401 = arith.constant 0 : i32
      %dma_start3A_402 = tpu.memref_slice %arg9[%dma_start3A_398, %dma_start3A_400, %dma_start3A_401] : memref<4x80x128xf32, #tpu.memory_space<vmem>> -> memref<1x80x128xf32, #tpu.memory_space<vmem>>
      %dma_start3A_403 = tpu.memref_squeeze %dma_start3A_402 : memref<1x80x128xf32, #tpu.memory_space<vmem>> -> memref<80x128xf32, #tpu.memory_space<vmem>>
      %dma_start3A_404 = arith.constant 0 : i32
      %dma_start3A_405 = tpu.memref_slice %arg8[%dma_start3A_399, %dma_start3A_404] : memref<4x80xi32, #tpu.memory_space<vmem>> -> memref<1x80xi32, #tpu.memory_space<vmem>>
      %dma_start3A_406 = tpu.memref_squeeze %dma_start3A_405 : memref<1x80xi32, #tpu.memory_space<vmem>> -> memref<80xi32, #tpu.memory_space<vmem>>
      %dma_start3A_407 = arith.constant 0 : i32
      %dma_start3A_408 = arith.constant 0 : i32
      %dma_start3A_409 = tpu.memref_slice %arg10[%dma_start3A_407, %dma_start3A_408] : memref<10240x128xf32, #tpu.memory_space<vmem_shared>> -> memref<10240x128xf32, #tpu.memory_space<vmem_shared>>
      tpu.enqueue_indirect_dma source(%dma_start3A_403 : memref<80x128xf32, #tpu.memory_space<vmem>>) target(%dma_start3A_409 : memref<10240x128xf32, #tpu.memory_space<vmem_shared>>) offsets(%dma_start3A_406 : memref<80xi32, #tpu.memory_space<vmem>>) semaphore(%arg26 : memref<!tpu.dma_semaphore, #tpu.memory_space<semaphore_mem>>) {add = true}
    }
    %scan3A_116 = arith.constant 32 : i32
    %dma_wait3A_117 = arith.constant 0 : i32
    %dma_wait3A_118 = arith.constant 0 : i32
    %dma_wait3A_119 = arith.constant 0 : i32
    %dma_wait3A_120 = arith.constant 0 : i32
    %dma_wait3A_121 = tpu.memref_slice %arg9[%dma_wait3A_117, %dma_wait3A_119, %dma_wait3A_120] : memref<4x80x128xf32, #tpu.memory_space<vmem>> -> memref<1x80x128xf32, #tpu.memory_space<vmem>>
    %dma_wait3A_122 = tpu.memref_squeeze %dma_wait3A_121 : memref<1x80x128xf32, #tpu.memory_space<vmem>> -> memref<80x128xf32, #tpu.memory_space<vmem>>
    %dma_wait3A_123 = arith.constant 0 : i32
    %dma_wait3A_124 = tpu.memref_slice %arg8[%dma_wait3A_118, %dma_wait3A_123] : memref<4x80xi32, #tpu.memory_space<vmem>> -> memref<1x80xi32, #tpu.memory_space<vmem>>
    %dma_wait3A_125 = tpu.memref_squeeze %dma_wait3A_124 : memref<1x80xi32, #tpu.memory_space<vmem>> -> memref<80xi32, #tpu.memory_space<vmem>>
    %dma_wait3A_126 = arith.constant 0 : i32
    %dma_wait3A_127 = arith.constant 0 : i32
    %dma_wait3A_128 = tpu.memref_slice %arg10[%dma_wait3A_126, %dma_wait3A_127] : memref<10240x128xf32, #tpu.memory_space<vmem_shared>> -> memref<10240x128xf32, #tpu.memory_space<vmem_shared>>
    tpu.wait_indirect_dma semaphore(%arg23 : memref<!tpu.dma_semaphore, #tpu.memory_space<semaphore_mem>>) src(%dma_wait3A_122 : memref<80x128xf32, #tpu.memory_space<vmem>>) dst(%dma_wait3A_128 : memref<10240x128xf32, #tpu.memory_space<vmem_shared>>)
    %dma_wait3A_129 = arith.constant 1 : i32
    %dma_wait3A_130 = arith.constant 0 : i32
    %dma_wait3A_131 = arith.constant 0 : i32
    %dma_wait3A_132 = arith.constant 0 : i32
    %dma_wait3A_133 = tpu.memref_slice %arg9[%dma_wait3A_129, %dma_wait3A_131, %dma_wait3A_132] : memref<4x80x128xf32, #tpu.memory_space<vmem>> -> memref<1x80x128xf32, #tpu.memory_space<vmem>>
    %dma_wait3A_134 = tpu.memref_squeeze %dma_wait3A_133 : memref<1x80x128xf32, #tpu.memory_space<vmem>> -> memref<80x128xf32, #tpu.memory_space<vmem>>
    %dma_wait3A_135 = arith.constant 0 : i32
    %dma_wait3A_136 = tpu.memref_slice %arg8[%dma_wait3A_130, %dma_wait3A_135] : memref<4x80xi32, #tpu.memory_space<vmem>> -> memref<1x80xi32, #tpu.memory_space<vmem>>
    %dma_wait3A_137 = tpu.memref_squeeze %dma_wait3A_136 : memref<1x80xi32, #tpu.memory_space<vmem>> -> memref<80xi32, #tpu.memory_space<vmem>>
    %dma_wait3A_138 = arith.constant 0 : i32
    %dma_wait3A_139 = arith.constant 0 : i32
    %dma_wait3A_140 = tpu.memref_slice %arg10[%dma_wait3A_138, %dma_wait3A_139] : memref<10240x128xf32, #tpu.memory_space<vmem_shared>> -> memref<10240x128xf32, #tpu.memory_space<vmem_shared>>
    tpu.wait_indirect_dma semaphore(%arg24 : memref<!tpu.dma_semaphore, #tpu.memory_space<semaphore_mem>>) src(%dma_wait3A_134 : memref<80x128xf32, #tpu.memory_space<vmem>>) dst(%dma_wait3A_140 : memref<10240x128xf32, #tpu.memory_space<vmem_shared>>)
    %dma_wait3A_141 = arith.constant 2 : i32
    %dma_wait3A_142 = arith.constant 0 : i32
    %dma_wait3A_143 = arith.constant 0 : i32
    %dma_wait3A_144 = arith.constant 0 : i32
    %dma_wait3A_145 = tpu.memref_slice %arg9[%dma_wait3A_141, %dma_wait3A_143, %dma_wait3A_144] : memref<4x80x128xf32, #tpu.memory_space<vmem>> -> memref<1x80x128xf32, #tpu.memory_space<vmem>>
    %dma_wait3A_146 = tpu.memref_squeeze %dma_wait3A_145 : memref<1x80x128xf32, #tpu.memory_space<vmem>> -> memref<80x128xf32, #tpu.memory_space<vmem>>
    %dma_wait3A_147 = arith.constant 0 : i32
    %dma_wait3A_148 = tpu.memref_slice %arg8[%dma_wait3A_142, %dma_wait3A_147] : memref<4x80xi32, #tpu.memory_space<vmem>> -> memref<1x80xi32, #tpu.memory_space<vmem>>
    %dma_wait3A_149 = tpu.memref_squeeze %dma_wait3A_148 : memref<1x80xi32, #tpu.memory_space<vmem>> -> memref<80xi32, #tpu.memory_space<vmem>>
    %dma_wait3A_150 = arith.constant 0 : i32
    %dma_wait3A_151 = arith.constant 0 : i32
    %dma_wait3A_152 = tpu.memref_slice %arg10[%dma_wait3A_150, %dma_wait3A_151] : memref<10240x128xf32, #tpu.memory_space<vmem_shared>> -> memref<10240x128xf32, #tpu.memory_space<vmem_shared>>
    tpu.wait_indirect_dma semaphore(%arg25 : memref<!tpu.dma_semaphore, #tpu.memory_space<semaphore_mem>>) src(%dma_wait3A_146 : memref<80x128xf32, #tpu.memory_space<vmem>>) dst(%dma_wait3A_152 : memref<10240x128xf32, #tpu.memory_space<vmem_shared>>)
    %dma_wait3A_153 = arith.constant 3 : i32
    %dma_wait3A_154 = arith.constant 0 : i32
    %dma_wait3A_155 = arith.constant 0 : i32
    %dma_wait3A_156 = arith.constant 0 : i32
    %dma_wait3A_157 = tpu.memref_slice %arg9[%dma_wait3A_153, %dma_wait3A_155, %dma_wait3A_156] : memref<4x80x128xf32, #tpu.memory_space<vmem>> -> memref<1x80x128xf32, #tpu.memory_space<vmem>>
    %dma_wait3A_158 = tpu.memref_squeeze %dma_wait3A_157 : memref<1x80x128xf32, #tpu.memory_space<vmem>> -> memref<80x128xf32, #tpu.memory_space<vmem>>
    %dma_wait3A_159 = arith.constant 0 : i32
    %dma_wait3A_160 = tpu.memref_slice %arg8[%dma_wait3A_154, %dma_wait3A_159] : memref<4x80xi32, #tpu.memory_space<vmem>> -> memref<1x80xi32, #tpu.memory_space<vmem>>
    %dma_wait3A_161 = tpu.memref_squeeze %dma_wait3A_160 : memref<1x80xi32, #tpu.memory_space<vmem>> -> memref<80xi32, #tpu.memory_space<vmem>>
    %dma_wait3A_162 = arith.constant 0 : i32
    %dma_wait3A_163 = arith.constant 0 : i32
    %dma_wait3A_164 = tpu.memref_slice %arg10[%dma_wait3A_162, %dma_wait3A_163] : memref<10240x128xf32, #tpu.memory_space<vmem_shared>> -> memref<10240x128xf32, #tpu.memory_space<vmem_shared>>
    tpu.wait_indirect_dma semaphore(%arg26 : memref<!tpu.dma_semaphore, #tpu.memory_space<semaphore_mem>>) src(%dma_wait3A_158 : memref<80x128xf32, #tpu.memory_space<vmem>>) dst(%dma_wait3A_164 : memref<10240x128xf32, #tpu.memory_space<vmem_shared>>)
    %barrier3A_165 = arith.constant 0 : index
    tpu.barrier barrier_id(%barrier3A_165)
    %scan3A_166 = arith.constant 0 : i32
    %scan3A_167 = arith.constant 0 : i32
    %scan3A_168 = arith.constant 8 : i32
    %scan3A_169 = arith.addi %scan3A_167, %scan3A_168 : i32
    %scan3A_170 = arith.constant 1 : i32
    scf.for %scan3A_172 = %scan3A_167 to %scan3A_169 step %scan3A_170  : i32 {
      %mul3A_173 = arith.constant 80 : i32
      %mul3A_174 = arith.muli %scan3A_172, %mul3A_173 : i32
      %add3A_175 = arith.addi %multiple_of3A, %mul3A_174 : i32
      %multiple_of3A_176 = tpu.assume_multiple %add3A_175, 16 : i32
      %run_scoped3A = arith.constant 0 : i32
      "tpu.region"() ({
        %run_scoped3A_181 = tpu.sem_alloc : memref<!tpu.dma_semaphore, #tpu.memory_space<semaphore_mem>>
        %dma_start3A_182 = arith.constant 0 : i32
        %dma_start3A_183 = arith.constant 0 : i32
        %dma_start3A_184 = tpu.memref_slice %arg9[%run_scoped3A, %dma_start3A_182, %dma_start3A_183] : memref<4x80x128xf32, #tpu.memory_space<vmem>> -> memref<1x80x128xf32, #tpu.memory_space<vmem>>
        %dma_start3A_185 = tpu.memref_squeeze %dma_start3A_184 : memref<1x80x128xf32, #tpu.memory_space<vmem>> -> memref<80x128xf32, #tpu.memory_space<vmem>>
        %dma_start3A_186 = arith.constant 0 : i32
        %dma_start3A_187 = tpu.memref_slice %arg10[%multiple_of3A_176, %dma_start3A_186] : memref<10240x128xf32, #tpu.memory_space<vmem_shared>> -> memref<80x128xf32, #tpu.memory_space<vmem_shared>>
        %dma_start3A_188 = arith.constant 0 : i32
        %dma_start3A_189 = arith.constant 0 : i32
        %dma_start3A_190 = tpu.memref_slice %arg9[%run_scoped3A, %dma_start3A_188, %dma_start3A_189] : memref<4x80x128xf32, #tpu.memory_space<vmem>> -> memref<1x80x128xf32, #tpu.memory_space<vmem>>
        %dma_start3A_191 = tpu.memref_squeeze %dma_start3A_190 : memref<1x80x128xf32, #tpu.memory_space<vmem>> -> memref<80x128xf32, #tpu.memory_space<vmem>>
        %dma_start3A_192 = arith.constant 0 : i32
        %dma_start3A_193 = tpu.memref_slice %arg10[%multiple_of3A_176, %dma_start3A_192] : memref<10240x128xf32, #tpu.memory_space<vmem_shared>> -> memref<80x128xf32, #tpu.memory_space<vmem_shared>>
        tpu.enqueue_dma source(%dma_start3A_193 : memref<80x128xf32, #tpu.memory_space<vmem_shared>>) target(%dma_start3A_191 : memref<80x128xf32, #tpu.memory_space<vmem>>) target_semaphore(%run_scoped3A_181 : memref<!tpu.dma_semaphore, #tpu.memory_space<semaphore_mem>>)
        %dma_wait3A_194 = arith.constant 0 : i32
        %dma_wait3A_195 = arith.constant 0 : i32
        %dma_wait3A_196 = tpu.memref_slice %arg9[%run_scoped3A, %dma_wait3A_194, %dma_wait3A_195] : memref<4x80x128xf32, #tpu.memory_space<vmem>> -> memref<1x80x128xf32, #tpu.memory_space<vmem>>
        %dma_wait3A_197 = tpu.memref_squeeze %dma_wait3A_196 : memref<1x80x128xf32, #tpu.memory_space<vmem>> -> memref<80x128xf32, #tpu.memory_space<vmem>>
        %dma_wait3A_198 = arith.constant 0 : i32
        %dma_wait3A_199 = tpu.memref_slice %arg10[%multiple_of3A_176, %dma_wait3A_198] : memref<10240x128xf32, #tpu.memory_space<vmem_shared>> -> memref<80x128xf32, #tpu.memory_space<vmem_shared>>
        %dma_wait3A_200 = arith.constant 0 : i32
        %dma_wait3A_201 = arith.constant 0 : i32
        %dma_wait3A_202 = tpu.memref_slice %arg9[%run_scoped3A, %dma_wait3A_200, %dma_wait3A_201] : memref<4x80x128xf32, #tpu.memory_space<vmem>> -> memref<1x80x128xf32, #tpu.memory_space<vmem>>
        %dma_wait3A_203 = tpu.memref_squeeze %dma_wait3A_202 : memref<1x80x128xf32, #tpu.memory_space<vmem>> -> memref<80x128xf32, #tpu.memory_space<vmem>>
        %dma_wait3A_204 = arith.constant 0 : i32
        %dma_wait3A_205 = tpu.memref_slice %arg10[%multiple_of3A_176, %dma_wait3A_204] : memref<10240x128xf32, #tpu.memory_space<vmem_shared>> -> memref<80x128xf32, #tpu.memory_space<vmem_shared>>
        tpu.wait_dma2 semaphore(%run_scoped3A_181 : memref<!tpu.dma_semaphore, #tpu.memory_space<semaphore_mem>>) src(%dma_wait3A_205 : memref<80x128xf32, #tpu.memory_space<vmem_shared>>) dst(%dma_wait3A_203 : memref<80x128xf32, #tpu.memory_space<vmem>>)
        tpu.yield
      }) : () -> ()
      %mul3A_177 = arith.constant 10240 : i32
      %mul3A_178 = arith.muli %arg0, %mul3A_177 : i32
      %add3A_179 = arith.addi %mul3A_178, %multiple_of3A_176 : i32
      %run_scoped3A_180 = arith.constant 0 : i32
      "tpu.region"() ({
        %run_scoped3A_181 = tpu.sem_alloc : memref<!tpu.dma_semaphore, #tpu.memory_space<semaphore_mem>>
        %dma_start3A_182 = arith.constant 0 : i32
        %dma_start3A_183 = arith.constant 0 : i32
        %dma_start3A_184 = tpu.memref_slice %arg9[%run_scoped3A_180, %dma_start3A_182, %dma_start3A_183] : memref<4x80x128xf32, #tpu.memory_space<vmem>> -> memref<1x80x128xf32, #tpu.memory_space<vmem>>
        %dma_start3A_185 = tpu.memref_squeeze %dma_start3A_184 : memref<1x80x128xf32, #tpu.memory_space<vmem>> -> memref<80x128xf32, #tpu.memory_space<vmem>>
        %dma_start3A_186 = arith.constant 0 : i32
        %dma_start3A_187 = tpu.memref_slice %arg6[%add3A_179, %dma_start3A_186] : memref<20480x128xf32, #tpu.memory_space<hbm>> -> memref<80x128xf32, #tpu.memory_space<hbm>>
        %dma_start3A_188 = arith.constant 0 : i32
        %dma_start3A_189 = tpu.memref_slice %arg6[%add3A_179, %dma_start3A_188] : memref<20480x128xf32, #tpu.memory_space<hbm>> -> memref<80x128xf32, #tpu.memory_space<hbm>>
        %dma_start3A_190 = arith.constant 0 : i32
        %dma_start3A_191 = arith.constant 0 : i32
        %dma_start3A_192 = tpu.memref_slice %arg9[%run_scoped3A_180, %dma_start3A_190, %dma_start3A_191] : memref<4x80x128xf32, #tpu.memory_space<vmem>> -> memref<1x80x128xf32, #tpu.memory_space<vmem>>
        %dma_start3A_193 = tpu.memref_squeeze %dma_start3A_192 : memref<1x80x128xf32, #tpu.memory_space<vmem>> -> memref<80x128xf32, #tpu.memory_space<vmem>>
        tpu.enqueue_dma source(%dma_start3A_193 : memref<80x128xf32, #tpu.memory_space<vmem>>) target(%dma_start3A_189 : memref<80x128xf32, #tpu.memory_space<hbm>>) target_semaphore(%run_scoped3A_181 : memref<!tpu.dma_semaphore, #tpu.memory_space<semaphore_mem>>)
        %dma_wait3A_194 = arith.constant 0 : i32
        %dma_wait3A_195 = arith.constant 0 : i32
        %dma_wait3A_196 = tpu.memref_slice %arg9[%run_scoped3A_180, %dma_wait3A_194, %dma_wait3A_195] : memref<4x80x128xf32, #tpu.memory_space<vmem>> -> memref<1x80x128xf32, #tpu.memory_space<vmem>>
        %dma_wait3A_197 = tpu.memref_squeeze %dma_wait3A_196 : memref<1x80x128xf32, #tpu.memory_space<vmem>> -> memref<80x128xf32, #tpu.memory_space<vmem>>
        %dma_wait3A_198 = arith.constant 0 : i32
        %dma_wait3A_199 = tpu.memref_slice %arg6[%add3A_179, %dma_wait3A_198] : memref<20480x128xf32, #tpu.memory_space<hbm>> -> memref<80x128xf32, #tpu.memory_space<hbm>>
        %dma_wait3A_200 = arith.constant 0 : i32
        %dma_wait3A_201 = tpu.memref_slice %arg6[%add3A_179, %dma_wait3A_200] : memref<20480x128xf32, #tpu.memory_space<hbm>> -> memref<80x128xf32, #tpu.memory_space<hbm>>
        %dma_wait3A_202 = arith.constant 0 : i32
        %dma_wait3A_203 = arith.constant 0 : i32
        %dma_wait3A_204 = tpu.memref_slice %arg9[%run_scoped3A_180, %dma_wait3A_202, %dma_wait3A_203] : memref<4x80x128xf32, #tpu.memory_space<vmem>> -> memref<1x80x128xf32, #tpu.memory_space<vmem>>
        %dma_wait3A_205 = tpu.memref_squeeze %dma_wait3A_204 : memref<1x80x128xf32, #tpu.memory_space<vmem>> -> memref<80x128xf32, #tpu.memory_space<vmem>>
        tpu.wait_dma2 semaphore(%run_scoped3A_181 : memref<!tpu.dma_semaphore, #tpu.memory_space<semaphore_mem>>) src(%dma_wait3A_205 : memref<80x128xf32, #tpu.memory_space<vmem>>) dst(%dma_wait3A_201 : memref<80x128xf32, #tpu.memory_space<hbm>>)
        tpu.yield
      }) : () -> ()
    }
    %scan3A_171 = arith.constant 8 : i32
    return
  }
}

module attributes {stable_mosaic.version = 14 : i64} {
  func.func @body(%arg0: i32, %arg1: memref<2048x128xf32, #tpu.memory_space<vmem>>, %arg2: memref<128x128xf32, #tpu.memory_space<vmem>>, %arg3: memref<2x2048xf32, #tpu.memory_space<vmem>>, %arg4: memref<2048x128xf32, #tpu.memory_space<vmem>>) attributes {dimension_semantics = [#tpu.dimension_semantics<arbitrary>], iteration_bounds = array<i64: 5>, scalar_prefetch = 0 : i64, scratch_operands = 0 : i64, tpu.core_type = #tpu.core_type<tc>, window_params = [{transform_indices = @transform_0, window_bounds = array<i64: 2048, 128>}, {pipeline_mode = #tpu.pipeline_mode<synchronous>, transform_indices = @transform_1, window_bounds = array<i64: 128, 128>}, {transform_indices = @transform_2, window_bounds = array<i64: 2, 2048>}, {transform_indices = @transform_3, window_bounds = array<i64: 2048, 128>}]} {
    %get3A = arith.constant 0 : index
    %get3A_0 = arith.constant 0 : index
    %get3A_1 = vector.load %arg1[%get3A, %get3A_0] : memref<2048x128xf32, #tpu.memory_space<vmem>>, vector<2048x128xf32>
    %get3A_2 = arith.constant 0 : index
    %get3A_3 = arith.constant 0 : index
    %get3A_4 = vector.load %arg2[%get3A_2, %get3A_3] : memref<128x128xf32, #tpu.memory_space<vmem>>, vector<128x128xf32>
    %dot_general3A = arith.constant dense<0.000000e+00> : vector<2048x128xf32>
    %dot_general3A_5 = tpu.matmul %get3A_1, %get3A_4, %dot_general3A {dimension_numbers = #tpu.dot_dimension_numbers<[1], [0], [0], [1], [0, 0, 1, 1], [], []>, transpose_lhs_hint = false} : vector<2048x128xf32>, vector<128x128xf32>, vector<2048x128xf32> -> vector<2048x128xf32>
    %get3A_6 = arith.constant 0 : index
    %get3A_7 = arith.constant 0 : index
    %get3A_8 = vector.load %arg3[%get3A_6, %get3A_7] : memref<2x2048xf32, #tpu.memory_space<vmem>>, vector<1x2048xf32>
    %get3A_9 = vector.shape_cast %get3A_8 : vector<1x2048xf32> to vector<2048xf32>
    %get3A_10 = arith.constant 1 : index
    %get3A_11 = arith.constant 0 : index
    %get3A_12 = vector.load %arg3[%get3A_10, %get3A_11] : memref<2x2048xf32, #tpu.memory_space<vmem>>, vector<1x2048xf32>
    %get3A_13 = vector.shape_cast %get3A_12 : vector<1x2048xf32> to vector<2048xf32>
    %add3A = arith.addf %get3A_9, %get3A_13 : vector<2048xf32>
    %add3A_14 = arith.constant 1.000000e+00 : f32
    %add3A_15 = vector.broadcast %add3A_14 : f32 to vector<2048xf32>
    %add3A_16 = arith.addf %add3A, %add3A_15 : vector<2048xf32>
    %rsqrt3A = math.rsqrt %add3A_16 : vector<2048xf32>
    %broadcast_in_dim3A = vector.shape_cast %rsqrt3A : vector<2048xf32> to vector<2048x1xf32>
    %mul3A = vector.broadcast %broadcast_in_dim3A : vector<2048x1xf32> to vector<2048x128xf32>
    %mul3A_17 = arith.mulf %dot_general3A_5, %mul3A : vector<2048x128xf32>
    %swap3A = arith.constant 0 : index
    %swap3A_18 = arith.constant 0 : index
    %swap3A_19 = vector.load %arg4[%swap3A, %swap3A_18] : memref<2048x128xf32, #tpu.memory_space<vmem>>, vector<2048x128xf32>
    tpu.vector_store %arg4[%swap3A, %swap3A_18], %mul3A_17 {strides = array<i32>} : memref<2048x128xf32, #tpu.memory_space<vmem>>, vector<2048x128xf32>,
    return
  }
  func.func @transform_0(%arg0: i32) -> (i32, i32) {
    %c0_i32 = arith.constant 0 : i32
    %c0_i32_0 = arith.constant 0 : i32
    return %arg0, %c0_i32 : i32, i32
  }
  func.func @transform_1(%arg0: i32) -> (i32, i32) {
    %c0_i32 = arith.constant 0 : i32
    %c0_i32_0 = arith.constant 0 : i32
    %c0_i32_1 = arith.constant 0 : i32
    return %c0_i32, %c0_i32_0 : i32, i32
  }
  func.func @transform_2(%arg0: i32) -> (i32, i32) {
    %c0_i32 = arith.constant 0 : i32
    %c0_i32_0 = arith.constant 0 : i32
    return %c0_i32, %arg0 : i32, i32
  }
  func.func @transform_3(%arg0: i32) -> (i32, i32) {
    %c0_i32 = arith.constant 0 : i32
    %c0_i32_0 = arith.constant 0 : i32
    return %arg0, %c0_i32 : i32, i32
  }
}

module attributes {stable_mosaic.version = 14 : i64} {
  func.func @body(%arg0: i32, %arg1: memref<2x2048xf32, #tpu.memory_space<vmem>>, %arg2: memref<2x2048x128xf32, #tpu.memory_space<vmem>>, %arg3: memref<2048x128xf32, #tpu.memory_space<vmem>>, %arg4: memref<1x128xf32, #tpu.memory_space<vmem>>, %arg5: memref<128x128xf32, #tpu.memory_space<vmem>>, %arg6: memref<2048x128xf32, #tpu.memory_space<vmem>>) attributes {dimension_semantics = [#tpu.dimension_semantics<arbitrary>], iteration_bounds = array<i64: 5>, scalar_prefetch = 0 : i64, scratch_operands = 0 : i64, tpu.core_type = #tpu.core_type<tc>, window_params = [{transform_indices = @transform_0, window_bounds = array<i64: 2, 2048>}, {transform_indices = @transform_1, window_bounds = array<i64: 2, 2048, 128>}, {transform_indices = @transform_2, window_bounds = array<i64: 2048, 128>}, {pipeline_mode = #tpu.pipeline_mode<synchronous>, transform_indices = @transform_3, window_bounds = array<i64: 1, 128>}, {pipeline_mode = #tpu.pipeline_mode<synchronous>, transform_indices = @transform_4, window_bounds = array<i64: 128, 128>}, {transform_indices = @transform_5, window_bounds = array<i64: 2048, 128>}]} {
    %get3A = arith.constant 0 : index
    %get3A_0 = arith.constant 0 : index
    %get3A_1 = vector.load %arg1[%get3A, %get3A_0] : memref<2x2048xf32, #tpu.memory_space<vmem>>, vector<1x2048xf32>
    %get3A_2 = vector.shape_cast %get3A_1 : vector<1x2048xf32> to vector<2048xf32>
    %get3A_3 = arith.constant 1 : index
    %get3A_4 = arith.constant 0 : index
    %get3A_5 = vector.load %arg1[%get3A_3, %get3A_4] : memref<2x2048xf32, #tpu.memory_space<vmem>>, vector<1x2048xf32>
    %get3A_6 = vector.shape_cast %get3A_5 : vector<1x2048xf32> to vector<2048xf32>
    %add3A = arith.addf %get3A_2, %get3A_6 : vector<2048xf32>
    %add3A_7 = arith.constant 1.000000e+00 : f32
    %add3A_8 = vector.broadcast %add3A_7 : f32 to vector<2048xf32>
    %add3A_9 = arith.addf %add3A, %add3A_8 : vector<2048xf32>
    %rsqrt3A = math.rsqrt %add3A_9 : vector<2048xf32>
    %broadcast_in_dim3A = vector.shape_cast %rsqrt3A : vector<2048xf32> to vector<2048x1xf32>
    %get3A_10 = arith.constant 0 : index
    %get3A_11 = arith.constant 0 : index
    %get3A_12 = arith.constant 0 : index
    %get3A_13 = vector.load %arg2[%get3A_10, %get3A_11, %get3A_12] : memref<2x2048x128xf32, #tpu.memory_space<vmem>>, vector<1x2048x128xf32>
    %get3A_14 = vector.shape_cast %get3A_13 : vector<1x2048x128xf32> to vector<2048x128xf32>
    %get3A_15 = arith.constant 1 : index
    %get3A_16 = arith.constant 0 : index
    %get3A_17 = arith.constant 0 : index
    %get3A_18 = vector.load %arg2[%get3A_15, %get3A_16, %get3A_17] : memref<2x2048x128xf32, #tpu.memory_space<vmem>>, vector<1x2048x128xf32>
    %get3A_19 = vector.shape_cast %get3A_18 : vector<1x2048x128xf32> to vector<2048x128xf32>
    %add3A_20 = arith.addf %get3A_14, %get3A_19 : vector<2048x128xf32>
    %get3A_21 = arith.constant 0 : index
    %get3A_22 = arith.constant 0 : index
    %get3A_23 = vector.load %arg3[%get3A_21, %get3A_22] : memref<2048x128xf32, #tpu.memory_space<vmem>>, vector<2048x128xf32>
    %add3A_24 = arith.addf %add3A_20, %get3A_23 : vector<2048x128xf32>
    %mul3A = vector.broadcast %broadcast_in_dim3A : vector<2048x1xf32> to vector<2048x128xf32>
    %mul3A_25 = arith.mulf %mul3A, %add3A_24 : vector<2048x128xf32>
    %get3A_26 = arith.constant 0 : index
    %get3A_27 = arith.constant 0 : index
    %get3A_28 = vector.load %arg4[%get3A_26, %get3A_27] : memref<1x128xf32, #tpu.memory_space<vmem>>, vector<1x128xf32>
    %add3A_29 = vector.broadcast %get3A_28 : vector<1x128xf32> to vector<2048x128xf32>
    %add3A_30 = arith.addf %mul3A_25, %add3A_29 : vector<2048x128xf32>
    %max3A = arith.constant 0.000000e+00 : f32
    %max3A_31 = vector.broadcast %max3A : f32 to vector<2048x128xf32>
    %max3A_32 = arith.maximumf %add3A_30, %max3A_31 : vector<2048x128xf32>
    %get3A_33 = arith.constant 0 : index
    %get3A_34 = arith.constant 0 : index
    %get3A_35 = vector.load %arg5[%get3A_33, %get3A_34] : memref<128x128xf32, #tpu.memory_space<vmem>>, vector<128x128xf32>
    %dot_general3A = arith.constant dense<0.000000e+00> : vector<2048x128xf32>
    %dot_general3A_36 = tpu.matmul %max3A_32, %get3A_35, %dot_general3A {dimension_numbers = #tpu.dot_dimension_numbers<[1], [0], [0], [1], [0, 0, 1, 1], [], []>, transpose_lhs_hint = false} : vector<2048x128xf32>, vector<128x128xf32>, vector<2048x128xf32> -> vector<2048x128xf32>
    %mul3A_37 = vector.broadcast %broadcast_in_dim3A : vector<2048x1xf32> to vector<2048x128xf32>
    %mul3A_38 = arith.mulf %dot_general3A_36, %mul3A_37 : vector<2048x128xf32>
    %swap3A = arith.constant 0 : index
    %swap3A_39 = arith.constant 0 : index
    %swap3A_40 = vector.load %arg6[%swap3A, %swap3A_39] : memref<2048x128xf32, #tpu.memory_space<vmem>>, vector<2048x128xf32>
    tpu.vector_store %arg6[%swap3A, %swap3A_39], %mul3A_38 {strides = array<i32>} : memref<2048x128xf32, #tpu.memory_space<vmem>>, vector<2048x128xf32>,
    return
  }
  func.func @transform_0(%arg0: i32) -> (i32, i32) {
    %c0_i32 = arith.constant 0 : i32
    %c0_i32_0 = arith.constant 0 : i32
    return %c0_i32, %arg0 : i32, i32
  }
  func.func @transform_1(%arg0: i32) -> (i32, i32, i32) {
    %c0_i32 = arith.constant 0 : i32
    %c0_i32_0 = arith.constant 0 : i32
    %c0_i32_1 = arith.constant 0 : i32
    return %c0_i32, %arg0, %c0_i32_0 : i32, i32, i32
  }
  func.func @transform_2(%arg0: i32) -> (i32, i32) {
    %c0_i32 = arith.constant 0 : i32
    %c0_i32_0 = arith.constant 0 : i32
    return %arg0, %c0_i32 : i32, i32
  }
  func.func @transform_3(%arg0: i32) -> (i32, i32) {
    %c0_i32 = arith.constant 0 : i32
    %c0_i32_0 = arith.constant 0 : i32
    %c0_i32_1 = arith.constant 0 : i32
    return %c0_i32, %c0_i32_0 : i32, i32
  }
  func.func @transform_4(%arg0: i32) -> (i32, i32) {
    %c0_i32 = arith.constant 0 : i32
    %c0_i32_0 = arith.constant 0 : i32
    %c0_i32_1 = arith.constant 0 : i32
    return %c0_i32, %c0_i32_0 : i32, i32
  }
  func.func @transform_5(%arg0: i32) -> (i32, i32) {
    %c0_i32 = arith.constant 0 : i32
    %c0_i32_0 = arith.constant 0 : i32
    return %arg0, %c0_i32 : i32, i32
  }
}

module attributes {stable_mosaic.version = 14 : i64} {
  func.func @body(%arg0: i32, %arg1: memref<2x2048xf32, #tpu.memory_space<vmem>>, %arg2: memref<2x2048x128xf32, #tpu.memory_space<vmem>>, %arg3: memref<2048x128xf32, #tpu.memory_space<vmem>>, %arg4: memref<1x64xf32, #tpu.memory_space<vmem>>, %arg5: memref<2048x64xf32, #tpu.memory_space<vmem>>) attributes {dimension_semantics = [#tpu.dimension_semantics<arbitrary>], iteration_bounds = array<i64: 5>, scalar_prefetch = 0 : i64, scratch_operands = 0 : i64, tpu.core_type = #tpu.core_type<tc>, window_params = [{transform_indices = @transform_0, window_bounds = array<i64: 2, 2048>}, {transform_indices = @transform_1, window_bounds = array<i64: 2, 2048, 128>}, {transform_indices = @transform_2, window_bounds = array<i64: 2048, 128>}, {pipeline_mode = #tpu.pipeline_mode<synchronous>, transform_indices = @transform_3, window_bounds = array<i64: 1, 64>}, {transform_indices = @transform_4, window_bounds = array<i64: 2048, 64>}]} {
    %get3A = arith.constant 0 : index
    %get3A_0 = arith.constant 0 : index
    %get3A_1 = vector.load %arg1[%get3A, %get3A_0] : memref<2x2048xf32, #tpu.memory_space<vmem>>, vector<1x2048xf32>
    %get3A_2 = vector.shape_cast %get3A_1 : vector<1x2048xf32> to vector<2048xf32>
    %get3A_3 = arith.constant 1 : index
    %get3A_4 = arith.constant 0 : index
    %get3A_5 = vector.load %arg1[%get3A_3, %get3A_4] : memref<2x2048xf32, #tpu.memory_space<vmem>>, vector<1x2048xf32>
    %get3A_6 = vector.shape_cast %get3A_5 : vector<1x2048xf32> to vector<2048xf32>
    %add3A = arith.addf %get3A_2, %get3A_6 : vector<2048xf32>
    %add3A_7 = arith.constant 1.000000e+00 : f32
    %add3A_8 = vector.broadcast %add3A_7 : f32 to vector<2048xf32>
    %add3A_9 = arith.addf %add3A, %add3A_8 : vector<2048xf32>
    %rsqrt3A = math.rsqrt %add3A_9 : vector<2048xf32>
    %broadcast_in_dim3A = vector.shape_cast %rsqrt3A : vector<2048xf32> to vector<2048x1xf32>
    %get3A_10 = arith.constant 0 : index
    %get3A_11 = arith.constant 0 : index
    %get3A_12 = arith.constant 0 : index
    %get3A_13 = vector.load %arg2[%get3A_10, %get3A_11, %get3A_12] : memref<2x2048x128xf32, #tpu.memory_space<vmem>>, vector<1x2048x128xf32>
    %get3A_14 = vector.shape_cast %get3A_13 : vector<1x2048x128xf32> to vector<2048x128xf32>
    %get3A_15 = arith.constant 1 : index
    %get3A_16 = arith.constant 0 : index
    %get3A_17 = arith.constant 0 : index
    %get3A_18 = vector.load %arg2[%get3A_15, %get3A_16, %get3A_17] : memref<2x2048x128xf32, #tpu.memory_space<vmem>>, vector<1x2048x128xf32>
    %get3A_19 = vector.shape_cast %get3A_18 : vector<1x2048x128xf32> to vector<2048x128xf32>
    %add3A_20 = arith.addf %get3A_14, %get3A_19 : vector<2048x128xf32>
    %get3A_21 = arith.constant 0 : index
    %get3A_22 = arith.constant 0 : index
    %get3A_23 = vector.load %arg3[%get3A_21, %get3A_22] : memref<2048x128xf32, #tpu.memory_space<vmem>>, vector<2048x128xf32>
    %add3A_24 = arith.addf %add3A_20, %get3A_23 : vector<2048x128xf32>
    %mul3A = vector.broadcast %broadcast_in_dim3A : vector<2048x1xf32> to vector<2048x128xf32>
    %mul3A_25 = arith.mulf %mul3A, %add3A_24 : vector<2048x128xf32>
    %slice3A = vector.extract_strided_slice %mul3A_25 {offsets = [0, 0], sizes = [2048, 64], strides = [1, 1]} : vector<2048x128xf32> to vector<2048x64xf32>
    %get3A_26 = arith.constant 0 : index
    %get3A_27 = arith.constant 0 : index
    %get3A_28 = vector.load %arg4[%get3A_26, %get3A_27] : memref<1x64xf32, #tpu.memory_space<vmem>>, vector<1x64xf32>
    %add3A_29 = vector.broadcast %get3A_28 : vector<1x64xf32> to vector<2048x64xf32>
    %add3A_30 = arith.addf %slice3A, %add3A_29 : vector<2048x64xf32>
    %reduce_max3A = arith.constant dense<0xFF800000> : vector<2048xf32>
    %reduce_max3A_31 = vector.multi_reduction <maximumf>, %add3A_30, %reduce_max3A [1] : vector<2048x64xf32> to vector<2048xf32>
    %broadcast_in_dim3A_32 = vector.shape_cast %reduce_max3A_31 : vector<2048xf32> to vector<2048x1xf32>
    %sub3A = vector.broadcast %broadcast_in_dim3A_32 : vector<2048x1xf32> to vector<2048x64xf32>
    %sub3A_33 = arith.subf %add3A_30, %sub3A : vector<2048x64xf32>
    %exp3A = math.exp %sub3A_33 : vector<2048x64xf32>
    %reduce_sum3A = arith.constant dense<0.000000e+00> : vector<2048xf32>
    %reduce_sum3A_34 = vector.multi_reduction <add>, %exp3A, %reduce_sum3A [1] : vector<2048x64xf32> to vector<2048xf32>
    %broadcast_in_dim3A_35 = vector.shape_cast %reduce_sum3A_34 : vector<2048xf32> to vector<2048x1xf32>
    %log3A = math.log %broadcast_in_dim3A_35 : vector<2048x1xf32>
    %sub3A_36 = vector.broadcast %log3A : vector<2048x1xf32> to vector<2048x64xf32>
    %sub3A_37 = arith.subf %sub3A_33, %sub3A_36 : vector<2048x64xf32>
    %swap3A = arith.constant 0 : index
    %swap3A_38 = arith.constant 0 : index
    %swap3A_39 = vector.load %arg5[%swap3A, %swap3A_38] : memref<2048x64xf32, #tpu.memory_space<vmem>>, vector<2048x64xf32>
    tpu.vector_store %arg5[%swap3A, %swap3A_38], %sub3A_37 {strides = array<i32>} : memref<2048x64xf32, #tpu.memory_space<vmem>>, vector<2048x64xf32>,
    return
  }
  func.func @transform_0(%arg0: i32) -> (i32, i32) {
    %c0_i32 = arith.constant 0 : i32
    %c0_i32_0 = arith.constant 0 : i32
    return %c0_i32, %arg0 : i32, i32
  }
  func.func @transform_1(%arg0: i32) -> (i32, i32, i32) {
    %c0_i32 = arith.constant 0 : i32
    %c0_i32_0 = arith.constant 0 : i32
    %c0_i32_1 = arith.constant 0 : i32
    return %c0_i32, %arg0, %c0_i32_0 : i32, i32, i32
  }
  func.func @transform_2(%arg0: i32) -> (i32, i32) {
    %c0_i32 = arith.constant 0 : i32
    %c0_i32_0 = arith.constant 0 : i32
    return %arg0, %c0_i32 : i32, i32
  }
  func.func @transform_3(%arg0: i32) -> (i32, i32) {
    %c0_i32 = arith.constant 0 : i32
    %c0_i32_0 = arith.constant 0 : i32
    %c0_i32_1 = arith.constant 0 : i32
    return %c0_i32, %c0_i32_0 : i32, i32
  }
  func.func @transform_4(%arg0: i32) -> (i32, i32) {
    %c0_i32 = arith.constant 0 : i32
    %c0_i32_0 = arith.constant 0 : i32
    return %arg0, %c0_i32 : i32, i32
  }
}

</mosaic_0001>

<sc_bundles>
// kernel: kernel.11.cloned.1.call-start
scs
__scs_entry_jumppad:
0x0: {  	(pc) =	sbr.rel $0x88, $3  }
0x1: {  	(tag) =	ssettag $0x0;
	lr =	simm.s32 $0x1  }
0x2: {  	[smem:$0x3F9B] =	sst lr;
	_ =	strace $0xD0000000  }
0x3: {  	_ = 	snop  }
0x4: {  	_ = 	snop  }
0x5: {  	_ = 	snop  }
0x6: {  	_ = 	snop  }
0x7: {  	_ = 	snop  }
__scs_overlays_trampoline_lowered:
0x8: {  	[smem:$0x3FAA] =	sst s0  }
0x9: {  	[smem:$0x3FAB] =	sst s1  }
0xa: {  	[smem:$0x3FAC] =	sst s2  }
0xb: {  	[smem:$0x3FAD] =	sst s3  }
0xc: {  	[smem:$0x3FAE] =	sst s4  }
0xd: {  	[smem:$0x3FAF] =	sst s5  }
0xe: {  	[smem:$0x3FB0] =	sst s6  }
0xf: {  	[smem:$0x3FB1] =	sst s7  }
0x10: {  	[smem:$0x3FB2] =	sst s8  }
0x11: {  	[smem:$0x3FB3] =	sst s9;
	s0 =	simm.s32 @!p0 $0x0  }
0x12: {  	s1 =	sld [smem:$0x3F99];
	s0 =	simm.s32 @p0 $0x1  }
0x13: {  	[smem:$0x3FB4] =	sst s0;
	s0 =	simm.s32 @!p1 $0x0  }
0x14: {  	s2 =	sld [smem:$0x3F98];
	s0 =	simm.s32 @p1 $0x1  }
0x15: {  	[smem:$0x3FB5] =	sst s0;
	s0 =	simm.s32 @!p2 $0x0  }
0x16: {  	s3 =	sld [smem:$0x3FDB];
	s0 =	simm.s32 @p2 $0x1  }
0x17: {  	s4 =	simm.s32 $0x1BF5;
	[smem:$0x3FB7] =	sst s0  }
0x18: {  	s0 =	sld [smem:$0x3F9A];
	_ =	swait.ge [sflag:s4], $0x0  }
0x19: {  	s7 =	sld [smem:$0x3F9B]  }
0x1a: {  	s8 =	sadd.s32 $0xFFFFE003, lr  }
0x1b: {  	s9 =	sadd.s32 $0xFFFFFEF7, lr;
	s5 =	simm.s32 $0xFFFFFFFF;
	p2 =	slt.u32 s8, $0xFFFFF086  }
0x1c: {  	p1 =	slt.u32 s9, $0xF7A;
	s5 =	simm.s32 @!p2 $0x0  }
0x1d: {  	s5 =	simm.s32 @p1 $0x1;
	p0 =	seq.s32 s7, s2  }
0x1e: {  	s7 =	smul.u32 @!p0 $0xF7A, s2;
	p2 =	seq.s32 @!p0 s5, $0x0  }
0x1f: {  	s9 =	smul.u32 $0xF7A, s1;
	s8 =	simm.s32 @!p0 $0x1BF5;
	p2 =	por !p2, p0  }
0x20: {  	[sflag:s8] =	ssyncset.s32 @!p0 $0xFFFFF086;
	s6 =	sadd.s32 @!p0 s3, s7;
	s7 =	simm.s32 @!p0 $0x108  }
0x21: {  	s3 =	sadd.s32 s3, s9;
	s6 =	sadd.s32 @!p0 $0x88, s6;
	s7 =	simm.s32 @p2 $0x1082  }
0x22: {  	[simem:s7], [sflag:s8] =	dma.local @!p0 [hbm:s6], $0xF7A  }
0x23: {  	s9 =	sor.u32 $0xD0000000, s2;
	s6 =	simm.s32 $0x108;
	_ =	swait.ge @!p0 [sflag:s8], $0x0  }
0x24: {  	s3 =	sadd.s32 $0x88, s3;
	s6 =	simm.s32 @!p1 $0x1082;
	[sflag:s4] =	ssyncset.s32 $0xFFFFF086  }
0x25: {  	[simem:s6], [sflag:s4] =	dma.local [hbm:s3], $0xF7A  }
0x26: {  	[smem:$0x3F9B] =	sst s1;
	(tag) =	ssettag s2;
	_ =	strace s9  }
0x27: {  	s1 =	sld [smem:$0x3FAB]  }
0x28: {  	s2 =	sld [smem:$0x3FAC]  }
0x29: {  	s4 =	sld [smem:$0x3FAE]  }
0x2a: {  	p0 =	seq.s32 s5, $0x0;
	s5 =	sld [smem:$0x3FAF]  }
0x2b: {  	s6 =	sld [smem:$0x3FB0]  }
0x2c: {  	s7 =	sld [smem:$0x3FB1]  }
0x2d: {  	s3 =	simm.s32 $0x108;
	s8 =	sld [smem:$0x3FB2]  }
0x2e: {  	s3 =	simm.s32 @!p0 $0x1082;
	s9 =	sld [smem:$0x3FB3]  }
0x2f: {  	lr =	sadd.s32 s0, s3;
	s0 =	sld [smem:$0x3FAA]  }
0x30: {  	s3 =	sld [smem:$0x3FAD]  }
0x31: {  	[smem:$0x3FB6] =	sst s10  }
0x32: {  	s10 =	sld [smem:$0x3FB4];
	_ =	sdelay $0x3  }
0x33: {  	p0 =	seq.s32 s10, $0x1;
	s10 =	sld [smem:$0x3FB6];
	_ =	sdelay $0x3  }
0x34: {  	[smem:$0x3FB6] =	sst s10  }
0x35: {  	s10 =	sld [smem:$0x3FB5];
	_ =	sdelay $0x3  }
0x36: {  	p1 =	seq.s32 s10, $0x1;
	s10 =	sld [smem:$0x3FB6];
	_ =	sdelay $0x3  }
0x37: {  	[smem:$0x3FB6] =	sst s10  }
0x38: {  	s10 =	sld [smem:$0x3FB7]  }
0x39: {  	_ = 	snop;
	(pc) =	sbr.ind lr, $3  }
0x3a: {  	_ = 	snop  }
0x3b: {  	_ = 	snop  }
0x3c: {  	p2 =	seq.s32 s10, $0x1;
	s10 =	sld [smem:$0x3FB6]  }
0x3d: {  	_ =	shalt  }
0x3e: {  	_ =	shalt  }
0x3f: {  	_ =	shalt  }
0x40: {  	_ =	shalt  }
0x41: {  	_ =	shalt  }
0x42: {  	_ =	shalt  }
0x43: {  	_ =	shalt  }
0x44: {  	_ =	shalt  }
0x45: {  	_ =	shalt  }
0x46: {  	_ =	shalt  }
0x47: {  	_ =	shalt  }
0x48: {  	_ =	shalt  }
0x49: {  	_ =	shalt  }
0x4a: {  	_ =	shalt  }
0x4b: {  	_ =	shalt  }
0x4c: {  	_ =	shalt  }
0x4d: {  	_ =	shalt  }
0x4e: {  	_ =	shalt  }
0x4f: {  	_ =	shalt  }
0x50: {  	_ =	shalt  }
0x51: {  	_ =	shalt  }
0x52: {  	_ =	shalt  }
0x53: {  	_ =	shalt  }
0x54: {  	_ =	shalt  }
0x55: {  	_ =	shalt  }
0x56: {  	_ =	shalt  }
0x57: {  	_ =	shalt  }
0x58: {  	_ =	shalt  }
0x59: {  	_ =	shalt  }
0x5a: {  	_ =	shalt  }
0x5b: {  	_ =	shalt  }
0x5c: {  	_ =	shalt  }
0x5d: {  	_ =	shalt  }
0x5e: {  	_ =	shalt  }
0x5f: {  	_ =	shalt  }
0x60: {  	_ =	shalt  }
0x61: {  	_ =	shalt  }
0x62: {  	_ =	shalt  }
0x63: {  	_ =	shalt  }
0x64: {  	_ =	shalt  }
0x65: {  	_ =	shalt  }
0x66: {  	_ =	shalt  }
0x67: {  	_ =	shalt  }
0x68: {  	_ =	shalt  }
0x69: {  	_ =	shalt  }
0x6a: {  	_ =	shalt  }
0x6b: {  	_ =	shalt  }
0x6c: {  	_ =	shalt  }
0x6d: {  	_ =	shalt  }
0x6e: {  	_ =	shalt  }
0x6f: {  	_ =	shalt  }
0x70: {  	_ =	shalt  }
0x71: {  	_ =	shalt  }
0x72: {  	_ =	shalt  }
0x73: {  	_ =	shalt  }
0x74: {  	_ =	shalt  }
0x75: {  	_ =	shalt  }
0x76: {  	_ =	shalt  }
0x77: {  	_ =	shalt  }
0x78: {  	_ =	shalt  }
0x79: {  	_ =	shalt  }
0x7a: {  	_ =	shalt  }
0x7b: {  	_ =	shalt  }
0x7c: {  	_ =	shalt  }
0x7d: {  	_ =	shalt  }
0x7e: {  	_ =	shalt  }
0x7f: {  	_ =	shalt  }
0x80: {  	_ =	shalt  }
0x81: {  	_ =	shalt  }
0x82: {  	_ =	shalt  }
0x83: {  	_ =	shalt  }
0x84: {  	_ =	shalt  }
0x85: {  	_ =	shalt  }
0x86: {  	_ =	shalt  }
0x87: {  	_ =	shalt  }
.Lfunc_end0:
.L_simem_size_0:
called_computation.1_lowered:
.L_overlay_start_0:
0x88: {  	s2 =	sld [smem:$0x3FD9]  }
0x89: {  	s3 =	sld [smem:$0x3FFE];
	_ =	sdelay $0x1  }
0x8a: {  	s1 =	srdreg.scid  }
0x8b: {  	s0 =	sand.u32 $0x1, s1  }
0x8c: {  	s17 =	sshll.u32 s0, $0xA;
	s2 =	sadd.s32 s3, s2  }
0x8d: {  	s2 =	sadd.s32 s2, s17  }
0x8e: {  	[smem:$0x3FC2] =	sst s2  }
0x8f: {  	_ = 	snop  }
0x90: {  	s2 =	sld [smem:$0x3FD0];
	(tm) =	ssettm $0x1  }
0x91: {  	s18 =	sld [smem:$0x3FFB];
	_ =	sdelay $0x3  }
0x92: {  	_ =	strace s18  }
0x93: {  	s3 =	sld [smem:$0x3FFC];
	_ =	sdelay $0x3  }
0x94: {  	_ =	strace s3  }
0x95: {  	s3 =	sld [smem:$0x3FFD];
	_ =	sdelay $0x3  }
0x96: {  	_ =	strace s3  }
0x97: {  	_ =	strace $0x8FFFFFFF  }
0x98: {  	s19 =	sld [smem:$0x3FDB];
	_ =	sdelay $0x1  }
0x99: {  	s4 =	simm.s32 $_scs_section_size  }
0x9a: {  	s5 =	simm.s32 $_size__tile_overlayer_lowered;
	s6 =	simm.s32 $_tile_overlayer_lowered  }
0x9b: {  	s22 =	simm.s32 $0x1BFF;
	s21 =	sshll.u32 s6, $0x1;
	s3 =	sadd.s32 s4, s19  }
0x9c: {  	s7 =	simm.s32 $0x0;
	s20 =	sshll.u32 s5, $0x1;
	s5 =	sadd.s32 s21, s3  }
0x9d: {  	[timem:s7], [sflag:s22] =	dma.local [hbm:s5], s20  }
0x9e: {  	_ =	swait.ge [sflag:s22], s20  }
0x9f: {  	s4 =	ssub.s32 $0x0, s20;
	[sflag:s22] =	ssyncset.done $0x0  }
0xa0: {  	[sflag:s22] =	ssyncadd.s32 s4;
	_ =	sdelay $0x1  }
0xa1: {  	s23 =	simm.s32 $0x1B8B  }
0xa2: {  	_ =	swait.ge [sflag:s23], $0x1  }
0xa3: {  	[sflag:s23] =	ssyncset.done $0x0  }
0xa4: {  	s25 =	simm.s32 $0x1B8E;
	s24 =	sld [smem:$0x3FFE];
	[sflag:s23] =	ssyncadd.s32 $0xFFFFFFFF  }
0xa5: {  	s26 =	simm.s32 $execute0_lowered;
	[smem:$0x3FD2] =	sst s25  }
0xa6: {  	s5 =	sshll.u32 s26, $0x1;
	_ =	strace $0x80000049;
	[dreg:$0x1] =	wrdreg $0xFFFFFFFF  }
0xa7: {  	s28 =	simm.s32 $_size_execute0_lowered;
	s3 =	sadd.s32 s3, s5;
	[dreg:$0x0] =	wrdreg $0x0  }
0xa8: {  	s5 =	sshll.u32 s28, $0x1;
	[dreg:$0x2] =	wrdreg s3  }
0xa9: {  	[dreg:$0x3] =	wrdreg s5  }
0xaa: {  	[dreg:$0x4] =	wrdreg $0xC0  }
0xab: {  	_ =	task [dreg:s7], $0x5FFFF  }
0xac: {  	[dreg:$0x1] =	wrdreg $0xFFFFFFFF  }
0xad: {  	[dreg:$0x0] =	wrdreg $0x60  }
0xae: {  	[dreg:$0x2] =	wrdreg s24  }
0xaf: {  	[dreg:$0x3] =	wrdreg s2  }
0xb0: {  	[dreg:$0x4] =	wrdreg $0xA4000  }
0xb1: {  	[dreg:$0x5] =	wrdreg $0x9  }
0xb2: {  	_ =	task.clear_ibuf [dreg:s7], $0x6FFFF;
	_ =	strace $0x90000049  }
0xb3: {  	s29 =	simm.s32 $0x9;
	_ =	strace $0x8000004B  }
0xb4: {  	_ =	swait.ge [sflag:s29], $0x1  }
0xb5: {  	[sflag:s29] =	ssyncadd.s32 $0xFFFFFFFF  }
0xb6: {  	_ =	strace $0x9000004B  }
0xb7: {  	_ =	sfence  }
0xb8: {  	s30 =	sld [smem:$0x0];
	_ =	sdelay $0x2  }
0xb9: {  	s31 =	sshll.u32 s1, $0xD;
	s1 =	sshrl.u32 s1, $0x2  }
0xba: {  	s3 =	sand.u32 $0x4000, s31;
	s1 =	sadd.s32 s1, s30  }
0xbb: {  	s0 =	sor.u32 s3, s0;
	s1 =	sshll.u32 s1, $0x11  }
0xbc: {  	s0 =	sor.u32 s1, s0  }
0xbd: {  	s0 =	sadd.s32 $0x8F2B, s0  }
0xbe: {  	[sflag:s0] =	ssyncadd.remote.s32 $0x1  }
0xbf: {  	_ =	sfence.sel $0xFFFF  }
0xc0: {  	[dreg:$0x0] =	wrdreg $0xFFFFFFFF;
	(pc) =	sbr.abs _section_cstart, $3  }
0xc1: {  	[dreg:$0x1] =	wrdreg $0xFFFFFFFF  }
0xc2: {  	_ =	task.clear_ibuf [dreg:s7], $0x2FFFF;
	_ =	strace $0x9FFFFFFF  }
0xc3: {  	(tm) =	ssettm $0x7FFFFFFF  }
tec
execute0_lowered:
.L_overlay_start_1:
0x0: {  	(tag) =	ssettag $0x1  }
0x1: {  	s0 =	rddreg [dreg:$0x0]  }
0x2: {  	s4 =	rddreg [dreg:$0x1]  }
0x3: {  	s1 =	rddreg [dreg:$0x2];
	s2 =	srdreg.scid  }
0x4: {  	s3 =	simm.s32 $0x0;
	s16 =	stileid.u32;
	s31 =	simm.s32 $0x0  }
0x5: {  	s6 =	sand.u32 $0x1, s2;
	[smem:$0x7FF] =	sst s3;
	s10 =	sadd.s32 $0x2800, s0  }
0x6: {  	s15 =	smul.u32 $0x2800, s16;
	s2 =	sshll.u32 s6, $0x4;
	s7 =	ssub.s32 $0x2, s6  }
0x7: {  	s30 =	smul.u32 $0x28000, s6;
	s2 =	sor.u32 s16, s2;
	s8 =	sshrl.u32 s7, $0x1  }
0x8: {  	s5 =	sadd.s32 $0x35000, s0;
	s9 =	smul.u32 $0x2800, s2;
	s2 =	ssub.s32 s7, s8  }
0x9: {  	_ =	strace $0x8000004A;
	s7 =	smul.u32 $0x280, s16;
	s2 =	smax.u32 s2, $0x1  }
0xa: {  	s26 =	sshrl.u32 s9, $0x3;
	s9 =	sor.u32 $0xA0, s9;
	[dreg:$0x1d] =	wrdreg s2  }
0xb: {  	s11 =	sor.u32 $0xA, s26;
	s12 =	sshrl.u32 s9, $0x3;
	s13 =	sadd.s32 s10, s26  }
0xc: {  	s9 =	smul.u32 $0x2800, s6;
	s8 =	sadd.s32 s4, s26;
	[dreg:$0xe] =	wrdreg s13  }
0xd: {  	s28 =	sadd.s32 s10, s11;
	s12 =	sadd.s32 s10, s12;
	[dreg:$0x11] =	wrdreg s8  }
0xe: {  	s13 =	sadd.s32 s4, s11;
	s8 =	sor.u32 $0x50, s7;
	[dreg:$0xf] =	wrdreg s28  }
0xf: {  	s11 =	sadd.s32 s15, s30;
	[dreg:$0x10] =	wrdreg s12;
	s29 =	sadd.s32 s9, s7  }
0x10: {  	[dreg:$0x12] =	wrdreg s13;
	s17 =	sadd.s32 s9, s8;
	s20 =	sor.u32 $0x140, s11  }
0x11: {  	s13 =	sadd.s32 $0xF0, s7;
	s15 =	sor.u32 $0x190, s11;
	s25 =	sor.u32 $0xF0, s11  }
0x12: {  	s14 =	sshll.u32 s29, $0x4;
	s18 =	sshll.u32 s17, $0x4;
	s22 =	sshrl.u32 s20, $0x3  }
0x13: {  	s23 =	sshrl.u32 s15, $0x3;
	s28 =	sshrl.u32 s25, $0x3;
	s29 =	sadd.s32 s9, s13  }
0x14: {  	s6 =	sadd.s32 s5, s14;
	s12 =	sadd.s32 s5, s18;
	s24 =	sadd.s32 s23, s4  }
0x15: {  	s26 =	sadd.s32 s23, s10;
	s30 =	sadd.s32 s28, s4;
	[dreg:$0x13] =	wrdreg s6  }
0x16: {  	s17 =	sadd.s32 s28, s10;
	s18 =	sor.u32 $0x1E0, s11;
	[dreg:$0x14] =	wrdreg s12  }
0x17: {  	s15 =	sshll.u32 s29, $0x4;
	s11 =	sor.u32 $0xA0, s11;
	[dreg:$0x6] =	wrdreg s24  }
0x18: {  	s23 =	sadd.s32 $0x1E0, s7;
	s29 =	smul.u32 $0x50000, s16;
	[dreg:$0x7] =	wrdreg s26  }
0x19: {  	s16 =	sshll.u32 s13, $0x7;
	s13 =	simm.s32 $0x180;
	[dreg:$0x8] =	wrdreg s30  }
0x1a: {  	s6 =	sadd.s32 $0xA0, s7;
	s12 =	sadd.s32 s22, s10;
	[dreg:$0x9] =	wrdreg s17  }
0x1b: {  	s15 =	sadd.s32 s5, s15;
	s25 =	sadd.s32 s9, s23;
	[dreg:$0x5] =	wrdreg s12  }
0x1c: {  	s30 =	simm.s32 $0x300;
	s17 =	sadd.s32 $0xC800, s0;
	[dreg:$0x16] =	wrdreg s15  }
0x1d: {  	s0 =	sadd.s32 $0x34800, s0;
	s14 =	sadd.s32 s9, s6;
	[dreg:$0xc] =	wrdreg s30  }
0x1e: {  	[dreg:$0x1b] =	wrdreg s0;
	s15 =	sshll.u32 s6, $0x7;
	s6 =	simm.s32 $0x280  }
0x1f: {  	s12 =	simm.s32 $0x11;
	s19 =	sshll.u32 s14, $0x4;
	s14 =	sadd.s32 s22, s4  }
0x20: {  	s22 =	sadd.s32 $0x190, s7;
	s21 =	sadd.s32 s5, s19;
	[dreg:$0x4] =	wrdreg s14  }
0x21: {  	s19 =	sadd.s32 $0x140, s7;
	s14 =	sshrl.u32 s18, $0x3;
	s24 =	sadd.s32 s9, s22  }
0x22: {  	s7 =	sadd.s32 $0x230, s7;
	[dreg:$0x15] =	wrdreg s21;
	s10 =	sadd.s32 s14, s10  }
0x23: {  	s20 =	sadd.s32 s9, s19;
	s21 =	sshrl.u32 s11, $0x3;
	s28 =	sadd.s32 s9, s7  }
0x24: {  	s9 =	sshrl.u32 s29, $0x2;
	s19 =	sshll.u32 s19, $0x7;
	s11 =	simm.s32 $0x2C00  }
0x25: {  	s14 =	sshll.u32 s20, $0x4;
	[dreg:$0xa] =	wrdreg s10;
	s4 =	sadd.s32 s21, s4  }
0x26: {  	s18 =	sadd.s32 s9, s1;
	s20 =	sadd.s32 s19, s1;
	s21 =	sshll.u32 s22, $0x7  }
0x27: {  	s22 =	sshll.u32 s23, $0x7;
	s23 =	sshll.u32 s7, $0x7;
	s9 =	simm.s32 $0x400  }
0x28: {  	s14 =	sadd.s32 s5, s14;
	[dreg:$0xb] =	wrdreg s4;
	s4 =	sshll.u32 s24, $0x4  }
0x29: {  	[smem:$0x7F6] =	sst s20;
	s24 =	sadd.s32 s23, s1;
	s30 =	sadd.s32 $0x10000, s18  }
0x2a: {  	s20 =	simm.s32 $0x380;
	s23 =	simm.s32 $0x2;
	[dreg:$0x1c] =	wrdreg s18  }
0x2b: {  	[dreg:$0x17] =	wrdreg s14;
	s14 =	sshll.u32 s25, $0x4;
	s4 =	sadd.s32 s5, s4  }
0x2c: {  	[smem:$0x7F9] =	sst s24;
	s25 =	sadd.s32 $0x4000, s18;
	s24 =	simm.s32 $0xA  }
0x2d: {  	[dreg:$0x18] =	wrdreg s4;
	s26 =	sadd.s32 s5, s14;
	s4 =	sshll.u32 s28, $0x4  }
0x2e: {  	s14 =	sshll.u32 s8, $0x7;
	[dreg:$0x19] =	wrdreg s26;
	s4 =	sadd.s32 s5, s4  }
0x2f: {  	s28 =	sadd.s32 $0xC000, s18;
	s5 =	simm.s32 $0x5400;
	[dreg:$0x1a] =	wrdreg s4  }
0x30: {  	s8 =	simm.s32 $0x50;
	s0 =	sadd.s32 s14, s1;
	[dreg:$0xd] =	wrdreg s5  }
0x31: {  	s26 =	sadd.s32 $0x8000, s18;
	s29 =	sshrl.u32 s28, $0x3;
	[dreg:$0x1e] =	wrdreg s0  }
0x32: {  	s14 =	simm.s32 $0x7;
	s0 =	sadd.s32 s15, s1;
	[smem:$0x7FC] =	sst s29  }
0x33: {  	s4 =	simm.s32 $0x100;
	[dreg:$0x1f] =	wrdreg s0;
	s0 =	sadd.s32 s16, s1  }
0x34: {  	s5 =	simm.s32 $0x200;
	[smem:$0x7F5] =	sst s0;
	s0 =	sadd.s32 s21, s1  }
0x35: {  	s15 =	simm.s32 $0x1;
	[smem:$0x7F7] =	sst s0;
	s0 =	sadd.s32 s22, s1  }
0x36: {  	s16 =	simm.s32 $0x9;
	[smem:$0x7F8] =	sst s0;
	s0 =	sshrl.u32 s25, $0x3  }
0x37: {  	s21 =	simm.s32 $0x8;
	[smem:$0x7FA] =	sst s0;
	s0 =	sshrl.u32 s26, $0x3  }
0x38: {  	s22 =	simm.s32 $0x7C00;
	[smem:$0x7FB] =	sst s0;
	s0 =	sshrl.u32 s30, $0x3  }
0x39: {  	s25 =	simm.s32 $0x4;
	s26 =	simm.s32 $0xC;
	[smem:$0x7FD] =	sst s0  }
.LBB2_1:
0x3a: {  	s0 =	rddreg [dreg:$0xe]  }
0x3b: {  	[tilespmem:s3], [sflag:$0x5] =	stream.linear.gather [hbm4b:s0+s3], $0x50, $0x38;
	[tilespmem:$0x1E400] =	vst v63  }
0x3c: {  	s29 =	rddreg [dreg:$0xf];
	s2 =	simm.s32 $0x80  }
0x3d: {  	[tilespmem:s2], [sflag:$0x6] =	stream.linear.gather [hbm4b:s29+s3], $0x50, $0x38;
	[tilespmem:$0x1E400] =	vst v63  }
0x3e: {  	s30 =	rddreg [dreg:$0x10]  }
0x3f: {  	[tilespmem:s4], [sflag:$0x7] =	stream.linear.gather [hbm4b:s30+s3], $0x50, $0x38;
	[tilespmem:$0x1E400] =	vst v63  }
0x40: {  	s7 =	rddreg [dreg:$0x11]  }
0x41: {  	[tilespmem:s5], [sflag:$0x9] =	stream.linear.gather [hbm4b:s7+s3], $0x50, $0x38;
	[tilespmem:$0x1E400] =	vst v63  }
0x42: {  	s10 =	rddreg [dreg:$0x12];
	s19 =	simm.s32 $0x5  }
0x43: {  	[tilespmem:s6], [sflag:$0xA] =	stream.linear.gather [hbm4b:s10+s3], $0x50, $0x38;
	[tilespmem:$0x1E400] =	vst v63  }
0x44: {  	_ =	swait.ge [sflag:s19], $0x50  }
0x45: {  	[sflag:s19] =	ssyncset.done $0x0  }
0x46: {  	s28 =	simm.s32 $0x6;
	s29 =	stileid.u32;
	[sflag:s19] =	ssyncadd.s32 $0xFFFFFFB0  }
0x47: {  	[tilespmem:s9], [sflag:$0x1] =	stream.indirect.gather [hbm4b:s17+s8], $0x80, s3, s8, $0xb8;
	[tilespmem:$0x1E400] =	vst v63  }
0x48: {  	s0 =	sshll.u32 s29, $0x6;
	_ =	swait.ge [sflag:s28], $0x50  }
0x49: {  	s0 =	sor.u32 $0x1C11, s0;
	[sflag:s28] =	ssyncset.done $0x0  }
0x4a: {  	s30 =	sshrl.u32 s18, $0x3;
	s7 =	rddreg [dreg:$0x1b];
	[sflag:s28] =	ssyncadd.s32 $0xFFFFFFB0  }
0x4b: {  	[tilespmem:s11], [sflag:$0x2] =	stream.indirect.gather [hbm4b:s17+s8], $0x80, s2, s8, $0xb8;
	[tilespmem:$0x1E400] =	vst v63  }
0x4c: {  	[spmem:s30], [sflag:s0] =	dma.local [hbm:s7], $0x800  }
0x4d: {  	_ =	swait.ge [sflag:s12], $0x800  }
0x4e: {  	s10 =	sld [smem:$0x7FA]  }
0x4f: {  	[sflag:s12] =	ssyncset.done $0x0  }
0x50: {  	[sflag:s12] =	ssyncadd.s32 $0xFFFFF800  }
0x51: {  	[spmem:s10], [sflag:s0] =	dma.local [hbm:s7], $0x800  }
0x52: {  	_ =	swait.ge [sflag:s12], $0x800  }
0x53: {  	s18 =	sld [smem:$0x7FB]  }
0x54: {  	[sflag:s12] =	ssyncset.done $0x0  }
0x55: {  	[sflag:s12] =	ssyncadd.s32 $0xFFFFF800  }
0x56: {  	[spmem:s18], [sflag:s0] =	dma.local [hbm:s7], $0x800  }
0x57: {  	_ =	swait.ge [sflag:s12], $0x800  }
0x58: {  	s19 =	sld [smem:$0x7FC]  }
0x59: {  	[sflag:s12] =	ssyncset.done $0x0  }
0x5a: {  	[sflag:s12] =	ssyncadd.s32 $0xFFFFF800  }
0x5b: {  	[spmem:s19], [sflag:s0] =	dma.local [hbm:s7], $0x800  }
0x5c: {  	_ =	swait.ge [sflag:s12], $0x800  }
0x5d: {  	s28 =	sld [smem:$0x7FD]  }
0x5e: {  	[sflag:s12] =	ssyncset.done $0x0  }
0x5f: {  	[sflag:s12] =	ssyncadd.s32 $0xFFFFF800  }
0x60: {  	[spmem:s28], [sflag:s0] =	dma.local [hbm:s7], $0x800  }
0x61: {  	_ =	swait.ge [sflag:s12], $0x800  }
0x62: {  	[sflag:s12] =	ssyncset.done $0x0  }
0x63: {  	p0 =	por $0x1, $0x1;
	[sflag:s12] =	ssyncadd.s32 $0xFFFFF800  }
0x64: {  	s0 =	simm.s32 @!p0 $0xF;
	[bflag:$0x0] =	sbarrier.arrive $0xFFFF  }
0x65: {  	_ =	swait.ge @!p0 [sflag:s0], $0x2800  }
0x66: {  	s29 =	rddreg [dreg:$0xb]  }
0x67: {  	s30 =	rddreg [dreg:$0xc];
	[sflag:s0] =	ssyncset.done @!p0 $0x0  }
0x68: {  	s10 =	rddreg [dreg:$0x9];
	[sflag:s0] =	ssyncadd.s32 @!p0 $0xFFFFD800;
	s18 =	sadd.s32 $0x0, s29  }
0x69: {  	[tilespmem:s30], [sflag:$0xB] =	stream.linear.gather [hbm4b:s18+s3], $0x50, $0x38;
	[tilespmem:$0x1E400] =	vst v63  }
0x6a: {  	s19 =	sadd.s32 $0x0, s10  }
0x6b: {  	[tilespmem:s13], [sflag:$0x8] =	stream.linear.gather [hbm4b:s19+s3], $0x50, $0x38;
	[tilespmem:$0x1E400] =	vst v63  }
0x6c: {  	_ =	swait.ge [sflag:s14], $0x50  }
0x6d: {  	[sflag:s14] =	ssyncset.done $0x0  }
0x6e: {  	s28 =	rddreg [dreg:$0xd];
	[sflag:s14] =	ssyncadd.s32 $0xFFFFFFB0  }
0x6f: {  	[tilespmem:s28], [sflag:$0x3] =	stream.indirect.gather [hbm4b:s17+s8], $0x80, s4, s8, $0xb8;
	[tilespmem:$0x1E400] =	vst v63  }
0x70: {  	_ =	swait.ge [sflag:s15], $0x2800  }
0x71: {  	[sflag:s15] =	ssyncset.done $0x0  }
0x72: {  	[sflag:s15] =	ssyncadd.s32 $0xFFFFD800  }
0x73: {  	_ =	swait.ge [sflag:s16], $0x50  }
0x74: {  	[sflag:s16] =	ssyncset.done $0x0  }
0x75: {  	s0 =	simm.s32 @!p0 $0x10;
	[sflag:s16] =	ssyncadd.s32 $0xFFFFFFB0  }
0x76: {  	[spmem:s1] =	stream.indirect.scatter.add.f32 [tilespmem:s9], [sflag:$0xD], $0x80, s5, s8, $0xb8;
	[tilespmem:$0x1E400] =	vst v63  }
0x77: {  	_ =	swait.ge @!p0 [sflag:s0], $0x2800  }
0x78: {  	s29 =	rddreg [dreg:$0x8]  }
0x79: {  	[sflag:s0] =	ssyncset.done @!p0 $0x0;
	s7 =	rddreg [dreg:$0x5]  }
0x7a: {  	[sflag:s0] =	ssyncadd.s32 @!p0 $0xFFFFD800;
	s30 =	sadd.s32 $0x0, s29;
	p0 =	por $0x0, $0x0  }
0x7b: {  	[tilespmem:s20], [sflag:$0xC] =	stream.linear.gather [hbm4b:s30+s3], $0x50, $0x38;
	[tilespmem:$0x1E400] =	vst v63  }
0x7c: {  	s2 =	sadd.s32 @!p0 $0x0, s7;
	s0 =	simm.s32 @!p0 $0x0  }
0x7d: {  	[tilespmem:s0], [sflag:$0x5] =	stream.linear.gather @!p0 [hbm4b:s2+s0], $0x50, $0x38;
	[tilespmem:$0x1E400] =	vst v63  }
0x7e: {  	_ =	swait.ge [sflag:s21], $0x50  }
0x7f: {  	[sflag:s21] =	ssyncset.done $0x0  }
0x80: {  	[sflag:s21] =	ssyncadd.s32 $0xFFFFFFB0  }
0x81: {  	[tilespmem:s22], [sflag:$0x4] =	stream.indirect.gather [hbm4b:s17+s8], $0x80, s13, s8, $0xb8;
	[tilespmem:$0x1E400] =	vst v63  }
0x82: {  	_ =	swait.ge [sflag:s23], $0x2800  }
0x83: {  	[sflag:s23] =	ssyncset.done $0x0  }
0x84: {  	[sflag:s23] =	ssyncadd.s32 $0xFFFFD800  }
0x85: {  	_ =	swait.ge [sflag:s24], $0x50  }
0x86: {  	[sflag:s24] =	ssyncset.done $0x0  }
0x87: {  	s2 =	simm.s32 @p0 $0x3;
	[sflag:s24] =	ssyncadd.s32 $0xFFFFFFB0  }
0x88: {  	[spmem:s1] =	stream.indirect.scatter.add.f32 [tilespmem:s11], [sflag:$0xE], $0x80, s6, s8, $0xb8;
	[tilespmem:$0x1E400] =	vst v63  }
0x89: {  	_ =	swait.ge @p0 [sflag:s2], $0x2800  }
0x8a: {  	[sflag:s2] =	ssyncset.done @p0 $0x0  }
0x8b: {  	[sflag:s2] =	ssyncadd.s32 @p0 $0xFFFFD800;
	s2 =	simm.s32 @p0 $0xB  }
0x8c: {  	_ =	swait.ge @p0 [sflag:s2], $0x50  }
0x8d: {  	s7 =	simm.s32 @p0 $0x5400;
	s10 =	simm.s32 @!p0 $0xD;
	[sflag:s2] =	ssyncset.done @p0 $0x0  }
0x8e: {  	s28 =	simm.s32 @p0 $0x300;
	[sflag:s2] =	ssyncadd.s32 @p0 $0xFFFFFFB0;
	s2 =	simm.s32 @p0 $0x50  }
0x8f: {  	[spmem:s1] =	stream.indirect.scatter.add.f32 @p0 [tilespmem:s7], [sflag:$0xF], $0x80, s28, s2, $0xb8;
	[tilespmem:$0x1E400] =	vst v63  }
0x90: {  	_ =	swait.ge @!p0 [sflag:s10], $0x2800  }
0x91: {  	s2 =	rddreg [dreg:$0x4]  }
0x92: {  	[sflag:s10] =	ssyncset.done @!p0 $0x0;
	s7 =	rddreg [dreg:$0x7]  }
0x93: {  	[sflag:s10] =	ssyncadd.s32 @!p0 $0xFFFFD800;
	s2 =	sadd.s32 @!p0 $0x0, s2;
	s10 =	simm.s32 @!p0 $0x200  }
0x94: {  	[tilespmem:s10], [sflag:$0x9] =	stream.linear.gather @!p0 [hbm4b:s2+s0], $0x50, $0x38;
	[tilespmem:$0x1E400] =	vst v63  }
0x95: {  	s2 =	sadd.s32 @!p0 $0x0, s7;
	s7 =	simm.s32 @!p0 $0x80;
	s10 =	simm.s32 @!p0 $0x5  }
0x96: {  	[tilespmem:s7], [sflag:$0x6] =	stream.linear.gather @!p0 [hbm4b:s2+s0], $0x50, $0x38;
	[tilespmem:$0x1E400] =	vst v63  }
0x97: {  	_ =	swait.ge @!p0 [sflag:s10], $0x50  }
0x98: {  	s28 =	simm.s32 @!p0 $0x400;
	[sflag:s10] =	ssyncset.done @!p0 $0x0  }
0x99: {  	s2 =	simm.s32 @!p0 $0x3;
	[sflag:s10] =	ssyncadd.s32 @!p0 $0xFFFFFFB0;
	s10 =	simm.s32 @!p0 $0x50  }
0x9a: {  	[tilespmem:s28], [sflag:$0x1] =	stream.indirect.gather @!p0 [hbm4b:s17+s10], $0x80, s0, s10, $0xb8;
	[tilespmem:$0x1E400] =	vst v63  }
0x9b: {  	_ =	swait.ge @!p0 [sflag:s2], $0x2800  }
0x9c: {  	[sflag:s2] =	ssyncset.done @!p0 $0x0  }
0x9d: {  	[sflag:s2] =	ssyncadd.s32 @!p0 $0xFFFFD800;
	s2 =	simm.s32 @!p0 $0xB  }
0x9e: {  	_ =	swait.ge @!p0 [sflag:s2], $0x50  }
0x9f: {  	s29 =	simm.s32 @!p0 $0x5400;
	[sflag:s2] =	ssyncset.done @!p0 $0x0  }
0xa0: {  	s28 =	simm.s32 @!p0 $0xE;
	[sflag:s2] =	ssyncadd.s32 @!p0 $0xFFFFFFB0;
	s2 =	simm.s32 @!p0 $0x300  }
0xa1: {  	[spmem:s1] =	stream.indirect.scatter.add.f32 @!p0 [tilespmem:s29], [sflag:$0xF], $0x80, s2, s10, $0xb8;
	[tilespmem:$0x1E400] =	vst v63  }
0xa2: {  	_ =	swait.ge @!p0 [sflag:s28], $0x2800  }
0xa3: {  	s2 =	rddreg [dreg:$0x6]  }
0xa4: {  	[sflag:s28] =	ssyncset.done @!p0 $0x0;
	s29 =	rddreg [dreg:$0xa]  }
0xa5: {  	[sflag:s28] =	ssyncadd.s32 @!p0 $0xFFFFD800;
	s2 =	sadd.s32 @!p0 $0x0, s2;
	s28 =	simm.s32 @!p0 $0x280  }
0xa6: {  	[tilespmem:s28], [sflag:$0xA] =	stream.linear.gather @!p0 [hbm4b:s2+s0], $0x50, $0x38;
	[tilespmem:$0x1E400] =	vst v63  }
0xa7: {  	s2 =	sadd.s32 @!p0 $0x0, s29;
	s28 =	simm.s32 @!p0 $0x100  }
0xa8: {  	[tilespmem:s28], [sflag:$0x7] =	stream.linear.gather @!p0 [hbm4b:s2+s0], $0x50, $0x38;
	[tilespmem:$0x1E400] =	vst v63  }
0xa9: {  	s0 =	simm.s32 @!p0 $0x6  }
0xaa: {  	_ =	swait.ge @!p0 [sflag:s0], $0x50  }
0xab: {  	[sflag:s0] =	ssyncset.done @!p0 $0x0  }
0xac: {  	[sflag:s0] =	ssyncadd.s32 @!p0 $0xFFFFFFB0;
	s0 =	simm.s32 @!p0 $0x2C00  }
0xad: {  	[tilespmem:s0], [sflag:$0x2] =	stream.indirect.gather @!p0 [hbm4b:s17+s10], $0x80, s7, s10, $0xb8;
	[tilespmem:$0x1E400] =	vst v63  }
0xae: {  	_ =	swait.ge [sflag:s25], $0x2800  }
0xaf: {  	[sflag:s25] =	ssyncset.done $0x0  }
0xb0: {  	[sflag:s25] =	ssyncadd.s32 $0xFFFFD800  }
0xb1: {  	p1 =	por $0x0, $0x0;
	_ =	swait.ge [sflag:s26], $0x50  }
0xb2: {  	s0 =	simm.s32 $0x28;
	s7 =	simm.s32 $0x50;
	[sflag:s26] =	ssyncset.done $0x0  }
.LBB2_2:
0xb3: {  	s2 =	simm.s32 @!p1 $0xF;
	[sflag:s26] =	ssyncadd.s32 $0xFFFFFFB0  }
0xb4: {  	[spmem:s1] =	stream.indirect.scatter.add.f32 [tilespmem:s22], [sflag:$0x10], $0x80, s20, s8, $0xb8;
	[tilespmem:$0x1E400] =	vst v63  }
0xb5: {  	_ =	swait.ge @!p1 [sflag:s2], $0x2800  }
0xb6: {  	s28 =	rddreg [dreg:$0xb]  }
0xb7: {  	[sflag:s2] =	ssyncset.done @!p1 $0x0;
	s19 =	rddreg [dreg:$0xc]  }
0xb8: {  	s29 =	rddreg [dreg:$0x9];
	[sflag:s2] =	ssyncadd.s32 @!p1 $0xFFFFD800;
	s28 =	sadd.s32 s0, s28  }
0xb9: {  	[tilespmem:s19], [sflag:$0xB] =	stream.linear.gather [hbm4b:s28+s3], $0x50, $0x38;
	[tilespmem:$0x1E400] =	vst v63  }
0xba: {  	s30 =	sadd.s32 s0, s29  }
0xbb: {  	[tilespmem:s13], [sflag:$0x8] =	stream.linear.gather [hbm4b:s30+s3], $0x50, $0x38;
	[tilespmem:$0x1E400] =	vst v63  }
0xbc: {  	_ =	swait.ge [sflag:s14], $0x50  }
0xbd: {  	[sflag:s14] =	ssyncset.done $0x0  }
0xbe: {  	s18 =	rddreg [dreg:$0xd];
	[sflag:s14] =	ssyncadd.s32 $0xFFFFFFB0  }
0xbf: {  	[tilespmem:s18], [sflag:$0x3] =	stream.indirect.gather [hbm4b:s17+s8], $0x80, s4, s8, $0xb8;
	[tilespmem:$0x1E400] =	vst v63  }
0xc0: {  	_ =	swait.ge [sflag:s15], $0x2800  }
0xc1: {  	[sflag:s15] =	ssyncset.done $0x0  }
0xc2: {  	[sflag:s15] =	ssyncadd.s32 $0xFFFFD800  }
0xc3: {  	_ =	swait.ge [sflag:s16], $0x50  }
0xc4: {  	[sflag:s16] =	ssyncset.done $0x0  }
0xc5: {  	s2 =	simm.s32 @!p1 $0x10;
	[sflag:s16] =	ssyncadd.s32 $0xFFFFFFB0  }
0xc6: {  	[spmem:s1] =	stream.indirect.scatter.add.f32 [tilespmem:s9], [sflag:$0xD], $0x80, s5, s8, $0xb8;
	[tilespmem:$0x1E400] =	vst v63  }
0xc7: {  	_ =	swait.ge @!p1 [sflag:s2], $0x2800  }
0xc8: {  	s19 =	rddreg [dreg:$0x8]  }
0xc9: {  	[sflag:s2] =	ssyncset.done @!p1 $0x0;
	s29 =	rddreg [dreg:$0x5]  }
0xca: {  	[sflag:s2] =	ssyncadd.s32 @!p1 $0xFFFFD800;
	s30 =	sadd.s32 s0, s19;
	p1 =	seq.s32 s0, $0x4D8  }
0xcb: {  	[tilespmem:s20], [sflag:$0xC] =	stream.linear.gather [hbm4b:s30+s3], $0x50, $0x38;
	[tilespmem:$0x1E400] =	vst v63  }
0xcc: {  	s28 =	sadd.s32 @!p1 s0, s29;
	s2 =	simm.s32 @!p1 $0x0  }
0xcd: {  	[tilespmem:s2], [sflag:$0x5] =	stream.linear.gather @!p1 [hbm4b:s28+s2], $0x50, $0x38;
	[tilespmem:$0x1E400] =	vst v63  }
0xce: {  	_ =	swait.ge [sflag:s21], $0x50  }
0xcf: {  	[sflag:s21] =	ssyncset.done $0x0  }
0xd0: {  	[sflag:s21] =	ssyncadd.s32 $0xFFFFFFB0  }
0xd1: {  	[tilespmem:s22], [sflag:$0x4] =	stream.indirect.gather [hbm4b:s17+s8], $0x80, s13, s8, $0xb8;
	[tilespmem:$0x1E400] =	vst v63  }
0xd2: {  	_ =	swait.ge [sflag:s23], $0x2800  }
0xd3: {  	[sflag:s23] =	ssyncset.done $0x0  }
0xd4: {  	[sflag:s23] =	ssyncadd.s32 $0xFFFFD800  }
0xd5: {  	_ =	swait.ge [sflag:s24], $0x50  }
0xd6: {  	[sflag:s24] =	ssyncset.done $0x0  }
0xd7: {  	s28 =	simm.s32 @p1 $0x3;
	[sflag:s24] =	ssyncadd.s32 $0xFFFFFFB0  }
0xd8: {  	[spmem:s1] =	stream.indirect.scatter.add.f32 [tilespmem:s11], [sflag:$0xE], $0x80, s6, s8, $0xb8;
	[tilespmem:$0x1E400] =	vst v63  }
0xd9: {  	_ =	swait.ge @p1 [sflag:s28], $0x2800  }
0xda: {  	[sflag:s28] =	ssyncset.done @p1 $0x0  }
0xdb: {  	[sflag:s28] =	ssyncadd.s32 @p1 $0xFFFFD800;
	s28 =	simm.s32 @p1 $0xB  }
0xdc: {  	_ =	swait.ge @p1 [sflag:s28], $0x50  }
0xdd: {  	s29 =	simm.s32 @p1 $0x5400;
	s30 =	simm.s32 @!p1 $0xD;
	[sflag:s28] =	ssyncset.done @p1 $0x0  }
0xde: {  	s19 =	simm.s32 @p1 $0x300;
	[sflag:s28] =	ssyncadd.s32 @p1 $0xFFFFFFB0;
	s28 =	simm.s32 @p1 $0x50  }
0xdf: {  	[spmem:s1] =	stream.indirect.scatter.add.f32 @p1 [tilespmem:s29], [sflag:$0xF], $0x80, s19, s28, $0xb8;
	[tilespmem:$0x1E400] =	vst v63  }
0xe0: {  	_ =	swait.ge @!p1 [sflag:s30], $0x2800  }
0xe1: {  	s29 =	simm.s32 @!p1 $0x200;
	s19 =	rddreg [dreg:$0x4];
	[sflag:s30] =	ssyncset.done @!p1 $0x0  }
0xe2: {  	s28 =	rddreg [dreg:$0x7];
	[sflag:s30] =	ssyncadd.s32 @!p1 $0xFFFFD800;
	s19 =	sadd.s32 @!p1 s0, s19  }
0xe3: {  	[tilespmem:s29], [sflag:$0x9] =	stream.linear.gather @!p1 [hbm4b:s19+s2], $0x50, $0x38;
	[tilespmem:$0x1E400] =	vst v63  }
0xe4: {  	s19 =	sadd.s32 @!p1 s0, s28;
	s28 =	simm.s32 @!p1 $0x80;
	s29 =	simm.s32 @!p1 $0x5  }
0xe5: {  	[tilespmem:s28], [sflag:$0x6] =	stream.linear.gather @!p1 [hbm4b:s19+s2], $0x50, $0x38;
	[tilespmem:$0x1E400] =	vst v63  }
0xe6: {  	_ =	swait.ge @!p1 [sflag:s29], $0x50  }
0xe7: {  	s30 =	simm.s32 @!p1 $0x400;
	[sflag:s29] =	ssyncset.done @!p1 $0x0  }
0xe8: {  	s19 =	simm.s32 @!p1 $0x3;
	[sflag:s29] =	ssyncadd.s32 @!p1 $0xFFFFFFB0;
	s29 =	simm.s32 @!p1 $0x50  }
0xe9: {  	[tilespmem:s30], [sflag:$0x1] =	stream.indirect.gather @!p1 [hbm4b:s17+s29], $0x80, s2, s29, $0xb8;
	[tilespmem:$0x1E400] =	vst v63  }
0xea: {  	_ =	swait.ge @!p1 [sflag:s19], $0x2800  }
0xeb: {  	[sflag:s19] =	ssyncset.done @!p1 $0x0  }
0xec: {  	[sflag:s19] =	ssyncadd.s32 @!p1 $0xFFFFD800;
	s19 =	simm.s32 @!p1 $0xB  }
0xed: {  	_ =	swait.ge @!p1 [sflag:s19], $0x50  }
0xee: {  	s18 =	simm.s32 @!p1 $0x5400;
	[sflag:s19] =	ssyncset.done @!p1 $0x0  }
0xef: {  	s30 =	simm.s32 @!p1 $0xE;
	[sflag:s19] =	ssyncadd.s32 @!p1 $0xFFFFFFB0;
	s19 =	simm.s32 @!p1 $0x300  }
0xf0: {  	[spmem:s1] =	stream.indirect.scatter.add.f32 @!p1 [tilespmem:s18], [sflag:$0xF], $0x80, s19, s29, $0xb8;
	[tilespmem:$0x1E400] =	vst v63  }
0xf1: {  	_ =	swait.ge @!p1 [sflag:s30], $0x2800  }
0xf2: {  	s18 =	rddreg [dreg:$0x6]  }
0xf3: {  	[sflag:s30] =	ssyncset.done @!p1 $0x0;
	s19 =	rddreg [dreg:$0xa]  }
0xf4: {  	[sflag:s30] =	ssyncadd.s32 @!p1 $0xFFFFD800;
	s18 =	sadd.s32 @!p1 s0, s18;
	s30 =	simm.s32 @!p1 $0x280  }
0xf5: {  	[tilespmem:s30], [sflag:$0xA] =	stream.linear.gather @!p1 [hbm4b:s18+s2], $0x50, $0x38;
	[tilespmem:$0x1E400] =	vst v63  }
0xf6: {  	s0 =	sadd.s32 @!p1 s0, s19;
	s19 =	simm.s32 @!p1 $0x6;
	s18 =	simm.s32 @!p1 $0x100  }
0xf7: {  	[tilespmem:s18], [sflag:$0x7] =	stream.linear.gather @!p1 [hbm4b:s0+s2], $0x50, $0x38;
	[tilespmem:$0x1E400] =	vst v63  }
0xf8: {  	_ =	swait.ge @!p1 [sflag:s19], $0x50  }
0xf9: {  	s10 =	smov.u32 s7;
	s7 =	sadd.s32 $0x28, s7;
	[sflag:s19] =	ssyncset.done @!p1 $0x0  }
0xfa: {  	p0 =	sne.s32 s7, $0x500;
	s2 =	simm.s32 @!p1 $0x2C00;
	[sflag:s19] =	ssyncadd.s32 @!p1 $0xFFFFFFB0  }
0xfb: {  	[tilespmem:s2], [sflag:$0x2] =	stream.indirect.gather @!p1 [hbm4b:s17+s29], $0x80, s28, s29, $0xb8;
	[tilespmem:$0x1E400] =	vst v63  }
.Ltmp0:
0xfc: {  	_ =	swait.ge [sflag:s25], $0x2800;
	(pc) =	sbr.rel @p0 .LBB2_2-.Ltmp0, $4  }
0xfd: {  	[sflag:s25] =	ssyncset.done $0x0  }
0xfe: {  	[sflag:s25] =	ssyncadd.s32 $0xFFFFD800  }
0xff: {  	s0 =	smov.u32 s10;
	_ =	swait.ge [sflag:s26], $0x50  }
0x100: {  	p1 =	seq.s32 s0, $0x0;
	[sflag:s26] =	ssyncset.done $0x0  }
0x101: {  	s2 =	simm.s32 @!p1 $0xF;
	[sflag:s26] =	ssyncadd.s32 $0xFFFFFFB0  }
0x102: {  	[spmem:s1] =	stream.indirect.scatter.add.f32 [tilespmem:s22], [sflag:$0x10], $0x80, s20, s8, $0xb8;
	[tilespmem:$0x1E400] =	vst v63  }
0x103: {  	_ =	swait.ge @!p1 [sflag:s2], $0x2800  }
0x104: {  	s7 =	rddreg [dreg:$0xb]  }
0x105: {  	s10 =	rddreg [dreg:$0xc];
	[sflag:s2] =	ssyncset.done @!p1 $0x0  }
0x106: {  	s18 =	rddreg [dreg:$0x9];
	[sflag:s2] =	ssyncadd.s32 @!p1 $0xFFFFD800;
	s19 =	sadd.s32 s0, s7  }
0x107: {  	[tilespmem:s10], [sflag:$0xB] =	stream.linear.gather [hbm4b:s19+s3], $0x50, $0x38;
	[tilespmem:$0x1E400] =	vst v63  }
0x108: {  	s28 =	sadd.s32 s0, s18  }
0x109: {  	[tilespmem:s13], [sflag:$0x8] =	stream.linear.gather [hbm4b:s28+s3], $0x50, $0x38;
	[tilespmem:$0x1E400] =	vst v63  }
0x10a: {  	_ =	swait.ge [sflag:s14], $0x50  }
0x10b: {  	[sflag:s14] =	ssyncset.done $0x0  }
0x10c: {  	s29 =	rddreg [dreg:$0xd];
	[sflag:s14] =	ssyncadd.s32 $0xFFFFFFB0  }
0x10d: {  	[tilespmem:s29], [sflag:$0x3] =	stream.indirect.gather [hbm4b:s17+s8], $0x80, s4, s8, $0xb8;
	[tilespmem:$0x1E400] =	vst v63  }
0x10e: {  	_ =	swait.ge [sflag:s15], $0x2800  }
0x10f: {  	[sflag:s15] =	ssyncset.done $0x0  }
0x110: {  	[sflag:s15] =	ssyncadd.s32 $0xFFFFD800  }
0x111: {  	_ =	swait.ge [sflag:s16], $0x50  }
0x112: {  	[sflag:s16] =	ssyncset.done $0x0  }
0x113: {  	s2 =	simm.s32 @!p1 $0x10;
	[sflag:s16] =	ssyncadd.s32 $0xFFFFFFB0  }
0x114: {  	[spmem:s1] =	stream.indirect.scatter.add.f32 [tilespmem:s9], [sflag:$0xD], $0x80, s5, s8, $0xb8;
	[tilespmem:$0x1E400] =	vst v63  }
0x115: {  	_ =	swait.ge @!p1 [sflag:s2], $0x2800  }
0x116: {  	p0 =	seq.s32 s0, $0x4D8;
	s30 =	rddreg [dreg:$0x8];
	[sflag:s2] =	ssyncset.done @!p1 $0x0  }
0x117: {  	s10 =	rddreg [dreg:$0x5];
	[sflag:s2] =	ssyncadd.s32 @!p1 $0xFFFFD800;
	s7 =	sadd.s32 s0, s30  }
0x118: {  	[tilespmem:s20], [sflag:$0xC] =	stream.linear.gather [hbm4b:s7+s3], $0x50, $0x38;
	[tilespmem:$0x1E400] =	vst v63  }
0x119: {  	s2 =	simm.s32 @!p0 $0x0;
	s7 =	sadd.s32 @!p0 s0, s10  }
0x11a: {  	[tilespmem:s2], [sflag:$0x5] =	stream.linear.gather @!p0 [hbm4b:s7+s2], $0x50, $0x38;
	[tilespmem:$0x1E400] =	vst v63  }
0x11b: {  	_ =	swait.ge [sflag:s21], $0x50  }
0x11c: {  	[sflag:s21] =	ssyncset.done $0x0  }
0x11d: {  	[sflag:s21] =	ssyncadd.s32 $0xFFFFFFB0  }
0x11e: {  	[tilespmem:s22], [sflag:$0x4] =	stream.indirect.gather [hbm4b:s17+s8], $0x80, s13, s8, $0xb8;
	[tilespmem:$0x1E400] =	vst v63  }
0x11f: {  	_ =	swait.ge [sflag:s23], $0x2800  }
0x120: {  	[sflag:s23] =	ssyncset.done $0x0  }
0x121: {  	[sflag:s23] =	ssyncadd.s32 $0xFFFFD800  }
0x122: {  	_ =	swait.ge [sflag:s24], $0x50  }
0x123: {  	[sflag:s24] =	ssyncset.done $0x0  }
0x124: {  	s7 =	simm.s32 @p0 $0x3;
	[sflag:s24] =	ssyncadd.s32 $0xFFFFFFB0  }
0x125: {  	[spmem:s1] =	stream.indirect.scatter.add.f32 [tilespmem:s11], [sflag:$0xE], $0x80, s6, s8, $0xb8;
	[tilespmem:$0x1E400] =	vst v63  }
0x126: {  	_ =	swait.ge @p0 [sflag:s7], $0x2800  }
0x127: {  	[sflag:s7] =	ssyncset.done @p0 $0x0  }
0x128: {  	[sflag:s7] =	ssyncadd.s32 @p0 $0xFFFFD800;
	s7 =	simm.s32 @p0 $0xB  }
0x129: {  	_ =	swait.ge @p0 [sflag:s7], $0x50  }
0x12a: {  	s18 =	simm.s32 @!p0 $0xD;
	s19 =	simm.s32 @p0 $0x300;
	[sflag:s7] =	ssyncset.done @p0 $0x0  }
0x12b: {  	s10 =	simm.s32 @p0 $0x5400;
	[sflag:s7] =	ssyncadd.s32 @p0 $0xFFFFFFB0;
	s7 =	simm.s32 @p0 $0x50  }
0x12c: {  	[spmem:s1] =	stream.indirect.scatter.add.f32 @p0 [tilespmem:s10], [sflag:$0xF], $0x80, s19, s7, $0xb8;
	[tilespmem:$0x1E400] =	vst v63  }
0x12d: {  	_ =	swait.ge @!p0 [sflag:s18], $0x2800  }
0x12e: {  	s7 =	rddreg [dreg:$0x4]  }
0x12f: {  	[sflag:s18] =	ssyncset.done @!p0 $0x0;
	s10 =	rddreg [dreg:$0x7]  }
0x130: {  	[sflag:s18] =	ssyncadd.s32 @!p0 $0xFFFFD800;
	s7 =	sadd.s32 @!p0 s0, s7;
	s18 =	simm.s32 @!p0 $0x200  }
0x131: {  	[tilespmem:s18], [sflag:$0x9] =	stream.linear.gather @!p0 [hbm4b:s7+s2], $0x50, $0x38;
	[tilespmem:$0x1E400] =	vst v63  }
0x132: {  	s7 =	sadd.s32 @!p0 s0, s10;
	s10 =	simm.s32 @!p0 $0x80;
	s18 =	simm.s32 @!p0 $0x5  }
0x133: {  	[tilespmem:s10], [sflag:$0x6] =	stream.linear.gather @!p0 [hbm4b:s7+s2], $0x50, $0x38;
	[tilespmem:$0x1E400] =	vst v63  }
0x134: {  	_ =	swait.ge @!p0 [sflag:s18], $0x50  }
0x135: {  	s19 =	simm.s32 @!p0 $0x400;
	[sflag:s18] =	ssyncset.done @!p0 $0x0  }
0x136: {  	s7 =	simm.s32 @!p0 $0x3;
	[sflag:s18] =	ssyncadd.s32 @!p0 $0xFFFFFFB0;
	s18 =	simm.s32 @!p0 $0x50  }
0x137: {  	[tilespmem:s19], [sflag:$0x1] =	stream.indirect.gather @!p0 [hbm4b:s17+s18], $0x80, s2, s18, $0xb8;
	[tilespmem:$0x1E400] =	vst v63  }
0x138: {  	_ =	swait.ge @!p0 [sflag:s7], $0x2800  }
0x139: {  	[sflag:s7] =	ssyncset.done @!p0 $0x0  }
0x13a: {  	[sflag:s7] =	ssyncadd.s32 @!p0 $0xFFFFD800;
	s7 =	simm.s32 @!p0 $0xB  }
0x13b: {  	_ =	swait.ge @!p0 [sflag:s7], $0x50  }
0x13c: {  	s28 =	simm.s32 @!p0 $0x5400;
	[sflag:s7] =	ssyncset.done @!p0 $0x0  }
0x13d: {  	s19 =	simm.s32 @!p0 $0xE;
	[sflag:s7] =	ssyncadd.s32 @!p0 $0xFFFFFFB0;
	s7 =	simm.s32 @!p0 $0x300  }
0x13e: {  	[spmem:s1] =	stream.indirect.scatter.add.f32 @!p0 [tilespmem:s28], [sflag:$0xF], $0x80, s7, s18, $0xb8;
	[tilespmem:$0x1E400] =	vst v63  }
0x13f: {  	_ =	swait.ge @!p0 [sflag:s19], $0x2800  }
0x140: {  	s7 =	rddreg [dreg:$0x6]  }
0x141: {  	[sflag:s19] =	ssyncset.done @!p0 $0x0;
	s28 =	rddreg [dreg:$0xa]  }
0x142: {  	[sflag:s19] =	ssyncadd.s32 @!p0 $0xFFFFD800;
	s7 =	sadd.s32 @!p0 s0, s7;
	s19 =	simm.s32 @!p0 $0x280  }
0x143: {  	[tilespmem:s19], [sflag:$0xA] =	stream.linear.gather @!p0 [hbm4b:s7+s2], $0x50, $0x38;
	[tilespmem:$0x1E400] =	vst v63  }
0x144: {  	s0 =	sadd.s32 @!p0 s0, s28;
	s7 =	simm.s32 @!p0 $0x100  }
0x145: {  	[tilespmem:s7], [sflag:$0x7] =	stream.linear.gather @!p0 [hbm4b:s0+s2], $0x50, $0x38;
	[tilespmem:$0x1E400] =	vst v63  }
0x146: {  	s0 =	simm.s32 @!p0 $0x6  }
0x147: {  	_ =	swait.ge @!p0 [sflag:s0], $0x50  }
0x148: {  	[sflag:s0] =	ssyncset.done @!p0 $0x0  }
0x149: {  	[sflag:s0] =	ssyncadd.s32 @!p0 $0xFFFFFFB0;
	s0 =	simm.s32 @!p0 $0x2C00  }
0x14a: {  	[tilespmem:s0], [sflag:$0x2] =	stream.indirect.gather @!p0 [hbm4b:s17+s18], $0x80, s10, s18, $0xb8;
	[tilespmem:$0x1E400] =	vst v63  }
0x14b: {  	_ =	swait.ge [sflag:s25], $0x2800  }
0x14c: {  	[sflag:s25] =	ssyncset.done $0x0  }
0x14d: {  	[sflag:s25] =	ssyncadd.s32 $0xFFFFD800  }
0x14e: {  	_ =	swait.ge [sflag:s26], $0x50  }
0x14f: {  	[sflag:s26] =	ssyncset.done $0x0  }
0x150: {  	s10 =	simm.s32 $0xD;
	[sflag:s26] =	ssyncadd.s32 $0xFFFFFFB0  }
0x151: {  	[spmem:s1] =	stream.indirect.scatter.add.f32 [tilespmem:s22], [sflag:$0x10], $0x80, s20, s8, $0xb8;
	[tilespmem:$0x1E400] =	vst v63  }
0x152: {  	_ =	swait.ge [sflag:s10], $0x2800  }
0x153: {  	[sflag:s10] =	ssyncset.done $0x0  }
0x154: {  	s18 =	simm.s32 $0xE;
	[sflag:s10] =	ssyncadd.s32 $0xFFFFD800  }
0x155: {  	_ =	swait.ge [sflag:s18], $0x2800  }
0x156: {  	[sflag:s18] =	ssyncset.done $0x0  }
0x157: {  	s19 =	simm.s32 $0xF;
	[sflag:s18] =	ssyncadd.s32 $0xFFFFD800  }
0x158: {  	_ =	swait.ge [sflag:s19], $0x2800  }
0x159: {  	[sflag:s19] =	ssyncset.done $0x0  }
0x15a: {  	s28 =	simm.s32 $0x10;
	[sflag:s19] =	ssyncadd.s32 $0xFFFFD800  }
0x15b: {  	_ =	swait.ge [sflag:s28], $0x2800  }
0x15c: {  	[sflag:s28] =	ssyncset.done $0x0  }
0x15d: {  	[sflag:s28] =	ssyncadd.s32 $0xFFFFD800  }
0x15e: {  	[bflag:$0x0] =	sbarrier.arrive $0xFFFF  }
0x15f: {  	s18 =	rddreg [dreg:$0x1c]  }
0x160: {  	[tilespmem:s9], [sflag:$0x11] =	stream.linear.gather [spmem:s18], $0x2800, $0x38;
	[tilespmem:$0x1E400] =	vst v63  }
0x161: {  	_ =	swait.ge [sflag:s12], $0x2800  }
0x162: {  	[sflag:s12] =	ssyncset.done $0x0  }
0x163: {  	s29 =	rddreg [dreg:$0x13];
	[sflag:s12] =	ssyncadd.s32 $0xFFFFD800  }
0x164: {  	[hbm4b:s29+s3] =	stream.linear.scatter [tilespmem:s9], [sflag:$0x11], $0x2800, $0x38;
	[tilespmem:$0x1E400] =	vst v63  }
0x165: {  	_ =	swait.ge [sflag:s12], $0x2800  }
0x166: {  	[sflag:s12] =	ssyncset.done $0x0  }
0x167: {  	s30 =	rddreg [dreg:$0x1e];
	[sflag:s12] =	ssyncadd.s32 $0xFFFFD800  }
0x168: {  	[tilespmem:s9], [sflag:$0x11] =	stream.linear.gather [spmem:s30], $0x2800, $0x38;
	[tilespmem:$0x1E400] =	vst v63  }
0x169: {  	_ =	swait.ge [sflag:s12], $0x2800  }
0x16a: {  	[sflag:s12] =	ssyncset.done $0x0  }
0x16b: {  	s2 =	rddreg [dreg:$0x14];
	[sflag:s12] =	ssyncadd.s32 $0xFFFFD800  }
0x16c: {  	[hbm4b:s2+s3] =	stream.linear.scatter [tilespmem:s9], [sflag:$0x11], $0x2800, $0x38;
	[tilespmem:$0x1E400] =	vst v63  }
0x16d: {  	_ =	swait.ge [sflag:s12], $0x2800  }
0x16e: {  	[sflag:s12] =	ssyncset.done $0x0  }
0x16f: {  	s7 =	rddreg [dreg:$0x1f];
	[sflag:s12] =	ssyncadd.s32 $0xFFFFD800  }
0x170: {  	[tilespmem:s9], [sflag:$0x11] =	stream.linear.gather [spmem:s7], $0x2800, $0x38;
	[tilespmem:$0x1E400] =	vst v63  }
0x171: {  	_ =	swait.ge [sflag:s12], $0x2800  }
0x172: {  	[sflag:s12] =	ssyncset.done $0x0  }
0x173: {  	s10 =	rddreg [dreg:$0x15];
	[sflag:s12] =	ssyncadd.s32 $0xFFFFD800  }
0x174: {  	[hbm4b:s10+s3] =	stream.linear.scatter [tilespmem:s9], [sflag:$0x11], $0x2800, $0x38;
	[tilespmem:$0x1E400] =	vst v63  }
0x175: {  	_ =	swait.ge [sflag:s12], $0x2800  }
0x176: {  	s19 =	sld [smem:$0x7F5]  }
0x177: {  	[sflag:s12] =	ssyncset.done $0x0  }
0x178: {  	[sflag:s12] =	ssyncadd.s32 $0xFFFFD800  }
0x179: {  	[tilespmem:s9], [sflag:$0x11] =	stream.linear.gather [spmem:s19], $0x2800, $0x38;
	[tilespmem:$0x1E400] =	vst v63  }
0x17a: {  	_ =	swait.ge [sflag:s12], $0x2800  }
0x17b: {  	[sflag:s12] =	ssyncset.done $0x0  }
0x17c: {  	s28 =	rddreg [dreg:$0x16];
	[sflag:s12] =	ssyncadd.s32 $0xFFFFD800  }
0x17d: {  	[hbm4b:s28+s3] =	stream.linear.scatter [tilespmem:s9], [sflag:$0x11], $0x2800, $0x38;
	[tilespmem:$0x1E400] =	vst v63  }
0x17e: {  	_ =	swait.ge [sflag:s12], $0x2800  }
0x17f: {  	s29 =	sld [smem:$0x7F6]  }
0x180: {  	[sflag:s12] =	ssyncset.done $0x0  }
0x181: {  	[sflag:s12] =	ssyncadd.s32 $0xFFFFD800  }
0x182: {  	[tilespmem:s9], [sflag:$0x11] =	stream.linear.gather [spmem:s29], $0x2800, $0x38;
	[tilespmem:$0x1E400] =	vst v63  }
0x183: {  	_ =	swait.ge [sflag:s12], $0x2800  }
0x184: {  	[sflag:s12] =	ssyncset.done $0x0  }
0x185: {  	s30 =	rddreg [dreg:$0x17];
	[sflag:s12] =	ssyncadd.s32 $0xFFFFD800  }
0x186: {  	[hbm4b:s30+s3] =	stream.linear.scatter [tilespmem:s9], [sflag:$0x11], $0x2800, $0x38;
	[tilespmem:$0x1E400] =	vst v63  }
0x187: {  	_ =	swait.ge [sflag:s12], $0x2800  }
0x188: {  	s2 =	sld [smem:$0x7F7]  }
0x189: {  	[sflag:s12] =	ssyncset.done $0x0  }
0x18a: {  	[sflag:s12] =	ssyncadd.s32 $0xFFFFD800  }
0x18b: {  	[tilespmem:s9], [sflag:$0x11] =	stream.linear.gather [spmem:s2], $0x2800, $0x38;
	[tilespmem:$0x1E400] =	vst v63  }
0x18c: {  	_ =	swait.ge [sflag:s12], $0x2800  }
0x18d: {  	[sflag:s12] =	ssyncset.done $0x0  }
0x18e: {  	s7 =	rddreg [dreg:$0x18];
	[sflag:s12] =	ssyncadd.s32 $0xFFFFD800  }
0x18f: {  	[hbm4b:s7+s3] =	stream.linear.scatter [tilespmem:s9], [sflag:$0x11], $0x2800, $0x38;
	[tilespmem:$0x1E400] =	vst v63  }
0x190: {  	_ =	swait.ge [sflag:s12], $0x2800  }
0x191: {  	s10 =	sld [smem:$0x7F8]  }
0x192: {  	[sflag:s12] =	ssyncset.done $0x0  }
0x193: {  	[sflag:s12] =	ssyncadd.s32 $0xFFFFD800  }
0x194: {  	[tilespmem:s9], [sflag:$0x11] =	stream.linear.gather [spmem:s10], $0x2800, $0x38;
	[tilespmem:$0x1E400] =	vst v63  }
0x195: {  	_ =	swait.ge [sflag:s12], $0x2800  }
0x196: {  	[sflag:s12] =	ssyncset.done $0x0  }
0x197: {  	s19 =	rddreg [dreg:$0x19];
	[sflag:s12] =	ssyncadd.s32 $0xFFFFD800  }
0x198: {  	[hbm4b:s19+s3] =	stream.linear.scatter [tilespmem:s9], [sflag:$0x11], $0x2800, $0x38;
	[tilespmem:$0x1E400] =	vst v63  }
0x199: {  	_ =	swait.ge [sflag:s12], $0x2800  }
0x19a: {  	s28 =	sld [smem:$0x7F9]  }
0x19b: {  	[sflag:s12] =	ssyncset.done $0x0  }
0x19c: {  	[sflag:s12] =	ssyncadd.s32 $0xFFFFD800  }
0x19d: {  	[tilespmem:s9], [sflag:$0x11] =	stream.linear.gather [spmem:s28], $0x2800, $0x38;
	[tilespmem:$0x1E400] =	vst v63  }
0x19e: {  	_ =	swait.ge [sflag:s12], $0x2800  }
0x19f: {  	[sflag:s12] =	ssyncset.done $0x0  }
0x1a0: {  	s29 =	rddreg [dreg:$0x1a];
	[sflag:s12] =	ssyncadd.s32 $0xFFFFD800  }
0x1a1: {  	[hbm4b:s29+s3] =	stream.linear.scatter [tilespmem:s9], [sflag:$0x11], $0x2800, $0x38;
	[tilespmem:$0x1E400] =	vst v63  }
0x1a2: {  	_ =	swait.ge [sflag:s12], $0x2800  }
0x1a3: {  	s31 =	sadd.s32 $0x1, s31;
	s30 =	rddreg [dreg:$0x1d]  }
0x1a4: {  	p0 =	sne.s32 s31, s30  }
.Ltmp1:
0x1a5: {  	_ = 	snop;
	(pc) =	sbr.rel @p0 .LBB2_1-.Ltmp1, $3  }
0x1a6: {  	_ =	sdelay $0x1  }
0x1a7: {  	[sflag:s12] =	ssyncset.done $0x0  }
0x1a8: {  	[sflag:s12] =	ssyncadd.s32 $0xFFFFD800  }
0x1a9: {  	_ =	sfence.sel $0x180000  }
0x1aa: {  	[bflag:$0x0] =	sbarrier.arrive $0xFFFF  }
0x1ab: {  	_ =	strace $0x9000004A  }
0x1ac: {  	s0 =	stileid.u32;
	[bflag:$0x2] =	sbarrier.arrive $0xFFFF  }
0x1ad: {  	p0 =	sne.s32 s0, $0x0;
	s0 =	rddreg [dreg:$0x3]  }
0x1ae: {  	s0 =	sadd.s32 @!p0 $0x100000, s0  }
0x1af: {  	[sflag:s0] =	ssyncadd.tile.s32 @!p0 $0x1;
	_ =	shalt  }
.Lfunc_end2:
_tile_overlayer_lowered:
.L_overlay_start_2:
0x1b0: {  	(tag) =	ssettag $0x2  }
0x1b1: {  	s0 =	rddreg [dreg:$0x0];
	s2 =	stileid.u32  }
0x1b2: {  	s1 =	rddreg [dreg:$0x1];
	p0 =	sne.s32 s2, $0x0  }
0x1b3: {  	s3 =	rddreg [dreg:$0x2];
	[bflag:$0x3] =	sbarrier.arrive $0xFFFF;
	s2 =	simm.s32 @!p0 $0x1C11  }
0x1b4: {  	[timem:s3], [sflag:s2] =	dma.local @!p0 [hbm:s0], s1  }
0x1b5: {  	s0 =	simm.s32 @!p0 $0x11  }
0x1b6: {  	_ =	swait.ge @!p0 [sflag:s0], s1  }
0x1b7: {  	s1 =	ssub.s32 @!p0 $0x0, s1;
	[sflag:s0] =	ssyncset.done @!p0 $0x0  }
0x1b8: {  	[sflag:s0] =	ssyncadd.s32 @!p0 s1  }
0x1b9: {  	[bflag:$0x3] =	sbarrier.arrive $0xFFFF  }
0x1ba: {  	_ =	shalt  }

// kernel: kernel.14.cloned.1.call-start
scs
__scs_entry_jumppad:
0x0: {  	(pc) =	sbr.rel $0x88, $3  }
0x1: {  	(tag) =	ssettag $0x0;
	lr =	simm.s32 $0x1  }
0x2: {  	[smem:$0x3F9B] =	sst lr;
	_ =	strace $0xD0000000  }
0x3: {  	_ = 	snop  }
0x4: {  	_ = 	snop  }
0x5: {  	_ = 	snop  }
0x6: {  	_ = 	snop  }
0x7: {  	_ = 	snop  }
__scs_overlays_trampoline_lowered:
0x8: {  	[smem:$0x3FAA] =	sst s0  }
0x9: {  	[smem:$0x3FAB] =	sst s1  }
0xa: {  	[smem:$0x3FAC] =	sst s2  }
0xb: {  	[smem:$0x3FAD] =	sst s3  }
0xc: {  	[smem:$0x3FAE] =	sst s4  }
0xd: {  	[smem:$0x3FAF] =	sst s5  }
0xe: {  	[smem:$0x3FB0] =	sst s6  }
0xf: {  	[smem:$0x3FB1] =	sst s7  }
0x10: {  	[smem:$0x3FB2] =	sst s8  }
0x11: {  	[smem:$0x3FB3] =	sst s9;
	s0 =	simm.s32 @!p0 $0x0  }
0x12: {  	s1 =	sld [smem:$0x3F99];
	s0 =	simm.s32 @p0 $0x1  }
0x13: {  	[smem:$0x3FB4] =	sst s0;
	s0 =	simm.s32 @!p1 $0x0  }
0x14: {  	s2 =	sld [smem:$0x3F98];
	s0 =	simm.s32 @p1 $0x1  }
0x15: {  	[smem:$0x3FB5] =	sst s0;
	s0 =	simm.s32 @!p2 $0x0  }
0x16: {  	s3 =	sld [smem:$0x3FDB];
	s0 =	simm.s32 @p2 $0x1  }
0x17: {  	s4 =	simm.s32 $0x1BF5;
	[smem:$0x3FB7] =	sst s0  }
0x18: {  	s0 =	sld [smem:$0x3F9A];
	_ =	swait.ge [sflag:s4], $0x0  }
0x19: {  	s7 =	sld [smem:$0x3F9B]  }
0x1a: {  	s8 =	sadd.s32 $0xFFFFE003, lr  }
0x1b: {  	s9 =	sadd.s32 $0xFFFFFEF7, lr;
	s5 =	simm.s32 $0xFFFFFFFF;
	p2 =	slt.u32 s8, $0xFFFFF086  }
0x1c: {  	p1 =	slt.u32 s9, $0xF7A;
	s5 =	simm.s32 @!p2 $0x0  }
0x1d: {  	s5 =	simm.s32 @p1 $0x1;
	p0 =	seq.s32 s7, s2  }
0x1e: {  	s7 =	smul.u32 @!p0 $0xF7A, s2;
	p2 =	seq.s32 @!p0 s5, $0x0  }
0x1f: {  	s9 =	smul.u32 $0xF7A, s1;
	s8 =	simm.s32 @!p0 $0x1BF5;
	p2 =	por !p2, p0  }
0x20: {  	[sflag:s8] =	ssyncset.s32 @!p0 $0xFFFFF086;
	s6 =	sadd.s32 @!p0 s3, s7;
	s7 =	simm.s32 @!p0 $0x108  }
0x21: {  	s3 =	sadd.s32 s3, s9;
	s6 =	sadd.s32 @!p0 $0x88, s6;
	s7 =	simm.s32 @p2 $0x1082  }
0x22: {  	[simem:s7], [sflag:s8] =	dma.local @!p0 [hbm:s6], $0xF7A  }
0x23: {  	s9 =	sor.u32 $0xD0000000, s2;
	s6 =	simm.s32 $0x108;
	_ =	swait.ge @!p0 [sflag:s8], $0x0  }
0x24: {  	s3 =	sadd.s32 $0x88, s3;
	s6 =	simm.s32 @!p1 $0x1082;
	[sflag:s4] =	ssyncset.s32 $0xFFFFF086  }
0x25: {  	[simem:s6], [sflag:s4] =	dma.local [hbm:s3], $0xF7A  }
0x26: {  	[smem:$0x3F9B] =	sst s1;
	(tag) =	ssettag s2;
	_ =	strace s9  }
0x27: {  	s1 =	sld [smem:$0x3FAB]  }
0x28: {  	s2 =	sld [smem:$0x3FAC]  }
0x29: {  	s4 =	sld [smem:$0x3FAE]  }
0x2a: {  	p0 =	seq.s32 s5, $0x0;
	s5 =	sld [smem:$0x3FAF]  }
0x2b: {  	s6 =	sld [smem:$0x3FB0]  }
0x2c: {  	s7 =	sld [smem:$0x3FB1]  }
0x2d: {  	s3 =	simm.s32 $0x108;
	s8 =	sld [smem:$0x3FB2]  }
0x2e: {  	s3 =	simm.s32 @!p0 $0x1082;
	s9 =	sld [smem:$0x3FB3]  }
0x2f: {  	lr =	sadd.s32 s0, s3;
	s0 =	sld [smem:$0x3FAA]  }
0x30: {  	s3 =	sld [smem:$0x3FAD]  }
0x31: {  	[smem:$0x3FB6] =	sst s10  }
0x32: {  	s10 =	sld [smem:$0x3FB4];
	_ =	sdelay $0x3  }
0x33: {  	p0 =	seq.s32 s10, $0x1;
	s10 =	sld [smem:$0x3FB6];
	_ =	sdelay $0x3  }
0x34: {  	[smem:$0x3FB6] =	sst s10  }
0x35: {  	s10 =	sld [smem:$0x3FB5];
	_ =	sdelay $0x3  }
0x36: {  	p1 =	seq.s32 s10, $0x1;
	s10 =	sld [smem:$0x3FB6];
	_ =	sdelay $0x3  }
0x37: {  	[smem:$0x3FB6] =	sst s10  }
0x38: {  	s10 =	sld [smem:$0x3FB7]  }
0x39: {  	_ = 	snop;
	(pc) =	sbr.ind lr, $3  }
0x3a: {  	_ = 	snop  }
0x3b: {  	_ = 	snop  }
0x3c: {  	p2 =	seq.s32 s10, $0x1;
	s10 =	sld [smem:$0x3FB6]  }
0x3d: {  	_ =	shalt  }
0x3e: {  	_ =	shalt  }
0x3f: {  	_ =	shalt  }
0x40: {  	_ =	shalt  }
0x41: {  	_ =	shalt  }
0x42: {  	_ =	shalt  }
0x43: {  	_ =	shalt  }
0x44: {  	_ =	shalt  }
0x45: {  	_ =	shalt  }
0x46: {  	_ =	shalt  }
0x47: {  	_ =	shalt  }
0x48: {  	_ =	shalt  }
0x49: {  	_ =	shalt  }
0x4a: {  	_ =	shalt  }
0x4b: {  	_ =	shalt  }
0x4c: {  	_ =	shalt  }
0x4d: {  	_ =	shalt  }
0x4e: {  	_ =	shalt  }
0x4f: {  	_ =	shalt  }
0x50: {  	_ =	shalt  }
0x51: {  	_ =	shalt  }
0x52: {  	_ =	shalt  }
0x53: {  	_ =	shalt  }
0x54: {  	_ =	shalt  }
0x55: {  	_ =	shalt  }
0x56: {  	_ =	shalt  }
0x57: {  	_ =	shalt  }
0x58: {  	_ =	shalt  }
0x59: {  	_ =	shalt  }
0x5a: {  	_ =	shalt  }
0x5b: {  	_ =	shalt  }
0x5c: {  	_ =	shalt  }
0x5d: {  	_ =	shalt  }
0x5e: {  	_ =	shalt  }
0x5f: {  	_ =	shalt  }
0x60: {  	_ =	shalt  }
0x61: {  	_ =	shalt  }
0x62: {  	_ =	shalt  }
0x63: {  	_ =	shalt  }
0x64: {  	_ =	shalt  }
0x65: {  	_ =	shalt  }
0x66: {  	_ =	shalt  }
0x67: {  	_ =	shalt  }
0x68: {  	_ =	shalt  }
0x69: {  	_ =	shalt  }
0x6a: {  	_ =	shalt  }
0x6b: {  	_ =	shalt  }
0x6c: {  	_ =	shalt  }
0x6d: {  	_ =	shalt  }
0x6e: {  	_ =	shalt  }
0x6f: {  	_ =	shalt  }
0x70: {  	_ =	shalt  }
0x71: {  	_ =	shalt  }
0x72: {  	_ =	shalt  }
0x73: {  	_ =	shalt  }
0x74: {  	_ =	shalt  }
0x75: {  	_ =	shalt  }
0x76: {  	_ =	shalt  }
0x77: {  	_ =	shalt  }
0x78: {  	_ =	shalt  }
0x79: {  	_ =	shalt  }
0x7a: {  	_ =	shalt  }
0x7b: {  	_ =	shalt  }
0x7c: {  	_ =	shalt  }
0x7d: {  	_ =	shalt  }
0x7e: {  	_ =	shalt  }
0x7f: {  	_ =	shalt  }
0x80: {  	_ =	shalt  }
0x81: {  	_ =	shalt  }
0x82: {  	_ =	shalt  }
0x83: {  	_ =	shalt  }
0x84: {  	_ =	shalt  }
0x85: {  	_ =	shalt  }
0x86: {  	_ =	shalt  }
0x87: {  	_ =	shalt  }
.Lfunc_end0:
.L_simem_size_0:
called_computation.2_lowered:
.L_overlay_start_0:
0x88: {  	s2 =	sld [smem:$0x3FD9]  }
0x89: {  	s3 =	sld [smem:$0x3FFE];
	_ =	sdelay $0x1  }
0x8a: {  	s1 =	srdreg.scid  }
0x8b: {  	s0 =	sand.u32 $0x1, s1  }
0x8c: {  	s17 =	sshll.u32 s0, $0xA;
	s2 =	sadd.s32 s3, s2  }
0x8d: {  	s2 =	sadd.s32 s2, s17  }
0x8e: {  	[smem:$0x3FC2] =	sst s2  }
0x8f: {  	_ = 	snop  }
0x90: {  	s2 =	sld [smem:$0x3FD0];
	(tm) =	ssettm $0x1  }
0x91: {  	s18 =	sld [smem:$0x3FFB];
	_ =	sdelay $0x3  }
0x92: {  	_ =	strace s18  }
0x93: {  	s3 =	sld [smem:$0x3FFC];
	_ =	sdelay $0x3  }
0x94: {  	_ =	strace s3  }
0x95: {  	s3 =	sld [smem:$0x3FFD];
	_ =	sdelay $0x3  }
0x96: {  	_ =	strace s3  }
0x97: {  	_ =	strace $0x8FFFFFFF  }
0x98: {  	s19 =	sld [smem:$0x3FDB];
	_ =	sdelay $0x1  }
0x99: {  	s4 =	simm.s32 $_scs_section_size  }
0x9a: {  	s5 =	simm.s32 $_size__tile_overlayer_lowered;
	s6 =	simm.s32 $_tile_overlayer_lowered  }
0x9b: {  	s22 =	simm.s32 $0x1BFF;
	s21 =	sshll.u32 s6, $0x1;
	s3 =	sadd.s32 s4, s19  }
0x9c: {  	s7 =	simm.s32 $0x0;
	s20 =	sshll.u32 s5, $0x1;
	s5 =	sadd.s32 s21, s3  }
0x9d: {  	[timem:s7], [sflag:s22] =	dma.local [hbm:s5], s20  }
0x9e: {  	_ =	swait.ge [sflag:s22], s20  }
0x9f: {  	s4 =	ssub.s32 $0x0, s20;
	[sflag:s22] =	ssyncset.done $0x0  }
0xa0: {  	[sflag:s22] =	ssyncadd.s32 s4;
	_ =	sdelay $0x1  }
0xa1: {  	s23 =	simm.s32 $0x1B8B  }
0xa2: {  	_ =	swait.ge [sflag:s23], $0x1  }
0xa3: {  	[sflag:s23] =	ssyncset.done $0x0  }
0xa4: {  	s25 =	simm.s32 $0x1B8E;
	s24 =	sld [smem:$0x3FFE];
	[sflag:s23] =	ssyncadd.s32 $0xFFFFFFFF  }
0xa5: {  	s26 =	simm.s32 $execute0_lowered;
	[smem:$0x3FD2] =	sst s25  }
0xa6: {  	s5 =	sshll.u32 s26, $0x1;
	_ =	strace $0x8000004C;
	[dreg:$0x1] =	wrdreg $0xFFFFFFFF  }
0xa7: {  	s28 =	simm.s32 $_size_execute0_lowered;
	s3 =	sadd.s32 s3, s5;
	[dreg:$0x0] =	wrdreg $0x0  }
0xa8: {  	s5 =	sshll.u32 s28, $0x1;
	[dreg:$0x2] =	wrdreg s3  }
0xa9: {  	[dreg:$0x3] =	wrdreg s5  }
0xaa: {  	[dreg:$0x4] =	wrdreg $0xC0  }
0xab: {  	_ =	task [dreg:s7], $0x5FFFF  }
0xac: {  	[dreg:$0x1] =	wrdreg $0xFFFFFFFF  }
0xad: {  	[dreg:$0x0] =	wrdreg $0x60  }
0xae: {  	[dreg:$0x2] =	wrdreg s24  }
0xaf: {  	[dreg:$0x3] =	wrdreg s2  }
0xb0: {  	[dreg:$0x4] =	wrdreg $0xA4000  }
0xb1: {  	[dreg:$0x5] =	wrdreg $0x9  }
0xb2: {  	_ =	task.clear_ibuf [dreg:s7], $0x6FFFF;
	_ =	strace $0x9000004C  }
0xb3: {  	s29 =	simm.s32 $0x9;
	_ =	strace $0x8000004E  }
0xb4: {  	_ =	swait.ge [sflag:s29], $0x1  }
0xb5: {  	[sflag:s29] =	ssyncadd.s32 $0xFFFFFFFF  }
0xb6: {  	_ =	strace $0x9000004E  }
0xb7: {  	_ =	sfence  }
0xb8: {  	s30 =	sld [smem:$0x0];
	_ =	sdelay $0x2  }
0xb9: {  	s31 =	sshll.u32 s1, $0xD;
	s1 =	sshrl.u32 s1, $0x2  }
0xba: {  	s3 =	sand.u32 $0x4000, s31;
	s1 =	sadd.s32 s1, s30  }
0xbb: {  	s0 =	sor.u32 s3, s0;
	s1 =	sshll.u32 s1, $0x11  }
0xbc: {  	s0 =	sor.u32 s1, s0  }
0xbd: {  	s0 =	sadd.s32 $0x8F2B, s0  }
0xbe: {  	[sflag:s0] =	ssyncadd.remote.s32 $0x1  }
0xbf: {  	_ =	sfence.sel $0xFFFF  }
0xc0: {  	[dreg:$0x0] =	wrdreg $0xFFFFFFFF;
	(pc) =	sbr.abs _section_cstart, $3  }
0xc1: {  	[dreg:$0x1] =	wrdreg $0xFFFFFFFF  }
0xc2: {  	_ =	task.clear_ibuf [dreg:s7], $0x2FFFF;
	_ =	strace $0x9FFFFFFF  }
0xc3: {  	(tm) =	ssettm $0x7FFFFFFF  }
tec
execute0_lowered:
.L_overlay_start_1:
0x0: {  	(tag) =	ssettag $0x1  }
0x1: {  	s0 =	rddreg [dreg:$0x0]  }
0x2: {  	s4 =	rddreg [dreg:$0x1]  }
0x3: {  	s1 =	rddreg [dreg:$0x2];
	s2 =	srdreg.scid  }
0x4: {  	s3 =	simm.s32 $0x0;
	s16 =	stileid.u32;
	s31 =	simm.s32 $0x0  }
0x5: {  	s6 =	sand.u32 $0x1, s2;
	[smem:$0x7FF] =	sst s3;
	s10 =	sadd.s32 $0x2800, s0  }
0x6: {  	s15 =	smul.u32 $0x2800, s16;
	s2 =	sshll.u32 s6, $0x4;
	s7 =	ssub.s32 $0x2, s6  }
0x7: {  	s30 =	smul.u32 $0x28000, s6;
	s2 =	sor.u32 s16, s2;
	s8 =	sshrl.u32 s7, $0x1  }
0x8: {  	s5 =	sadd.s32 $0x35000, s0;
	s9 =	smul.u32 $0x2800, s2;
	s2 =	ssub.s32 s7, s8  }
0x9: {  	_ =	strace $0x8000004D;
	s7 =	smul.u32 $0x280, s16;
	s2 =	smax.u32 s2, $0x1  }
0xa: {  	s26 =	sshrl.u32 s9, $0x3;
	s9 =	sor.u32 $0xA0, s9;
	[dreg:$0x1d] =	wrdreg s2  }
0xb: {  	s11 =	sor.u32 $0xA, s26;
	s12 =	sshrl.u32 s9, $0x3;
	s13 =	sadd.s32 s10, s26  }
0xc: {  	s9 =	smul.u32 $0x2800, s6;
	s8 =	sadd.s32 s4, s26;
	[dreg:$0xe] =	wrdreg s13  }
0xd: {  	s28 =	sadd.s32 s10, s11;
	s12 =	sadd.s32 s10, s12;
	[dreg:$0x11] =	wrdreg s8  }
0xe: {  	s13 =	sadd.s32 s4, s11;
	s8 =	sor.u32 $0x50, s7;
	[dreg:$0xf] =	wrdreg s28  }
0xf: {  	s11 =	sadd.s32 s15, s30;
	[dreg:$0x10] =	wrdreg s12;
	s29 =	sadd.s32 s9, s7  }
0x10: {  	[dreg:$0x12] =	wrdreg s13;
	s17 =	sadd.s32 s9, s8;
	s20 =	sor.u32 $0x140, s11  }
0x11: {  	s13 =	sadd.s32 $0xF0, s7;
	s15 =	sor.u32 $0x190, s11;
	s25 =	sor.u32 $0xF0, s11  }
0x12: {  	s14 =	sshll.u32 s29, $0x4;
	s18 =	sshll.u32 s17, $0x4;
	s22 =	sshrl.u32 s20, $0x3  }
0x13: {  	s23 =	sshrl.u32 s15, $0x3;
	s28 =	sshrl.u32 s25, $0x3;
	s29 =	sadd.s32 s9, s13  }
0x14: {  	s6 =	sadd.s32 s5, s14;
	s12 =	sadd.s32 s5, s18;
	s24 =	sadd.s32 s23, s4  }
0x15: {  	s26 =	sadd.s32 s23, s10;
	s30 =	sadd.s32 s28, s4;
	[dreg:$0x13] =	wrdreg s6  }
0x16: {  	s17 =	sadd.s32 s28, s10;
	s18 =	sor.u32 $0x1E0, s11;
	[dreg:$0x14] =	wrdreg s12  }
0x17: {  	s15 =	sshll.u32 s29, $0x4;
	s11 =	sor.u32 $0xA0, s11;
	[dreg:$0x6] =	wrdreg s24  }
0x18: {  	s23 =	sadd.s32 $0x1E0, s7;
	s29 =	smul.u32 $0x50000, s16;
	[dreg:$0x7] =	wrdreg s26  }
0x19: {  	s16 =	sshll.u32 s13, $0x7;
	s13 =	simm.s32 $0x180;
	[dreg:$0x8] =	wrdreg s30  }
0x1a: {  	s6 =	sadd.s32 $0xA0, s7;
	s12 =	sadd.s32 s22, s10;
	[dreg:$0x9] =	wrdreg s17  }
0x1b: {  	s15 =	sadd.s32 s5, s15;
	s25 =	sadd.s32 s9, s23;
	[dreg:$0x5] =	wrdreg s12  }
0x1c: {  	s30 =	simm.s32 $0x300;
	s17 =	sadd.s32 $0xC800, s0;
	[dreg:$0x16] =	wrdreg s15  }
0x1d: {  	s0 =	sadd.s32 $0x34800, s0;
	s14 =	sadd.s32 s9, s6;
	[dreg:$0xc] =	wrdreg s30  }
0x1e: {  	[dreg:$0x1b] =	wrdreg s0;
	s15 =	sshll.u32 s6, $0x7;
	s6 =	simm.s32 $0x280  }
0x1f: {  	s12 =	simm.s32 $0x11;
	s19 =	sshll.u32 s14, $0x4;
	s14 =	sadd.s32 s22, s4  }
0x20: {  	s22 =	sadd.s32 $0x190, s7;
	s21 =	sadd.s32 s5, s19;
	[dreg:$0x4] =	wrdreg s14  }
0x21: {  	s19 =	sadd.s32 $0x140, s7;
	s14 =	sshrl.u32 s18, $0x3;
	s24 =	sadd.s32 s9, s22  }
0x22: {  	s7 =	sadd.s32 $0x230, s7;
	[dreg:$0x15] =	wrdreg s21;
	s10 =	sadd.s32 s14, s10  }
0x23: {  	s20 =	sadd.s32 s9, s19;
	s21 =	sshrl.u32 s11, $0x3;
	s28 =	sadd.s32 s9, s7  }
0x24: {  	s9 =	sshrl.u32 s29, $0x2;
	s19 =	sshll.u32 s19, $0x7;
	s11 =	simm.s32 $0x2C00  }
0x25: {  	s14 =	sshll.u32 s20, $0x4;
	[dreg:$0xa] =	wrdreg s10;
	s4 =	sadd.s32 s21, s4  }
0x26: {  	s18 =	sadd.s32 s9, s1;
	s20 =	sadd.s32 s19, s1;
	s21 =	sshll.u32 s22, $0x7  }
0x27: {  	s22 =	sshll.u32 s23, $0x7;
	s23 =	sshll.u32 s7, $0x7;
	s9 =	simm.s32 $0x400  }
0x28: {  	s14 =	sadd.s32 s5, s14;
	[dreg:$0xb] =	wrdreg s4;
	s4 =	sshll.u32 s24, $0x4  }
0x29: {  	[smem:$0x7F6] =	sst s20;
	s24 =	sadd.s32 s23, s1;
	s30 =	sadd.s32 $0x10000, s18  }
0x2a: {  	s20 =	simm.s32 $0x380;
	s23 =	simm.s32 $0x2;
	[dreg:$0x1c] =	wrdreg s18  }
0x2b: {  	[dreg:$0x17] =	wrdreg s14;
	s14 =	sshll.u32 s25, $0x4;
	s4 =	sadd.s32 s5, s4  }
0x2c: {  	[smem:$0x7F9] =	sst s24;
	s25 =	sadd.s32 $0x4000, s18;
	s24 =	simm.s32 $0xA  }
0x2d: {  	[dreg:$0x18] =	wrdreg s4;
	s26 =	sadd.s32 s5, s14;
	s4 =	sshll.u32 s28, $0x4  }
0x2e: {  	s14 =	sshll.u32 s8, $0x7;
	[dreg:$0x19] =	wrdreg s26;
	s4 =	sadd.s32 s5, s4  }
0x2f: {  	s28 =	sadd.s32 $0xC000, s18;
	s5 =	simm.s32 $0x5400;
	[dreg:$0x1a] =	wrdreg s4  }
0x30: {  	s8 =	simm.s32 $0x50;
	s0 =	sadd.s32 s14, s1;
	[dreg:$0xd] =	wrdreg s5  }
0x31: {  	s26 =	sadd.s32 $0x8000, s18;
	s29 =	sshrl.u32 s28, $0x3;
	[dreg:$0x1e] =	wrdreg s0  }
0x32: {  	s14 =	simm.s32 $0x7;
	s0 =	sadd.s32 s15, s1;
	[smem:$0x7FC] =	sst s29  }
0x33: {  	s4 =	simm.s32 $0x100;
	[dreg:$0x1f] =	wrdreg s0;
	s0 =	sadd.s32 s16, s1  }
0x34: {  	s5 =	simm.s32 $0x200;
	[smem:$0x7F5] =	sst s0;
	s0 =	sadd.s32 s21, s1  }
0x35: {  	s15 =	simm.s32 $0x1;
	[smem:$0x7F7] =	sst s0;
	s0 =	sadd.s32 s22, s1  }
0x36: {  	s16 =	simm.s32 $0x9;
	[smem:$0x7F8] =	sst s0;
	s0 =	sshrl.u32 s25, $0x3  }
0x37: {  	s21 =	simm.s32 $0x8;
	[smem:$0x7FA] =	sst s0;
	s0 =	sshrl.u32 s26, $0x3  }
0x38: {  	s22 =	simm.s32 $0x7C00;
	[smem:$0x7FB] =	sst s0;
	s0 =	sshrl.u32 s30, $0x3  }
0x39: {  	s25 =	simm.s32 $0x4;
	s26 =	simm.s32 $0xC;
	[smem:$0x7FD] =	sst s0  }
.LBB2_1:
0x3a: {  	s0 =	rddreg [dreg:$0xe]  }
0x3b: {  	[tilespmem:s3], [sflag:$0x5] =	stream.linear.gather [hbm4b:s0+s3], $0x50, $0x38;
	[tilespmem:$0x1E400] =	vst v63  }
0x3c: {  	s29 =	rddreg [dreg:$0xf];
	s2 =	simm.s32 $0x80  }
0x3d: {  	[tilespmem:s2], [sflag:$0x6] =	stream.linear.gather [hbm4b:s29+s3], $0x50, $0x38;
	[tilespmem:$0x1E400] =	vst v63  }
0x3e: {  	s30 =	rddreg [dreg:$0x10]  }
0x3f: {  	[tilespmem:s4], [sflag:$0x7] =	stream.linear.gather [hbm4b:s30+s3], $0x50, $0x38;
	[tilespmem:$0x1E400] =	vst v63  }
0x40: {  	s7 =	rddreg [dreg:$0x11]  }
0x41: {  	[tilespmem:s5], [sflag:$0x9] =	stream.linear.gather [hbm4b:s7+s3], $0x50, $0x38;
	[tilespmem:$0x1E400] =	vst v63  }
0x42: {  	s10 =	rddreg [dreg:$0x12];
	s19 =	simm.s32 $0x5  }
0x43: {  	[tilespmem:s6], [sflag:$0xA] =	stream.linear.gather [hbm4b:s10+s3], $0x50, $0x38;
	[tilespmem:$0x1E400] =	vst v63  }
0x44: {  	_ =	swait.ge [sflag:s19], $0x50  }
0x45: {  	[sflag:s19] =	ssyncset.done $0x0  }
0x46: {  	s28 =	simm.s32 $0x6;
	s29 =	stileid.u32;
	[sflag:s19] =	ssyncadd.s32 $0xFFFFFFB0  }
0x47: {  	[tilespmem:s9], [sflag:$0x1] =	stream.indirect.gather [hbm4b:s17+s8], $0x80, s3, s8, $0xb8;
	[tilespmem:$0x1E400] =	vst v63  }
0x48: {  	s0 =	sshll.u32 s29, $0x6;
	_ =	swait.ge [sflag:s28], $0x50  }
0x49: {  	s0 =	sor.u32 $0x1C11, s0;
	[sflag:s28] =	ssyncset.done $0x0  }
0x4a: {  	s30 =	sshrl.u32 s18, $0x3;
	s7 =	rddreg [dreg:$0x1b];
	[sflag:s28] =	ssyncadd.s32 $0xFFFFFFB0  }
0x4b: {  	[tilespmem:s11], [sflag:$0x2] =	stream.indirect.gather [hbm4b:s17+s8], $0x80, s2, s8, $0xb8;
	[tilespmem:$0x1E400] =	vst v63  }
0x4c: {  	[spmem:s30], [sflag:s0] =	dma.local [hbm:s7], $0x800  }
0x4d: {  	_ =	swait.ge [sflag:s12], $0x800  }
0x4e: {  	s10 =	sld [smem:$0x7FA]  }
0x4f: {  	[sflag:s12] =	ssyncset.done $0x0  }
0x50: {  	[sflag:s12] =	ssyncadd.s32 $0xFFFFF800  }
0x51: {  	[spmem:s10], [sflag:s0] =	dma.local [hbm:s7], $0x800  }
0x52: {  	_ =	swait.ge [sflag:s12], $0x800  }
0x53: {  	s18 =	sld [smem:$0x7FB]  }
0x54: {  	[sflag:s12] =	ssyncset.done $0x0  }
0x55: {  	[sflag:s12] =	ssyncadd.s32 $0xFFFFF800  }
0x56: {  	[spmem:s18], [sflag:s0] =	dma.local [hbm:s7], $0x800  }
0x57: {  	_ =	swait.ge [sflag:s12], $0x800  }
0x58: {  	s19 =	sld [smem:$0x7FC]  }
0x59: {  	[sflag:s12] =	ssyncset.done $0x0  }
0x5a: {  	[sflag:s12] =	ssyncadd.s32 $0xFFFFF800  }
0x5b: {  	[spmem:s19], [sflag:s0] =	dma.local [hbm:s7], $0x800  }
0x5c: {  	_ =	swait.ge [sflag:s12], $0x800  }
0x5d: {  	s28 =	sld [smem:$0x7FD]  }
0x5e: {  	[sflag:s12] =	ssyncset.done $0x0  }
0x5f: {  	[sflag:s12] =	ssyncadd.s32 $0xFFFFF800  }
0x60: {  	[spmem:s28], [sflag:s0] =	dma.local [hbm:s7], $0x800  }
0x61: {  	_ =	swait.ge [sflag:s12], $0x800  }
0x62: {  	[sflag:s12] =	ssyncset.done $0x0  }
0x63: {  	p0 =	por $0x1, $0x1;
	[sflag:s12] =	ssyncadd.s32 $0xFFFFF800  }
0x64: {  	s0 =	simm.s32 @!p0 $0xF;
	[bflag:$0x0] =	sbarrier.arrive $0xFFFF  }
0x65: {  	_ =	swait.ge @!p0 [sflag:s0], $0x2800  }
0x66: {  	s29 =	rddreg [dreg:$0xb]  }
0x67: {  	s30 =	rddreg [dreg:$0xc];
	[sflag:s0] =	ssyncset.done @!p0 $0x0  }
0x68: {  	s10 =	rddreg [dreg:$0x9];
	[sflag:s0] =	ssyncadd.s32 @!p0 $0xFFFFD800;
	s18 =	sadd.s32 $0x0, s29  }
0x69: {  	[tilespmem:s30], [sflag:$0xB] =	stream.linear.gather [hbm4b:s18+s3], $0x50, $0x38;
	[tilespmem:$0x1E400] =	vst v63  }
0x6a: {  	s19 =	sadd.s32 $0x0, s10  }
0x6b: {  	[tilespmem:s13], [sflag:$0x8] =	stream.linear.gather [hbm4b:s19+s3], $0x50, $0x38;
	[tilespmem:$0x1E400] =	vst v63  }
0x6c: {  	_ =	swait.ge [sflag:s14], $0x50  }
0x6d: {  	[sflag:s14] =	ssyncset.done $0x0  }
0x6e: {  	s28 =	rddreg [dreg:$0xd];
	[sflag:s14] =	ssyncadd.s32 $0xFFFFFFB0  }
0x6f: {  	[tilespmem:s28], [sflag:$0x3] =	stream.indirect.gather [hbm4b:s17+s8], $0x80, s4, s8, $0xb8;
	[tilespmem:$0x1E400] =	vst v63  }
0x70: {  	_ =	swait.ge [sflag:s15], $0x2800  }
0x71: {  	[sflag:s15] =	ssyncset.done $0x0  }
0x72: {  	[sflag:s15] =	ssyncadd.s32 $0xFFFFD800  }
0x73: {  	_ =	swait.ge [sflag:s16], $0x50  }
0x74: {  	[sflag:s16] =	ssyncset.done $0x0  }
0x75: {  	s0 =	simm.s32 @!p0 $0x10;
	[sflag:s16] =	ssyncadd.s32 $0xFFFFFFB0  }
0x76: {  	[spmem:s1] =	stream.indirect.scatter.add.f32 [tilespmem:s9], [sflag:$0xD], $0x80, s5, s8, $0xb8;
	[tilespmem:$0x1E400] =	vst v63  }
0x77: {  	_ =	swait.ge @!p0 [sflag:s0], $0x2800  }
0x78: {  	s29 =	rddreg [dreg:$0x8]  }
0x79: {  	[sflag:s0] =	ssyncset.done @!p0 $0x0;
	s7 =	rddreg [dreg:$0x5]  }
0x7a: {  	[sflag:s0] =	ssyncadd.s32 @!p0 $0xFFFFD800;
	s30 =	sadd.s32 $0x0, s29;
	p0 =	por $0x0, $0x0  }
0x7b: {  	[tilespmem:s20], [sflag:$0xC] =	stream.linear.gather [hbm4b:s30+s3], $0x50, $0x38;
	[tilespmem:$0x1E400] =	vst v63  }
0x7c: {  	s2 =	sadd.s32 @!p0 $0x0, s7;
	s0 =	simm.s32 @!p0 $0x0  }
0x7d: {  	[tilespmem:s0], [sflag:$0x5] =	stream.linear.gather @!p0 [hbm4b:s2+s0], $0x50, $0x38;
	[tilespmem:$0x1E400] =	vst v63  }
0x7e: {  	_ =	swait.ge [sflag:s21], $0x50  }
0x7f: {  	[sflag:s21] =	ssyncset.done $0x0  }
0x80: {  	[sflag:s21] =	ssyncadd.s32 $0xFFFFFFB0  }
0x81: {  	[tilespmem:s22], [sflag:$0x4] =	stream.indirect.gather [hbm4b:s17+s8], $0x80, s13, s8, $0xb8;
	[tilespmem:$0x1E400] =	vst v63  }
0x82: {  	_ =	swait.ge [sflag:s23], $0x2800  }
0x83: {  	[sflag:s23] =	ssyncset.done $0x0  }
0x84: {  	[sflag:s23] =	ssyncadd.s32 $0xFFFFD800  }
0x85: {  	_ =	swait.ge [sflag:s24], $0x50  }
0x86: {  	[sflag:s24] =	ssyncset.done $0x0  }
0x87: {  	s2 =	simm.s32 @p0 $0x3;
	[sflag:s24] =	ssyncadd.s32 $0xFFFFFFB0  }
0x88: {  	[spmem:s1] =	stream.indirect.scatter.add.f32 [tilespmem:s11], [sflag:$0xE], $0x80, s6, s8, $0xb8;
	[tilespmem:$0x1E400] =	vst v63  }
0x89: {  	_ =	swait.ge @p0 [sflag:s2], $0x2800  }
0x8a: {  	[sflag:s2] =	ssyncset.done @p0 $0x0  }
0x8b: {  	[sflag:s2] =	ssyncadd.s32 @p0 $0xFFFFD800;
	s2 =	simm.s32 @p0 $0xB  }
0x8c: {  	_ =	swait.ge @p0 [sflag:s2], $0x50  }
0x8d: {  	s7 =	simm.s32 @p0 $0x5400;
	s10 =	simm.s32 @!p0 $0xD;
	[sflag:s2] =	ssyncset.done @p0 $0x0  }
0x8e: {  	s28 =	simm.s32 @p0 $0x300;
	[sflag:s2] =	ssyncadd.s32 @p0 $0xFFFFFFB0;
	s2 =	simm.s32 @p0 $0x50  }
0x8f: {  	[spmem:s1] =	stream.indirect.scatter.add.f32 @p0 [tilespmem:s7], [sflag:$0xF], $0x80, s28, s2, $0xb8;
	[tilespmem:$0x1E400] =	vst v63  }
0x90: {  	_ =	swait.ge @!p0 [sflag:s10], $0x2800  }
0x91: {  	s2 =	rddreg [dreg:$0x4]  }
0x92: {  	[sflag:s10] =	ssyncset.done @!p0 $0x0;
	s7 =	rddreg [dreg:$0x7]  }
0x93: {  	[sflag:s10] =	ssyncadd.s32 @!p0 $0xFFFFD800;
	s2 =	sadd.s32 @!p0 $0x0, s2;
	s10 =	simm.s32 @!p0 $0x200  }
0x94: {  	[tilespmem:s10], [sflag:$0x9] =	stream.linear.gather @!p0 [hbm4b:s2+s0], $0x50, $0x38;
	[tilespmem:$0x1E400] =	vst v63  }
0x95: {  	s2 =	sadd.s32 @!p0 $0x0, s7;
	s7 =	simm.s32 @!p0 $0x80;
	s10 =	simm.s32 @!p0 $0x5  }
0x96: {  	[tilespmem:s7], [sflag:$0x6] =	stream.linear.gather @!p0 [hbm4b:s2+s0], $0x50, $0x38;
	[tilespmem:$0x1E400] =	vst v63  }
0x97: {  	_ =	swait.ge @!p0 [sflag:s10], $0x50  }
0x98: {  	s28 =	simm.s32 @!p0 $0x400;
	[sflag:s10] =	ssyncset.done @!p0 $0x0  }
0x99: {  	s2 =	simm.s32 @!p0 $0x3;
	[sflag:s10] =	ssyncadd.s32 @!p0 $0xFFFFFFB0;
	s10 =	simm.s32 @!p0 $0x50  }
0x9a: {  	[tilespmem:s28], [sflag:$0x1] =	stream.indirect.gather @!p0 [hbm4b:s17+s10], $0x80, s0, s10, $0xb8;
	[tilespmem:$0x1E400] =	vst v63  }
0x9b: {  	_ =	swait.ge @!p0 [sflag:s2], $0x2800  }
0x9c: {  	[sflag:s2] =	ssyncset.done @!p0 $0x0  }
0x9d: {  	[sflag:s2] =	ssyncadd.s32 @!p0 $0xFFFFD800;
	s2 =	simm.s32 @!p0 $0xB  }
0x9e: {  	_ =	swait.ge @!p0 [sflag:s2], $0x50  }
0x9f: {  	s29 =	simm.s32 @!p0 $0x5400;
	[sflag:s2] =	ssyncset.done @!p0 $0x0  }
0xa0: {  	s28 =	simm.s32 @!p0 $0xE;
	[sflag:s2] =	ssyncadd.s32 @!p0 $0xFFFFFFB0;
	s2 =	simm.s32 @!p0 $0x300  }
0xa1: {  	[spmem:s1] =	stream.indirect.scatter.add.f32 @!p0 [tilespmem:s29], [sflag:$0xF], $0x80, s2, s10, $0xb8;
	[tilespmem:$0x1E400] =	vst v63  }
0xa2: {  	_ =	swait.ge @!p0 [sflag:s28], $0x2800  }
0xa3: {  	s2 =	rddreg [dreg:$0x6]  }
0xa4: {  	[sflag:s28] =	ssyncset.done @!p0 $0x0;
	s29 =	rddreg [dreg:$0xa]  }
0xa5: {  	[sflag:s28] =	ssyncadd.s32 @!p0 $0xFFFFD800;
	s2 =	sadd.s32 @!p0 $0x0, s2;
	s28 =	simm.s32 @!p0 $0x280  }
0xa6: {  	[tilespmem:s28], [sflag:$0xA] =	stream.linear.gather @!p0 [hbm4b:s2+s0], $0x50, $0x38;
	[tilespmem:$0x1E400] =	vst v63  }
0xa7: {  	s2 =	sadd.s32 @!p0 $0x0, s29;
	s28 =	simm.s32 @!p0 $0x100  }
0xa8: {  	[tilespmem:s28], [sflag:$0x7] =	stream.linear.gather @!p0 [hbm4b:s2+s0], $0x50, $0x38;
	[tilespmem:$0x1E400] =	vst v63  }
0xa9: {  	s0 =	simm.s32 @!p0 $0x6  }
0xaa: {  	_ =	swait.ge @!p0 [sflag:s0], $0x50  }
0xab: {  	[sflag:s0] =	ssyncset.done @!p0 $0x0  }
0xac: {  	[sflag:s0] =	ssyncadd.s32 @!p0 $0xFFFFFFB0;
	s0 =	simm.s32 @!p0 $0x2C00  }
0xad: {  	[tilespmem:s0], [sflag:$0x2] =	stream.indirect.gather @!p0 [hbm4b:s17+s10], $0x80, s7, s10, $0xb8;
	[tilespmem:$0x1E400] =	vst v63  }
0xae: {  	_ =	swait.ge [sflag:s25], $0x2800  }
0xaf: {  	[sflag:s25] =	ssyncset.done $0x0  }
0xb0: {  	[sflag:s25] =	ssyncadd.s32 $0xFFFFD800  }
0xb1: {  	p1 =	por $0x0, $0x0;
	_ =	swait.ge [sflag:s26], $0x50  }
0xb2: {  	s0 =	simm.s32 $0x28;
	s7 =	simm.s32 $0x50;
	[sflag:s26] =	ssyncset.done $0x0  }
.LBB2_2:
0xb3: {  	s2 =	simm.s32 @!p1 $0xF;
	[sflag:s26] =	ssyncadd.s32 $0xFFFFFFB0  }
0xb4: {  	[spmem:s1] =	stream.indirect.scatter.add.f32 [tilespmem:s22], [sflag:$0x10], $0x80, s20, s8, $0xb8;
	[tilespmem:$0x1E400] =	vst v63  }
0xb5: {  	_ =	swait.ge @!p1 [sflag:s2], $0x2800  }
0xb6: {  	s28 =	rddreg [dreg:$0xb]  }
0xb7: {  	[sflag:s2] =	ssyncset.done @!p1 $0x0;
	s19 =	rddreg [dreg:$0xc]  }
0xb8: {  	s29 =	rddreg [dreg:$0x9];
	[sflag:s2] =	ssyncadd.s32 @!p1 $0xFFFFD800;
	s28 =	sadd.s32 s0, s28  }
0xb9: {  	[tilespmem:s19], [sflag:$0xB] =	stream.linear.gather [hbm4b:s28+s3], $0x50, $0x38;
	[tilespmem:$0x1E400] =	vst v63  }
0xba: {  	s30 =	sadd.s32 s0, s29  }
0xbb: {  	[tilespmem:s13], [sflag:$0x8] =	stream.linear.gather [hbm4b:s30+s3], $0x50, $0x38;
	[tilespmem:$0x1E400] =	vst v63  }
0xbc: {  	_ =	swait.ge [sflag:s14], $0x50  }
0xbd: {  	[sflag:s14] =	ssyncset.done $0x0  }
0xbe: {  	s18 =	rddreg [dreg:$0xd];
	[sflag:s14] =	ssyncadd.s32 $0xFFFFFFB0  }
0xbf: {  	[tilespmem:s18], [sflag:$0x3] =	stream.indirect.gather [hbm4b:s17+s8], $0x80, s4, s8, $0xb8;
	[tilespmem:$0x1E400] =	vst v63  }
0xc0: {  	_ =	swait.ge [sflag:s15], $0x2800  }
0xc1: {  	[sflag:s15] =	ssyncset.done $0x0  }
0xc2: {  	[sflag:s15] =	ssyncadd.s32 $0xFFFFD800  }
0xc3: {  	_ =	swait.ge [sflag:s16], $0x50  }
0xc4: {  	[sflag:s16] =	ssyncset.done $0x0  }
0xc5: {  	s2 =	simm.s32 @!p1 $0x10;
	[sflag:s16] =	ssyncadd.s32 $0xFFFFFFB0  }
0xc6: {  	[spmem:s1] =	stream.indirect.scatter.add.f32 [tilespmem:s9], [sflag:$0xD], $0x80, s5, s8, $0xb8;
	[tilespmem:$0x1E400] =	vst v63  }
0xc7: {  	_ =	swait.ge @!p1 [sflag:s2], $0x2800  }
0xc8: {  	s19 =	rddreg [dreg:$0x8]  }
0xc9: {  	[sflag:s2] =	ssyncset.done @!p1 $0x0;
	s29 =	rddreg [dreg:$0x5]  }
0xca: {  	[sflag:s2] =	ssyncadd.s32 @!p1 $0xFFFFD800;
	s30 =	sadd.s32 s0, s19;
	p1 =	seq.s32 s0, $0x4D8  }
0xcb: {  	[tilespmem:s20], [sflag:$0xC] =	stream.linear.gather [hbm4b:s30+s3], $0x50, $0x38;
	[tilespmem:$0x1E400] =	vst v63  }
0xcc: {  	s28 =	sadd.s32 @!p1 s0, s29;
	s2 =	simm.s32 @!p1 $0x0  }
0xcd: {  	[tilespmem:s2], [sflag:$0x5] =	stream.linear.gather @!p1 [hbm4b:s28+s2], $0x50, $0x38;
	[tilespmem:$0x1E400] =	vst v63  }
0xce: {  	_ =	swait.ge [sflag:s21], $0x50  }
0xcf: {  	[sflag:s21] =	ssyncset.done $0x0  }
0xd0: {  	[sflag:s21] =	ssyncadd.s32 $0xFFFFFFB0  }
0xd1: {  	[tilespmem:s22], [sflag:$0x4] =	stream.indirect.gather [hbm4b:s17+s8], $0x80, s13, s8, $0xb8;
	[tilespmem:$0x1E400] =	vst v63  }
0xd2: {  	_ =	swait.ge [sflag:s23], $0x2800  }
0xd3: {  	[sflag:s23] =	ssyncset.done $0x0  }
0xd4: {  	[sflag:s23] =	ssyncadd.s32 $0xFFFFD800  }
0xd5: {  	_ =	swait.ge [sflag:s24], $0x50  }
0xd6: {  	[sflag:s24] =	ssyncset.done $0x0  }
0xd7: {  	s28 =	simm.s32 @p1 $0x3;
	[sflag:s24] =	ssyncadd.s32 $0xFFFFFFB0  }
0xd8: {  	[spmem:s1] =	stream.indirect.scatter.add.f32 [tilespmem:s11], [sflag:$0xE], $0x80, s6, s8, $0xb8;
	[tilespmem:$0x1E400] =	vst v63  }
0xd9: {  	_ =	swait.ge @p1 [sflag:s28], $0x2800  }
0xda: {  	[sflag:s28] =	ssyncset.done @p1 $0x0  }
0xdb: {  	[sflag:s28] =	ssyncadd.s32 @p1 $0xFFFFD800;
	s28 =	simm.s32 @p1 $0xB  }
0xdc: {  	_ =	swait.ge @p1 [sflag:s28], $0x50  }
0xdd: {  	s29 =	simm.s32 @p1 $0x5400;
	s30 =	simm.s32 @!p1 $0xD;
	[sflag:s28] =	ssyncset.done @p1 $0x0  }
0xde: {  	s19 =	simm.s32 @p1 $0x300;
	[sflag:s28] =	ssyncadd.s32 @p1 $0xFFFFFFB0;
	s28 =	simm.s32 @p1 $0x50  }
0xdf: {  	[spmem:s1] =	stream.indirect.scatter.add.f32 @p1 [tilespmem:s29], [sflag:$0xF], $0x80, s19, s28, $0xb8;
	[tilespmem:$0x1E400] =	vst v63  }
0xe0: {  	_ =	swait.ge @!p1 [sflag:s30], $0x2800  }
0xe1: {  	s29 =	simm.s32 @!p1 $0x200;
	s19 =	rddreg [dreg:$0x4];
	[sflag:s30] =	ssyncset.done @!p1 $0x0  }
0xe2: {  	s28 =	rddreg [dreg:$0x7];
	[sflag:s30] =	ssyncadd.s32 @!p1 $0xFFFFD800;
	s19 =	sadd.s32 @!p1 s0, s19  }
0xe3: {  	[tilespmem:s29], [sflag:$0x9] =	stream.linear.gather @!p1 [hbm4b:s19+s2], $0x50, $0x38;
	[tilespmem:$0x1E400] =	vst v63  }
0xe4: {  	s19 =	sadd.s32 @!p1 s0, s28;
	s28 =	simm.s32 @!p1 $0x80;
	s29 =	simm.s32 @!p1 $0x5  }
0xe5: {  	[tilespmem:s28], [sflag:$0x6] =	stream.linear.gather @!p1 [hbm4b:s19+s2], $0x50, $0x38;
	[tilespmem:$0x1E400] =	vst v63  }
0xe6: {  	_ =	swait.ge @!p1 [sflag:s29], $0x50  }
0xe7: {  	s30 =	simm.s32 @!p1 $0x400;
	[sflag:s29] =	ssyncset.done @!p1 $0x0  }
0xe8: {  	s19 =	simm.s32 @!p1 $0x3;
	[sflag:s29] =	ssyncadd.s32 @!p1 $0xFFFFFFB0;
	s29 =	simm.s32 @!p1 $0x50  }
0xe9: {  	[tilespmem:s30], [sflag:$0x1] =	stream.indirect.gather @!p1 [hbm4b:s17+s29], $0x80, s2, s29, $0xb8;
	[tilespmem:$0x1E400] =	vst v63  }
0xea: {  	_ =	swait.ge @!p1 [sflag:s19], $0x2800  }
0xeb: {  	[sflag:s19] =	ssyncset.done @!p1 $0x0  }
0xec: {  	[sflag:s19] =	ssyncadd.s32 @!p1 $0xFFFFD800;
	s19 =	simm.s32 @!p1 $0xB  }
0xed: {  	_ =	swait.ge @!p1 [sflag:s19], $0x50  }
0xee: {  	s18 =	simm.s32 @!p1 $0x5400;
	[sflag:s19] =	ssyncset.done @!p1 $0x0  }
0xef: {  	s30 =	simm.s32 @!p1 $0xE;
	[sflag:s19] =	ssyncadd.s32 @!p1 $0xFFFFFFB0;
	s19 =	simm.s32 @!p1 $0x300  }
0xf0: {  	[spmem:s1] =	stream.indirect.scatter.add.f32 @!p1 [tilespmem:s18], [sflag:$0xF], $0x80, s19, s29, $0xb8;
	[tilespmem:$0x1E400] =	vst v63  }
0xf1: {  	_ =	swait.ge @!p1 [sflag:s30], $0x2800  }
0xf2: {  	s18 =	rddreg [dreg:$0x6]  }
0xf3: {  	[sflag:s30] =	ssyncset.done @!p1 $0x0;
	s19 =	rddreg [dreg:$0xa]  }
0xf4: {  	[sflag:s30] =	ssyncadd.s32 @!p1 $0xFFFFD800;
	s18 =	sadd.s32 @!p1 s0, s18;
	s30 =	simm.s32 @!p1 $0x280  }
0xf5: {  	[tilespmem:s30], [sflag:$0xA] =	stream.linear.gather @!p1 [hbm4b:s18+s2], $0x50, $0x38;
	[tilespmem:$0x1E400] =	vst v63  }
0xf6: {  	s0 =	sadd.s32 @!p1 s0, s19;
	s19 =	simm.s32 @!p1 $0x6;
	s18 =	simm.s32 @!p1 $0x100  }
0xf7: {  	[tilespmem:s18], [sflag:$0x7] =	stream.linear.gather @!p1 [hbm4b:s0+s2], $0x50, $0x38;
	[tilespmem:$0x1E400] =	vst v63  }
0xf8: {  	_ =	swait.ge @!p1 [sflag:s19], $0x50  }
0xf9: {  	s10 =	smov.u32 s7;
	s7 =	sadd.s32 $0x28, s7;
	[sflag:s19] =	ssyncset.done @!p1 $0x0  }
0xfa: {  	p0 =	sne.s32 s7, $0x500;
	s2 =	simm.s32 @!p1 $0x2C00;
	[sflag:s19] =	ssyncadd.s32 @!p1 $0xFFFFFFB0  }
0xfb: {  	[tilespmem:s2], [sflag:$0x2] =	stream.indirect.gather @!p1 [hbm4b:s17+s29], $0x80, s28, s29, $0xb8;
	[tilespmem:$0x1E400] =	vst v63  }
.Ltmp0:
0xfc: {  	_ =	swait.ge [sflag:s25], $0x2800;
	(pc) =	sbr.rel @p0 .LBB2_2-.Ltmp0, $4  }
0xfd: {  	[sflag:s25] =	ssyncset.done $0x0  }
0xfe: {  	[sflag:s25] =	ssyncadd.s32 $0xFFFFD800  }
0xff: {  	s0 =	smov.u32 s10;
	_ =	swait.ge [sflag:s26], $0x50  }
0x100: {  	p1 =	seq.s32 s0, $0x0;
	[sflag:s26] =	ssyncset.done $0x0  }
0x101: {  	s2 =	simm.s32 @!p1 $0xF;
	[sflag:s26] =	ssyncadd.s32 $0xFFFFFFB0  }
0x102: {  	[spmem:s1] =	stream.indirect.scatter.add.f32 [tilespmem:s22], [sflag:$0x10], $0x80, s20, s8, $0xb8;
	[tilespmem:$0x1E400] =	vst v63  }
0x103: {  	_ =	swait.ge @!p1 [sflag:s2], $0x2800  }
0x104: {  	s7 =	rddreg [dreg:$0xb]  }
0x105: {  	s10 =	rddreg [dreg:$0xc];
	[sflag:s2] =	ssyncset.done @!p1 $0x0  }
0x106: {  	s18 =	rddreg [dreg:$0x9];
	[sflag:s2] =	ssyncadd.s32 @!p1 $0xFFFFD800;
	s19 =	sadd.s32 s0, s7  }
0x107: {  	[tilespmem:s10], [sflag:$0xB] =	stream.linear.gather [hbm4b:s19+s3], $0x50, $0x38;
	[tilespmem:$0x1E400] =	vst v63  }
0x108: {  	s28 =	sadd.s32 s0, s18  }
0x109: {  	[tilespmem:s13], [sflag:$0x8] =	stream.linear.gather [hbm4b:s28+s3], $0x50, $0x38;
	[tilespmem:$0x1E400] =	vst v63  }
0x10a: {  	_ =	swait.ge [sflag:s14], $0x50  }
0x10b: {  	[sflag:s14] =	ssyncset.done $0x0  }
0x10c: {  	s29 =	rddreg [dreg:$0xd];
	[sflag:s14] =	ssyncadd.s32 $0xFFFFFFB0  }
0x10d: {  	[tilespmem:s29], [sflag:$0x3] =	stream.indirect.gather [hbm4b:s17+s8], $0x80, s4, s8, $0xb8;
	[tilespmem:$0x1E400] =	vst v63  }
0x10e: {  	_ =	swait.ge [sflag:s15], $0x2800  }
0x10f: {  	[sflag:s15] =	ssyncset.done $0x0  }
0x110: {  	[sflag:s15] =	ssyncadd.s32 $0xFFFFD800  }
0x111: {  	_ =	swait.ge [sflag:s16], $0x50  }
0x112: {  	[sflag:s16] =	ssyncset.done $0x0  }
0x113: {  	s2 =	simm.s32 @!p1 $0x10;
	[sflag:s16] =	ssyncadd.s32 $0xFFFFFFB0  }
0x114: {  	[spmem:s1] =	stream.indirect.scatter.add.f32 [tilespmem:s9], [sflag:$0xD], $0x80, s5, s8, $0xb8;
	[tilespmem:$0x1E400] =	vst v63  }
0x115: {  	_ =	swait.ge @!p1 [sflag:s2], $0x2800  }
0x116: {  	p0 =	seq.s32 s0, $0x4D8;
	s30 =	rddreg [dreg:$0x8];
	[sflag:s2] =	ssyncset.done @!p1 $0x0  }
0x117: {  	s10 =	rddreg [dreg:$0x5];
	[sflag:s2] =	ssyncadd.s32 @!p1 $0xFFFFD800;
	s7 =	sadd.s32 s0, s30  }
0x118: {  	[tilespmem:s20], [sflag:$0xC] =	stream.linear.gather [hbm4b:s7+s3], $0x50, $0x38;
	[tilespmem:$0x1E400] =	vst v63  }
0x119: {  	s2 =	simm.s32 @!p0 $0x0;
	s7 =	sadd.s32 @!p0 s0, s10  }
0x11a: {  	[tilespmem:s2], [sflag:$0x5] =	stream.linear.gather @!p0 [hbm4b:s7+s2], $0x50, $0x38;
	[tilespmem:$0x1E400] =	vst v63  }
0x11b: {  	_ =	swait.ge [sflag:s21], $0x50  }
0x11c: {  	[sflag:s21] =	ssyncset.done $0x0  }
0x11d: {  	[sflag:s21] =	ssyncadd.s32 $0xFFFFFFB0  }
0x11e: {  	[tilespmem:s22], [sflag:$0x4] =	stream.indirect.gather [hbm4b:s17+s8], $0x80, s13, s8, $0xb8;
	[tilespmem:$0x1E400] =	vst v63  }
0x11f: {  	_ =	swait.ge [sflag:s23], $0x2800  }
0x120: {  	[sflag:s23] =	ssyncset.done $0x0  }
0x121: {  	[sflag:s23] =	ssyncadd.s32 $0xFFFFD800  }
0x122: {  	_ =	swait.ge [sflag:s24], $0x50  }
0x123: {  	[sflag:s24] =	ssyncset.done $0x0  }
0x124: {  	s7 =	simm.s32 @p0 $0x3;
	[sflag:s24] =	ssyncadd.s32 $0xFFFFFFB0  }
0x125: {  	[spmem:s1] =	stream.indirect.scatter.add.f32 [tilespmem:s11], [sflag:$0xE], $0x80, s6, s8, $0xb8;
	[tilespmem:$0x1E400] =	vst v63  }
0x126: {  	_ =	swait.ge @p0 [sflag:s7], $0x2800  }
0x127: {  	[sflag:s7] =	ssyncset.done @p0 $0x0  }
0x128: {  	[sflag:s7] =	ssyncadd.s32 @p0 $0xFFFFD800;
	s7 =	simm.s32 @p0 $0xB  }
0x129: {  	_ =	swait.ge @p0 [sflag:s7], $0x50  }
0x12a: {  	s18 =	simm.s32 @!p0 $0xD;
	s19 =	simm.s32 @p0 $0x300;
	[sflag:s7] =	ssyncset.done @p0 $0x0  }
0x12b: {  	s10 =	simm.s32 @p0 $0x5400;
	[sflag:s7] =	ssyncadd.s32 @p0 $0xFFFFFFB0;
	s7 =	simm.s32 @p0 $0x50  }
0x12c: {  	[spmem:s1] =	stream.indirect.scatter.add.f32 @p0 [tilespmem:s10], [sflag:$0xF], $0x80, s19, s7, $0xb8;
	[tilespmem:$0x1E400] =	vst v63  }
0x12d: {  	_ =	swait.ge @!p0 [sflag:s18], $0x2800  }
0x12e: {  	s7 =	rddreg [dreg:$0x4]  }
0x12f: {  	[sflag:s18] =	ssyncset.done @!p0 $0x0;
	s10 =	rddreg [dreg:$0x7]  }
0x130: {  	[sflag:s18] =	ssyncadd.s32 @!p0 $0xFFFFD800;
	s7 =	sadd.s32 @!p0 s0, s7;
	s18 =	simm.s32 @!p0 $0x200  }
0x131: {  	[tilespmem:s18], [sflag:$0x9] =	stream.linear.gather @!p0 [hbm4b:s7+s2], $0x50, $0x38;
	[tilespmem:$0x1E400] =	vst v63  }
0x132: {  	s7 =	sadd.s32 @!p0 s0, s10;
	s10 =	simm.s32 @!p0 $0x80;
	s18 =	simm.s32 @!p0 $0x5  }
0x133: {  	[tilespmem:s10], [sflag:$0x6] =	stream.linear.gather @!p0 [hbm4b:s7+s2], $0x50, $0x38;
	[tilespmem:$0x1E400] =	vst v63  }
0x134: {  	_ =	swait.ge @!p0 [sflag:s18], $0x50  }
0x135: {  	s19 =	simm.s32 @!p0 $0x400;
	[sflag:s18] =	ssyncset.done @!p0 $0x0  }
0x136: {  	s7 =	simm.s32 @!p0 $0x3;
	[sflag:s18] =	ssyncadd.s32 @!p0 $0xFFFFFFB0;
	s18 =	simm.s32 @!p0 $0x50  }
0x137: {  	[tilespmem:s19], [sflag:$0x1] =	stream.indirect.gather @!p0 [hbm4b:s17+s18], $0x80, s2, s18, $0xb8;
	[tilespmem:$0x1E400] =	vst v63  }
0x138: {  	_ =	swait.ge @!p0 [sflag:s7], $0x2800  }
0x139: {  	[sflag:s7] =	ssyncset.done @!p0 $0x0  }
0x13a: {  	[sflag:s7] =	ssyncadd.s32 @!p0 $0xFFFFD800;
	s7 =	simm.s32 @!p0 $0xB  }
0x13b: {  	_ =	swait.ge @!p0 [sflag:s7], $0x50  }
0x13c: {  	s28 =	simm.s32 @!p0 $0x5400;
	[sflag:s7] =	ssyncset.done @!p0 $0x0  }
0x13d: {  	s19 =	simm.s32 @!p0 $0xE;
	[sflag:s7] =	ssyncadd.s32 @!p0 $0xFFFFFFB0;
	s7 =	simm.s32 @!p0 $0x300  }
0x13e: {  	[spmem:s1] =	stream.indirect.scatter.add.f32 @!p0 [tilespmem:s28], [sflag:$0xF], $0x80, s7, s18, $0xb8;
	[tilespmem:$0x1E400] =	vst v63  }
0x13f: {  	_ =	swait.ge @!p0 [sflag:s19], $0x2800  }
0x140: {  	s7 =	rddreg [dreg:$0x6]  }
0x141: {  	[sflag:s19] =	ssyncset.done @!p0 $0x0;
	s28 =	rddreg [dreg:$0xa]  }
0x142: {  	[sflag:s19] =	ssyncadd.s32 @!p0 $0xFFFFD800;
	s7 =	sadd.s32 @!p0 s0, s7;
	s19 =	simm.s32 @!p0 $0x280  }
0x143: {  	[tilespmem:s19], [sflag:$0xA] =	stream.linear.gather @!p0 [hbm4b:s7+s2], $0x50, $0x38;
	[tilespmem:$0x1E400] =	vst v63  }
0x144: {  	s0 =	sadd.s32 @!p0 s0, s28;
	s7 =	simm.s32 @!p0 $0x100  }
0x145: {  	[tilespmem:s7], [sflag:$0x7] =	stream.linear.gather @!p0 [hbm4b:s0+s2], $0x50, $0x38;
	[tilespmem:$0x1E400] =	vst v63  }
0x146: {  	s0 =	simm.s32 @!p0 $0x6  }
0x147: {  	_ =	swait.ge @!p0 [sflag:s0], $0x50  }
0x148: {  	[sflag:s0] =	ssyncset.done @!p0 $0x0  }
0x149: {  	[sflag:s0] =	ssyncadd.s32 @!p0 $0xFFFFFFB0;
	s0 =	simm.s32 @!p0 $0x2C00  }
0x14a: {  	[tilespmem:s0], [sflag:$0x2] =	stream.indirect.gather @!p0 [hbm4b:s17+s18], $0x80, s10, s18, $0xb8;
	[tilespmem:$0x1E400] =	vst v63  }
0x14b: {  	_ =	swait.ge [sflag:s25], $0x2800  }
0x14c: {  	[sflag:s25] =	ssyncset.done $0x0  }
0x14d: {  	[sflag:s25] =	ssyncadd.s32 $0xFFFFD800  }
0x14e: {  	_ =	swait.ge [sflag:s26], $0x50  }
0x14f: {  	[sflag:s26] =	ssyncset.done $0x0  }
0x150: {  	s10 =	simm.s32 $0xD;
	[sflag:s26] =	ssyncadd.s32 $0xFFFFFFB0  }
0x151: {  	[spmem:s1] =	stream.indirect.scatter.add.f32 [tilespmem:s22], [sflag:$0x10], $0x80, s20, s8, $0xb8;
	[tilespmem:$0x1E400] =	vst v63  }
0x152: {  	_ =	swait.ge [sflag:s10], $0x2800  }
0x153: {  	[sflag:s10] =	ssyncset.done $0x0  }
0x154: {  	s18 =	simm.s32 $0xE;
	[sflag:s10] =	ssyncadd.s32 $0xFFFFD800  }
0x155: {  	_ =	swait.ge [sflag:s18], $0x2800  }
0x156: {  	[sflag:s18] =	ssyncset.done $0x0  }
0x157: {  	s19 =	simm.s32 $0xF;
	[sflag:s18] =	ssyncadd.s32 $0xFFFFD800  }
0x158: {  	_ =	swait.ge [sflag:s19], $0x2800  }
0x159: {  	[sflag:s19] =	ssyncset.done $0x0  }
0x15a: {  	s28 =	simm.s32 $0x10;
	[sflag:s19] =	ssyncadd.s32 $0xFFFFD800  }
0x15b: {  	_ =	swait.ge [sflag:s28], $0x2800  }
0x15c: {  	[sflag:s28] =	ssyncset.done $0x0  }
0x15d: {  	[sflag:s28] =	ssyncadd.s32 $0xFFFFD800  }
0x15e: {  	[bflag:$0x0] =	sbarrier.arrive $0xFFFF  }
0x15f: {  	s18 =	rddreg [dreg:$0x1c]  }
0x160: {  	[tilespmem:s9], [sflag:$0x11] =	stream.linear.gather [spmem:s18], $0x2800, $0x38;
	[tilespmem:$0x1E400] =	vst v63  }
0x161: {  	_ =	swait.ge [sflag:s12], $0x2800  }
0x162: {  	[sflag:s12] =	ssyncset.done $0x0  }
0x163: {  	s29 =	rddreg [dreg:$0x13];
	[sflag:s12] =	ssyncadd.s32 $0xFFFFD800  }
0x164: {  	[hbm4b:s29+s3] =	stream.linear.scatter [tilespmem:s9], [sflag:$0x11], $0x2800, $0x38;
	[tilespmem:$0x1E400] =	vst v63  }
0x165: {  	_ =	swait.ge [sflag:s12], $0x2800  }
0x166: {  	[sflag:s12] =	ssyncset.done $0x0  }
0x167: {  	s30 =	rddreg [dreg:$0x1e];
	[sflag:s12] =	ssyncadd.s32 $0xFFFFD800  }
0x168: {  	[tilespmem:s9], [sflag:$0x11] =	stream.linear.gather [spmem:s30], $0x2800, $0x38;
	[tilespmem:$0x1E400] =	vst v63  }
0x169: {  	_ =	swait.ge [sflag:s12], $0x2800  }
0x16a: {  	[sflag:s12] =	ssyncset.done $0x0  }
0x16b: {  	s2 =	rddreg [dreg:$0x14];
	[sflag:s12] =	ssyncadd.s32 $0xFFFFD800  }
0x16c: {  	[hbm4b:s2+s3] =	stream.linear.scatter [tilespmem:s9], [sflag:$0x11], $0x2800, $0x38;
	[tilespmem:$0x1E400] =	vst v63  }
0x16d: {  	_ =	swait.ge [sflag:s12], $0x2800  }
0x16e: {  	[sflag:s12] =	ssyncset.done $0x0  }
0x16f: {  	s7 =	rddreg [dreg:$0x1f];
	[sflag:s12] =	ssyncadd.s32 $0xFFFFD800  }
0x170: {  	[tilespmem:s9], [sflag:$0x11] =	stream.linear.gather [spmem:s7], $0x2800, $0x38;
	[tilespmem:$0x1E400] =	vst v63  }
0x171: {  	_ =	swait.ge [sflag:s12], $0x2800  }
0x172: {  	[sflag:s12] =	ssyncset.done $0x0  }
0x173: {  	s10 =	rddreg [dreg:$0x15];
	[sflag:s12] =	ssyncadd.s32 $0xFFFFD800  }
0x174: {  	[hbm4b:s10+s3] =	stream.linear.scatter [tilespmem:s9], [sflag:$0x11], $0x2800, $0x38;
	[tilespmem:$0x1E400] =	vst v63  }
0x175: {  	_ =	swait.ge [sflag:s12], $0x2800  }
0x176: {  	s19 =	sld [smem:$0x7F5]  }
0x177: {  	[sflag:s12] =	ssyncset.done $0x0  }
0x178: {  	[sflag:s12] =	ssyncadd.s32 $0xFFFFD800  }
0x179: {  	[tilespmem:s9], [sflag:$0x11] =	stream.linear.gather [spmem:s19], $0x2800, $0x38;
	[tilespmem:$0x1E400] =	vst v63  }
0x17a: {  	_ =	swait.ge [sflag:s12], $0x2800  }
0x17b: {  	[sflag:s12] =	ssyncset.done $0x0  }
0x17c: {  	s28 =	rddreg [dreg:$0x16];
	[sflag:s12] =	ssyncadd.s32 $0xFFFFD800  }
0x17d: {  	[hbm4b:s28+s3] =	stream.linear.scatter [tilespmem:s9], [sflag:$0x11], $0x2800, $0x38;
	[tilespmem:$0x1E400] =	vst v63  }
0x17e: {  	_ =	swait.ge [sflag:s12], $0x2800  }
0x17f: {  	s29 =	sld [smem:$0x7F6]  }
0x180: {  	[sflag:s12] =	ssyncset.done $0x0  }
0x181: {  	[sflag:s12] =	ssyncadd.s32 $0xFFFFD800  }
0x182: {  	[tilespmem:s9], [sflag:$0x11] =	stream.linear.gather [spmem:s29], $0x2800, $0x38;
	[tilespmem:$0x1E400] =	vst v63  }
0x183: {  	_ =	swait.ge [sflag:s12], $0x2800  }
0x184: {  	[sflag:s12] =	ssyncset.done $0x0  }
0x185: {  	s30 =	rddreg [dreg:$0x17];
	[sflag:s12] =	ssyncadd.s32 $0xFFFFD800  }
0x186: {  	[hbm4b:s30+s3] =	stream.linear.scatter [tilespmem:s9], [sflag:$0x11], $0x2800, $0x38;
	[tilespmem:$0x1E400] =	vst v63  }
0x187: {  	_ =	swait.ge [sflag:s12], $0x2800  }
0x188: {  	s2 =	sld [smem:$0x7F7]  }
0x189: {  	[sflag:s12] =	ssyncset.done $0x0  }
0x18a: {  	[sflag:s12] =	ssyncadd.s32 $0xFFFFD800  }
0x18b: {  	[tilespmem:s9], [sflag:$0x11] =	stream.linear.gather [spmem:s2], $0x2800, $0x38;
	[tilespmem:$0x1E400] =	vst v63  }
0x18c: {  	_ =	swait.ge [sflag:s12], $0x2800  }
0x18d: {  	[sflag:s12] =	ssyncset.done $0x0  }
0x18e: {  	s7 =	rddreg [dreg:$0x18];
	[sflag:s12] =	ssyncadd.s32 $0xFFFFD800  }
0x18f: {  	[hbm4b:s7+s3] =	stream.linear.scatter [tilespmem:s9], [sflag:$0x11], $0x2800, $0x38;
	[tilespmem:$0x1E400] =	vst v63  }
0x190: {  	_ =	swait.ge [sflag:s12], $0x2800  }
0x191: {  	s10 =	sld [smem:$0x7F8]  }
0x192: {  	[sflag:s12] =	ssyncset.done $0x0  }
0x193: {  	[sflag:s12] =	ssyncadd.s32 $0xFFFFD800  }
0x194: {  	[tilespmem:s9], [sflag:$0x11] =	stream.linear.gather [spmem:s10], $0x2800, $0x38;
	[tilespmem:$0x1E400] =	vst v63  }
0x195: {  	_ =	swait.ge [sflag:s12], $0x2800  }
0x196: {  	[sflag:s12] =	ssyncset.done $0x0  }
0x197: {  	s19 =	rddreg [dreg:$0x19];
	[sflag:s12] =	ssyncadd.s32 $0xFFFFD800  }
0x198: {  	[hbm4b:s19+s3] =	stream.linear.scatter [tilespmem:s9], [sflag:$0x11], $0x2800, $0x38;
	[tilespmem:$0x1E400] =	vst v63  }
0x199: {  	_ =	swait.ge [sflag:s12], $0x2800  }
0x19a: {  	s28 =	sld [smem:$0x7F9]  }
0x19b: {  	[sflag:s12] =	ssyncset.done $0x0  }
0x19c: {  	[sflag:s12] =	ssyncadd.s32 $0xFFFFD800  }
0x19d: {  	[tilespmem:s9], [sflag:$0x11] =	stream.linear.gather [spmem:s28], $0x2800, $0x38;
	[tilespmem:$0x1E400] =	vst v63  }
0x19e: {  	_ =	swait.ge [sflag:s12], $0x2800  }
0x19f: {  	[sflag:s12] =	ssyncset.done $0x0  }
0x1a0: {  	s29 =	rddreg [dreg:$0x1a];
	[sflag:s12] =	ssyncadd.s32 $0xFFFFD800  }
0x1a1: {  	[hbm4b:s29+s3] =	stream.linear.scatter [tilespmem:s9], [sflag:$0x11], $0x2800, $0x38;
	[tilespmem:$0x1E400] =	vst v63  }
0x1a2: {  	_ =	swait.ge [sflag:s12], $0x2800  }
0x1a3: {  	s31 =	sadd.s32 $0x1, s31;
	s30 =	rddreg [dreg:$0x1d]  }
0x1a4: {  	p0 =	sne.s32 s31, s30  }
.Ltmp1:
0x1a5: {  	_ = 	snop;
	(pc) =	sbr.rel @p0 .LBB2_1-.Ltmp1, $3  }
0x1a6: {  	_ =	sdelay $0x1  }
0x1a7: {  	[sflag:s12] =	ssyncset.done $0x0  }
0x1a8: {  	[sflag:s12] =	ssyncadd.s32 $0xFFFFD800  }
0x1a9: {  	_ =	sfence.sel $0x180000  }
0x1aa: {  	[bflag:$0x0] =	sbarrier.arrive $0xFFFF  }
0x1ab: {  	_ =	strace $0x9000004D  }
0x1ac: {  	s0 =	stileid.u32;
	[bflag:$0x2] =	sbarrier.arrive $0xFFFF  }
0x1ad: {  	p0 =	sne.s32 s0, $0x0;
	s0 =	rddreg [dreg:$0x3]  }
0x1ae: {  	s0 =	sadd.s32 @!p0 $0x100000, s0  }
0x1af: {  	[sflag:s0] =	ssyncadd.tile.s32 @!p0 $0x1;
	_ =	shalt  }
.Lfunc_end2:
_tile_overlayer_lowered:
.L_overlay_start_2:
0x1b0: {  	(tag) =	ssettag $0x2  }
0x1b1: {  	s0 =	rddreg [dreg:$0x0];
	s2 =	stileid.u32  }
0x1b2: {  	s1 =	rddreg [dreg:$0x1];
	p0 =	sne.s32 s2, $0x0  }
0x1b3: {  	s3 =	rddreg [dreg:$0x2];
	[bflag:$0x3] =	sbarrier.arrive $0xFFFF;
	s2 =	simm.s32 @!p0 $0x1C11  }
0x1b4: {  	[timem:s3], [sflag:s2] =	dma.local @!p0 [hbm:s0], s1  }
0x1b5: {  	s0 =	simm.s32 @!p0 $0x11  }
0x1b6: {  	_ =	swait.ge @!p0 [sflag:s0], s1  }
0x1b7: {  	s1 =	ssub.s32 @!p0 $0x0, s1;
	[sflag:s0] =	ssyncset.done @!p0 $0x0  }
0x1b8: {  	[sflag:s0] =	ssyncadd.s32 @!p0 s1  }
0x1b9: {  	[bflag:$0x3] =	sbarrier.arrive $0xFFFF  }
0x1ba: {  	_ =	shalt  }

// kernel: kernel.8.cloned.1.call-start
scs
__scs_entry_jumppad:
0x0: {  	(pc) =	sbr.rel $0x88, $3  }
0x1: {  	(tag) =	ssettag $0x0;
	lr =	simm.s32 $0x1  }
0x2: {  	[smem:$0x3F9B] =	sst lr;
	_ =	strace $0xD0000000  }
0x3: {  	_ = 	snop  }
0x4: {  	_ = 	snop  }
0x5: {  	_ = 	snop  }
0x6: {  	_ = 	snop  }
0x7: {  	_ = 	snop  }
__scs_overlays_trampoline_lowered:
0x8: {  	[smem:$0x3FAA] =	sst s0  }
0x9: {  	[smem:$0x3FAB] =	sst s1  }
0xa: {  	[smem:$0x3FAC] =	sst s2  }
0xb: {  	[smem:$0x3FAD] =	sst s3  }
0xc: {  	[smem:$0x3FAE] =	sst s4  }
0xd: {  	[smem:$0x3FAF] =	sst s5  }
0xe: {  	[smem:$0x3FB0] =	sst s6  }
0xf: {  	[smem:$0x3FB1] =	sst s7  }
0x10: {  	[smem:$0x3FB2] =	sst s8  }
0x11: {  	[smem:$0x3FB3] =	sst s9;
	s0 =	simm.s32 @!p0 $0x0  }
0x12: {  	s1 =	sld [smem:$0x3F99];
	s0 =	simm.s32 @p0 $0x1  }
0x13: {  	[smem:$0x3FB4] =	sst s0;
	s0 =	simm.s32 @!p1 $0x0  }
0x14: {  	s2 =	sld [smem:$0x3F98];
	s0 =	simm.s32 @p1 $0x1  }
0x15: {  	[smem:$0x3FB5] =	sst s0;
	s0 =	simm.s32 @!p2 $0x0  }
0x16: {  	s3 =	sld [smem:$0x3FDB];
	s0 =	simm.s32 @p2 $0x1  }
0x17: {  	s4 =	simm.s32 $0x1BF5;
	[smem:$0x3FB7] =	sst s0  }
0x18: {  	s0 =	sld [smem:$0x3F9A];
	_ =	swait.ge [sflag:s4], $0x0  }
0x19: {  	s7 =	sld [smem:$0x3F9B]  }
0x1a: {  	s8 =	sadd.s32 $0xFFFFE003, lr  }
0x1b: {  	s9 =	sadd.s32 $0xFFFFFEF7, lr;
	s5 =	simm.s32 $0xFFFFFFFF;
	p2 =	slt.u32 s8, $0xFFFFF086  }
0x1c: {  	p1 =	slt.u32 s9, $0xF7A;
	s5 =	simm.s32 @!p2 $0x0  }
0x1d: {  	s5 =	simm.s32 @p1 $0x1;
	p0 =	seq.s32 s7, s2  }
0x1e: {  	s7 =	smul.u32 @!p0 $0xF7A, s2;
	p2 =	seq.s32 @!p0 s5, $0x0  }
0x1f: {  	s9 =	smul.u32 $0xF7A, s1;
	s8 =	simm.s32 @!p0 $0x1BF5;
	p2 =	por !p2, p0  }
0x20: {  	[sflag:s8] =	ssyncset.s32 @!p0 $0xFFFFF086;
	s6 =	sadd.s32 @!p0 s3, s7;
	s7 =	simm.s32 @!p0 $0x108  }
0x21: {  	s3 =	sadd.s32 s3, s9;
	s6 =	sadd.s32 @!p0 $0x88, s6;
	s7 =	simm.s32 @p2 $0x1082  }
0x22: {  	[simem:s7], [sflag:s8] =	dma.local @!p0 [hbm:s6], $0xF7A  }
0x23: {  	s9 =	sor.u32 $0xD0000000, s2;
	s6 =	simm.s32 $0x108;
	_ =	swait.ge @!p0 [sflag:s8], $0x0  }
0x24: {  	s3 =	sadd.s32 $0x88, s3;
	s6 =	simm.s32 @!p1 $0x1082;
	[sflag:s4] =	ssyncset.s32 $0xFFFFF086  }
0x25: {  	[simem:s6], [sflag:s4] =	dma.local [hbm:s3], $0xF7A  }
0x26: {  	[smem:$0x3F9B] =	sst s1;
	(tag) =	ssettag s2;
	_ =	strace s9  }
0x27: {  	s1 =	sld [smem:$0x3FAB]  }
0x28: {  	s2 =	sld [smem:$0x3FAC]  }
0x29: {  	s4 =	sld [smem:$0x3FAE]  }
0x2a: {  	p0 =	seq.s32 s5, $0x0;
	s5 =	sld [smem:$0x3FAF]  }
0x2b: {  	s6 =	sld [smem:$0x3FB0]  }
0x2c: {  	s7 =	sld [smem:$0x3FB1]  }
0x2d: {  	s3 =	simm.s32 $0x108;
	s8 =	sld [smem:$0x3FB2]  }
0x2e: {  	s3 =	simm.s32 @!p0 $0x1082;
	s9 =	sld [smem:$0x3FB3]  }
0x2f: {  	lr =	sadd.s32 s0, s3;
	s0 =	sld [smem:$0x3FAA]  }
0x30: {  	s3 =	sld [smem:$0x3FAD]  }
0x31: {  	[smem:$0x3FB6] =	sst s10  }
0x32: {  	s10 =	sld [smem:$0x3FB4];
	_ =	sdelay $0x3  }
0x33: {  	p0 =	seq.s32 s10, $0x1;
	s10 =	sld [smem:$0x3FB6];
	_ =	sdelay $0x3  }
0x34: {  	[smem:$0x3FB6] =	sst s10  }
0x35: {  	s10 =	sld [smem:$0x3FB5];
	_ =	sdelay $0x3  }
0x36: {  	p1 =	seq.s32 s10, $0x1;
	s10 =	sld [smem:$0x3FB6];
	_ =	sdelay $0x3  }
0x37: {  	[smem:$0x3FB6] =	sst s10  }
0x38: {  	s10 =	sld [smem:$0x3FB7]  }
0x39: {  	_ = 	snop;
	(pc) =	sbr.ind lr, $3  }
0x3a: {  	_ = 	snop  }
0x3b: {  	_ = 	snop  }
0x3c: {  	p2 =	seq.s32 s10, $0x1;
	s10 =	sld [smem:$0x3FB6]  }
0x3d: {  	_ =	shalt  }
0x3e: {  	_ =	shalt  }
0x3f: {  	_ =	shalt  }
0x40: {  	_ =	shalt  }
0x41: {  	_ =	shalt  }
0x42: {  	_ =	shalt  }
0x43: {  	_ =	shalt  }
0x44: {  	_ =	shalt  }
0x45: {  	_ =	shalt  }
0x46: {  	_ =	shalt  }
0x47: {  	_ =	shalt  }
0x48: {  	_ =	shalt  }
0x49: {  	_ =	shalt  }
0x4a: {  	_ =	shalt  }
0x4b: {  	_ =	shalt  }
0x4c: {  	_ =	shalt  }
0x4d: {  	_ =	shalt  }
0x4e: {  	_ =	shalt  }
0x4f: {  	_ =	shalt  }
0x50: {  	_ =	shalt  }
0x51: {  	_ =	shalt  }
0x52: {  	_ =	shalt  }
0x53: {  	_ =	shalt  }
0x54: {  	_ =	shalt  }
0x55: {  	_ =	shalt  }
0x56: {  	_ =	shalt  }
0x57: {  	_ =	shalt  }
0x58: {  	_ =	shalt  }
0x59: {  	_ =	shalt  }
0x5a: {  	_ =	shalt  }
0x5b: {  	_ =	shalt  }
0x5c: {  	_ =	shalt  }
0x5d: {  	_ =	shalt  }
0x5e: {  	_ =	shalt  }
0x5f: {  	_ =	shalt  }
0x60: {  	_ =	shalt  }
0x61: {  	_ =	shalt  }
0x62: {  	_ =	shalt  }
0x63: {  	_ =	shalt  }
0x64: {  	_ =	shalt  }
0x65: {  	_ =	shalt  }
0x66: {  	_ =	shalt  }
0x67: {  	_ =	shalt  }
0x68: {  	_ =	shalt  }
0x69: {  	_ =	shalt  }
0x6a: {  	_ =	shalt  }
0x6b: {  	_ =	shalt  }
0x6c: {  	_ =	shalt  }
0x6d: {  	_ =	shalt  }
0x6e: {  	_ =	shalt  }
0x6f: {  	_ =	shalt  }
0x70: {  	_ =	shalt  }
0x71: {  	_ =	shalt  }
0x72: {  	_ =	shalt  }
0x73: {  	_ =	shalt  }
0x74: {  	_ =	shalt  }
0x75: {  	_ =	shalt  }
0x76: {  	_ =	shalt  }
0x77: {  	_ =	shalt  }
0x78: {  	_ =	shalt  }
0x79: {  	_ =	shalt  }
0x7a: {  	_ =	shalt  }
0x7b: {  	_ =	shalt  }
0x7c: {  	_ =	shalt  }
0x7d: {  	_ =	shalt  }
0x7e: {  	_ =	shalt  }
0x7f: {  	_ =	shalt  }
0x80: {  	_ =	shalt  }
0x81: {  	_ =	shalt  }
0x82: {  	_ =	shalt  }
0x83: {  	_ =	shalt  }
0x84: {  	_ =	shalt  }
0x85: {  	_ =	shalt  }
0x86: {  	_ =	shalt  }
0x87: {  	_ =	shalt  }
.Lfunc_end0:
.L_simem_size_0:
called_computation_lowered:
.L_overlay_start_0:
0x88: {  	s2 =	sld [smem:$0x3FD9]  }
0x89: {  	s3 =	sld [smem:$0x3FFE];
	_ =	sdelay $0x1  }
0x8a: {  	s1 =	srdreg.scid  }
0x8b: {  	s0 =	sand.u32 $0x1, s1  }
0x8c: {  	s17 =	sshll.u32 s0, $0xA;
	s2 =	sadd.s32 s3, s2  }
0x8d: {  	s2 =	sadd.s32 s2, s17  }
0x8e: {  	[smem:$0x3FC2] =	sst s2  }
0x8f: {  	_ = 	snop  }
0x90: {  	s2 =	sld [smem:$0x3FD0];
	(tm) =	ssettm $0x1  }
0x91: {  	s18 =	sld [smem:$0x3FFB];
	_ =	sdelay $0x3  }
0x92: {  	_ =	strace s18  }
0x93: {  	s3 =	sld [smem:$0x3FFC];
	_ =	sdelay $0x3  }
0x94: {  	_ =	strace s3  }
0x95: {  	s3 =	sld [smem:$0x3FFD];
	_ =	sdelay $0x3  }
0x96: {  	_ =	strace s3  }
0x97: {  	_ =	strace $0x8FFFFFFF  }
0x98: {  	s19 =	sld [smem:$0x3FDB];
	_ =	sdelay $0x1  }
0x99: {  	s4 =	simm.s32 $_scs_section_size  }
0x9a: {  	s5 =	simm.s32 $_size__tile_overlayer_lowered;
	s6 =	simm.s32 $_tile_overlayer_lowered  }
0x9b: {  	s22 =	simm.s32 $0x1BFF;
	s21 =	sshll.u32 s6, $0x1;
	s3 =	sadd.s32 s4, s19  }
0x9c: {  	s7 =	simm.s32 $0x0;
	s20 =	sshll.u32 s5, $0x1;
	s5 =	sadd.s32 s21, s3  }
0x9d: {  	[timem:s7], [sflag:s22] =	dma.local [hbm:s5], s20  }
0x9e: {  	_ =	swait.ge [sflag:s22], s20  }
0x9f: {  	s4 =	ssub.s32 $0x0, s20;
	[sflag:s22] =	ssyncset.done $0x0  }
0xa0: {  	[sflag:s22] =	ssyncadd.s32 s4;
	_ =	sdelay $0x1  }
0xa1: {  	s23 =	simm.s32 $0x1B8B  }
0xa2: {  	_ =	swait.ge [sflag:s23], $0x1  }
0xa3: {  	[sflag:s23] =	ssyncset.done $0x0  }
0xa4: {  	s25 =	simm.s32 $0x1B8E;
	s24 =	sld [smem:$0x3FFE];
	[sflag:s23] =	ssyncadd.s32 $0xFFFFFFFF  }
0xa5: {  	s26 =	simm.s32 $execute0_lowered;
	[smem:$0x3FD2] =	sst s25  }
0xa6: {  	s5 =	sshll.u32 s26, $0x1;
	_ =	strace $0x80000046;
	[dreg:$0x1] =	wrdreg $0xFFFFFFFF  }
0xa7: {  	s28 =	simm.s32 $_size_execute0_lowered;
	s3 =	sadd.s32 s3, s5;
	[dreg:$0x0] =	wrdreg $0x0  }
0xa8: {  	s5 =	sshll.u32 s28, $0x1;
	[dreg:$0x2] =	wrdreg s3  }
0xa9: {  	[dreg:$0x3] =	wrdreg s5  }
0xaa: {  	[dreg:$0x4] =	wrdreg $0xC0  }
0xab: {  	_ =	task [dreg:s7], $0x5FFFF  }
0xac: {  	[dreg:$0x1] =	wrdreg $0xFFFFFFFF  }
0xad: {  	[dreg:$0x0] =	wrdreg $0x60  }
0xae: {  	[dreg:$0x2] =	wrdreg s2  }
0xaf: {  	[dreg:$0x3] =	wrdreg s24  }
0xb0: {  	[dreg:$0x4] =	wrdreg $0x2B000  }
0xb1: {  	[dreg:$0x5] =	wrdreg $0x9  }
0xb2: {  	_ =	task.clear_ibuf [dreg:s7], $0x6FFFF;
	_ =	strace $0x90000046  }
0xb3: {  	s29 =	simm.s32 $0x9;
	_ =	strace $0x80000048  }
0xb4: {  	_ =	swait.ge [sflag:s29], $0x1  }
0xb5: {  	[sflag:s29] =	ssyncadd.s32 $0xFFFFFFFF  }
0xb6: {  	_ =	strace $0x90000048  }
0xb7: {  	_ =	sfence  }
0xb8: {  	s30 =	sld [smem:$0x0];
	_ =	sdelay $0x2  }
0xb9: {  	s31 =	sshll.u32 s1, $0xD;
	s1 =	sshrl.u32 s1, $0x2  }
0xba: {  	s3 =	sand.u32 $0x4000, s31;
	s1 =	sadd.s32 s1, s30  }
0xbb: {  	s0 =	sor.u32 s3, s0;
	s1 =	sshll.u32 s1, $0x11  }
0xbc: {  	s0 =	sor.u32 s1, s0  }
0xbd: {  	s0 =	sadd.s32 $0x8F2B, s0  }
0xbe: {  	[sflag:s0] =	ssyncadd.remote.s32 $0x1  }
0xbf: {  	_ =	sfence.sel $0xFFFF  }
0xc0: {  	[dreg:$0x0] =	wrdreg $0xFFFFFFFF;
	(pc) =	sbr.abs _section_cstart, $3  }
0xc1: {  	[dreg:$0x1] =	wrdreg $0xFFFFFFFF  }
0xc2: {  	_ =	task.clear_ibuf [dreg:s7], $0x2FFFF;
	_ =	strace $0x9FFFFFFF  }
0xc3: {  	(tm) =	ssettm $0x7FFFFFFF  }
tec
execute0_lowered:
.L_overlay_start_1:
0x0: {  	(tag) =	ssettag $0x1  }
0x1: {  	s6 =	rddreg [dreg:$0x0];
	s1 =	srdreg.scid  }
0x2: {  	s0 =	stileid.u32;
	s7 =	rddreg [dreg:$0x1]  }
0x3: {  	s2 =	rddreg [dreg:$0x2];
	s3 =	simm.s32 $0x0;
	s9 =	smul.u32 $0x280, s0  }
0x4: {  	s13 =	simm.s32 $0x80;
	s8 =	sand.u32 $0x1, s1;
	s12 =	smul.u32 $0x50, s0  }
0x5: {  	s14 =	simm.s32 $0x1;
	s1 =	rddreg [dreg:$0x3];
	s10 =	smul.u32 $0x2800, s8  }
0x6: {  	s15 =	simm.s32 $0x0;
	[smem:$0x7FF] =	sst s3;
	s11 =	smul.u32 $0x500, s8  }
0x7: {  	s4 =	sadd.s32 $0xC800, s7;
	s5 =	sadd.s32 $0xCA00, s7;
	_ =	strace $0x80000047  }
0x8: {  	s8 =	ssub.s32 $0x2, s8;
	s10 =	sadd.s32 s9, s10;
	s11 =	sadd.s32 s12, s11  }
0x9: {  	s31 =	sshrl.u32 s8, $0x1;
	s10 =	sshrl.u32 s10, $0x3;
	s11 =	sshll.u32 s11, $0x4  }
0xa: {  	s12 =	ssub.s32 s8, s31;
	s10 =	sadd.s32 s10, s7;
	s6 =	sadd.s32 s6, s11  }
0xb: {  	s7 =	sadd.s32 s9, s2;
	s9 =	smax.u32 s12, $0x1;
	s11 =	simm.s32 $0x2800  }
0xc: {  	s12 =	simm.s32 $0x2880;
	s8 =	sadd.s32 $0xCC00, s10;
	s10 =	simm.s32 $0x2  }
.LBB2_1:
0xd: {  	[tilespmem:s3], [sflag:$0x2] =	stream.linear.gather [hbm4b:s6+s3], $0x2800, $0x38;
	[tilespmem:$0x2D80] =	vst v63  }
0xe: {  	_ =	swait.ge [sflag:s10], $0x2800  }
0xf: {  	[sflag:s10] =	ssyncset.done $0x0  }
0x10: {  	[sflag:s10] =	ssyncadd.s32 $0xFFFFD800  }
0x11: {  	[tilespmem:s11], [sflag:$0x2] =	stream.linear.gather [hbm4b:s4+s3], $0x80, $0x38;
	[tilespmem:$0x2D80] =	vst v63  }
0x12: {  	_ =	swait.ge [sflag:s10], $0x80  }
0x13: {  	[sflag:s10] =	ssyncset.done $0x0  }
0x14: {  	[sflag:s10] =	ssyncadd.s32 $0xFFFFFF80  }
0x15: {  	[tilespmem:s12], [sflag:$0x2] =	stream.linear.gather [hbm4b:s5+s3], $0x280, $0x38;
	[tilespmem:$0x2D80] =	vst v63  }
0x16: {  	_ =	swait.ge [sflag:s10], $0x280  }
0x17: {  	[sflag:s10] =	ssyncset.done $0x0  }
0x18: {  	[sflag:s10] =	ssyncadd.s32 $0xFFFFFD80  }
0x19: {  	[spmem:s7] =	stream.linear.scatter [tilespmem:s12], [sflag:$0x2], $0x280, $0x38;
	[tilespmem:$0x2D80] =	vst v63  }
0x1a: {  	_ =	swait.ge [sflag:s10], $0x280  }
0x1b: {  	[sflag:s10] =	ssyncset.done $0x0  }
0x1c: {  	[sflag:s10] =	ssyncadd.s32 $0xFFFFFD80  }
0x1d: {  	s16 =	simm.s32 $0x0;
	[bflag:$0x0] =	sbarrier.arrive $0xFFFF  }
.LBB2_2:
0x1e: {  	p0 =	sne.s32 s16, $0x9E00  }
.Ltmp0:
0x1f: {  	_ = 	snop;
	(pc) =	sbr.rel @p0 .LBB2_2-.Ltmp0, $3  }
0x20: {  	_ =	sdelay $0x1  }
0x21: {  	s17 =	sshra.s32 s16, $0x2;
	s16 =	sadd.s32 $0x200, s16  }
0x22: {  	[spmem:s2] =	stream.indirect.scatter.add.f32 [tilespmem:s11], [sflag:$0x1], $0x1, s17, s13, $0xb8;
	[tilespmem:$0x2D80] =	vst v63  }
0x23: {  	_ =	swait.ge [sflag:s14], $0x80  }
0x24: {  	s16 =	simm.s32 $0x4F;
	[sflag:s14] =	ssyncset.done $0x0  }
.LBB2_4:
0x25: {  	p0 =	sne.s32 s16, $0x1;
	s16 =	sadd.s32 $0xFFFFFFFF, s16;
	[sflag:s14] =	ssyncadd.s32 $0xFFFFFF80  }
.Ltmp1:
0x26: {  	(pc) =	sbr.rel @p0 .LBB2_4-.Ltmp1, $3  }
0x27: {  	_ =	sdelay $0x1  }
0x28: {  	_ =	swait.ge [sflag:s14], $0x80  }
0x29: {  	[sflag:s14] =	ssyncset.done $0x0  }
0x2a: {  	[sflag:s14] =	ssyncadd.s32 $0xFFFFFF80  }
0x2b: {  	[bflag:$0x0] =	sbarrier.arrive $0xFFFF  }
0x2c: {  	[tilespmem:s12], [sflag:$0x2] =	stream.linear.gather [spmem:s7], $0x280, $0x38;
	[tilespmem:$0x2D80] =	vst v63  }
0x2d: {  	s15 =	sadd.s32 $0x1, s15;
	_ =	swait.ge [sflag:s10], $0x280  }
0x2e: {  	p0 =	sne.s32 s15, s9;
	[sflag:s10] =	ssyncset.done $0x0  }
.Ltmp2:
0x2f: {  	[sflag:s10] =	ssyncadd.s32 $0xFFFFFD80;
	(pc) =	sbr.rel @p0 .LBB2_1-.Ltmp2, $4  }
0x30: {  	[hbm4b:s8+s3] =	stream.linear.scatter [tilespmem:s12], [sflag:$0x2], $0x280, $0x38;
	[tilespmem:$0x2D80] =	vst v63  }
0x31: {  	_ =	swait.ge [sflag:s10], $0x280  }
0x32: {  	[sflag:s10] =	ssyncset.done $0x0  }
0x33: {  	[sflag:s10] =	ssyncadd.s32 $0xFFFFFD80  }
0x34: {  	_ =	sfence.sel $0x180000  }
0x35: {  	[bflag:$0x0] =	sbarrier.arrive $0xFFFF  }
0x36: {  	p0 =	sne.s32 s0, $0x0;
	_ =	strace $0x90000047  }
0x37: {  	s0 =	sadd.s32 @!p0 $0x100000, s1;
	[bflag:$0x2] =	sbarrier.arrive $0xFFFF  }
0x38: {  	[sflag:s0] =	ssyncadd.tile.s32 @!p0 $0x1;
	_ =	shalt  }
.Lfunc_end2:
_tile_overlayer_lowered:
.L_overlay_start_2:
0x39: {  	(tag) =	ssettag $0x2  }
0x3a: {  	s0 =	rddreg [dreg:$0x0];
	s2 =	stileid.u32  }
0x3b: {  	s1 =	rddreg [dreg:$0x1];
	p0 =	sne.s32 s2, $0x0  }
0x3c: {  	s3 =	rddreg [dreg:$0x2];
	[bflag:$0x3] =	sbarrier.arrive $0xFFFF;
	s2 =	simm.s32 @!p0 $0x1C02  }
0x3d: {  	[timem:s3], [sflag:s2] =	dma.local @!p0 [hbm:s0], s1  }
0x3e: {  	s0 =	simm.s32 @!p0 $0x2  }
0x3f: {  	_ =	swait.ge @!p0 [sflag:s0], s1  }
0x40: {  	s1 =	ssub.s32 @!p0 $0x0, s1;
	[sflag:s0] =	ssyncset.done @!p0 $0x0  }
0x41: {  	[sflag:s0] =	ssyncadd.s32 @!p0 s1  }
0x42: {  	[bflag:$0x3] =	sbarrier.arrive $0xFFFF  }
0x43: {  	_ =	shalt  }

</sc_bundles>
